<compile_context>
chip_gen: v7x
topology: tpu7x:2x2x1
jax: 0.10.2.dev20260603
libtpu: 0.0.44.dev20260713+nightly
codegen_flags: <defaults>
</compile_context>

<pallas_src>
import jax
import jax.numpy as jnp
from jax import lax
from jax.experimental import pallas as pl
from jax.experimental.pallas import tpu as pltpu
from jax.experimental.pallas import tpu_sc as plsc

N = 10000
E = 160000
IN = 128
OUT = 128
KS = 5
K = KS * KS
NK = N * K
NC = 2
NS = 16
NT = NC * NS
EPW = 5120
EPAD = NT * EPW
C = 64
NCH = EPW // C
CD = 320
NCHD = EPW // CD
NROW = 624
RB = 400
NRB = N // RB


def _basis_body(src_ref, p0_ref, p1_ref, w_ref, i_ref):
    src = src_ref[...]
    v0 = p0_ref[...] * (KS - 1.0)
    v1 = p1_ref[...] * (KS - 1.0)
    b0 = jnp.clip(jnp.floor(v0).astype(jnp.int32), 0, KS - 2)
    b1 = jnp.clip(jnp.floor(v1).astype(jnp.int32), 0, KS - 2)
    f0 = v0 - b0.astype(jnp.float32)
    f1 = v1 - b1.astype(jnp.float32)
    base = src * K + b0 + b1 * KS
    w_ref[0] = (1.0 - f0) * (1.0 - f1)
    w_ref[1] = f0 * (1.0 - f1)
    w_ref[2] = (1.0 - f0) * f1
    w_ref[3] = f0 * f1
    i_ref[0] = base
    i_ref[1] = base + KS


def _basis(src2d, p02d, p12d):
    r = E // 128
    return pl.pallas_call(
        _basis_body,
        out_shape=[jax.ShapeDtypeStruct((4, r, 128), jnp.float32),
                   jax.ShapeDtypeStruct((2, r, 128), jnp.int32)],
    )(src2d, p02d, p12d)


def _pack_z(xh, wtpad_ref):
    cols = []
    for k in range(K):
        a = jnp.dot(xh, wtpad_ref[:, k * OUT:(k + 1) * OUT],
                    preferred_element_type=jnp.float32)
        b = jnp.dot(xh, wtpad_ref[:, (k + 1) * OUT:(k + 2) * OUT],
                    preferred_element_type=jnp.float32)
        ai = lax.bitcast_convert_type(a.astype(jnp.bfloat16),
                                      jnp.uint16).astype(jnp.int32)
        bi = lax.bitcast_convert_type(b.astype(jnp.bfloat16),
                                      jnp.uint16).astype(jnp.int32)
        cols.append(ai | (bi << 16))
    return jnp.concatenate(cols, axis=1)


def _z_body(x_ref, wt_ref, z_ref):
    z_ref[...] = _pack_z(x_ref[...], wt_ref)


def _zmat(xx, wtpad):
    return pl.pallas_call(
        _z_body,
        grid=(NRB,),
        in_specs=[pl.BlockSpec((RB, IN), lambda i: (i, 0)),
                  pl.BlockSpec((IN, (K + 1) * OUT), lambda i: (0, 0))],
        out_specs=pl.BlockSpec((RB, K * OUT), lambda i: (i, 0)),
        out_shape=jax.ShapeDtypeStruct((N, K * OUT), jnp.int32),
    )(xx, wtpad)


_sc_mesh = plsc.VectorSubcoreMesh(core_axis_name="c", subcore_axis_name="s",
                                  num_cores=NC, num_subcores=NS)


def _lane_splat(vec, l):
    idx = jnp.full((16,), l, dtype=jnp.int32)
    return lax.gather(
        vec, idx[:, None],
        dimension_numbers=lax.GatherDimensionNumbers(
            offset_dims=(), collapsed_slice_dims=(0,), start_index_map=(0,)),
        slice_sizes=(1,), mode=lax.GatherScatterMode.PROMISE_IN_BOUNDS)


def _sc_body(z_ref, im_ref, wm_ref, dm_ref, zero2_ref,
             acc_out,
             acc,
             wbufs, ibufs, dbufs, gbufs, mb,
             msems, gsems):
    c = lax.axis_index("c")
    s = lax.axis_index("s")
    t = c * NS + s
    base = s * NROW
    tail = NS * NROW
    moff = t * EPW

    pltpu.sync_copy(zero2_ref.at[pl.ds(base, NROW)], acc.at[pl.ds(base, NROW)])

    @pl.when(s == NS - 1)
    def _():
        pltpu.sync_copy(zero2_ref.at[pl.ds(tail, N - tail)],
                        acc.at[pl.ds(tail, N - tail)])

    plsc.subcore_barrier()

    def issue_meta(j, b):
        pltpu.async_copy(wm_ref.at[pl.ds((moff + j * C) * 4, 4 * C)],
                         wbufs[b], msems[b])
        pltpu.async_copy(im_ref.at[pl.ds((moff + j * C) * 2, 2 * C)],
                         ibufs[b], msems[b])
        pltpu.async_copy(dm_ref.at[pl.ds(moff + j * C, C)],
                         dbufs[b], msems[b])

    def wait_meta(j, b):
        pltpu.make_async_copy(wm_ref.at[pl.ds((moff + j * C) * 4, 4 * C)],
                              wbufs[b], msems[b]).wait()
        pltpu.make_async_copy(im_ref.at[pl.ds((moff + j * C) * 2, 2 * C)],
                              ibufs[b], msems[b]).wait()
        pltpu.make_async_copy(dm_ref.at[pl.ds(moff + j * C, C)],
                              dbufs[b], msems[b]).wait()

    def issue_gathers(b):
        for q in range(2):
            pltpu.async_copy(z_ref.at[ibufs[b].at[pl.ds(q * C, C)]],
                             gbufs[b][q], gsems[b])

    def wait_gathers(b):
        for q in range(2):
            pltpu.make_async_copy(z_ref.at[ibufs[b].at[pl.ds(q * C, C)]],
                                  gbufs[b][q], gsems[b]).wait()

    himask = jnp.full((16,), -65536, jnp.int32)

    def compute(b):
        wbuf = wbufs[b]
        gba, gbb = gbufs[b]

        def grp(g, carry2):
            wv0 = wbuf[pl.ds(0 * C + g * 16, 16)]
            wv1 = wbuf[pl.ds(1 * C + g * 16, 16)]
            wv2 = wbuf[pl.ds(2 * C + g * 16, 16)]
            wv3 = wbuf[pl.ds(3 * C + g * 16, 16)]

            def lane(l, carry3):
                e = g * 16 + l
                s0 = _lane_splat(wv0, l)
                s1 = _lane_splat(wv1, l)
                s2 = _lane_splat(wv2, l)
                s3 = _lane_splat(wv3, l)
                for v in range(OUT // 16):
                    col = pl.ds(v * 16, 16)
                    ga = gba[e, col]
                    gb = gbb[e, col]
                    m = (plsc.bitcast(ga << 16, jnp.float32) * s0 +
                         plsc.bitcast(ga & himask, jnp.float32) * s1 +
                         plsc.bitcast(gb << 16, jnp.float32) * s2 +
                         plsc.bitcast(gb & himask, jnp.float32) * s3)
                    mb[e, col] = m
                return 0

            lax.fori_loop(0, 16, lane, 0)
            return 0

        lax.fori_loop(0, C // 16, grp, 0)

    issue_meta(0, 0)
    wait_meta(0, 0)
    issue_gathers(0)
    issue_meta(1, 1)

    def step(jj, carry):
        for b in range(2):
            j = jj * 2 + b
            nb = 1 - b

            @pl.when(j + 1 < NCH)
            def _():
                wait_meta(j + 1, nb)
                issue_gathers(nb)

            wait_gathers(b)
            compute(b)
            pltpu.sync_copy(mb, acc.at[dbufs[b]], add=True)

            @pl.when(j + 2 < NCH)
            def _():
                issue_meta(j + 2, b)

        return 0

    lax.fori_loop(0, NCH // 2, step, 0)
    plsc.subcore_barrier()
    pltpu.sync_copy(acc.at[pl.ds(base, NROW)],
                    acc_out.at[c, pl.ds(base, NROW)])

    @pl.when(s == NS - 1)
    def _():
        pltpu.sync_copy(acc.at[pl.ds(tail, N - tail)],
                        acc_out.at[c, pl.ds(tail, N - tail)])


_sc_gather_scatter = pl.kernel(
    _sc_body,
    out_type=jax.ShapeDtypeStruct((NC, N, OUT), jnp.float32),
    mesh=_sc_mesh,
    compiler_params=pltpu.CompilerParams(needs_layout_passes=False),
    scratch_types=[
        pltpu.VMEM_SHARED((N, OUT), jnp.float32),
        [pltpu.VMEM((4 * C,), jnp.float32)] * 2,
        [pltpu.VMEM((2 * C,), jnp.int32)] * 2,
        [pltpu.VMEM((C,), jnp.int32)] * 2,
        [[pltpu.VMEM((C, OUT), jnp.int32)] * 2] * 2,
        pltpu.VMEM((C, OUT), jnp.float32),
        [pltpu.SemaphoreType.DMA] * 2,
        [pltpu.SemaphoreType.DMA] * 2,
    ],
)


def _sc_deg_body(wm_ref, dm_ref, zero1_ref,
                 deg_out,
                 degbuf, wb0, wb1, wb2, wb3, db):
    c = lax.axis_index("c")
    s = lax.axis_index("s")
    t = c * NS + s

    pltpu.sync_copy(zero1_ref, degbuf)
    wbs = (wb0, wb1, wb2, wb3)

    def chunk(j, carry):
        mbase = t * EPW + j * CD
        for q in range(4):
            pltpu.sync_copy(wm_ref.at[pl.ds(q * EPAD + mbase, CD)], wbs[q])
        pltpu.sync_copy(dm_ref.at[pl.ds(mbase, CD)], db)

        def grp(g, carry2):
            sl = pl.ds(g * 16, 16)
            wsum = wb0[sl] + wb1[sl] + wb2[sl] + wb3[sl]
            plsc.addupdate_scatter(degbuf, [db[sl]], wsum)
            return 0

        lax.fori_loop(0, CD // 16, grp, 0)
        return 0

    lax.fori_loop(0, NCHD, chunk, 0)
    pltpu.sync_copy(degbuf, deg_out.at[pl.ds(t * N, N)])


_sc_degree = pl.kernel(
    _sc_deg_body,
    out_type=jax.ShapeDtypeStruct((NT * N,), jnp.float32),
    mesh=_sc_mesh,
    compiler_params=pltpu.CompilerParams(needs_layout_passes=False),
    scratch_types=[
        pltpu.VMEM((N,), jnp.float32),
        pltpu.VMEM((CD,), jnp.float32),
        pltpu.VMEM((CD,), jnp.float32),
        pltpu.VMEM((CD,), jnp.float32),
        pltpu.VMEM((CD,), jnp.float32),
        pltpu.VMEM((CD,), jnp.int32),
    ],
)


def _fin1_body(acc_ref, deg_ref, x_ref, root_ref, b_ref, wt2_ref,
               h_ref, z_ref):
    sacc = acc_ref[0] + acc_ref[1]
    deg = jnp.maximum(jnp.sum(deg_ref[...], axis=1), 1.0)
    o = (sacc / deg[:, None]
         + jnp.dot(x_ref[...], root_ref[...],
                   preferred_element_type=jnp.float32)
         + b_ref[...])
    h = jnp.where(o > 0, o, jnp.exp(o) - 1.0)
    h_ref[...] = h
    z_ref[...] = _pack_z(h, wt2_ref)


def _fin1(acc, degT, xx, root, b2d, wtpad2):
    return pl.pallas_call(
        _fin1_body,
        grid=(NRB,),
        in_specs=[pl.BlockSpec((NC, RB, OUT), lambda i: (0, i, 0)),
                  pl.BlockSpec((RB, NT), lambda i: (i, 0)),
                  pl.BlockSpec((RB, IN), lambda i: (i, 0)),
                  pl.BlockSpec((IN, OUT), lambda i: (0, 0)),
                  pl.BlockSpec((1, OUT), lambda i: (0, 0)),
                  pl.BlockSpec((IN, (K + 1) * OUT), lambda i: (0, 0))],
        out_specs=[pl.BlockSpec((RB, OUT), lambda i: (i, 0)),
                   pl.BlockSpec((RB, K * OUT), lambda i: (i, 0))],
        out_shape=[jax.ShapeDtypeStruct((N, OUT), jnp.float32),
                   jax.ShapeDtypeStruct((N, K * OUT), jnp.int32)],
    )(acc, degT, xx, root, b2d, wtpad2)


def _fin2_body(acc_ref, deg_ref, h1_ref, root_ref, b_ref, h_ref):
    sacc = acc_ref[0] + acc_ref[1]
    deg = jnp.maximum(jnp.sum(deg_ref[...], axis=1), 1.0)
    o = (sacc / deg[:, None]
         + jnp.dot(h1_ref[...], root_ref[...],
                   preferred_element_type=jnp.float32)
         + b_ref[...])
    h_ref[...] = jnp.where(o > 0, o, jnp.exp(o) - 1.0)


def _fin2(acc, degT, h1, root, b2d):
    return pl.pallas_call(
        _fin2_body,
        grid=(NRB,),
        in_specs=[pl.BlockSpec((NC, RB, OUT), lambda i: (0, i, 0)),
                  pl.BlockSpec((RB, NT), lambda i: (i, 0)),
                  pl.BlockSpec((RB, IN), lambda i: (i, 0)),
                  pl.BlockSpec((IN, OUT), lambda i: (0, 0)),
                  pl.BlockSpec((1, OUT), lambda i: (0, 0))],
        out_specs=pl.BlockSpec((RB, OUT), lambda i: (i, 0)),
        out_shape=jax.ShapeDtypeStruct((N, OUT), jnp.float32),
    )(acc, degT, h1, root, b2d)


def kernel(x, edge_index, edge_attr, W1, root1, b1, W2, root2, b2):
    r = E // 128
    src2d = edge_index[0].astype(jnp.int32).reshape(r, 128)
    dst = edge_index[1].astype(jnp.int32)
    p02d = edge_attr[:, 0].reshape(r, 128)
    p12d = edge_attr[:, 1].reshape(r, 128)

    w4, i2 = _basis(src2d, p02d, p12d)
    w4 = w4.reshape(4, E)
    i2 = i2.reshape(2, E)

    w4p = jnp.pad(w4, ((0, 0), (0, EPAD - E)))
    i2p = jnp.pad(i2, ((0, 0), (0, EPAD - E)))
    wI = w4p.reshape(4, NT * NCH, C).transpose(1, 0, 2).reshape(4 * EPAD)
    iI = i2p.reshape(2, NT * NCH, C).transpose(1, 0, 2).reshape(2 * EPAD)
    wflat = w4p.reshape(4 * EPAD)
    dmeta = jnp.pad(dst, (0, EPAD - E))

    zero2 = jnp.zeros((N, OUT), jnp.float32)
    zero1 = jnp.zeros((N,), jnp.float32)

    wt1 = jnp.pad(W1.transpose(1, 0, 2).reshape(IN, K * OUT),
                  ((0, 0), (0, OUT)))
    wt2 = jnp.pad(W2.transpose(1, 0, 2).reshape(IN, K * OUT),
                  ((0, 0), (0, OUT)))
    b1_2d = b1.reshape(1, OUT)
    b2_2d = b2.reshape(1, OUT)

    deg = _sc_degree(wflat, dmeta, zero1)
    degT = deg.reshape(NT, N).T

    z1 = _zmat(x, wt1).reshape(NK, OUT)
    acc1 = _sc_gather_scatter(z1, iI, wI, dmeta, zero2)
    h1, z2 = _fin1(acc1, degT, x, root1, b1_2d, wt2)
    acc2 = _sc_gather_scatter(z2.reshape(NK, OUT), iI, wI, dmeta, zero2)
    h2 = _fin2(acc2, degT, h1, root2, b2_2d)
    return h2

# --- scband reference (transcript-rebuilt; emitter-appended) ---
"""Pipeline reference for scband-gde-func-62843961475732 (READ-ONLY COPY).

The authoritative reference and input builder live on the scoring server;
editing this copy changes nothing except your own understanding.
"""

import jax, jax.numpy as jnp
import numpy as np

N = 10000
E = 160000
IN = 128
OUT = 128
DIM = 2
KS = 5
K = KS ** DIM
S = 2 ** DIM


def spline_conv(x, edge_index, pseudo, W, root, bias):
    # SplineConv with open B-spline basis, degree=1, norm=True, root_weight=True.
    src = edge_index[0]
    dst = edge_index[1]
    # open spline, degree 1: v in [0, KS-1]
    v = pseudo * (KS - 1)
    bot = jnp.clip(jnp.floor(v).astype(jnp.int32), 0, KS - 2)
    frac = v - bot.astype(x.dtype)
    x_src = x[src]  # gather [E, IN]
    # accumulate basis-weighted source features into (dst_node, kernel_index) buckets
    A = jnp.zeros((N * K, IN), dtype=x.dtype)
    for s in range(S):
        b = jnp.ones((E,), x.dtype)
        kidx = jnp.zeros((E,), jnp.int32)
        for d in range(DIM):
            bit = (s >> d) & 1
            if bit:
                b = b * frac[:, d]
                kd = bot[:, d] + 1
            else:
                b = b * (1.0 - frac[:, d])
                kd = bot[:, d]
            kidx = kidx + kd * (KS ** d)
        comb = dst.astype(jnp.int32) * K + kidx
        A = A.at[comb].add(b[:, None] * x_src)  # scatter-add
    A = A.reshape(N, K, IN)
    out = jnp.einsum('nki,kio->no', A, W)
    # norm=True: mean aggregation (divide by in-degree of dst)
    deg = jnp.zeros((N,), x.dtype).at[dst].add(1.0)
    out = out / jnp.maximum(deg, 1.0)[:, None]
    out = out + x @ root + bias
    return out


def setup_inputs(seed: int = 0):
    key = jax.random.key(seed)
    ks = jax.random.split(key, 10)
    x = jax.random.normal(ks[0], (N, IN), dtype=jnp.float32)
    edge_index = jax.random.randint(ks[1], (2, E), 0, N, dtype=jnp.int32)
    edge_attr = jax.random.uniform(ks[2], (E, DIM), dtype=jnp.float32)
    scale = 1.0 / np.sqrt(IN * S)
    W1 = jax.random.normal(ks[3], (K, IN, OUT), dtype=jnp.float32) * scale
    root1 = jax.random.normal(ks[4], (IN, OUT), dtype=jnp.float32) * (1.0 / np.sqrt(IN))
    b1 = jnp.zeros((OUT,), dtype=jnp.float32)
    W2 = jax.random.normal(ks[5], (K, IN, OUT), dtype=jnp.float32) * scale
    root2 = jax.random.normal(ks[6], (IN, OUT), dtype=jnp.float32) * (1.0 / np.sqrt(IN))
    b2 = jnp.zeros((OUT,), dtype=jnp.float32)
    return {"x": x, "edge_index": edge_index, "edge_attr": edge_attr,
            "W1": W1, "root1": root1, "b1": b1,
            "W2": W2, "root2": root2, "b2": b2}


def reference(x, edge_index, edge_attr, W1, root1, b1, W2, root2, b2):
    h = jax.nn.elu(spline_conv(x, edge_index, edge_attr, W1, root1, b1))
    h = jax.nn.elu(spline_conv(h, edge_index, edge_attr, W2, root2, b2))
    return h

if __name__ == "__main__":
    import jax
    _d = setup_inputs()
    print(jax.jit(kernel)(*tuple(_d.values())))

</pallas_src>

<mosaic_0001>
#map = affine_map<(d0, d1) -> (0, 0)>
#map1 = affine_map<(d0, d1) -> (0)>
#map2 = affine_map<(d0, d1) -> (0, 0, 0)>
module attributes {stable_mosaic.version = 14 : i64} {
  func.func @_sc_body(%arg0: i32, %arg1: i32, %arg2: memref<250000x128xi32, #tpu.memory_space<hbm>>, %arg3: memref<327680xi32, #tpu.memory_space<hbm>>, %arg4: memref<655360xf32, #tpu.memory_space<hbm>>, %arg5: memref<163840xi32, #tpu.memory_space<hbm>>, %arg6: memref<10000x128xf32, #tpu.memory_space<hbm>>, %arg7: memref<2x10000x128xf32, #tpu.memory_space<hbm>>, %arg8: memref<10000x128xf32, #tpu.memory_space<vmem_shared>>, %arg9: memref<256xf32, #tpu.memory_space<vmem>>, %arg10: memref<256xf32, #tpu.memory_space<vmem>>, %arg11: memref<128xi32, #tpu.memory_space<vmem>>, %arg12: memref<128xi32, #tpu.memory_space<vmem>>, %arg13: memref<64xi32, #tpu.memory_space<vmem>>, %arg14: memref<64xi32, #tpu.memory_space<vmem>>, %arg15: memref<64x128xi32, #tpu.memory_space<vmem>>, %arg16: memref<64x128xi32, #tpu.memory_space<vmem>>, %arg17: memref<64x128xi32, #tpu.memory_space<vmem>>, %arg18: memref<64x128xi32, #tpu.memory_space<vmem>>, %arg19: memref<64x128xf32, #tpu.memory_space<vmem>>, %arg20: memref<!tpu.dma_semaphore, #tpu.memory_space<semaphore_mem>>, %arg21: memref<!tpu.dma_semaphore, #tpu.memory_space<semaphore_mem>>, %arg22: memref<!tpu.dma_semaphore, #tpu.memory_space<semaphore_mem>>, %arg23: memref<!tpu.dma_semaphore, #tpu.memory_space<semaphore_mem>>) attributes {dimension_semantics = [#tpu.dimension_semantics<core_parallel>, #tpu.dimension_semantics<subcore_parallel>], iteration_bounds = array<i64: 2, 16>, scalar_prefetch = 0 : i64, scratch_operands = 16 : i64, tpu.core_type = #tpu.core_type<sc_vector_subcore>, window_params = [{transform_indices = #map}, {transform_indices = #map1}, {transform_indices = #map1}, {transform_indices = #map1}, {transform_indices = #map}, {transform_indices = #map2}]} {
    %mul3A = arith.constant 16 : i32
    %mul3A_0 = arith.muli %arg0, %mul3A : i32
    %add3A = arith.addi %mul3A_0, %arg1 : i32
    %mul3A_1 = arith.constant 624 : i32
    %mul3A_2 = arith.muli %arg1, %mul3A_1 : i32
    %mul3A_3 = arith.constant 5120 : i32
    %mul3A_4 = arith.muli %add3A, %mul3A_3 : i32
    "tpu.region"() ({
      %run_scoped3A = tpu.sem_alloc : memref<!tpu.dma_semaphore, #tpu.memory_space<semaphore_mem>>
      %dma_start3A_76 = arith.constant 0 : i32
      %dma_start3A_77 = tpu.memref_slice %arg8[%mul3A_2, %dma_start3A_76] : memref<10000x128xf32, #tpu.memory_space<vmem_shared>> -> memref<624x128xf32, #tpu.memory_space<vmem_shared>>
      %dma_start3A_78 = arith.constant 0 : i32
      %dma_start3A_79 = tpu.memref_slice %arg6[%mul3A_2, %dma_start3A_78] : memref<10000x128xf32, #tpu.memory_space<hbm>> -> memref<624x128xf32, #tpu.memory_space<hbm>>
      tpu.enqueue_dma source(%dma_start3A_79 : memref<624x128xf32, #tpu.memory_space<hbm>>) target(%dma_start3A_77 : memref<624x128xf32, #tpu.memory_space<vmem_shared>>) target_semaphore(%run_scoped3A : memref<!tpu.dma_semaphore, #tpu.memory_space<semaphore_mem>>)
      %dma_wait3A_80 = arith.constant 0 : i32
      %dma_wait3A_81 = tpu.memref_slice %arg8[%mul3A_2, %dma_wait3A_80] : memref<10000x128xf32, #tpu.memory_space<vmem_shared>> -> memref<624x128xf32, #tpu.memory_space<vmem_shared>>
      %dma_wait3A_82 = arith.constant 0 : i32
      %dma_wait3A_83 = tpu.memref_slice %arg6[%mul3A_2, %dma_wait3A_82] : memref<10000x128xf32, #tpu.memory_space<hbm>> -> memref<624x128xf32, #tpu.memory_space<hbm>>
      tpu.wait_dma2 semaphore(%run_scoped3A : memref<!tpu.dma_semaphore, #tpu.memory_space<semaphore_mem>>) src(%dma_wait3A_83 : memref<624x128xf32, #tpu.memory_space<hbm>>) dst(%dma_wait3A_81 : memref<624x128xf32, #tpu.memory_space<vmem_shared>>)
      tpu.yield
    }) : () -> ()
    %eq3A = arith.constant 15 : i32
    %eq3A_5 = arith.cmpi eq, %arg1, %eq3A : i32
    %convert_element_type3A = arith.extui %eq3A_5 : i1 to i32
    %cond3A = arith.constant 0 : i32
    %cond3A_6 = arith.cmpi ne, %convert_element_type3A, %cond3A : i32
    scf.if %cond3A_6 {
      "tpu.region"() ({
        %run_scoped3A = tpu.sem_alloc : memref<!tpu.dma_semaphore, #tpu.memory_space<semaphore_mem>>
        %dma_start3A_76 = arith.constant 9984 : i32
        %dma_start3A_77 = arith.constant 0 : i32
        %dma_start3A_78 = tpu.memref_slice %arg8[%dma_start3A_76, %dma_start3A_77] : memref<10000x128xf32, #tpu.memory_space<vmem_shared>> -> memref<16x128xf32, #tpu.memory_space<vmem_shared>>
        %dma_start3A_79 = arith.constant 9984 : i32
        %dma_start3A_80 = arith.constant 0 : i32
        %dma_start3A_81 = tpu.memref_slice %arg6[%dma_start3A_79, %dma_start3A_80] : memref<10000x128xf32, #tpu.memory_space<hbm>> -> memref<16x128xf32, #tpu.memory_space<hbm>>
        tpu.enqueue_dma source(%dma_start3A_81 : memref<16x128xf32, #tpu.memory_space<hbm>>) target(%dma_start3A_78 : memref<16x128xf32, #tpu.memory_space<vmem_shared>>) target_semaphore(%run_scoped3A : memref<!tpu.dma_semaphore, #tpu.memory_space<semaphore_mem>>)
        %dma_wait3A_82 = arith.constant 9984 : i32
        %dma_wait3A_83 = arith.constant 0 : i32
        %dma_wait3A_84 = tpu.memref_slice %arg8[%dma_wait3A_82, %dma_wait3A_83] : memref<10000x128xf32, #tpu.memory_space<vmem_shared>> -> memref<16x128xf32, #tpu.memory_space<vmem_shared>>
        %dma_wait3A_85 = arith.constant 9984 : i32
        %dma_wait3A_86 = arith.constant 0 : i32
        %dma_wait3A_87 = tpu.memref_slice %arg6[%dma_wait3A_85, %dma_wait3A_86] : memref<10000x128xf32, #tpu.memory_space<hbm>> -> memref<16x128xf32, #tpu.memory_space<hbm>>
        tpu.wait_dma2 semaphore(%run_scoped3A : memref<!tpu.dma_semaphore, #tpu.memory_space<semaphore_mem>>) src(%dma_wait3A_87 : memref<16x128xf32, #tpu.memory_space<hbm>>) dst(%dma_wait3A_84 : memref<16x128xf32, #tpu.memory_space<vmem_shared>>)
        tpu.yield
      }) : () -> ()
    } else {
    }
    %barrier3A = arith.constant 0 : index
    tpu.barrier barrier_id(%barrier3A)
    %broadcast_in_dim3A = arith.constant -65536 : i32
    %broadcast_in_dim3A_7 = vector.broadcast %broadcast_in_dim3A : i32 to vector<16xi32>
    %add3A_8 = arith.constant 0 : i32
    %add3A_9 = arith.addi %mul3A_4, %add3A_8 : i32
    %mul3A_10 = arith.constant 4 : i32
    %mul3A_11 = arith.muli %add3A_9, %mul3A_10 : i32
    %dma_start3A = tpu.memref_slice %arg4[%mul3A_11] : memref<655360xf32, #tpu.memory_space<hbm>> -> memref<256xf32, #tpu.memory_space<hbm>>
    %dma_start3A_12 = tpu.memref_slice %arg4[%mul3A_11] : memref<655360xf32, #tpu.memory_space<hbm>> -> memref<256xf32, #tpu.memory_space<hbm>>
    tpu.enqueue_dma source(%dma_start3A_12 : memref<256xf32, #tpu.memory_space<hbm>>) target(%arg9 : memref<256xf32, #tpu.memory_space<vmem>>) target_semaphore(%arg20 : memref<!tpu.dma_semaphore, #tpu.memory_space<semaphore_mem>>)
    %add3A_13 = arith.constant 0 : i32
    %add3A_14 = arith.addi %mul3A_4, %add3A_13 : i32
    %mul3A_15 = arith.constant 2 : i32
    %mul3A_16 = arith.muli %add3A_14, %mul3A_15 : i32
    %dma_start3A_17 = tpu.memref_slice %arg3[%mul3A_16] : memref<327680xi32, #tpu.memory_space<hbm>> -> memref<128xi32, #tpu.memory_space<hbm>>
    %dma_start3A_18 = tpu.memref_slice %arg3[%mul3A_16] : memref<327680xi32, #tpu.memory_space<hbm>> -> memref<128xi32, #tpu.memory_space<hbm>>
    tpu.enqueue_dma source(%dma_start3A_18 : memref<128xi32, #tpu.memory_space<hbm>>) target(%arg11 : memref<128xi32, #tpu.memory_space<vmem>>) target_semaphore(%arg20 : memref<!tpu.dma_semaphore, #tpu.memory_space<semaphore_mem>>)
    %add3A_19 = arith.constant 0 : i32
    %add3A_20 = arith.addi %mul3A_4, %add3A_19 : i32
    %dma_start3A_21 = tpu.memref_slice %arg5[%add3A_20] : memref<163840xi32, #tpu.memory_space<hbm>> -> memref<64xi32, #tpu.memory_space<hbm>>
    %dma_start3A_22 = tpu.memref_slice %arg5[%add3A_20] : memref<163840xi32, #tpu.memory_space<hbm>> -> memref<64xi32, #tpu.memory_space<hbm>>
    tpu.enqueue_dma source(%dma_start3A_22 : memref<64xi32, #tpu.memory_space<hbm>>) target(%arg13 : memref<64xi32, #tpu.memory_space<vmem>>) target_semaphore(%arg20 : memref<!tpu.dma_semaphore, #tpu.memory_space<semaphore_mem>>)
    %add3A_23 = arith.constant 0 : i32
    %add3A_24 = arith.addi %mul3A_4, %add3A_23 : i32
    %mul3A_25 = arith.constant 4 : i32
    %mul3A_26 = arith.muli %add3A_24, %mul3A_25 : i32
    %dma_wait3A = tpu.memref_slice %arg4[%mul3A_26] : memref<655360xf32, #tpu.memory_space<hbm>> -> memref<256xf32, #tpu.memory_space<hbm>>
    %dma_wait3A_27 = tpu.memref_slice %arg4[%mul3A_26] : memref<655360xf32, #tpu.memory_space<hbm>> -> memref<256xf32, #tpu.memory_space<hbm>>
    tpu.wait_dma2 semaphore(%arg20 : memref<!tpu.dma_semaphore, #tpu.memory_space<semaphore_mem>>) src(%dma_wait3A_27 : memref<256xf32, #tpu.memory_space<hbm>>) dst(%arg9 : memref<256xf32, #tpu.memory_space<vmem>>)
    %add3A_28 = arith.constant 0 : i32
    %add3A_29 = arith.addi %mul3A_4, %add3A_28 : i32
    %mul3A_30 = arith.constant 2 : i32
    %mul3A_31 = arith.muli %add3A_29, %mul3A_30 : i32
    %dma_wait3A_32 = tpu.memref_slice %arg3[%mul3A_31] : memref<327680xi32, #tpu.memory_space<hbm>> -> memref<128xi32, #tpu.memory_space<hbm>>
    %dma_wait3A_33 = tpu.memref_slice %arg3[%mul3A_31] : memref<327680xi32, #tpu.memory_space<hbm>> -> memref<128xi32, #tpu.memory_space<hbm>>
    tpu.wait_dma2 semaphore(%arg20 : memref<!tpu.dma_semaphore, #tpu.memory_space<semaphore_mem>>) src(%dma_wait3A_33 : memref<128xi32, #tpu.memory_space<hbm>>) dst(%arg11 : memref<128xi32, #tpu.memory_space<vmem>>)
    %add3A_34 = arith.constant 0 : i32
    %add3A_35 = arith.addi %mul3A_4, %add3A_34 : i32
    %dma_wait3A_36 = tpu.memref_slice %arg5[%add3A_35] : memref<163840xi32, #tpu.memory_space<hbm>> -> memref<64xi32, #tpu.memory_space<hbm>>
    %dma_wait3A_37 = tpu.memref_slice %arg5[%add3A_35] : memref<163840xi32, #tpu.memory_space<hbm>> -> memref<64xi32, #tpu.memory_space<hbm>>
    tpu.wait_dma2 semaphore(%arg20 : memref<!tpu.dma_semaphore, #tpu.memory_space<semaphore_mem>>) src(%dma_wait3A_37 : memref<64xi32, #tpu.memory_space<hbm>>) dst(%arg13 : memref<64xi32, #tpu.memory_space<vmem>>)
    %dma_start3A_38 = arith.constant 0 : i32
    %dma_start3A_39 = tpu.memref_slice %arg11[%dma_start3A_38] : memref<128xi32, #tpu.memory_space<vmem>> -> memref<64xi32, #tpu.memory_space<vmem>>
    %dma_start3A_40 = arith.constant 0 : i32
    %dma_start3A_41 = arith.constant 0 : i32
    %dma_start3A_42 = tpu.memref_slice %arg2[%dma_start3A_40, %dma_start3A_41] : memref<250000x128xi32, #tpu.memory_space<hbm>> -> memref<250000x128xi32, #tpu.memory_space<hbm>>
    tpu.enqueue_indirect_dma source(%dma_start3A_42 : memref<250000x128xi32, #tpu.memory_space<hbm>>) target(%arg15 : memref<64x128xi32, #tpu.memory_space<vmem>>) offsets(%dma_start3A_39 : memref<64xi32, #tpu.memory_space<vmem>>) semaphore(%arg22 : memref<!tpu.dma_semaphore, #tpu.memory_space<semaphore_mem>>)
    %dma_start3A_43 = arith.constant 64 : i32
    %dma_start3A_44 = tpu.memref_slice %arg11[%dma_start3A_43] : memref<128xi32, #tpu.memory_space<vmem>> -> memref<64xi32, #tpu.memory_space<vmem>>
    %dma_start3A_45 = arith.constant 0 : i32
    %dma_start3A_46 = arith.constant 0 : i32
    %dma_start3A_47 = tpu.memref_slice %arg2[%dma_start3A_45, %dma_start3A_46] : memref<250000x128xi32, #tpu.memory_space<hbm>> -> memref<250000x128xi32, #tpu.memory_space<hbm>>
    tpu.enqueue_indirect_dma source(%dma_start3A_47 : memref<250000x128xi32, #tpu.memory_space<hbm>>) target(%arg16 : memref<64x128xi32, #tpu.memory_space<vmem>>) offsets(%dma_start3A_44 : memref<64xi32, #tpu.memory_space<vmem>>) semaphore(%arg22 : memref<!tpu.dma_semaphore, #tpu.memory_space<semaphore_mem>>)
    %add3A_48 = arith.constant 64 : i32
    %add3A_49 = arith.addi %mul3A_4, %add3A_48 : i32
    %mul3A_50 = arith.constant 4 : i32
    %mul3A_51 = arith.muli %add3A_49, %mul3A_50 : i32
    %dma_start3A_52 = tpu.memref_slice %arg4[%mul3A_51] : memref<655360xf32, #tpu.memory_space<hbm>> -> memref<256xf32, #tpu.memory_space<hbm>>
    %dma_start3A_53 = tpu.memref_slice %arg4[%mul3A_51] : memref<655360xf32, #tpu.memory_space<hbm>> -> memref<256xf32, #tpu.memory_space<hbm>>
    tpu.enqueue_dma source(%dma_start3A_53 : memref<256xf32, #tpu.memory_space<hbm>>) target(%arg10 : memref<256xf32, #tpu.memory_space<vmem>>) target_semaphore(%arg21 : memref<!tpu.dma_semaphore, #tpu.memory_space<semaphore_mem>>)
    %add3A_54 = arith.constant 64 : i32
    %add3A_55 = arith.addi %mul3A_4, %add3A_54 : i32
    %mul3A_56 = arith.constant 2 : i32
    %mul3A_57 = arith.muli %add3A_55, %mul3A_56 : i32
    %dma_start3A_58 = tpu.memref_slice %arg3[%mul3A_57] : memref<327680xi32, #tpu.memory_space<hbm>> -> memref<128xi32, #tpu.memory_space<hbm>>
    %dma_start3A_59 = tpu.memref_slice %arg3[%mul3A_57] : memref<327680xi32, #tpu.memory_space<hbm>> -> memref<128xi32, #tpu.memory_space<hbm>>
    tpu.enqueue_dma source(%dma_start3A_59 : memref<128xi32, #tpu.memory_space<hbm>>) target(%arg12 : memref<128xi32, #tpu.memory_space<vmem>>) target_semaphore(%arg21 : memref<!tpu.dma_semaphore, #tpu.memory_space<semaphore_mem>>)
    %add3A_60 = arith.constant 64 : i32
    %add3A_61 = arith.addi %mul3A_4, %add3A_60 : i32
    %dma_start3A_62 = tpu.memref_slice %arg5[%add3A_61] : memref<163840xi32, #tpu.memory_space<hbm>> -> memref<64xi32, #tpu.memory_space<hbm>>
    %dma_start3A_63 = tpu.memref_slice %arg5[%add3A_61] : memref<163840xi32, #tpu.memory_space<hbm>> -> memref<64xi32, #tpu.memory_space<hbm>>
    tpu.enqueue_dma source(%dma_start3A_63 : memref<64xi32, #tpu.memory_space<hbm>>) target(%arg14 : memref<64xi32, #tpu.memory_space<vmem>>) target_semaphore(%arg21 : memref<!tpu.dma_semaphore, #tpu.memory_space<semaphore_mem>>)
    %scan3A = arith.constant 0 : i32
    %scan3A_64 = arith.constant 0 : i32
    %scan3A_65 = arith.constant 40 : i32
    %scan3A_66 = arith.addi %scan3A_64, %scan3A_65 : i32
    %scan3A_67 = arith.constant 1 : i32
    %scan3A_68 = scf.for %scan3A_76 = %scan3A_64 to %scan3A_66 step %scan3A_67 iter_args(%scan3A_77 = %scan3A) -> (i32)  : i32 {
      %mul3A_78 = arith.constant 2 : i32
      %mul3A_79 = arith.muli %scan3A_76, %mul3A_78 : i32
      %add3A_80 = arith.constant 0 : i32
      %add3A_81 = arith.addi %mul3A_79, %add3A_80 : i32
      %add3A_82 = arith.constant 1 : i32
      %add3A_83 = arith.addi %add3A_81, %add3A_82 : i32
      %lt3A = arith.constant 80 : i32
      %lt3A_84 = arith.cmpi slt, %add3A_83, %lt3A : i32
      %convert_element_type3A_85 = arith.extui %lt3A_84 : i1 to i32
      %cond3A_86 = arith.constant 0 : i32
      %cond3A_87 = arith.cmpi ne, %convert_element_type3A_85, %cond3A_86 : i32
      scf.if %cond3A_87 {
        %add3A_148 = arith.constant 1 : i32
        %add3A_149 = arith.addi %add3A_81, %add3A_148 : i32
        %mul3A_150 = arith.constant 64 : i32
        %mul3A_151 = arith.muli %add3A_149, %mul3A_150 : i32
        %add3A_152 = arith.addi %mul3A_4, %mul3A_151 : i32
        %mul3A_153 = arith.constant 4 : i32
        %mul3A_154 = arith.muli %add3A_152, %mul3A_153 : i32
        %dma_wait3A_155 = tpu.memref_slice %arg4[%mul3A_154] : memref<655360xf32, #tpu.memory_space<hbm>> -> memref<256xf32, #tpu.memory_space<hbm>>
        %dma_wait3A_156 = tpu.memref_slice %arg4[%mul3A_154] : memref<655360xf32, #tpu.memory_space<hbm>> -> memref<256xf32, #tpu.memory_space<hbm>>
        tpu.wait_dma2 semaphore(%arg21 : memref<!tpu.dma_semaphore, #tpu.memory_space<semaphore_mem>>) src(%dma_wait3A_156 : memref<256xf32, #tpu.memory_space<hbm>>) dst(%arg10 : memref<256xf32, #tpu.memory_space<vmem>>)
        %mul3A_157 = arith.constant 64 : i32
        %mul3A_158 = arith.muli %add3A_149, %mul3A_157 : i32
        %add3A_159 = arith.addi %mul3A_4, %mul3A_158 : i32
        %mul3A_160 = arith.constant 2 : i32
        %mul3A_161 = arith.muli %add3A_159, %mul3A_160 : i32
        %dma_wait3A_162 = tpu.memref_slice %arg3[%mul3A_161] : memref<327680xi32, #tpu.memory_space<hbm>> -> memref<128xi32, #tpu.memory_space<hbm>>
        %dma_wait3A_163 = tpu.memref_slice %arg3[%mul3A_161] : memref<327680xi32, #tpu.memory_space<hbm>> -> memref<128xi32, #tpu.memory_space<hbm>>
        tpu.wait_dma2 semaphore(%arg21 : memref<!tpu.dma_semaphore, #tpu.memory_space<semaphore_mem>>) src(%dma_wait3A_163 : memref<128xi32, #tpu.memory_space<hbm>>) dst(%arg12 : memref<128xi32, #tpu.memory_space<vmem>>)
        %mul3A_164 = arith.constant 64 : i32
        %mul3A_165 = arith.muli %add3A_149, %mul3A_164 : i32
        %add3A_166 = arith.addi %mul3A_4, %mul3A_165 : i32
        %dma_wait3A_167 = tpu.memref_slice %arg5[%add3A_166] : memref<163840xi32, #tpu.memory_space<hbm>> -> memref<64xi32, #tpu.memory_space<hbm>>
        %dma_wait3A_168 = tpu.memref_slice %arg5[%add3A_166] : memref<163840xi32, #tpu.memory_space<hbm>> -> memref<64xi32, #tpu.memory_space<hbm>>
        tpu.wait_dma2 semaphore(%arg21 : memref<!tpu.dma_semaphore, #tpu.memory_space<semaphore_mem>>) src(%dma_wait3A_168 : memref<64xi32, #tpu.memory_space<hbm>>) dst(%arg14 : memref<64xi32, #tpu.memory_space<vmem>>)
        %dma_start3A_169 = arith.constant 0 : i32
        %dma_start3A_170 = tpu.memref_slice %arg12[%dma_start3A_169] : memref<128xi32, #tpu.memory_space<vmem>> -> memref<64xi32, #tpu.memory_space<vmem>>
        %dma_start3A_171 = arith.constant 0 : i32
        %dma_start3A_172 = arith.constant 0 : i32
        %dma_start3A_173 = tpu.memref_slice %arg2[%dma_start3A_171, %dma_start3A_172] : memref<250000x128xi32, #tpu.memory_space<hbm>> -> memref<250000x128xi32, #tpu.memory_space<hbm>>
        tpu.enqueue_indirect_dma source(%dma_start3A_173 : memref<250000x128xi32, #tpu.memory_space<hbm>>) target(%arg17 : memref<64x128xi32, #tpu.memory_space<vmem>>) offsets(%dma_start3A_170 : memref<64xi32, #tpu.memory_space<vmem>>) semaphore(%arg23 : memref<!tpu.dma_semaphore, #tpu.memory_space<semaphore_mem>>)
        %dma_start3A_174 = arith.constant 64 : i32
        %dma_start3A_175 = tpu.memref_slice %arg12[%dma_start3A_174] : memref<128xi32, #tpu.memory_space<vmem>> -> memref<64xi32, #tpu.memory_space<vmem>>
        %dma_start3A_176 = arith.constant 0 : i32
        %dma_start3A_177 = arith.constant 0 : i32
        %dma_start3A_178 = tpu.memref_slice %arg2[%dma_start3A_176, %dma_start3A_177] : memref<250000x128xi32, #tpu.memory_space<hbm>> -> memref<250000x128xi32, #tpu.memory_space<hbm>>
        tpu.enqueue_indirect_dma source(%dma_start3A_178 : memref<250000x128xi32, #tpu.memory_space<hbm>>) target(%arg18 : memref<64x128xi32, #tpu.memory_space<vmem>>) offsets(%dma_start3A_175 : memref<64xi32, #tpu.memory_space<vmem>>) semaphore(%arg23 : memref<!tpu.dma_semaphore, #tpu.memory_space<semaphore_mem>>)
      } else {
      }
      %dma_wait3A_88 = arith.constant 0 : i32
      %dma_wait3A_89 = tpu.memref_slice %arg11[%dma_wait3A_88] : memref<128xi32, #tpu.memory_space<vmem>> -> memref<64xi32, #tpu.memory_space<vmem>>
      %dma_wait3A_90 = arith.constant 0 : i32
      %dma_wait3A_91 = arith.constant 0 : i32
      %dma_wait3A_92 = tpu.memref_slice %arg2[%dma_wait3A_90, %dma_wait3A_91] : memref<250000x128xi32, #tpu.memory_space<hbm>> -> memref<250000x128xi32, #tpu.memory_space<hbm>>
      tpu.wait_indirect_dma semaphore(%arg22 : memref<!tpu.dma_semaphore, #tpu.memory_space<semaphore_mem>>) src(%dma_wait3A_92 : memref<250000x128xi32, #tpu.memory_space<hbm>>) dst(%arg15 : memref<64x128xi32, #tpu.memory_space<vmem>>)
      %dma_wait3A_93 = arith.constant 64 : i32
      %dma_wait3A_94 = tpu.memref_slice %arg11[%dma_wait3A_93] : memref<128xi32, #tpu.memory_space<vmem>> -> memref<64xi32, #tpu.memory_space<vmem>>
      %dma_wait3A_95 = arith.constant 0 : i32
      %dma_wait3A_96 = arith.constant 0 : i32
      %dma_wait3A_97 = tpu.memref_slice %arg2[%dma_wait3A_95, %dma_wait3A_96] : memref<250000x128xi32, #tpu.memory_space<hbm>> -> memref<250000x128xi32, #tpu.memory_space<hbm>>
      tpu.wait_indirect_dma semaphore(%arg22 : memref<!tpu.dma_semaphore, #tpu.memory_space<semaphore_mem>>) src(%dma_wait3A_97 : memref<250000x128xi32, #tpu.memory_space<hbm>>) dst(%arg16 : memref<64x128xi32, #tpu.memory_space<vmem>>)
      %scan3A_98 = arith.constant 0 : i32
      %scan3A_99 = arith.constant 0 : i32
      %scan3A_100 = arith.constant 4 : i32
      %scan3A_101 = arith.addi %scan3A_99, %scan3A_100 : i32
      %scan3A_102 = arith.constant 1 : i32
      %scan3A_103 = scf.for %scan3A_148 = %scan3A_99 to %scan3A_101 step %scan3A_102 iter_args(%scan3A_149 = %scan3A_98) -> (i32)  : i32 {
        %mul3A_150 = arith.constant 16 : i32
        %mul3A_151 = arith.muli %scan3A_148, %mul3A_150 : i32
        %add3A_152 = arith.constant 0 : i32
        %add3A_153 = arith.addi %add3A_152, %mul3A_151 : i32
        %get3A = arith.index_cast %add3A_153 : i32 to index
        %get3A_154 = tpu.vector_load %arg9[%get3A] {strides = array<i32>} : memref<256xf32, #tpu.memory_space<vmem>>, vector<16xf32>,
        %mul3A_155 = arith.constant 16 : i32
        %mul3A_156 = arith.muli %scan3A_148, %mul3A_155 : i32
        %add3A_157 = arith.constant 64 : i32
        %add3A_158 = arith.addi %add3A_157, %mul3A_156 : i32
        %get3A_159 = arith.index_cast %add3A_158 : i32 to index
        %get3A_160 = tpu.vector_load %arg9[%get3A_159] {strides = array<i32>} : memref<256xf32, #tpu.memory_space<vmem>>, vector<16xf32>,
        %mul3A_161 = arith.constant 16 : i32
        %mul3A_162 = arith.muli %scan3A_148, %mul3A_161 : i32
        %add3A_163 = arith.constant 128 : i32
        %add3A_164 = arith.addi %add3A_163, %mul3A_162 : i32
        %get3A_165 = arith.index_cast %add3A_164 : i32 to index
        %get3A_166 = tpu.vector_load %arg9[%get3A_165] {strides = array<i32>} : memref<256xf32, #tpu.memory_space<vmem>>, vector<16xf32>,
        %mul3A_167 = arith.constant 16 : i32
        %mul3A_168 = arith.muli %scan3A_148, %mul3A_167 : i32
        %add3A_169 = arith.constant 192 : i32
        %add3A_170 = arith.addi %add3A_169, %mul3A_168 : i32
        %get3A_171 = arith.index_cast %add3A_170 : i32 to index
        %get3A_172 = tpu.vector_load %arg9[%get3A_171] {strides = array<i32>} : memref<256xf32, #tpu.memory_space<vmem>>, vector<16xf32>,
        %scan3A_173 = arith.constant 0 : i32
        %scan3A_174 = arith.constant 0 : i32
        %scan3A_175 = arith.constant 16 : i32
        %scan3A_176 = arith.addi %scan3A_174, %scan3A_175 : i32
        %scan3A_177 = arith.constant 1 : i32
        %scan3A_178 = scf.for %scan3A_181 = %scan3A_174 to %scan3A_176 step %scan3A_177 iter_args(%scan3A_182 = %scan3A_173) -> (i32)  : i32 {
          %mul3A_183 = arith.constant 16 : i32
          %mul3A_184 = arith.muli %scan3A_148, %mul3A_183 : i32
          %add3A_185 = arith.addi %mul3A_184, %scan3A_181 : i32
          %broadcast_in_dim3A_186 = vector.broadcast %scan3A_181 : i32 to vector<16xi32>
          %broadcast_in_dim3A_187 = vector.shape_cast %broadcast_in_dim3A_186 : vector<16xi32> to vector<16x1xi32>
          %gather3A = vector.shape_cast %broadcast_in_dim3A_187 : vector<16x1xi32> to vector<16xi32>
          %gather3A_188 = tpu.dynamic_gather %get3A_154[%gather3A] in [0] : vector<16xf32>, vector<16xi32> -> vector<16xf32>
          %broadcast_in_dim3A_189 = vector.broadcast %scan3A_181 : i32 to vector<16xi32>
          %broadcast_in_dim3A_190 = vector.shape_cast %broadcast_in_dim3A_189 : vector<16xi32> to vector<16x1xi32>
          %gather3A_191 = vector.shape_cast %broadcast_in_dim3A_190 : vector<16x1xi32> to vector<16xi32>
          %gather3A_192 = tpu.dynamic_gather %get3A_160[%gather3A_191] in [0] : vector<16xf32>, vector<16xi32> -> vector<16xf32>
          %broadcast_in_dim3A_193 = vector.broadcast %scan3A_181 : i32 to vector<16xi32>
          %broadcast_in_dim3A_194 = vector.shape_cast %broadcast_in_dim3A_193 : vector<16xi32> to vector<16x1xi32>
          %gather3A_195 = vector.shape_cast %broadcast_in_dim3A_194 : vector<16x1xi32> to vector<16xi32>
          %gather3A_196 = tpu.dynamic_gather %get3A_166[%gather3A_195] in [0] : vector<16xf32>, vector<16xi32> -> vector<16xf32>
          %broadcast_in_dim3A_197 = vector.broadcast %scan3A_181 : i32 to vector<16xi32>
          %broadcast_in_dim3A_198 = vector.shape_cast %broadcast_in_dim3A_197 : vector<16xi32> to vector<16x1xi32>
          %gather3A_199 = vector.shape_cast %broadcast_in_dim3A_198 : vector<16x1xi32> to vector<16xi32>
          %gather3A_200 = tpu.dynamic_gather %get3A_172[%gather3A_199] in [0] : vector<16xf32>, vector<16xi32> -> vector<16xf32>
          %get3A_201 = arith.index_cast %add3A_185 : i32 to index
          %get3A_202 = arith.constant 0 : index
          %get3A_203 = tpu.vector_load %arg15[%get3A_201, %get3A_202] {strides = array<i32>} : memref<64x128xi32, #tpu.memory_space<vmem>>, vector<16xi32>,
          %get3A_204 = arith.index_cast %add3A_185 : i32 to index
          %get3A_205 = arith.constant 0 : index
          %get3A_206 = tpu.vector_load %arg16[%get3A_204, %get3A_205] {strides = array<i32>} : memref<64x128xi32, #tpu.memory_space<vmem>>, vector<16xi32>,
          %shift_left3A = arith.constant 16 : i32
          %shift_left3A_207 = vector.broadcast %shift_left3A : i32 to vector<16xi32>
          %shift_left3A_208 = arith.shli %get3A_203, %shift_left3A_207 : vector<16xi32>
          %bitcast3A = vector.bitcast %shift_left3A_208 : vector<16xi32> to vector<16xf32>
          %mul3A_209 = arith.mulf %bitcast3A, %gather3A_188 : vector<16xf32>
          %and3A = arith.andi %get3A_203, %broadcast_in_dim3A_7 : vector<16xi32>
          %bitcast3A_210 = vector.bitcast %and3A : vector<16xi32> to vector<16xf32>
          %mul3A_211 = arith.mulf %bitcast3A_210, %gather3A_192 : vector<16xf32>
          %add3A_212 = arith.addf %mul3A_209, %mul3A_211 : vector<16xf32>
          %shift_left3A_213 = arith.constant 16 : i32
          %shift_left3A_214 = vector.broadcast %shift_left3A_213 : i32 to vector<16xi32>
          %shift_left3A_215 = arith.shli %get3A_206, %shift_left3A_214 : vector<16xi32>
          %bitcast3A_216 = vector.bitcast %shift_left3A_215 : vector<16xi32> to vector<16xf32>
          %mul3A_217 = arith.mulf %bitcast3A_216, %gather3A_196 : vector<16xf32>
          %add3A_218 = arith.addf %add3A_212, %mul3A_217 : vector<16xf32>
          %and3A_219 = arith.andi %get3A_206, %broadcast_in_dim3A_7 : vector<16xi32>
          %bitcast3A_220 = vector.bitcast %and3A_219 : vector<16xi32> to vector<16xf32>
          %mul3A_221 = arith.mulf %bitcast3A_220, %gather3A_200 : vector<16xf32>
          %add3A_222 = arith.addf %add3A_218, %mul3A_221 : vector<16xf32>
          %swap3A = arith.index_cast %add3A_185 : i32 to index
          %swap3A_223 = arith.constant 0 : index
          %swap3A_224 = tpu.vector_load %arg19[%swap3A, %swap3A_223] {strides = array<i32>} : memref<64x128xf32, #tpu.memory_space<vmem>>, vector<16xf32>,
          tpu.vector_store %arg19[%swap3A, %swap3A_223], %add3A_222 {strides = array<i32>} : memref<64x128xf32, #tpu.memory_space<vmem>>, vector<16xf32>,
          %get3A_225 = arith.index_cast %add3A_185 : i32 to index
          %get3A_226 = arith.constant 16 : index
          %get3A_227 = tpu.vector_load %arg15[%get3A_225, %get3A_226] {strides = array<i32>} : memref<64x128xi32, #tpu.memory_space<vmem>>, vector<16xi32>,
          %get3A_228 = arith.index_cast %add3A_185 : i32 to index
          %get3A_229 = arith.constant 16 : index
          %get3A_230 = tpu.vector_load %arg16[%get3A_228, %get3A_229] {strides = array<i32>} : memref<64x128xi32, #tpu.memory_space<vmem>>, vector<16xi32>,
          %shift_left3A_231 = arith.constant 16 : i32
          %shift_left3A_232 = vector.broadcast %shift_left3A_231 : i32 to vector<16xi32>
          %shift_left3A_233 = arith.shli %get3A_227, %shift_left3A_232 : vector<16xi32>
          %bitcast3A_234 = vector.bitcast %shift_left3A_233 : vector<16xi32> to vector<16xf32>
          %mul3A_235 = arith.mulf %bitcast3A_234, %gather3A_188 : vector<16xf32>
          %and3A_236 = arith.andi %get3A_227, %broadcast_in_dim3A_7 : vector<16xi32>
          %bitcast3A_237 = vector.bitcast %and3A_236 : vector<16xi32> to vector<16xf32>
          %mul3A_238 = arith.mulf %bitcast3A_237, %gather3A_192 : vector<16xf32>
          %add3A_239 = arith.addf %mul3A_235, %mul3A_238 : vector<16xf32>
          %shift_left3A_240 = arith.constant 16 : i32
          %shift_left3A_241 = vector.broadcast %shift_left3A_240 : i32 to vector<16xi32>
          %shift_left3A_242 = arith.shli %get3A_230, %shift_left3A_241 : vector<16xi32>
          %bitcast3A_243 = vector.bitcast %shift_left3A_242 : vector<16xi32> to vector<16xf32>
          %mul3A_244 = arith.mulf %bitcast3A_243, %gather3A_196 : vector<16xf32>
          %add3A_245 = arith.addf %add3A_239, %mul3A_244 : vector<16xf32>
          %and3A_246 = arith.andi %get3A_230, %broadcast_in_dim3A_7 : vector<16xi32>
          %bitcast3A_247 = vector.bitcast %and3A_246 : vector<16xi32> to vector<16xf32>
          %mul3A_248 = arith.mulf %bitcast3A_247, %gather3A_200 : vector<16xf32>
          %add3A_249 = arith.addf %add3A_245, %mul3A_248 : vector<16xf32>
          %swap3A_250 = arith.index_cast %add3A_185 : i32 to index
          %swap3A_251 = arith.constant 16 : index
          %swap3A_252 = tpu.vector_load %arg19[%swap3A_250, %swap3A_251] {strides = array<i32>} : memref<64x128xf32, #tpu.memory_space<vmem>>, vector<16xf32>,
          tpu.vector_store %arg19[%swap3A_250, %swap3A_251], %add3A_249 {strides = array<i32>} : memref<64x128xf32, #tpu.memory_space<vmem>>, vector<16xf32>,
          %get3A_253 = arith.index_cast %add3A_185 : i32 to index
          %get3A_254 = arith.constant 32 : index
          %get3A_255 = tpu.vector_load %arg15[%get3A_253, %get3A_254] {strides = array<i32>} : memref<64x128xi32, #tpu.memory_space<vmem>>, vector<16xi32>,
          %get3A_256 = arith.index_cast %add3A_185 : i32 to index
          %get3A_257 = arith.constant 32 : index
          %get3A_258 = tpu.vector_load %arg16[%get3A_256, %get3A_257] {strides = array<i32>} : memref<64x128xi32, #tpu.memory_space<vmem>>, vector<16xi32>,
          %shift_left3A_259 = arith.constant 16 : i32
          %shift_left3A_260 = vector.broadcast %shift_left3A_259 : i32 to vector<16xi32>
          %shift_left3A_261 = arith.shli %get3A_255, %shift_left3A_260 : vector<16xi32>
          %bitcast3A_262 = vector.bitcast %shift_left3A_261 : vector<16xi32> to vector<16xf32>
          %mul3A_263 = arith.mulf %bitcast3A_262, %gather3A_188 : vector<16xf32>
          %and3A_264 = arith.andi %get3A_255, %broadcast_in_dim3A_7 : vector<16xi32>
          %bitcast3A_265 = vector.bitcast %and3A_264 : vector<16xi32> to vector<16xf32>
          %mul3A_266 = arith.mulf %bitcast3A_265, %gather3A_192 : vector<16xf32>
          %add3A_267 = arith.addf %mul3A_263, %mul3A_266 : vector<16xf32>
          %shift_left3A_268 = arith.constant 16 : i32
          %shift_left3A_269 = vector.broadcast %shift_left3A_268 : i32 to vector<16xi32>
          %shift_left3A_270 = arith.shli %get3A_258, %shift_left3A_269 : vector<16xi32>
          %bitcast3A_271 = vector.bitcast %shift_left3A_270 : vector<16xi32> to vector<16xf32>
          %mul3A_272 = arith.mulf %bitcast3A_271, %gather3A_196 : vector<16xf32>
          %add3A_273 = arith.addf %add3A_267, %mul3A_272 : vector<16xf32>
          %and3A_274 = arith.andi %get3A_258, %broadcast_in_dim3A_7 : vector<16xi32>
          %bitcast3A_275 = vector.bitcast %and3A_274 : vector<16xi32> to vector<16xf32>
          %mul3A_276 = arith.mulf %bitcast3A_275, %gather3A_200 : vector<16xf32>
          %add3A_277 = arith.addf %add3A_273, %mul3A_276 : vector<16xf32>
          %swap3A_278 = arith.index_cast %add3A_185 : i32 to index
          %swap3A_279 = arith.constant 32 : index
          %swap3A_280 = tpu.vector_load %arg19[%swap3A_278, %swap3A_279] {strides = array<i32>} : memref<64x128xf32, #tpu.memory_space<vmem>>, vector<16xf32>,
          tpu.vector_store %arg19[%swap3A_278, %swap3A_279], %add3A_277 {strides = array<i32>} : memref<64x128xf32, #tpu.memory_space<vmem>>, vector<16xf32>,
          %get3A_281 = arith.index_cast %add3A_185 : i32 to index
          %get3A_282 = arith.constant 48 : index
          %get3A_283 = tpu.vector_load %arg15[%get3A_281, %get3A_282] {strides = array<i32>} : memref<64x128xi32, #tpu.memory_space<vmem>>, vector<16xi32>,
          %get3A_284 = arith.index_cast %add3A_185 : i32 to index
          %get3A_285 = arith.constant 48 : index
          %get3A_286 = tpu.vector_load %arg16[%get3A_284, %get3A_285] {strides = array<i32>} : memref<64x128xi32, #tpu.memory_space<vmem>>, vector<16xi32>,
          %shift_left3A_287 = arith.constant 16 : i32
          %shift_left3A_288 = vector.broadcast %shift_left3A_287 : i32 to vector<16xi32>
          %shift_left3A_289 = arith.shli %get3A_283, %shift_left3A_288 : vector<16xi32>
          %bitcast3A_290 = vector.bitcast %shift_left3A_289 : vector<16xi32> to vector<16xf32>
          %mul3A_291 = arith.mulf %bitcast3A_290, %gather3A_188 : vector<16xf32>
          %and3A_292 = arith.andi %get3A_283, %broadcast_in_dim3A_7 : vector<16xi32>
          %bitcast3A_293 = vector.bitcast %and3A_292 : vector<16xi32> to vector<16xf32>
          %mul3A_294 = arith.mulf %bitcast3A_293, %gather3A_192 : vector<16xf32>
          %add3A_295 = arith.addf %mul3A_291, %mul3A_294 : vector<16xf32>
          %shift_left3A_296 = arith.constant 16 : i32
          %shift_left3A_297 = vector.broadcast %shift_left3A_296 : i32 to vector<16xi32>
          %shift_left3A_298 = arith.shli %get3A_286, %shift_left3A_297 : vector<16xi32>
          %bitcast3A_299 = vector.bitcast %shift_left3A_298 : vector<16xi32> to vector<16xf32>
          %mul3A_300 = arith.mulf %bitcast3A_299, %gather3A_196 : vector<16xf32>
          %add3A_301 = arith.addf %add3A_295, %mul3A_300 : vector<16xf32>
          %and3A_302 = arith.andi %get3A_286, %broadcast_in_dim3A_7 : vector<16xi32>
          %bitcast3A_303 = vector.bitcast %and3A_302 : vector<16xi32> to vector<16xf32>
          %mul3A_304 = arith.mulf %bitcast3A_303, %gather3A_200 : vector<16xf32>
          %add3A_305 = arith.addf %add3A_301, %mul3A_304 : vector<16xf32>
          %swap3A_306 = arith.index_cast %add3A_185 : i32 to index
          %swap3A_307 = arith.constant 48 : index
          %swap3A_308 = tpu.vector_load %arg19[%swap3A_306, %swap3A_307] {strides = array<i32>} : memref<64x128xf32, #tpu.memory_space<vmem>>, vector<16xf32>,
          tpu.vector_store %arg19[%swap3A_306, %swap3A_307], %add3A_305 {strides = array<i32>} : memref<64x128xf32, #tpu.memory_space<vmem>>, vector<16xf32>,
          %get3A_309 = arith.index_cast %add3A_185 : i32 to index
          %get3A_310 = arith.constant 64 : index
          %get3A_311 = tpu.vector_load %arg15[%get3A_309, %get3A_310] {strides = array<i32>} : memref<64x128xi32, #tpu.memory_space<vmem>>, vector<16xi32>,
          %get3A_312 = arith.index_cast %add3A_185 : i32 to index
          %get3A_313 = arith.constant 64 : index
          %get3A_314 = tpu.vector_load %arg16[%get3A_312, %get3A_313] {strides = array<i32>} : memref<64x128xi32, #tpu.memory_space<vmem>>, vector<16xi32>,
          %shift_left3A_315 = arith.constant 16 : i32
          %shift_left3A_316 = vector.broadcast %shift_left3A_315 : i32 to vector<16xi32>
          %shift_left3A_317 = arith.shli %get3A_311, %shift_left3A_316 : vector<16xi32>
          %bitcast3A_318 = vector.bitcast %shift_left3A_317 : vector<16xi32> to vector<16xf32>
          %mul3A_319 = arith.mulf %bitcast3A_318, %gather3A_188 : vector<16xf32>
          %and3A_320 = arith.andi %get3A_311, %broadcast_in_dim3A_7 : vector<16xi32>
          %bitcast3A_321 = vector.bitcast %and3A_320 : vector<16xi32> to vector<16xf32>
          %mul3A_322 = arith.mulf %bitcast3A_321, %gather3A_192 : vector<16xf32>
          %add3A_323 = arith.addf %mul3A_319, %mul3A_322 : vector<16xf32>
          %shift_left3A_324 = arith.constant 16 : i32
          %shift_left3A_325 = vector.broadcast %shift_left3A_324 : i32 to vector<16xi32>
          %shift_left3A_326 = arith.shli %get3A_314, %shift_left3A_325 : vector<16xi32>
          %bitcast3A_327 = vector.bitcast %shift_left3A_326 : vector<16xi32> to vector<16xf32>
          %mul3A_328 = arith.mulf %bitcast3A_327, %gather3A_196 : vector<16xf32>
          %add3A_329 = arith.addf %add3A_323, %mul3A_328 : vector<16xf32>
          %and3A_330 = arith.andi %get3A_314, %broadcast_in_dim3A_7 : vector<16xi32>
          %bitcast3A_331 = vector.bitcast %and3A_330 : vector<16xi32> to vector<16xf32>
          %mul3A_332 = arith.mulf %bitcast3A_331, %gather3A_200 : vector<16xf32>
          %add3A_333 = arith.addf %add3A_329, %mul3A_332 : vector<16xf32>
          %swap3A_334 = arith.index_cast %add3A_185 : i32 to index
          %swap3A_335 = arith.constant 64 : index
          %swap3A_336 = tpu.vector_load %arg19[%swap3A_334, %swap3A_335] {strides = array<i32>} : memref<64x128xf32, #tpu.memory_space<vmem>>, vector<16xf32>,
          tpu.vector_store %arg19[%swap3A_334, %swap3A_335], %add3A_333 {strides = array<i32>} : memref<64x128xf32, #tpu.memory_space<vmem>>, vector<16xf32>,
          %get3A_337 = arith.index_cast %add3A_185 : i32 to index
          %get3A_338 = arith.constant 80 : index
          %get3A_339 = tpu.vector_load %arg15[%get3A_337, %get3A_338] {strides = array<i32>} : memref<64x128xi32, #tpu.memory_space<vmem>>, vector<16xi32>,
          %get3A_340 = arith.index_cast %add3A_185 : i32 to index
          %get3A_341 = arith.constant 80 : index
          %get3A_342 = tpu.vector_load %arg16[%get3A_340, %get3A_341] {strides = array<i32>} : memref<64x128xi32, #tpu.memory_space<vmem>>, vector<16xi32>,
          %shift_left3A_343 = arith.constant 16 : i32
          %shift_left3A_344 = vector.broadcast %shift_left3A_343 : i32 to vector<16xi32>
          %shift_left3A_345 = arith.shli %get3A_339, %shift_left3A_344 : vector<16xi32>
          %bitcast3A_346 = vector.bitcast %shift_left3A_345 : vector<16xi32> to vector<16xf32>
          %mul3A_347 = arith.mulf %bitcast3A_346, %gather3A_188 : vector<16xf32>
          %and3A_348 = arith.andi %get3A_339, %broadcast_in_dim3A_7 : vector<16xi32>
          %bitcast3A_349 = vector.bitcast %and3A_348 : vector<16xi32> to vector<16xf32>
          %mul3A_350 = arith.mulf %bitcast3A_349, %gather3A_192 : vector<16xf32>
          %add3A_351 = arith.addf %mul3A_347, %mul3A_350 : vector<16xf32>
          %shift_left3A_352 = arith.constant 16 : i32
          %shift_left3A_353 = vector.broadcast %shift_left3A_352 : i32 to vector<16xi32>
          %shift_left3A_354 = arith.shli %get3A_342, %shift_left3A_353 : vector<16xi32>
          %bitcast3A_355 = vector.bitcast %shift_left3A_354 : vector<16xi32> to vector<16xf32>
          %mul3A_356 = arith.mulf %bitcast3A_355, %gather3A_196 : vector<16xf32>
          %add3A_357 = arith.addf %add3A_351, %mul3A_356 : vector<16xf32>
          %and3A_358 = arith.andi %get3A_342, %broadcast_in_dim3A_7 : vector<16xi32>
          %bitcast3A_359 = vector.bitcast %and3A_358 : vector<16xi32> to vector<16xf32>
          %mul3A_360 = arith.mulf %bitcast3A_359, %gather3A_200 : vector<16xf32>
          %add3A_361 = arith.addf %add3A_357, %mul3A_360 : vector<16xf32>
          %swap3A_362 = arith.index_cast %add3A_185 : i32 to index
          %swap3A_363 = arith.constant 80 : index
          %swap3A_364 = tpu.vector_load %arg19[%swap3A_362, %swap3A_363] {strides = array<i32>} : memref<64x128xf32, #tpu.memory_space<vmem>>, vector<16xf32>,
          tpu.vector_store %arg19[%swap3A_362, %swap3A_363], %add3A_361 {strides = array<i32>} : memref<64x128xf32, #tpu.memory_space<vmem>>, vector<16xf32>,
          %get3A_365 = arith.index_cast %add3A_185 : i32 to index
          %get3A_366 = arith.constant 96 : index
          %get3A_367 = tpu.vector_load %arg15[%get3A_365, %get3A_366] {strides = array<i32>} : memref<64x128xi32, #tpu.memory_space<vmem>>, vector<16xi32>,
          %get3A_368 = arith.index_cast %add3A_185 : i32 to index
          %get3A_369 = arith.constant 96 : index
          %get3A_370 = tpu.vector_load %arg16[%get3A_368, %get3A_369] {strides = array<i32>} : memref<64x128xi32, #tpu.memory_space<vmem>>, vector<16xi32>,
          %shift_left3A_371 = arith.constant 16 : i32
          %shift_left3A_372 = vector.broadcast %shift_left3A_371 : i32 to vector<16xi32>
          %shift_left3A_373 = arith.shli %get3A_367, %shift_left3A_372 : vector<16xi32>
          %bitcast3A_374 = vector.bitcast %shift_left3A_373 : vector<16xi32> to vector<16xf32>
          %mul3A_375 = arith.mulf %bitcast3A_374, %gather3A_188 : vector<16xf32>
          %and3A_376 = arith.andi %get3A_367, %broadcast_in_dim3A_7 : vector<16xi32>
          %bitcast3A_377 = vector.bitcast %and3A_376 : vector<16xi32> to vector<16xf32>
          %mul3A_378 = arith.mulf %bitcast3A_377, %gather3A_192 : vector<16xf32>
          %add3A_379 = arith.addf %mul3A_375, %mul3A_378 : vector<16xf32>
          %shift_left3A_380 = arith.constant 16 : i32
          %shift_left3A_381 = vector.broadcast %shift_left3A_380 : i32 to vector<16xi32>
          %shift_left3A_382 = arith.shli %get3A_370, %shift_left3A_381 : vector<16xi32>
          %bitcast3A_383 = vector.bitcast %shift_left3A_382 : vector<16xi32> to vector<16xf32>
          %mul3A_384 = arith.mulf %bitcast3A_383, %gather3A_196 : vector<16xf32>
          %add3A_385 = arith.addf %add3A_379, %mul3A_384 : vector<16xf32>
          %and3A_386 = arith.andi %get3A_370, %broadcast_in_dim3A_7 : vector<16xi32>
          %bitcast3A_387 = vector.bitcast %and3A_386 : vector<16xi32> to vector<16xf32>
          %mul3A_388 = arith.mulf %bitcast3A_387, %gather3A_200 : vector<16xf32>
          %add3A_389 = arith.addf %add3A_385, %mul3A_388 : vector<16xf32>
          %swap3A_390 = arith.index_cast %add3A_185 : i32 to index
          %swap3A_391 = arith.constant 96 : index
          %swap3A_392 = tpu.vector_load %arg19[%swap3A_390, %swap3A_391] {strides = array<i32>} : memref<64x128xf32, #tpu.memory_space<vmem>>, vector<16xf32>,
          tpu.vector_store %arg19[%swap3A_390, %swap3A_391], %add3A_389 {strides = array<i32>} : memref<64x128xf32, #tpu.memory_space<vmem>>, vector<16xf32>,
          %get3A_393 = arith.index_cast %add3A_185 : i32 to index
          %get3A_394 = arith.constant 112 : index
          %get3A_395 = tpu.vector_load %arg15[%get3A_393, %get3A_394] {strides = array<i32>} : memref<64x128xi32, #tpu.memory_space<vmem>>, vector<16xi32>,
          %get3A_396 = arith.index_cast %add3A_185 : i32 to index
          %get3A_397 = arith.constant 112 : index
          %get3A_398 = tpu.vector_load %arg16[%get3A_396, %get3A_397] {strides = array<i32>} : memref<64x128xi32, #tpu.memory_space<vmem>>, vector<16xi32>,
          %shift_left3A_399 = arith.constant 16 : i32
          %shift_left3A_400 = vector.broadcast %shift_left3A_399 : i32 to vector<16xi32>
          %shift_left3A_401 = arith.shli %get3A_395, %shift_left3A_400 : vector<16xi32>
          %bitcast3A_402 = vector.bitcast %shift_left3A_401 : vector<16xi32> to vector<16xf32>
          %mul3A_403 = arith.mulf %bitcast3A_402, %gather3A_188 : vector<16xf32>
          %and3A_404 = arith.andi %get3A_395, %broadcast_in_dim3A_7 : vector<16xi32>
          %bitcast3A_405 = vector.bitcast %and3A_404 : vector<16xi32> to vector<16xf32>
          %mul3A_406 = arith.mulf %bitcast3A_405, %gather3A_192 : vector<16xf32>
          %add3A_407 = arith.addf %mul3A_403, %mul3A_406 : vector<16xf32>
          %shift_left3A_408 = arith.constant 16 : i32
          %shift_left3A_409 = vector.broadcast %shift_left3A_408 : i32 to vector<16xi32>
          %shift_left3A_410 = arith.shli %get3A_398, %shift_left3A_409 : vector<16xi32>
          %bitcast3A_411 = vector.bitcast %shift_left3A_410 : vector<16xi32> to vector<16xf32>
          %mul3A_412 = arith.mulf %bitcast3A_411, %gather3A_196 : vector<16xf32>
          %add3A_413 = arith.addf %add3A_407, %mul3A_412 : vector<16xf32>
          %and3A_414 = arith.andi %get3A_398, %broadcast_in_dim3A_7 : vector<16xi32>
          %bitcast3A_415 = vector.bitcast %and3A_414 : vector<16xi32> to vector<16xf32>
          %mul3A_416 = arith.mulf %bitcast3A_415, %gather3A_200 : vector<16xf32>
          %add3A_417 = arith.addf %add3A_413, %mul3A_416 : vector<16xf32>
          %swap3A_418 = arith.index_cast %add3A_185 : i32 to index
          %swap3A_419 = arith.constant 112 : index
          %swap3A_420 = tpu.vector_load %arg19[%swap3A_418, %swap3A_419] {strides = array<i32>} : memref<64x128xf32, #tpu.memory_space<vmem>>, vector<16xf32>,
          tpu.vector_store %arg19[%swap3A_418, %swap3A_419], %add3A_417 {strides = array<i32>} : memref<64x128xf32, #tpu.memory_space<vmem>>, vector<16xf32>,
          %scan3A_421 = arith.constant 0 : i32
          scf.yield %scan3A_421 : i32
        }
        %scan3A_179 = arith.constant 16 : i32
        %scan3A_180 = arith.constant 0 : i32
        scf.yield %scan3A_180 : i32
      }
      %scan3A_104 = arith.constant 4 : i32
      "tpu.region"() ({
        %run_scoped3A = tpu.sem_alloc : memref<!tpu.dma_semaphore, #tpu.memory_space<semaphore_mem>>
        %dma_start3A_148 = arith.constant 0 : i32
        %dma_start3A_149 = arith.constant 0 : i32
        %dma_start3A_150 = tpu.memref_slice %arg8[%dma_start3A_148, %dma_start3A_149] : memref<10000x128xf32, #tpu.memory_space<vmem_shared>> -> memref<10000x128xf32, #tpu.memory_space<vmem_shared>>
        tpu.enqueue_indirect_dma source(%arg19 : memref<64x128xf32, #tpu.memory_space<vmem>>) target(%dma_start3A_150 : memref<10000x128xf32, #tpu.memory_space<vmem_shared>>) offsets(%arg13 : memref<64xi32, #tpu.memory_space<vmem>>) semaphore(%run_scoped3A : memref<!tpu.dma_semaphore, #tpu.memory_space<semaphore_mem>>) {add = true}
        %dma_wait3A_151 = arith.constant 0 : i32
        %dma_wait3A_152 = arith.constant 0 : i32
        %dma_wait3A_153 = tpu.memref_slice %arg8[%dma_wait3A_151, %dma_wait3A_152] : memref<10000x128xf32, #tpu.memory_space<vmem_shared>> -> memref<10000x128xf32, #tpu.memory_space<vmem_shared>>
        tpu.wait_indirect_dma semaphore(%run_scoped3A : memref<!tpu.dma_semaphore, #tpu.memory_space<semaphore_mem>>) src(%arg19 : memref<64x128xf32, #tpu.memory_space<vmem>>) dst(%dma_wait3A_153 : memref<10000x128xf32, #tpu.memory_space<vmem_shared>>)
        tpu.yield
      }) : () -> ()
      %add3A_105 = arith.constant 2 : i32
      %add3A_106 = arith.addi %add3A_81, %add3A_105 : i32
      %lt3A_107 = arith.constant 80 : i32
      %lt3A_108 = arith.cmpi slt, %add3A_106, %lt3A_107 : i32
      %convert_element_type3A_109 = arith.extui %lt3A_108 : i1 to i32
      %cond3A_110 = arith.constant 0 : i32
      %cond3A_111 = arith.cmpi ne, %convert_element_type3A_109, %cond3A_110 : i32
      scf.if %cond3A_111 {
        %add3A_148 = arith.constant 2 : i32
        %add3A_149 = arith.addi %add3A_81, %add3A_148 : i32
        %mul3A_150 = arith.constant 64 : i32
        %mul3A_151 = arith.muli %add3A_149, %mul3A_150 : i32
        %add3A_152 = arith.addi %mul3A_4, %mul3A_151 : i32
        %mul3A_153 = arith.constant 4 : i32
        %mul3A_154 = arith.muli %add3A_152, %mul3A_153 : i32
        %dma_start3A_155 = tpu.memref_slice %arg4[%mul3A_154] : memref<655360xf32, #tpu.memory_space<hbm>> -> memref<256xf32, #tpu.memory_space<hbm>>
        %dma_start3A_156 = tpu.memref_slice %arg4[%mul3A_154] : memref<655360xf32, #tpu.memory_space<hbm>> -> memref<256xf32, #tpu.memory_space<hbm>>
        tpu.enqueue_dma source(%dma_start3A_156 : memref<256xf32, #tpu.memory_space<hbm>>) target(%arg9 : memref<256xf32, #tpu.memory_space<vmem>>) target_semaphore(%arg20 : memref<!tpu.dma_semaphore, #tpu.memory_space<semaphore_mem>>)
        %mul3A_157 = arith.constant 64 : i32
        %mul3A_158 = arith.muli %add3A_149, %mul3A_157 : i32
        %add3A_159 = arith.addi %mul3A_4, %mul3A_158 : i32
        %mul3A_160 = arith.constant 2 : i32
        %mul3A_161 = arith.muli %add3A_159, %mul3A_160 : i32
        %dma_start3A_162 = tpu.memref_slice %arg3[%mul3A_161] : memref<327680xi32, #tpu.memory_space<hbm>> -> memref<128xi32, #tpu.memory_space<hbm>>
        %dma_start3A_163 = tpu.memref_slice %arg3[%mul3A_161] : memref<327680xi32, #tpu.memory_space<hbm>> -> memref<128xi32, #tpu.memory_space<hbm>>
        tpu.enqueue_dma source(%dma_start3A_163 : memref<128xi32, #tpu.memory_space<hbm>>) target(%arg11 : memref<128xi32, #tpu.memory_space<vmem>>) target_semaphore(%arg20 : memref<!tpu.dma_semaphore, #tpu.memory_space<semaphore_mem>>)
        %mul3A_164 = arith.constant 64 : i32
        %mul3A_165 = arith.muli %add3A_149, %mul3A_164 : i32
        %add3A_166 = arith.addi %mul3A_4, %mul3A_165 : i32
        %dma_start3A_167 = tpu.memref_slice %arg5[%add3A_166] : memref<163840xi32, #tpu.memory_space<hbm>> -> memref<64xi32, #tpu.memory_space<hbm>>
        %dma_start3A_168 = tpu.memref_slice %arg5[%add3A_166] : memref<163840xi32, #tpu.memory_space<hbm>> -> memref<64xi32, #tpu.memory_space<hbm>>
        tpu.enqueue_dma source(%dma_start3A_168 : memref<64xi32, #tpu.memory_space<hbm>>) target(%arg13 : memref<64xi32, #tpu.memory_space<vmem>>) target_semaphore(%arg20 : memref<!tpu.dma_semaphore, #tpu.memory_space<semaphore_mem>>)
      } else {
      }
      %mul3A_112 = arith.constant 2 : i32
      %mul3A_113 = arith.muli %scan3A_76, %mul3A_112 : i32
      %add3A_114 = arith.constant 1 : i32
      %add3A_115 = arith.addi %mul3A_113, %add3A_114 : i32
      %add3A_116 = arith.constant 1 : i32
      %add3A_117 = arith.addi %add3A_115, %add3A_116 : i32
      %lt3A_118 = arith.constant 80 : i32
      %lt3A_119 = arith.cmpi slt, %add3A_117, %lt3A_118 : i32
      %convert_element_type3A_120 = arith.extui %lt3A_119 : i1 to i32
      %cond3A_121 = arith.constant 0 : i32
      %cond3A_122 = arith.cmpi ne, %convert_element_type3A_120, %cond3A_121 : i32
      scf.if %cond3A_122 {
        %add3A_148 = arith.constant 1 : i32
        %add3A_149 = arith.addi %add3A_115, %add3A_148 : i32
        %mul3A_150 = arith.constant 64 : i32
        %mul3A_151 = arith.muli %add3A_149, %mul3A_150 : i32
        %add3A_152 = arith.addi %mul3A_4, %mul3A_151 : i32
        %mul3A_153 = arith.constant 4 : i32
        %mul3A_154 = arith.muli %add3A_152, %mul3A_153 : i32
        %dma_wait3A_155 = tpu.memref_slice %arg4[%mul3A_154] : memref<655360xf32, #tpu.memory_space<hbm>> -> memref<256xf32, #tpu.memory_space<hbm>>
        %dma_wait3A_156 = tpu.memref_slice %arg4[%mul3A_154] : memref<655360xf32, #tpu.memory_space<hbm>> -> memref<256xf32, #tpu.memory_space<hbm>>
        tpu.wait_dma2 semaphore(%arg20 : memref<!tpu.dma_semaphore, #tpu.memory_space<semaphore_mem>>) src(%dma_wait3A_156 : memref<256xf32, #tpu.memory_space<hbm>>) dst(%arg9 : memref<256xf32, #tpu.memory_space<vmem>>)
        %mul3A_157 = arith.constant 64 : i32
        %mul3A_158 = arith.muli %add3A_149, %mul3A_157 : i32
        %add3A_159 = arith.addi %mul3A_4, %mul3A_158 : i32
        %mul3A_160 = arith.constant 2 : i32
        %mul3A_161 = arith.muli %add3A_159, %mul3A_160 : i32
        %dma_wait3A_162 = tpu.memref_slice %arg3[%mul3A_161] : memref<327680xi32, #tpu.memory_space<hbm>> -> memref<128xi32, #tpu.memory_space<hbm>>
        %dma_wait3A_163 = tpu.memref_slice %arg3[%mul3A_161] : memref<327680xi32, #tpu.memory_space<hbm>> -> memref<128xi32, #tpu.memory_space<hbm>>
        tpu.wait_dma2 semaphore(%arg20 : memref<!tpu.dma_semaphore, #tpu.memory_space<semaphore_mem>>) src(%dma_wait3A_163 : memref<128xi32, #tpu.memory_space<hbm>>) dst(%arg11 : memref<128xi32, #tpu.memory_space<vmem>>)
        %mul3A_164 = arith.constant 64 : i32
        %mul3A_165 = arith.muli %add3A_149, %mul3A_164 : i32
        %add3A_166 = arith.addi %mul3A_4, %mul3A_165 : i32
        %dma_wait3A_167 = tpu.memref_slice %arg5[%add3A_166] : memref<163840xi32, #tpu.memory_space<hbm>> -> memref<64xi32, #tpu.memory_space<hbm>>
        %dma_wait3A_168 = tpu.memref_slice %arg5[%add3A_166] : memref<163840xi32, #tpu.memory_space<hbm>> -> memref<64xi32, #tpu.memory_space<hbm>>
        tpu.wait_dma2 semaphore(%arg20 : memref<!tpu.dma_semaphore, #tpu.memory_space<semaphore_mem>>) src(%dma_wait3A_168 : memref<64xi32, #tpu.memory_space<hbm>>) dst(%arg13 : memref<64xi32, #tpu.memory_space<vmem>>)
        %dma_start3A_169 = arith.constant 0 : i32
        %dma_start3A_170 = tpu.memref_slice %arg11[%dma_start3A_169] : memref<128xi32, #tpu.memory_space<vmem>> -> memref<64xi32, #tpu.memory_space<vmem>>
        %dma_start3A_171 = arith.constant 0 : i32
        %dma_start3A_172 = arith.constant 0 : i32
        %dma_start3A_173 = tpu.memref_slice %arg2[%dma_start3A_171, %dma_start3A_172] : memref<250000x128xi32, #tpu.memory_space<hbm>> -> memref<250000x128xi32, #tpu.memory_space<hbm>>
        tpu.enqueue_indirect_dma source(%dma_start3A_173 : memref<250000x128xi32, #tpu.memory_space<hbm>>) target(%arg15 : memref<64x128xi32, #tpu.memory_space<vmem>>) offsets(%dma_start3A_170 : memref<64xi32, #tpu.memory_space<vmem>>) semaphore(%arg22 : memref<!tpu.dma_semaphore, #tpu.memory_space<semaphore_mem>>)
        %dma_start3A_174 = arith.constant 64 : i32
        %dma_start3A_175 = tpu.memref_slice %arg11[%dma_start3A_174] : memref<128xi32, #tpu.memory_space<vmem>> -> memref<64xi32, #tpu.memory_space<vmem>>
        %dma_start3A_176 = arith.constant 0 : i32
        %dma_start3A_177 = arith.constant 0 : i32
        %dma_start3A_178 = tpu.memref_slice %arg2[%dma_start3A_176, %dma_start3A_177] : memref<250000x128xi32, #tpu.memory_space<hbm>> -> memref<250000x128xi32, #tpu.memory_space<hbm>>
        tpu.enqueue_indirect_dma source(%dma_start3A_178 : memref<250000x128xi32, #tpu.memory_space<hbm>>) target(%arg16 : memref<64x128xi32, #tpu.memory_space<vmem>>) offsets(%dma_start3A_175 : memref<64xi32, #tpu.memory_space<vmem>>) semaphore(%arg22 : memref<!tpu.dma_semaphore, #tpu.memory_space<semaphore_mem>>)
      } else {
      }
      %dma_wait3A_123 = arith.constant 0 : i32
      %dma_wait3A_124 = tpu.memref_slice %arg12[%dma_wait3A_123] : memref<128xi32, #tpu.memory_space<vmem>> -> memref<64xi32, #tpu.memory_space<vmem>>
      %dma_wait3A_125 = arith.constant 0 : i32
      %dma_wait3A_126 = arith.constant 0 : i32
      %dma_wait3A_127 = tpu.memref_slice %arg2[%dma_wait3A_125, %dma_wait3A_126] : memref<250000x128xi32, #tpu.memory_space<hbm>> -> memref<250000x128xi32, #tpu.memory_space<hbm>>
      tpu.wait_indirect_dma semaphore(%arg23 : memref<!tpu.dma_semaphore, #tpu.memory_space<semaphore_mem>>) src(%dma_wait3A_127 : memref<250000x128xi32, #tpu.memory_space<hbm>>) dst(%arg17 : memref<64x128xi32, #tpu.memory_space<vmem>>)
      %dma_wait3A_128 = arith.constant 64 : i32
      %dma_wait3A_129 = tpu.memref_slice %arg12[%dma_wait3A_128] : memref<128xi32, #tpu.memory_space<vmem>> -> memref<64xi32, #tpu.memory_space<vmem>>
      %dma_wait3A_130 = arith.constant 0 : i32
      %dma_wait3A_131 = arith.constant 0 : i32
      %dma_wait3A_132 = tpu.memref_slice %arg2[%dma_wait3A_130, %dma_wait3A_131] : memref<250000x128xi32, #tpu.memory_space<hbm>> -> memref<250000x128xi32, #tpu.memory_space<hbm>>
      tpu.wait_indirect_dma semaphore(%arg23 : memref<!tpu.dma_semaphore, #tpu.memory_space<semaphore_mem>>) src(%dma_wait3A_132 : memref<250000x128xi32, #tpu.memory_space<hbm>>) dst(%arg18 : memref<64x128xi32, #tpu.memory_space<vmem>>)
      %scan3A_133 = arith.constant 0 : i32
      %scan3A_134 = arith.constant 0 : i32
      %scan3A_135 = arith.constant 4 : i32
      %scan3A_136 = arith.addi %scan3A_134, %scan3A_135 : i32
      %scan3A_137 = arith.constant 1 : i32
      %scan3A_138 = scf.for %scan3A_148 = %scan3A_134 to %scan3A_136 step %scan3A_137 iter_args(%scan3A_149 = %scan3A_133) -> (i32)  : i32 {
        %mul3A_150 = arith.constant 16 : i32
        %mul3A_151 = arith.muli %scan3A_148, %mul3A_150 : i32
        %add3A_152 = arith.constant 0 : i32
        %add3A_153 = arith.addi %add3A_152, %mul3A_151 : i32
        %get3A = arith.index_cast %add3A_153 : i32 to index
        %get3A_154 = tpu.vector_load %arg10[%get3A] {strides = array<i32>} : memref<256xf32, #tpu.memory_space<vmem>>, vector<16xf32>,
        %mul3A_155 = arith.constant 16 : i32
        %mul3A_156 = arith.muli %scan3A_148, %mul3A_155 : i32
        %add3A_157 = arith.constant 64 : i32
        %add3A_158 = arith.addi %add3A_157, %mul3A_156 : i32
        %get3A_159 = arith.index_cast %add3A_158 : i32 to index
        %get3A_160 = tpu.vector_load %arg10[%get3A_159] {strides = array<i32>} : memref<256xf32, #tpu.memory_space<vmem>>, vector<16xf32>,
        %mul3A_161 = arith.constant 16 : i32
        %mul3A_162 = arith.muli %scan3A_148, %mul3A_161 : i32
        %add3A_163 = arith.constant 128 : i32
        %add3A_164 = arith.addi %add3A_163, %mul3A_162 : i32
        %get3A_165 = arith.index_cast %add3A_164 : i32 to index
        %get3A_166 = tpu.vector_load %arg10[%get3A_165] {strides = array<i32>} : memref<256xf32, #tpu.memory_space<vmem>>, vector<16xf32>,
        %mul3A_167 = arith.constant 16 : i32
        %mul3A_168 = arith.muli %scan3A_148, %mul3A_167 : i32
        %add3A_169 = arith.constant 192 : i32
        %add3A_170 = arith.addi %add3A_169, %mul3A_168 : i32
        %get3A_171 = arith.index_cast %add3A_170 : i32 to index
        %get3A_172 = tpu.vector_load %arg10[%get3A_171] {strides = array<i32>} : memref<256xf32, #tpu.memory_space<vmem>>, vector<16xf32>,
        %scan3A_173 = arith.constant 0 : i32
        %scan3A_174 = arith.constant 0 : i32
        %scan3A_175 = arith.constant 16 : i32
        %scan3A_176 = arith.addi %scan3A_174, %scan3A_175 : i32
        %scan3A_177 = arith.constant 1 : i32
        %scan3A_178 = scf.for %scan3A_181 = %scan3A_174 to %scan3A_176 step %scan3A_177 iter_args(%scan3A_182 = %scan3A_173) -> (i32)  : i32 {
          %mul3A_183 = arith.constant 16 : i32
          %mul3A_184 = arith.muli %scan3A_148, %mul3A_183 : i32
          %add3A_185 = arith.addi %mul3A_184, %scan3A_181 : i32
          %broadcast_in_dim3A_186 = vector.broadcast %scan3A_181 : i32 to vector<16xi32>
          %broadcast_in_dim3A_187 = vector.shape_cast %broadcast_in_dim3A_186 : vector<16xi32> to vector<16x1xi32>
          %gather3A = vector.shape_cast %broadcast_in_dim3A_187 : vector<16x1xi32> to vector<16xi32>
          %gather3A_188 = tpu.dynamic_gather %get3A_154[%gather3A] in [0] : vector<16xf32>, vector<16xi32> -> vector<16xf32>
          %broadcast_in_dim3A_189 = vector.broadcast %scan3A_181 : i32 to vector<16xi32>
          %broadcast_in_dim3A_190 = vector.shape_cast %broadcast_in_dim3A_189 : vector<16xi32> to vector<16x1xi32>
          %gather3A_191 = vector.shape_cast %broadcast_in_dim3A_190 : vector<16x1xi32> to vector<16xi32>
          %gather3A_192 = tpu.dynamic_gather %get3A_160[%gather3A_191] in [0] : vector<16xf32>, vector<16xi32> -> vector<16xf32>
          %broadcast_in_dim3A_193 = vector.broadcast %scan3A_181 : i32 to vector<16xi32>
          %broadcast_in_dim3A_194 = vector.shape_cast %broadcast_in_dim3A_193 : vector<16xi32> to vector<16x1xi32>
          %gather3A_195 = vector.shape_cast %broadcast_in_dim3A_194 : vector<16x1xi32> to vector<16xi32>
          %gather3A_196 = tpu.dynamic_gather %get3A_166[%gather3A_195] in [0] : vector<16xf32>, vector<16xi32> -> vector<16xf32>
          %broadcast_in_dim3A_197 = vector.broadcast %scan3A_181 : i32 to vector<16xi32>
          %broadcast_in_dim3A_198 = vector.shape_cast %broadcast_in_dim3A_197 : vector<16xi32> to vector<16x1xi32>
          %gather3A_199 = vector.shape_cast %broadcast_in_dim3A_198 : vector<16x1xi32> to vector<16xi32>
          %gather3A_200 = tpu.dynamic_gather %get3A_172[%gather3A_199] in [0] : vector<16xf32>, vector<16xi32> -> vector<16xf32>
          %get3A_201 = arith.index_cast %add3A_185 : i32 to index
          %get3A_202 = arith.constant 0 : index
          %get3A_203 = tpu.vector_load %arg17[%get3A_201, %get3A_202] {strides = array<i32>} : memref<64x128xi32, #tpu.memory_space<vmem>>, vector<16xi32>,
          %get3A_204 = arith.index_cast %add3A_185 : i32 to index
          %get3A_205 = arith.constant 0 : index
          %get3A_206 = tpu.vector_load %arg18[%get3A_204, %get3A_205] {strides = array<i32>} : memref<64x128xi32, #tpu.memory_space<vmem>>, vector<16xi32>,
          %shift_left3A = arith.constant 16 : i32
          %shift_left3A_207 = vector.broadcast %shift_left3A : i32 to vector<16xi32>
          %shift_left3A_208 = arith.shli %get3A_203, %shift_left3A_207 : vector<16xi32>
          %bitcast3A = vector.bitcast %shift_left3A_208 : vector<16xi32> to vector<16xf32>
          %mul3A_209 = arith.mulf %bitcast3A, %gather3A_188 : vector<16xf32>
          %and3A = arith.andi %get3A_203, %broadcast_in_dim3A_7 : vector<16xi32>
          %bitcast3A_210 = vector.bitcast %and3A : vector<16xi32> to vector<16xf32>
          %mul3A_211 = arith.mulf %bitcast3A_210, %gather3A_192 : vector<16xf32>
          %add3A_212 = arith.addf %mul3A_209, %mul3A_211 : vector<16xf32>
          %shift_left3A_213 = arith.constant 16 : i32
          %shift_left3A_214 = vector.broadcast %shift_left3A_213 : i32 to vector<16xi32>
          %shift_left3A_215 = arith.shli %get3A_206, %shift_left3A_214 : vector<16xi32>
          %bitcast3A_216 = vector.bitcast %shift_left3A_215 : vector<16xi32> to vector<16xf32>
          %mul3A_217 = arith.mulf %bitcast3A_216, %gather3A_196 : vector<16xf32>
          %add3A_218 = arith.addf %add3A_212, %mul3A_217 : vector<16xf32>
          %and3A_219 = arith.andi %get3A_206, %broadcast_in_dim3A_7 : vector<16xi32>
          %bitcast3A_220 = vector.bitcast %and3A_219 : vector<16xi32> to vector<16xf32>
          %mul3A_221 = arith.mulf %bitcast3A_220, %gather3A_200 : vector<16xf32>
          %add3A_222 = arith.addf %add3A_218, %mul3A_221 : vector<16xf32>
          %swap3A = arith.index_cast %add3A_185 : i32 to index
          %swap3A_223 = arith.constant 0 : index
          %swap3A_224 = tpu.vector_load %arg19[%swap3A, %swap3A_223] {strides = array<i32>} : memref<64x128xf32, #tpu.memory_space<vmem>>, vector<16xf32>,
          tpu.vector_store %arg19[%swap3A, %swap3A_223], %add3A_222 {strides = array<i32>} : memref<64x128xf32, #tpu.memory_space<vmem>>, vector<16xf32>,
          %get3A_225 = arith.index_cast %add3A_185 : i32 to index
          %get3A_226 = arith.constant 16 : index
          %get3A_227 = tpu.vector_load %arg17[%get3A_225, %get3A_226] {strides = array<i32>} : memref<64x128xi32, #tpu.memory_space<vmem>>, vector<16xi32>,
          %get3A_228 = arith.index_cast %add3A_185 : i32 to index
          %get3A_229 = arith.constant 16 : index
          %get3A_230 = tpu.vector_load %arg18[%get3A_228, %get3A_229] {strides = array<i32>} : memref<64x128xi32, #tpu.memory_space<vmem>>, vector<16xi32>,
          %shift_left3A_231 = arith.constant 16 : i32
          %shift_left3A_232 = vector.broadcast %shift_left3A_231 : i32 to vector<16xi32>
          %shift_left3A_233 = arith.shli %get3A_227, %shift_left3A_232 : vector<16xi32>
          %bitcast3A_234 = vector.bitcast %shift_left3A_233 : vector<16xi32> to vector<16xf32>
          %mul3A_235 = arith.mulf %bitcast3A_234, %gather3A_188 : vector<16xf32>
          %and3A_236 = arith.andi %get3A_227, %broadcast_in_dim3A_7 : vector<16xi32>
          %bitcast3A_237 = vector.bitcast %and3A_236 : vector<16xi32> to vector<16xf32>
          %mul3A_238 = arith.mulf %bitcast3A_237, %gather3A_192 : vector<16xf32>
          %add3A_239 = arith.addf %mul3A_235, %mul3A_238 : vector<16xf32>
          %shift_left3A_240 = arith.constant 16 : i32
          %shift_left3A_241 = vector.broadcast %shift_left3A_240 : i32 to vector<16xi32>
          %shift_left3A_242 = arith.shli %get3A_230, %shift_left3A_241 : vector<16xi32>
          %bitcast3A_243 = vector.bitcast %shift_left3A_242 : vector<16xi32> to vector<16xf32>
          %mul3A_244 = arith.mulf %bitcast3A_243, %gather3A_196 : vector<16xf32>
          %add3A_245 = arith.addf %add3A_239, %mul3A_244 : vector<16xf32>
          %and3A_246 = arith.andi %get3A_230, %broadcast_in_dim3A_7 : vector<16xi32>
          %bitcast3A_247 = vector.bitcast %and3A_246 : vector<16xi32> to vector<16xf32>
          %mul3A_248 = arith.mulf %bitcast3A_247, %gather3A_200 : vector<16xf32>
          %add3A_249 = arith.addf %add3A_245, %mul3A_248 : vector<16xf32>
          %swap3A_250 = arith.index_cast %add3A_185 : i32 to index
          %swap3A_251 = arith.constant 16 : index
          %swap3A_252 = tpu.vector_load %arg19[%swap3A_250, %swap3A_251] {strides = array<i32>} : memref<64x128xf32, #tpu.memory_space<vmem>>, vector<16xf32>,
          tpu.vector_store %arg19[%swap3A_250, %swap3A_251], %add3A_249 {strides = array<i32>} : memref<64x128xf32, #tpu.memory_space<vmem>>, vector<16xf32>,
          %get3A_253 = arith.index_cast %add3A_185 : i32 to index
          %get3A_254 = arith.constant 32 : index
          %get3A_255 = tpu.vector_load %arg17[%get3A_253, %get3A_254] {strides = array<i32>} : memref<64x128xi32, #tpu.memory_space<vmem>>, vector<16xi32>,
          %get3A_256 = arith.index_cast %add3A_185 : i32 to index
          %get3A_257 = arith.constant 32 : index
          %get3A_258 = tpu.vector_load %arg18[%get3A_256, %get3A_257] {strides = array<i32>} : memref<64x128xi32, #tpu.memory_space<vmem>>, vector<16xi32>,
          %shift_left3A_259 = arith.constant 16 : i32
          %shift_left3A_260 = vector.broadcast %shift_left3A_259 : i32 to vector<16xi32>
          %shift_left3A_261 = arith.shli %get3A_255, %shift_left3A_260 : vector<16xi32>
          %bitcast3A_262 = vector.bitcast %shift_left3A_261 : vector<16xi32> to vector<16xf32>
          %mul3A_263 = arith.mulf %bitcast3A_262, %gather3A_188 : vector<16xf32>
          %and3A_264 = arith.andi %get3A_255, %broadcast_in_dim3A_7 : vector<16xi32>
          %bitcast3A_265 = vector.bitcast %and3A_264 : vector<16xi32> to vector<16xf32>
          %mul3A_266 = arith.mulf %bitcast3A_265, %gather3A_192 : vector<16xf32>
          %add3A_267 = arith.addf %mul3A_263, %mul3A_266 : vector<16xf32>
          %shift_left3A_268 = arith.constant 16 : i32
          %shift_left3A_269 = vector.broadcast %shift_left3A_268 : i32 to vector<16xi32>
          %shift_left3A_270 = arith.shli %get3A_258, %shift_left3A_269 : vector<16xi32>
          %bitcast3A_271 = vector.bitcast %shift_left3A_270 : vector<16xi32> to vector<16xf32>
          %mul3A_272 = arith.mulf %bitcast3A_271, %gather3A_196 : vector<16xf32>
          %add3A_273 = arith.addf %add3A_267, %mul3A_272 : vector<16xf32>
          %and3A_274 = arith.andi %get3A_258, %broadcast_in_dim3A_7 : vector<16xi32>
          %bitcast3A_275 = vector.bitcast %and3A_274 : vector<16xi32> to vector<16xf32>
          %mul3A_276 = arith.mulf %bitcast3A_275, %gather3A_200 : vector<16xf32>
          %add3A_277 = arith.addf %add3A_273, %mul3A_276 : vector<16xf32>
          %swap3A_278 = arith.index_cast %add3A_185 : i32 to index
          %swap3A_279 = arith.constant 32 : index
          %swap3A_280 = tpu.vector_load %arg19[%swap3A_278, %swap3A_279] {strides = array<i32>} : memref<64x128xf32, #tpu.memory_space<vmem>>, vector<16xf32>,
          tpu.vector_store %arg19[%swap3A_278, %swap3A_279], %add3A_277 {strides = array<i32>} : memref<64x128xf32, #tpu.memory_space<vmem>>, vector<16xf32>,
          %get3A_281 = arith.index_cast %add3A_185 : i32 to index
          %get3A_282 = arith.constant 48 : index
          %get3A_283 = tpu.vector_load %arg17[%get3A_281, %get3A_282] {strides = array<i32>} : memref<64x128xi32, #tpu.memory_space<vmem>>, vector<16xi32>,
          %get3A_284 = arith.index_cast %add3A_185 : i32 to index
          %get3A_285 = arith.constant 48 : index
          %get3A_286 = tpu.vector_load %arg18[%get3A_284, %get3A_285] {strides = array<i32>} : memref<64x128xi32, #tpu.memory_space<vmem>>, vector<16xi32>,
          %shift_left3A_287 = arith.constant 16 : i32
          %shift_left3A_288 = vector.broadcast %shift_left3A_287 : i32 to vector<16xi32>
          %shift_left3A_289 = arith.shli %get3A_283, %shift_left3A_288 : vector<16xi32>
          %bitcast3A_290 = vector.bitcast %shift_left3A_289 : vector<16xi32> to vector<16xf32>
          %mul3A_291 = arith.mulf %bitcast3A_290, %gather3A_188 : vector<16xf32>
          %and3A_292 = arith.andi %get3A_283, %broadcast_in_dim3A_7 : vector<16xi32>
          %bitcast3A_293 = vector.bitcast %and3A_292 : vector<16xi32> to vector<16xf32>
          %mul3A_294 = arith.mulf %bitcast3A_293, %gather3A_192 : vector<16xf32>
          %add3A_295 = arith.addf %mul3A_291, %mul3A_294 : vector<16xf32>
          %shift_left3A_296 = arith.constant 16 : i32
          %shift_left3A_297 = vector.broadcast %shift_left3A_296 : i32 to vector<16xi32>
          %shift_left3A_298 = arith.shli %get3A_286, %shift_left3A_297 : vector<16xi32>
          %bitcast3A_299 = vector.bitcast %shift_left3A_298 : vector<16xi32> to vector<16xf32>
          %mul3A_300 = arith.mulf %bitcast3A_299, %gather3A_196 : vector<16xf32>
          %add3A_301 = arith.addf %add3A_295, %mul3A_300 : vector<16xf32>
          %and3A_302 = arith.andi %get3A_286, %broadcast_in_dim3A_7 : vector<16xi32>
          %bitcast3A_303 = vector.bitcast %and3A_302 : vector<16xi32> to vector<16xf32>
          %mul3A_304 = arith.mulf %bitcast3A_303, %gather3A_200 : vector<16xf32>
          %add3A_305 = arith.addf %add3A_301, %mul3A_304 : vector<16xf32>
          %swap3A_306 = arith.index_cast %add3A_185 : i32 to index
          %swap3A_307 = arith.constant 48 : index
          %swap3A_308 = tpu.vector_load %arg19[%swap3A_306, %swap3A_307] {strides = array<i32>} : memref<64x128xf32, #tpu.memory_space<vmem>>, vector<16xf32>,
          tpu.vector_store %arg19[%swap3A_306, %swap3A_307], %add3A_305 {strides = array<i32>} : memref<64x128xf32, #tpu.memory_space<vmem>>, vector<16xf32>,
          %get3A_309 = arith.index_cast %add3A_185 : i32 to index
          %get3A_310 = arith.constant 64 : index
          %get3A_311 = tpu.vector_load %arg17[%get3A_309, %get3A_310] {strides = array<i32>} : memref<64x128xi32, #tpu.memory_space<vmem>>, vector<16xi32>,
          %get3A_312 = arith.index_cast %add3A_185 : i32 to index
          %get3A_313 = arith.constant 64 : index
          %get3A_314 = tpu.vector_load %arg18[%get3A_312, %get3A_313] {strides = array<i32>} : memref<64x128xi32, #tpu.memory_space<vmem>>, vector<16xi32>,
          %shift_left3A_315 = arith.constant 16 : i32
          %shift_left3A_316 = vector.broadcast %shift_left3A_315 : i32 to vector<16xi32>
          %shift_left3A_317 = arith.shli %get3A_311, %shift_left3A_316 : vector<16xi32>
          %bitcast3A_318 = vector.bitcast %shift_left3A_317 : vector<16xi32> to vector<16xf32>
          %mul3A_319 = arith.mulf %bitcast3A_318, %gather3A_188 : vector<16xf32>
          %and3A_320 = arith.andi %get3A_311, %broadcast_in_dim3A_7 : vector<16xi32>
          %bitcast3A_321 = vector.bitcast %and3A_320 : vector<16xi32> to vector<16xf32>
          %mul3A_322 = arith.mulf %bitcast3A_321, %gather3A_192 : vector<16xf32>
          %add3A_323 = arith.addf %mul3A_319, %mul3A_322 : vector<16xf32>
          %shift_left3A_324 = arith.constant 16 : i32
          %shift_left3A_325 = vector.broadcast %shift_left3A_324 : i32 to vector<16xi32>
          %shift_left3A_326 = arith.shli %get3A_314, %shift_left3A_325 : vector<16xi32>
          %bitcast3A_327 = vector.bitcast %shift_left3A_326 : vector<16xi32> to vector<16xf32>
          %mul3A_328 = arith.mulf %bitcast3A_327, %gather3A_196 : vector<16xf32>
          %add3A_329 = arith.addf %add3A_323, %mul3A_328 : vector<16xf32>
          %and3A_330 = arith.andi %get3A_314, %broadcast_in_dim3A_7 : vector<16xi32>
          %bitcast3A_331 = vector.bitcast %and3A_330 : vector<16xi32> to vector<16xf32>
          %mul3A_332 = arith.mulf %bitcast3A_331, %gather3A_200 : vector<16xf32>
          %add3A_333 = arith.addf %add3A_329, %mul3A_332 : vector<16xf32>
          %swap3A_334 = arith.index_cast %add3A_185 : i32 to index
          %swap3A_335 = arith.constant 64 : index
          %swap3A_336 = tpu.vector_load %arg19[%swap3A_334, %swap3A_335] {strides = array<i32>} : memref<64x128xf32, #tpu.memory_space<vmem>>, vector<16xf32>,
          tpu.vector_store %arg19[%swap3A_334, %swap3A_335], %add3A_333 {strides = array<i32>} : memref<64x128xf32, #tpu.memory_space<vmem>>, vector<16xf32>,
          %get3A_337 = arith.index_cast %add3A_185 : i32 to index
          %get3A_338 = arith.constant 80 : index
          %get3A_339 = tpu.vector_load %arg17[%get3A_337, %get3A_338] {strides = array<i32>} : memref<64x128xi32, #tpu.memory_space<vmem>>, vector<16xi32>,
          %get3A_340 = arith.index_cast %add3A_185 : i32 to index
          %get3A_341 = arith.constant 80 : index
          %get3A_342 = tpu.vector_load %arg18[%get3A_340, %get3A_341] {strides = array<i32>} : memref<64x128xi32, #tpu.memory_space<vmem>>, vector<16xi32>,
          %shift_left3A_343 = arith.constant 16 : i32
          %shift_left3A_344 = vector.broadcast %shift_left3A_343 : i32 to vector<16xi32>
          %shift_left3A_345 = arith.shli %get3A_339, %shift_left3A_344 : vector<16xi32>
          %bitcast3A_346 = vector.bitcast %shift_left3A_345 : vector<16xi32> to vector<16xf32>
          %mul3A_347 = arith.mulf %bitcast3A_346, %gather3A_188 : vector<16xf32>
          %and3A_348 = arith.andi %get3A_339, %broadcast_in_dim3A_7 : vector<16xi32>
          %bitcast3A_349 = vector.bitcast %and3A_348 : vector<16xi32> to vector<16xf32>
          %mul3A_350 = arith.mulf %bitcast3A_349, %gather3A_192 : vector<16xf32>
          %add3A_351 = arith.addf %mul3A_347, %mul3A_350 : vector<16xf32>
          %shift_left3A_352 = arith.constant 16 : i32
          %shift_left3A_353 = vector.broadcast %shift_left3A_352 : i32 to vector<16xi32>
          %shift_left3A_354 = arith.shli %get3A_342, %shift_left3A_353 : vector<16xi32>
          %bitcast3A_355 = vector.bitcast %shift_left3A_354 : vector<16xi32> to vector<16xf32>
          %mul3A_356 = arith.mulf %bitcast3A_355, %gather3A_196 : vector<16xf32>
          %add3A_357 = arith.addf %add3A_351, %mul3A_356 : vector<16xf32>
          %and3A_358 = arith.andi %get3A_342, %broadcast_in_dim3A_7 : vector<16xi32>
          %bitcast3A_359 = vector.bitcast %and3A_358 : vector<16xi32> to vector<16xf32>
          %mul3A_360 = arith.mulf %bitcast3A_359, %gather3A_200 : vector<16xf32>
          %add3A_361 = arith.addf %add3A_357, %mul3A_360 : vector<16xf32>
          %swap3A_362 = arith.index_cast %add3A_185 : i32 to index
          %swap3A_363 = arith.constant 80 : index
          %swap3A_364 = tpu.vector_load %arg19[%swap3A_362, %swap3A_363] {strides = array<i32>} : memref<64x128xf32, #tpu.memory_space<vmem>>, vector<16xf32>,
          tpu.vector_store %arg19[%swap3A_362, %swap3A_363], %add3A_361 {strides = array<i32>} : memref<64x128xf32, #tpu.memory_space<vmem>>, vector<16xf32>,
          %get3A_365 = arith.index_cast %add3A_185 : i32 to index
          %get3A_366 = arith.constant 96 : index
          %get3A_367 = tpu.vector_load %arg17[%get3A_365, %get3A_366] {strides = array<i32>} : memref<64x128xi32, #tpu.memory_space<vmem>>, vector<16xi32>,
          %get3A_368 = arith.index_cast %add3A_185 : i32 to index
          %get3A_369 = arith.constant 96 : index
          %get3A_370 = tpu.vector_load %arg18[%get3A_368, %get3A_369] {strides = array<i32>} : memref<64x128xi32, #tpu.memory_space<vmem>>, vector<16xi32>,
          %shift_left3A_371 = arith.constant 16 : i32
          %shift_left3A_372 = vector.broadcast %shift_left3A_371 : i32 to vector<16xi32>
          %shift_left3A_373 = arith.shli %get3A_367, %shift_left3A_372 : vector<16xi32>
          %bitcast3A_374 = vector.bitcast %shift_left3A_373 : vector<16xi32> to vector<16xf32>
          %mul3A_375 = arith.mulf %bitcast3A_374, %gather3A_188 : vector<16xf32>
          %and3A_376 = arith.andi %get3A_367, %broadcast_in_dim3A_7 : vector<16xi32>
          %bitcast3A_377 = vector.bitcast %and3A_376 : vector<16xi32> to vector<16xf32>
          %mul3A_378 = arith.mulf %bitcast3A_377, %gather3A_192 : vector<16xf32>
          %add3A_379 = arith.addf %mul3A_375, %mul3A_378 : vector<16xf32>
          %shift_left3A_380 = arith.constant 16 : i32
          %shift_left3A_381 = vector.broadcast %shift_left3A_380 : i32 to vector<16xi32>
          %shift_left3A_382 = arith.shli %get3A_370, %shift_left3A_381 : vector<16xi32>
          %bitcast3A_383 = vector.bitcast %shift_left3A_382 : vector<16xi32> to vector<16xf32>
          %mul3A_384 = arith.mulf %bitcast3A_383, %gather3A_196 : vector<16xf32>
          %add3A_385 = arith.addf %add3A_379, %mul3A_384 : vector<16xf32>
          %and3A_386 = arith.andi %get3A_370, %broadcast_in_dim3A_7 : vector<16xi32>
          %bitcast3A_387 = vector.bitcast %and3A_386 : vector<16xi32> to vector<16xf32>
          %mul3A_388 = arith.mulf %bitcast3A_387, %gather3A_200 : vector<16xf32>
          %add3A_389 = arith.addf %add3A_385, %mul3A_388 : vector<16xf32>
          %swap3A_390 = arith.index_cast %add3A_185 : i32 to index
          %swap3A_391 = arith.constant 96 : index
          %swap3A_392 = tpu.vector_load %arg19[%swap3A_390, %swap3A_391] {strides = array<i32>} : memref<64x128xf32, #tpu.memory_space<vmem>>, vector<16xf32>,
          tpu.vector_store %arg19[%swap3A_390, %swap3A_391], %add3A_389 {strides = array<i32>} : memref<64x128xf32, #tpu.memory_space<vmem>>, vector<16xf32>,
          %get3A_393 = arith.index_cast %add3A_185 : i32 to index
          %get3A_394 = arith.constant 112 : index
          %get3A_395 = tpu.vector_load %arg17[%get3A_393, %get3A_394] {strides = array<i32>} : memref<64x128xi32, #tpu.memory_space<vmem>>, vector<16xi32>,
          %get3A_396 = arith.index_cast %add3A_185 : i32 to index
          %get3A_397 = arith.constant 112 : index
          %get3A_398 = tpu.vector_load %arg18[%get3A_396, %get3A_397] {strides = array<i32>} : memref<64x128xi32, #tpu.memory_space<vmem>>, vector<16xi32>,
          %shift_left3A_399 = arith.constant 16 : i32
          %shift_left3A_400 = vector.broadcast %shift_left3A_399 : i32 to vector<16xi32>
          %shift_left3A_401 = arith.shli %get3A_395, %shift_left3A_400 : vector<16xi32>
          %bitcast3A_402 = vector.bitcast %shift_left3A_401 : vector<16xi32> to vector<16xf32>
          %mul3A_403 = arith.mulf %bitcast3A_402, %gather3A_188 : vector<16xf32>
          %and3A_404 = arith.andi %get3A_395, %broadcast_in_dim3A_7 : vector<16xi32>
          %bitcast3A_405 = vector.bitcast %and3A_404 : vector<16xi32> to vector<16xf32>
          %mul3A_406 = arith.mulf %bitcast3A_405, %gather3A_192 : vector<16xf32>
          %add3A_407 = arith.addf %mul3A_403, %mul3A_406 : vector<16xf32>
          %shift_left3A_408 = arith.constant 16 : i32
          %shift_left3A_409 = vector.broadcast %shift_left3A_408 : i32 to vector<16xi32>
          %shift_left3A_410 = arith.shli %get3A_398, %shift_left3A_409 : vector<16xi32>
          %bitcast3A_411 = vector.bitcast %shift_left3A_410 : vector<16xi32> to vector<16xf32>
          %mul3A_412 = arith.mulf %bitcast3A_411, %gather3A_196 : vector<16xf32>
          %add3A_413 = arith.addf %add3A_407, %mul3A_412 : vector<16xf32>
          %and3A_414 = arith.andi %get3A_398, %broadcast_in_dim3A_7 : vector<16xi32>
          %bitcast3A_415 = vector.bitcast %and3A_414 : vector<16xi32> to vector<16xf32>
          %mul3A_416 = arith.mulf %bitcast3A_415, %gather3A_200 : vector<16xf32>
          %add3A_417 = arith.addf %add3A_413, %mul3A_416 : vector<16xf32>
          %swap3A_418 = arith.index_cast %add3A_185 : i32 to index
          %swap3A_419 = arith.constant 112 : index
          %swap3A_420 = tpu.vector_load %arg19[%swap3A_418, %swap3A_419] {strides = array<i32>} : memref<64x128xf32, #tpu.memory_space<vmem>>, vector<16xf32>,
          tpu.vector_store %arg19[%swap3A_418, %swap3A_419], %add3A_417 {strides = array<i32>} : memref<64x128xf32, #tpu.memory_space<vmem>>, vector<16xf32>,
          %scan3A_421 = arith.constant 0 : i32
          scf.yield %scan3A_421 : i32
        }
        %scan3A_179 = arith.constant 16 : i32
        %scan3A_180 = arith.constant 0 : i32
        scf.yield %scan3A_180 : i32
      }
      %scan3A_139 = arith.constant 4 : i32
      "tpu.region"() ({
        %run_scoped3A = tpu.sem_alloc : memref<!tpu.dma_semaphore, #tpu.memory_space<semaphore_mem>>
        %dma_start3A_148 = arith.constant 0 : i32
        %dma_start3A_149 = arith.constant 0 : i32
        %dma_start3A_150 = tpu.memref_slice %arg8[%dma_start3A_148, %dma_start3A_149] : memref<10000x128xf32, #tpu.memory_space<vmem_shared>> -> memref<10000x128xf32, #tpu.memory_space<vmem_shared>>
        tpu.enqueue_indirect_dma source(%arg19 : memref<64x128xf32, #tpu.memory_space<vmem>>) target(%dma_start3A_150 : memref<10000x128xf32, #tpu.memory_space<vmem_shared>>) offsets(%arg14 : memref<64xi32, #tpu.memory_space<vmem>>) semaphore(%run_scoped3A : memref<!tpu.dma_semaphore, #tpu.memory_space<semaphore_mem>>) {add = true}
        %dma_wait3A_151 = arith.constant 0 : i32
        %dma_wait3A_152 = arith.constant 0 : i32
        %dma_wait3A_153 = tpu.memref_slice %arg8[%dma_wait3A_151, %dma_wait3A_152] : memref<10000x128xf32, #tpu.memory_space<vmem_shared>> -> memref<10000x128xf32, #tpu.memory_space<vmem_shared>>
        tpu.wait_indirect_dma semaphore(%run_scoped3A : memref<!tpu.dma_semaphore, #tpu.memory_space<semaphore_mem>>) src(%arg19 : memref<64x128xf32, #tpu.memory_space<vmem>>) dst(%dma_wait3A_153 : memref<10000x128xf32, #tpu.memory_space<vmem_shared>>)
        tpu.yield
      }) : () -> ()
      %add3A_140 = arith.constant 2 : i32
      %add3A_141 = arith.addi %add3A_115, %add3A_140 : i32
      %lt3A_142 = arith.constant 80 : i32
      %lt3A_143 = arith.cmpi slt, %add3A_141, %lt3A_142 : i32
      %convert_element_type3A_144 = arith.extui %lt3A_143 : i1 to i32
      %cond3A_145 = arith.constant 0 : i32
      %cond3A_146 = arith.cmpi ne, %convert_element_type3A_144, %cond3A_145 : i32
      scf.if %cond3A_146 {
        %add3A_148 = arith.constant 2 : i32
        %add3A_149 = arith.addi %add3A_115, %add3A_148 : i32
        %mul3A_150 = arith.constant 64 : i32
        %mul3A_151 = arith.muli %add3A_149, %mul3A_150 : i32
        %add3A_152 = arith.addi %mul3A_4, %mul3A_151 : i32
        %mul3A_153 = arith.constant 4 : i32
        %mul3A_154 = arith.muli %add3A_152, %mul3A_153 : i32
        %dma_start3A_155 = tpu.memref_slice %arg4[%mul3A_154] : memref<655360xf32, #tpu.memory_space<hbm>> -> memref<256xf32, #tpu.memory_space<hbm>>
        %dma_start3A_156 = tpu.memref_slice %arg4[%mul3A_154] : memref<655360xf32, #tpu.memory_space<hbm>> -> memref<256xf32, #tpu.memory_space<hbm>>
        tpu.enqueue_dma source(%dma_start3A_156 : memref<256xf32, #tpu.memory_space<hbm>>) target(%arg10 : memref<256xf32, #tpu.memory_space<vmem>>) target_semaphore(%arg21 : memref<!tpu.dma_semaphore, #tpu.memory_space<semaphore_mem>>)
        %mul3A_157 = arith.constant 64 : i32
        %mul3A_158 = arith.muli %add3A_149, %mul3A_157 : i32
        %add3A_159 = arith.addi %mul3A_4, %mul3A_158 : i32
        %mul3A_160 = arith.constant 2 : i32
        %mul3A_161 = arith.muli %add3A_159, %mul3A_160 : i32
        %dma_start3A_162 = tpu.memref_slice %arg3[%mul3A_161] : memref<327680xi32, #tpu.memory_space<hbm>> -> memref<128xi32, #tpu.memory_space<hbm>>
        %dma_start3A_163 = tpu.memref_slice %arg3[%mul3A_161] : memref<327680xi32, #tpu.memory_space<hbm>> -> memref<128xi32, #tpu.memory_space<hbm>>
        tpu.enqueue_dma source(%dma_start3A_163 : memref<128xi32, #tpu.memory_space<hbm>>) target(%arg12 : memref<128xi32, #tpu.memory_space<vmem>>) target_semaphore(%arg21 : memref<!tpu.dma_semaphore, #tpu.memory_space<semaphore_mem>>)
        %mul3A_164 = arith.constant 64 : i32
        %mul3A_165 = arith.muli %add3A_149, %mul3A_164 : i32
        %add3A_166 = arith.addi %mul3A_4, %mul3A_165 : i32
        %dma_start3A_167 = tpu.memref_slice %arg5[%add3A_166] : memref<163840xi32, #tpu.memory_space<hbm>> -> memref<64xi32, #tpu.memory_space<hbm>>
        %dma_start3A_168 = tpu.memref_slice %arg5[%add3A_166] : memref<163840xi32, #tpu.memory_space<hbm>> -> memref<64xi32, #tpu.memory_space<hbm>>
        tpu.enqueue_dma source(%dma_start3A_168 : memref<64xi32, #tpu.memory_space<hbm>>) target(%arg14 : memref<64xi32, #tpu.memory_space<vmem>>) target_semaphore(%arg21 : memref<!tpu.dma_semaphore, #tpu.memory_space<semaphore_mem>>)
      } else {
      }
      %scan3A_147 = arith.constant 0 : i32
      scf.yield %scan3A_147 : i32
    }
    %scan3A_69 = arith.constant 40 : i32
    %barrier3A_70 = arith.constant 0 : index
    tpu.barrier barrier_id(%barrier3A_70)
    "tpu.region"() ({
      %run_scoped3A = tpu.sem_alloc : memref<!tpu.dma_semaphore, #tpu.memory_space<semaphore_mem>>
      %dma_start3A_76 = arith.constant 0 : i32
      %dma_start3A_77 = tpu.memref_slice %arg7[%arg0, %mul3A_2, %dma_start3A_76] : memref<2x10000x128xf32, #tpu.memory_space<hbm>> -> memref<1x624x128xf32, #tpu.memory_space<hbm>>
      %dma_start3A_78 = tpu.memref_squeeze %dma_start3A_77 : memref<1x624x128xf32, #tpu.memory_space<hbm>> -> memref<624x128xf32, #tpu.memory_space<hbm>>
      %dma_start3A_79 = arith.constant 0 : i32
      %dma_start3A_80 = tpu.memref_slice %arg8[%mul3A_2, %dma_start3A_79] : memref<10000x128xf32, #tpu.memory_space<vmem_shared>> -> memref<624x128xf32, #tpu.memory_space<vmem_shared>>
      tpu.enqueue_dma source(%dma_start3A_80 : memref<624x128xf32, #tpu.memory_space<vmem_shared>>) target(%dma_start3A_78 : memref<624x128xf32, #tpu.memory_space<hbm>>) target_semaphore(%run_scoped3A : memref<!tpu.dma_semaphore, #tpu.memory_space<semaphore_mem>>)
      %dma_wait3A_81 = arith.constant 0 : i32
      %dma_wait3A_82 = tpu.memref_slice %arg7[%arg0, %mul3A_2, %dma_wait3A_81] : memref<2x10000x128xf32, #tpu.memory_space<hbm>> -> memref<1x624x128xf32, #tpu.memory_space<hbm>>
      %dma_wait3A_83 = tpu.memref_squeeze %dma_wait3A_82 : memref<1x624x128xf32, #tpu.memory_space<hbm>> -> memref<624x128xf32, #tpu.memory_space<hbm>>
      %dma_wait3A_84 = arith.constant 0 : i32
      %dma_wait3A_85 = tpu.memref_slice %arg8[%mul3A_2, %dma_wait3A_84] : memref<10000x128xf32, #tpu.memory_space<vmem_shared>> -> memref<624x128xf32, #tpu.memory_space<vmem_shared>>
      tpu.wait_dma2 semaphore(%run_scoped3A : memref<!tpu.dma_semaphore, #tpu.memory_space<semaphore_mem>>) src(%dma_wait3A_85 : memref<624x128xf32, #tpu.memory_space<vmem_shared>>) dst(%dma_wait3A_83 : memref<624x128xf32, #tpu.memory_space<hbm>>)
      tpu.yield
    }) : () -> ()
    %eq3A_71 = arith.constant 15 : i32
    %eq3A_72 = arith.cmpi eq, %arg1, %eq3A_71 : i32
    %convert_element_type3A_73 = arith.extui %eq3A_72 : i1 to i32
    %cond3A_74 = arith.constant 0 : i32
    %cond3A_75 = arith.cmpi ne, %convert_element_type3A_73, %cond3A_74 : i32
    scf.if %cond3A_75 {
      "tpu.region"() ({
        %run_scoped3A = tpu.sem_alloc : memref<!tpu.dma_semaphore, #tpu.memory_space<semaphore_mem>>
        %dma_start3A_76 = arith.constant 9984 : i32
        %dma_start3A_77 = arith.constant 0 : i32
        %dma_start3A_78 = tpu.memref_slice %arg7[%arg0, %dma_start3A_76, %dma_start3A_77] : memref<2x10000x128xf32, #tpu.memory_space<hbm>> -> memref<1x16x128xf32, #tpu.memory_space<hbm>>
        %dma_start3A_79 = tpu.memref_squeeze %dma_start3A_78 : memref<1x16x128xf32, #tpu.memory_space<hbm>> -> memref<16x128xf32, #tpu.memory_space<hbm>>
        %dma_start3A_80 = arith.constant 9984 : i32
        %dma_start3A_81 = arith.constant 0 : i32
        %dma_start3A_82 = tpu.memref_slice %arg8[%dma_start3A_80, %dma_start3A_81] : memref<10000x128xf32, #tpu.memory_space<vmem_shared>> -> memref<16x128xf32, #tpu.memory_space<vmem_shared>>
        tpu.enqueue_dma source(%dma_start3A_82 : memref<16x128xf32, #tpu.memory_space<vmem_shared>>) target(%dma_start3A_79 : memref<16x128xf32, #tpu.memory_space<hbm>>) target_semaphore(%run_scoped3A : memref<!tpu.dma_semaphore, #tpu.memory_space<semaphore_mem>>)
        %dma_wait3A_83 = arith.constant 9984 : i32
        %dma_wait3A_84 = arith.constant 0 : i32
        %dma_wait3A_85 = tpu.memref_slice %arg7[%arg0, %dma_wait3A_83, %dma_wait3A_84] : memref<2x10000x128xf32, #tpu.memory_space<hbm>> -> memref<1x16x128xf32, #tpu.memory_space<hbm>>
        %dma_wait3A_86 = tpu.memref_squeeze %dma_wait3A_85 : memref<1x16x128xf32, #tpu.memory_space<hbm>> -> memref<16x128xf32, #tpu.memory_space<hbm>>
        %dma_wait3A_87 = arith.constant 9984 : i32
        %dma_wait3A_88 = arith.constant 0 : i32
        %dma_wait3A_89 = tpu.memref_slice %arg8[%dma_wait3A_87, %dma_wait3A_88] : memref<10000x128xf32, #tpu.memory_space<vmem_shared>> -> memref<16x128xf32, #tpu.memory_space<vmem_shared>>
        tpu.wait_dma2 semaphore(%run_scoped3A : memref<!tpu.dma_semaphore, #tpu.memory_space<semaphore_mem>>) src(%dma_wait3A_89 : memref<16x128xf32, #tpu.memory_space<vmem_shared>>) dst(%dma_wait3A_86 : memref<16x128xf32, #tpu.memory_space<hbm>>)
        tpu.yield
      }) : () -> ()
    } else {
    }
    return
  }
}

#map = affine_map<(d0, d1) -> (0, 0)>
#map1 = affine_map<(d0, d1) -> (0)>
#map2 = affine_map<(d0, d1) -> (0, 0, 0)>
module attributes {stable_mosaic.version = 14 : i64} {
  func.func @_sc_body(%arg0: i32, %arg1: i32, %arg2: memref<250000x128xi32, #tpu.memory_space<hbm>>, %arg3: memref<327680xi32, #tpu.memory_space<hbm>>, %arg4: memref<655360xf32, #tpu.memory_space<hbm>>, %arg5: memref<163840xi32, #tpu.memory_space<hbm>>, %arg6: memref<10000x128xf32, #tpu.memory_space<hbm>>, %arg7: memref<2x10000x128xf32, #tpu.memory_space<hbm>>, %arg8: memref<10000x128xf32, #tpu.memory_space<vmem_shared>>, %arg9: memref<256xf32, #tpu.memory_space<vmem>>, %arg10: memref<256xf32, #tpu.memory_space<vmem>>, %arg11: memref<128xi32, #tpu.memory_space<vmem>>, %arg12: memref<128xi32, #tpu.memory_space<vmem>>, %arg13: memref<64xi32, #tpu.memory_space<vmem>>, %arg14: memref<64xi32, #tpu.memory_space<vmem>>, %arg15: memref<64x128xi32, #tpu.memory_space<vmem>>, %arg16: memref<64x128xi32, #tpu.memory_space<vmem>>, %arg17: memref<64x128xi32, #tpu.memory_space<vmem>>, %arg18: memref<64x128xi32, #tpu.memory_space<vmem>>, %arg19: memref<64x128xf32, #tpu.memory_space<vmem>>, %arg20: memref<!tpu.dma_semaphore, #tpu.memory_space<semaphore_mem>>, %arg21: memref<!tpu.dma_semaphore, #tpu.memory_space<semaphore_mem>>, %arg22: memref<!tpu.dma_semaphore, #tpu.memory_space<semaphore_mem>>, %arg23: memref<!tpu.dma_semaphore, #tpu.memory_space<semaphore_mem>>) attributes {dimension_semantics = [#tpu.dimension_semantics<core_parallel>, #tpu.dimension_semantics<subcore_parallel>], iteration_bounds = array<i64: 2, 16>, scalar_prefetch = 0 : i64, scratch_operands = 16 : i64, tpu.core_type = #tpu.core_type<sc_vector_subcore>, window_params = [{transform_indices = #map}, {transform_indices = #map1}, {transform_indices = #map1}, {transform_indices = #map1}, {transform_indices = #map}, {transform_indices = #map2}]} {
    %mul3A = arith.constant 16 : i32
    %mul3A_0 = arith.muli %arg0, %mul3A : i32
    %add3A = arith.addi %mul3A_0, %arg1 : i32
    %mul3A_1 = arith.constant 624 : i32
    %mul3A_2 = arith.muli %arg1, %mul3A_1 : i32
    %mul3A_3 = arith.constant 5120 : i32
    %mul3A_4 = arith.muli %add3A, %mul3A_3 : i32
    "tpu.region"() ({
      %run_scoped3A = tpu.sem_alloc : memref<!tpu.dma_semaphore, #tpu.memory_space<semaphore_mem>>
      %dma_start3A_76 = arith.constant 0 : i32
      %dma_start3A_77 = tpu.memref_slice %arg8[%mul3A_2, %dma_start3A_76] : memref<10000x128xf32, #tpu.memory_space<vmem_shared>> -> memref<624x128xf32, #tpu.memory_space<vmem_shared>>
      %dma_start3A_78 = arith.constant 0 : i32
      %dma_start3A_79 = tpu.memref_slice %arg6[%mul3A_2, %dma_start3A_78] : memref<10000x128xf32, #tpu.memory_space<hbm>> -> memref<624x128xf32, #tpu.memory_space<hbm>>
      tpu.enqueue_dma source(%dma_start3A_79 : memref<624x128xf32, #tpu.memory_space<hbm>>) target(%dma_start3A_77 : memref<624x128xf32, #tpu.memory_space<vmem_shared>>) target_semaphore(%run_scoped3A : memref<!tpu.dma_semaphore, #tpu.memory_space<semaphore_mem>>)
      %dma_wait3A_80 = arith.constant 0 : i32
      %dma_wait3A_81 = tpu.memref_slice %arg8[%mul3A_2, %dma_wait3A_80] : memref<10000x128xf32, #tpu.memory_space<vmem_shared>> -> memref<624x128xf32, #tpu.memory_space<vmem_shared>>
      %dma_wait3A_82 = arith.constant 0 : i32
      %dma_wait3A_83 = tpu.memref_slice %arg6[%mul3A_2, %dma_wait3A_82] : memref<10000x128xf32, #tpu.memory_space<hbm>> -> memref<624x128xf32, #tpu.memory_space<hbm>>
      tpu.wait_dma2 semaphore(%run_scoped3A : memref<!tpu.dma_semaphore, #tpu.memory_space<semaphore_mem>>) src(%dma_wait3A_83 : memref<624x128xf32, #tpu.memory_space<hbm>>) dst(%dma_wait3A_81 : memref<624x128xf32, #tpu.memory_space<vmem_shared>>)
      tpu.yield
    }) : () -> ()
    %eq3A = arith.constant 15 : i32
    %eq3A_5 = arith.cmpi eq, %arg1, %eq3A : i32
    %convert_element_type3A = arith.extui %eq3A_5 : i1 to i32
    %cond3A = arith.constant 0 : i32
    %cond3A_6 = arith.cmpi ne, %convert_element_type3A, %cond3A : i32
    scf.if %cond3A_6 {
      "tpu.region"() ({
        %run_scoped3A = tpu.sem_alloc : memref<!tpu.dma_semaphore, #tpu.memory_space<semaphore_mem>>
        %dma_start3A_76 = arith.constant 9984 : i32
        %dma_start3A_77 = arith.constant 0 : i32
        %dma_start3A_78 = tpu.memref_slice %arg8[%dma_start3A_76, %dma_start3A_77] : memref<10000x128xf32, #tpu.memory_space<vmem_shared>> -> memref<16x128xf32, #tpu.memory_space<vmem_shared>>
        %dma_start3A_79 = arith.constant 9984 : i32
        %dma_start3A_80 = arith.constant 0 : i32
        %dma_start3A_81 = tpu.memref_slice %arg6[%dma_start3A_79, %dma_start3A_80] : memref<10000x128xf32, #tpu.memory_space<hbm>> -> memref<16x128xf32, #tpu.memory_space<hbm>>
        tpu.enqueue_dma source(%dma_start3A_81 : memref<16x128xf32, #tpu.memory_space<hbm>>) target(%dma_start3A_78 : memref<16x128xf32, #tpu.memory_space<vmem_shared>>) target_semaphore(%run_scoped3A : memref<!tpu.dma_semaphore, #tpu.memory_space<semaphore_mem>>)
        %dma_wait3A_82 = arith.constant 9984 : i32
        %dma_wait3A_83 = arith.constant 0 : i32
        %dma_wait3A_84 = tpu.memref_slice %arg8[%dma_wait3A_82, %dma_wait3A_83] : memref<10000x128xf32, #tpu.memory_space<vmem_shared>> -> memref<16x128xf32, #tpu.memory_space<vmem_shared>>
        %dma_wait3A_85 = arith.constant 9984 : i32
        %dma_wait3A_86 = arith.constant 0 : i32
        %dma_wait3A_87 = tpu.memref_slice %arg6[%dma_wait3A_85, %dma_wait3A_86] : memref<10000x128xf32, #tpu.memory_space<hbm>> -> memref<16x128xf32, #tpu.memory_space<hbm>>
        tpu.wait_dma2 semaphore(%run_scoped3A : memref<!tpu.dma_semaphore, #tpu.memory_space<semaphore_mem>>) src(%dma_wait3A_87 : memref<16x128xf32, #tpu.memory_space<hbm>>) dst(%dma_wait3A_84 : memref<16x128xf32, #tpu.memory_space<vmem_shared>>)
        tpu.yield
      }) : () -> ()
    } else {
    }
    %barrier3A = arith.constant 0 : index
    tpu.barrier barrier_id(%barrier3A)
    %broadcast_in_dim3A = arith.constant -65536 : i32
    %broadcast_in_dim3A_7 = vector.broadcast %broadcast_in_dim3A : i32 to vector<16xi32>
    %add3A_8 = arith.constant 0 : i32
    %add3A_9 = arith.addi %mul3A_4, %add3A_8 : i32
    %mul3A_10 = arith.constant 4 : i32
    %mul3A_11 = arith.muli %add3A_9, %mul3A_10 : i32
    %dma_start3A = tpu.memref_slice %arg4[%mul3A_11] : memref<655360xf32, #tpu.memory_space<hbm>> -> memref<256xf32, #tpu.memory_space<hbm>>
    %dma_start3A_12 = tpu.memref_slice %arg4[%mul3A_11] : memref<655360xf32, #tpu.memory_space<hbm>> -> memref<256xf32, #tpu.memory_space<hbm>>
    tpu.enqueue_dma source(%dma_start3A_12 : memref<256xf32, #tpu.memory_space<hbm>>) target(%arg9 : memref<256xf32, #tpu.memory_space<vmem>>) target_semaphore(%arg20 : memref<!tpu.dma_semaphore, #tpu.memory_space<semaphore_mem>>)
    %add3A_13 = arith.constant 0 : i32
    %add3A_14 = arith.addi %mul3A_4, %add3A_13 : i32
    %mul3A_15 = arith.constant 2 : i32
    %mul3A_16 = arith.muli %add3A_14, %mul3A_15 : i32
    %dma_start3A_17 = tpu.memref_slice %arg3[%mul3A_16] : memref<327680xi32, #tpu.memory_space<hbm>> -> memref<128xi32, #tpu.memory_space<hbm>>
    %dma_start3A_18 = tpu.memref_slice %arg3[%mul3A_16] : memref<327680xi32, #tpu.memory_space<hbm>> -> memref<128xi32, #tpu.memory_space<hbm>>
    tpu.enqueue_dma source(%dma_start3A_18 : memref<128xi32, #tpu.memory_space<hbm>>) target(%arg11 : memref<128xi32, #tpu.memory_space<vmem>>) target_semaphore(%arg20 : memref<!tpu.dma_semaphore, #tpu.memory_space<semaphore_mem>>)
    %add3A_19 = arith.constant 0 : i32
    %add3A_20 = arith.addi %mul3A_4, %add3A_19 : i32
    %dma_start3A_21 = tpu.memref_slice %arg5[%add3A_20] : memref<163840xi32, #tpu.memory_space<hbm>> -> memref<64xi32, #tpu.memory_space<hbm>>
    %dma_start3A_22 = tpu.memref_slice %arg5[%add3A_20] : memref<163840xi32, #tpu.memory_space<hbm>> -> memref<64xi32, #tpu.memory_space<hbm>>
    tpu.enqueue_dma source(%dma_start3A_22 : memref<64xi32, #tpu.memory_space<hbm>>) target(%arg13 : memref<64xi32, #tpu.memory_space<vmem>>) target_semaphore(%arg20 : memref<!tpu.dma_semaphore, #tpu.memory_space<semaphore_mem>>)
    %add3A_23 = arith.constant 0 : i32
    %add3A_24 = arith.addi %mul3A_4, %add3A_23 : i32
    %mul3A_25 = arith.constant 4 : i32
    %mul3A_26 = arith.muli %add3A_24, %mul3A_25 : i32
    %dma_wait3A = tpu.memref_slice %arg4[%mul3A_26] : memref<655360xf32, #tpu.memory_space<hbm>> -> memref<256xf32, #tpu.memory_space<hbm>>
    %dma_wait3A_27 = tpu.memref_slice %arg4[%mul3A_26] : memref<655360xf32, #tpu.memory_space<hbm>> -> memref<256xf32, #tpu.memory_space<hbm>>
    tpu.wait_dma2 semaphore(%arg20 : memref<!tpu.dma_semaphore, #tpu.memory_space<semaphore_mem>>) src(%dma_wait3A_27 : memref<256xf32, #tpu.memory_space<hbm>>) dst(%arg9 : memref<256xf32, #tpu.memory_space<vmem>>)
    %add3A_28 = arith.constant 0 : i32
    %add3A_29 = arith.addi %mul3A_4, %add3A_28 : i32
    %mul3A_30 = arith.constant 2 : i32
    %mul3A_31 = arith.muli %add3A_29, %mul3A_30 : i32
    %dma_wait3A_32 = tpu.memref_slice %arg3[%mul3A_31] : memref<327680xi32, #tpu.memory_space<hbm>> -> memref<128xi32, #tpu.memory_space<hbm>>
    %dma_wait3A_33 = tpu.memref_slice %arg3[%mul3A_31] : memref<327680xi32, #tpu.memory_space<hbm>> -> memref<128xi32, #tpu.memory_space<hbm>>
    tpu.wait_dma2 semaphore(%arg20 : memref<!tpu.dma_semaphore, #tpu.memory_space<semaphore_mem>>) src(%dma_wait3A_33 : memref<128xi32, #tpu.memory_space<hbm>>) dst(%arg11 : memref<128xi32, #tpu.memory_space<vmem>>)
    %add3A_34 = arith.constant 0 : i32
    %add3A_35 = arith.addi %mul3A_4, %add3A_34 : i32
    %dma_wait3A_36 = tpu.memref_slice %arg5[%add3A_35] : memref<163840xi32, #tpu.memory_space<hbm>> -> memref<64xi32, #tpu.memory_space<hbm>>
    %dma_wait3A_37 = tpu.memref_slice %arg5[%add3A_35] : memref<163840xi32, #tpu.memory_space<hbm>> -> memref<64xi32, #tpu.memory_space<hbm>>
    tpu.wait_dma2 semaphore(%arg20 : memref<!tpu.dma_semaphore, #tpu.memory_space<semaphore_mem>>) src(%dma_wait3A_37 : memref<64xi32, #tpu.memory_space<hbm>>) dst(%arg13 : memref<64xi32, #tpu.memory_space<vmem>>)
    %dma_start3A_38 = arith.constant 0 : i32
    %dma_start3A_39 = tpu.memref_slice %arg11[%dma_start3A_38] : memref<128xi32, #tpu.memory_space<vmem>> -> memref<64xi32, #tpu.memory_space<vmem>>
    %dma_start3A_40 = arith.constant 0 : i32
    %dma_start3A_41 = arith.constant 0 : i32
    %dma_start3A_42 = tpu.memref_slice %arg2[%dma_start3A_40, %dma_start3A_41] : memref<250000x128xi32, #tpu.memory_space<hbm>> -> memref<250000x128xi32, #tpu.memory_space<hbm>>
    tpu.enqueue_indirect_dma source(%dma_start3A_42 : memref<250000x128xi32, #tpu.memory_space<hbm>>) target(%arg15 : memref<64x128xi32, #tpu.memory_space<vmem>>) offsets(%dma_start3A_39 : memref<64xi32, #tpu.memory_space<vmem>>) semaphore(%arg22 : memref<!tpu.dma_semaphore, #tpu.memory_space<semaphore_mem>>)
    %dma_start3A_43 = arith.constant 64 : i32
    %dma_start3A_44 = tpu.memref_slice %arg11[%dma_start3A_43] : memref<128xi32, #tpu.memory_space<vmem>> -> memref<64xi32, #tpu.memory_space<vmem>>
    %dma_start3A_45 = arith.constant 0 : i32
    %dma_start3A_46 = arith.constant 0 : i32
    %dma_start3A_47 = tpu.memref_slice %arg2[%dma_start3A_45, %dma_start3A_46] : memref<250000x128xi32, #tpu.memory_space<hbm>> -> memref<250000x128xi32, #tpu.memory_space<hbm>>
    tpu.enqueue_indirect_dma source(%dma_start3A_47 : memref<250000x128xi32, #tpu.memory_space<hbm>>) target(%arg16 : memref<64x128xi32, #tpu.memory_space<vmem>>) offsets(%dma_start3A_44 : memref<64xi32, #tpu.memory_space<vmem>>) semaphore(%arg22 : memref<!tpu.dma_semaphore, #tpu.memory_space<semaphore_mem>>)
    %add3A_48 = arith.constant 64 : i32
    %add3A_49 = arith.addi %mul3A_4, %add3A_48 : i32
    %mul3A_50 = arith.constant 4 : i32
    %mul3A_51 = arith.muli %add3A_49, %mul3A_50 : i32
    %dma_start3A_52 = tpu.memref_slice %arg4[%mul3A_51] : memref<655360xf32, #tpu.memory_space<hbm>> -> memref<256xf32, #tpu.memory_space<hbm>>
    %dma_start3A_53 = tpu.memref_slice %arg4[%mul3A_51] : memref<655360xf32, #tpu.memory_space<hbm>> -> memref<256xf32, #tpu.memory_space<hbm>>
    tpu.enqueue_dma source(%dma_start3A_53 : memref<256xf32, #tpu.memory_space<hbm>>) target(%arg10 : memref<256xf32, #tpu.memory_space<vmem>>) target_semaphore(%arg21 : memref<!tpu.dma_semaphore, #tpu.memory_space<semaphore_mem>>)
    %add3A_54 = arith.constant 64 : i32
    %add3A_55 = arith.addi %mul3A_4, %add3A_54 : i32
    %mul3A_56 = arith.constant 2 : i32
    %mul3A_57 = arith.muli %add3A_55, %mul3A_56 : i32
    %dma_start3A_58 = tpu.memref_slice %arg3[%mul3A_57] : memref<327680xi32, #tpu.memory_space<hbm>> -> memref<128xi32, #tpu.memory_space<hbm>>
    %dma_start3A_59 = tpu.memref_slice %arg3[%mul3A_57] : memref<327680xi32, #tpu.memory_space<hbm>> -> memref<128xi32, #tpu.memory_space<hbm>>
    tpu.enqueue_dma source(%dma_start3A_59 : memref<128xi32, #tpu.memory_space<hbm>>) target(%arg12 : memref<128xi32, #tpu.memory_space<vmem>>) target_semaphore(%arg21 : memref<!tpu.dma_semaphore, #tpu.memory_space<semaphore_mem>>)
    %add3A_60 = arith.constant 64 : i32
    %add3A_61 = arith.addi %mul3A_4, %add3A_60 : i32
    %dma_start3A_62 = tpu.memref_slice %arg5[%add3A_61] : memref<163840xi32, #tpu.memory_space<hbm>> -> memref<64xi32, #tpu.memory_space<hbm>>
    %dma_start3A_63 = tpu.memref_slice %arg5[%add3A_61] : memref<163840xi32, #tpu.memory_space<hbm>> -> memref<64xi32, #tpu.memory_space<hbm>>
    tpu.enqueue_dma source(%dma_start3A_63 : memref<64xi32, #tpu.memory_space<hbm>>) target(%arg14 : memref<64xi32, #tpu.memory_space<vmem>>) target_semaphore(%arg21 : memref<!tpu.dma_semaphore, #tpu.memory_space<semaphore_mem>>)
    %scan3A = arith.constant 0 : i32
    %scan3A_64 = arith.constant 0 : i32
    %scan3A_65 = arith.constant 40 : i32
    %scan3A_66 = arith.addi %scan3A_64, %scan3A_65 : i32
    %scan3A_67 = arith.constant 1 : i32
    %scan3A_68 = scf.for %scan3A_76 = %scan3A_64 to %scan3A_66 step %scan3A_67 iter_args(%scan3A_77 = %scan3A) -> (i32)  : i32 {
      %mul3A_78 = arith.constant 2 : i32
      %mul3A_79 = arith.muli %scan3A_76, %mul3A_78 : i32
      %add3A_80 = arith.constant 0 : i32
      %add3A_81 = arith.addi %mul3A_79, %add3A_80 : i32
      %add3A_82 = arith.constant 1 : i32
      %add3A_83 = arith.addi %add3A_81, %add3A_82 : i32
      %lt3A = arith.constant 80 : i32
      %lt3A_84 = arith.cmpi slt, %add3A_83, %lt3A : i32
      %convert_element_type3A_85 = arith.extui %lt3A_84 : i1 to i32
      %cond3A_86 = arith.constant 0 : i32
      %cond3A_87 = arith.cmpi ne, %convert_element_type3A_85, %cond3A_86 : i32
      scf.if %cond3A_87 {
        %add3A_148 = arith.constant 1 : i32
        %add3A_149 = arith.addi %add3A_81, %add3A_148 : i32
        %mul3A_150 = arith.constant 64 : i32
        %mul3A_151 = arith.muli %add3A_149, %mul3A_150 : i32
        %add3A_152 = arith.addi %mul3A_4, %mul3A_151 : i32
        %mul3A_153 = arith.constant 4 : i32
        %mul3A_154 = arith.muli %add3A_152, %mul3A_153 : i32
        %dma_wait3A_155 = tpu.memref_slice %arg4[%mul3A_154] : memref<655360xf32, #tpu.memory_space<hbm>> -> memref<256xf32, #tpu.memory_space<hbm>>
        %dma_wait3A_156 = tpu.memref_slice %arg4[%mul3A_154] : memref<655360xf32, #tpu.memory_space<hbm>> -> memref<256xf32, #tpu.memory_space<hbm>>
        tpu.wait_dma2 semaphore(%arg21 : memref<!tpu.dma_semaphore, #tpu.memory_space<semaphore_mem>>) src(%dma_wait3A_156 : memref<256xf32, #tpu.memory_space<hbm>>) dst(%arg10 : memref<256xf32, #tpu.memory_space<vmem>>)
        %mul3A_157 = arith.constant 64 : i32
        %mul3A_158 = arith.muli %add3A_149, %mul3A_157 : i32
        %add3A_159 = arith.addi %mul3A_4, %mul3A_158 : i32
        %mul3A_160 = arith.constant 2 : i32
        %mul3A_161 = arith.muli %add3A_159, %mul3A_160 : i32
        %dma_wait3A_162 = tpu.memref_slice %arg3[%mul3A_161] : memref<327680xi32, #tpu.memory_space<hbm>> -> memref<128xi32, #tpu.memory_space<hbm>>
        %dma_wait3A_163 = tpu.memref_slice %arg3[%mul3A_161] : memref<327680xi32, #tpu.memory_space<hbm>> -> memref<128xi32, #tpu.memory_space<hbm>>
        tpu.wait_dma2 semaphore(%arg21 : memref<!tpu.dma_semaphore, #tpu.memory_space<semaphore_mem>>) src(%dma_wait3A_163 : memref<128xi32, #tpu.memory_space<hbm>>) dst(%arg12 : memref<128xi32, #tpu.memory_space<vmem>>)
        %mul3A_164 = arith.constant 64 : i32
        %mul3A_165 = arith.muli %add3A_149, %mul3A_164 : i32
        %add3A_166 = arith.addi %mul3A_4, %mul3A_165 : i32
        %dma_wait3A_167 = tpu.memref_slice %arg5[%add3A_166] : memref<163840xi32, #tpu.memory_space<hbm>> -> memref<64xi32, #tpu.memory_space<hbm>>
        %dma_wait3A_168 = tpu.memref_slice %arg5[%add3A_166] : memref<163840xi32, #tpu.memory_space<hbm>> -> memref<64xi32, #tpu.memory_space<hbm>>
        tpu.wait_dma2 semaphore(%arg21 : memref<!tpu.dma_semaphore, #tpu.memory_space<semaphore_mem>>) src(%dma_wait3A_168 : memref<64xi32, #tpu.memory_space<hbm>>) dst(%arg14 : memref<64xi32, #tpu.memory_space<vmem>>)
        %dma_start3A_169 = arith.constant 0 : i32
        %dma_start3A_170 = tpu.memref_slice %arg12[%dma_start3A_169] : memref<128xi32, #tpu.memory_space<vmem>> -> memref<64xi32, #tpu.memory_space<vmem>>
        %dma_start3A_171 = arith.constant 0 : i32
        %dma_start3A_172 = arith.constant 0 : i32
        %dma_start3A_173 = tpu.memref_slice %arg2[%dma_start3A_171, %dma_start3A_172] : memref<250000x128xi32, #tpu.memory_space<hbm>> -> memref<250000x128xi32, #tpu.memory_space<hbm>>
        tpu.enqueue_indirect_dma source(%dma_start3A_173 : memref<250000x128xi32, #tpu.memory_space<hbm>>) target(%arg17 : memref<64x128xi32, #tpu.memory_space<vmem>>) offsets(%dma_start3A_170 : memref<64xi32, #tpu.memory_space<vmem>>) semaphore(%arg23 : memref<!tpu.dma_semaphore, #tpu.memory_space<semaphore_mem>>)
        %dma_start3A_174 = arith.constant 64 : i32
        %dma_start3A_175 = tpu.memref_slice %arg12[%dma_start3A_174] : memref<128xi32, #tpu.memory_space<vmem>> -> memref<64xi32, #tpu.memory_space<vmem>>
        %dma_start3A_176 = arith.constant 0 : i32
        %dma_start3A_177 = arith.constant 0 : i32
        %dma_start3A_178 = tpu.memref_slice %arg2[%dma_start3A_176, %dma_start3A_177] : memref<250000x128xi32, #tpu.memory_space<hbm>> -> memref<250000x128xi32, #tpu.memory_space<hbm>>
        tpu.enqueue_indirect_dma source(%dma_start3A_178 : memref<250000x128xi32, #tpu.memory_space<hbm>>) target(%arg18 : memref<64x128xi32, #tpu.memory_space<vmem>>) offsets(%dma_start3A_175 : memref<64xi32, #tpu.memory_space<vmem>>) semaphore(%arg23 : memref<!tpu.dma_semaphore, #tpu.memory_space<semaphore_mem>>)
      } else {
      }
      %dma_wait3A_88 = arith.constant 0 : i32
      %dma_wait3A_89 = tpu.memref_slice %arg11[%dma_wait3A_88] : memref<128xi32, #tpu.memory_space<vmem>> -> memref<64xi32, #tpu.memory_space<vmem>>
      %dma_wait3A_90 = arith.constant 0 : i32
      %dma_wait3A_91 = arith.constant 0 : i32
      %dma_wait3A_92 = tpu.memref_slice %arg2[%dma_wait3A_90, %dma_wait3A_91] : memref<250000x128xi32, #tpu.memory_space<hbm>> -> memref<250000x128xi32, #tpu.memory_space<hbm>>
      tpu.wait_indirect_dma semaphore(%arg22 : memref<!tpu.dma_semaphore, #tpu.memory_space<semaphore_mem>>) src(%dma_wait3A_92 : memref<250000x128xi32, #tpu.memory_space<hbm>>) dst(%arg15 : memref<64x128xi32, #tpu.memory_space<vmem>>)
      %dma_wait3A_93 = arith.constant 64 : i32
      %dma_wait3A_94 = tpu.memref_slice %arg11[%dma_wait3A_93] : memref<128xi32, #tpu.memory_space<vmem>> -> memref<64xi32, #tpu.memory_space<vmem>>
      %dma_wait3A_95 = arith.constant 0 : i32
      %dma_wait3A_96 = arith.constant 0 : i32
      %dma_wait3A_97 = tpu.memref_slice %arg2[%dma_wait3A_95, %dma_wait3A_96] : memref<250000x128xi32, #tpu.memory_space<hbm>> -> memref<250000x128xi32, #tpu.memory_space<hbm>>
      tpu.wait_indirect_dma semaphore(%arg22 : memref<!tpu.dma_semaphore, #tpu.memory_space<semaphore_mem>>) src(%dma_wait3A_97 : memref<250000x128xi32, #tpu.memory_space<hbm>>) dst(%arg16 : memref<64x128xi32, #tpu.memory_space<vmem>>)
      %scan3A_98 = arith.constant 0 : i32
      %scan3A_99 = arith.constant 0 : i32
      %scan3A_100 = arith.constant 4 : i32
      %scan3A_101 = arith.addi %scan3A_99, %scan3A_100 : i32
      %scan3A_102 = arith.constant 1 : i32
      %scan3A_103 = scf.for %scan3A_148 = %scan3A_99 to %scan3A_101 step %scan3A_102 iter_args(%scan3A_149 = %scan3A_98) -> (i32)  : i32 {
        %mul3A_150 = arith.constant 16 : i32
        %mul3A_151 = arith.muli %scan3A_148, %mul3A_150 : i32
        %add3A_152 = arith.constant 0 : i32
        %add3A_153 = arith.addi %add3A_152, %mul3A_151 : i32
        %get3A = arith.index_cast %add3A_153 : i32 to index
        %get3A_154 = tpu.vector_load %arg9[%get3A] {strides = array<i32>} : memref<256xf32, #tpu.memory_space<vmem>>, vector<16xf32>,
        %mul3A_155 = arith.constant 16 : i32
        %mul3A_156 = arith.muli %scan3A_148, %mul3A_155 : i32
        %add3A_157 = arith.constant 64 : i32
        %add3A_158 = arith.addi %add3A_157, %mul3A_156 : i32
        %get3A_159 = arith.index_cast %add3A_158 : i32 to index
        %get3A_160 = tpu.vector_load %arg9[%get3A_159] {strides = array<i32>} : memref<256xf32, #tpu.memory_space<vmem>>, vector<16xf32>,
        %mul3A_161 = arith.constant 16 : i32
        %mul3A_162 = arith.muli %scan3A_148, %mul3A_161 : i32
        %add3A_163 = arith.constant 128 : i32
        %add3A_164 = arith.addi %add3A_163, %mul3A_162 : i32
        %get3A_165 = arith.index_cast %add3A_164 : i32 to index
        %get3A_166 = tpu.vector_load %arg9[%get3A_165] {strides = array<i32>} : memref<256xf32, #tpu.memory_space<vmem>>, vector<16xf32>,
        %mul3A_167 = arith.constant 16 : i32
        %mul3A_168 = arith.muli %scan3A_148, %mul3A_167 : i32
        %add3A_169 = arith.constant 192 : i32
        %add3A_170 = arith.addi %add3A_169, %mul3A_168 : i32
        %get3A_171 = arith.index_cast %add3A_170 : i32 to index
        %get3A_172 = tpu.vector_load %arg9[%get3A_171] {strides = array<i32>} : memref<256xf32, #tpu.memory_space<vmem>>, vector<16xf32>,
        %scan3A_173 = arith.constant 0 : i32
        %scan3A_174 = arith.constant 0 : i32
        %scan3A_175 = arith.constant 16 : i32
        %scan3A_176 = arith.addi %scan3A_174, %scan3A_175 : i32
        %scan3A_177 = arith.constant 1 : i32
        %scan3A_178 = scf.for %scan3A_181 = %scan3A_174 to %scan3A_176 step %scan3A_177 iter_args(%scan3A_182 = %scan3A_173) -> (i32)  : i32 {
          %mul3A_183 = arith.constant 16 : i32
          %mul3A_184 = arith.muli %scan3A_148, %mul3A_183 : i32
          %add3A_185 = arith.addi %mul3A_184, %scan3A_181 : i32
          %broadcast_in_dim3A_186 = vector.broadcast %scan3A_181 : i32 to vector<16xi32>
          %broadcast_in_dim3A_187 = vector.shape_cast %broadcast_in_dim3A_186 : vector<16xi32> to vector<16x1xi32>
          %gather3A = vector.shape_cast %broadcast_in_dim3A_187 : vector<16x1xi32> to vector<16xi32>
          %gather3A_188 = tpu.dynamic_gather %get3A_154[%gather3A] in [0] : vector<16xf32>, vector<16xi32> -> vector<16xf32>
          %broadcast_in_dim3A_189 = vector.broadcast %scan3A_181 : i32 to vector<16xi32>
          %broadcast_in_dim3A_190 = vector.shape_cast %broadcast_in_dim3A_189 : vector<16xi32> to vector<16x1xi32>
          %gather3A_191 = vector.shape_cast %broadcast_in_dim3A_190 : vector<16x1xi32> to vector<16xi32>
          %gather3A_192 = tpu.dynamic_gather %get3A_160[%gather3A_191] in [0] : vector<16xf32>, vector<16xi32> -> vector<16xf32>
          %broadcast_in_dim3A_193 = vector.broadcast %scan3A_181 : i32 to vector<16xi32>
          %broadcast_in_dim3A_194 = vector.shape_cast %broadcast_in_dim3A_193 : vector<16xi32> to vector<16x1xi32>
          %gather3A_195 = vector.shape_cast %broadcast_in_dim3A_194 : vector<16x1xi32> to vector<16xi32>
          %gather3A_196 = tpu.dynamic_gather %get3A_166[%gather3A_195] in [0] : vector<16xf32>, vector<16xi32> -> vector<16xf32>
          %broadcast_in_dim3A_197 = vector.broadcast %scan3A_181 : i32 to vector<16xi32>
          %broadcast_in_dim3A_198 = vector.shape_cast %broadcast_in_dim3A_197 : vector<16xi32> to vector<16x1xi32>
          %gather3A_199 = vector.shape_cast %broadcast_in_dim3A_198 : vector<16x1xi32> to vector<16xi32>
          %gather3A_200 = tpu.dynamic_gather %get3A_172[%gather3A_199] in [0] : vector<16xf32>, vector<16xi32> -> vector<16xf32>
          %get3A_201 = arith.index_cast %add3A_185 : i32 to index
          %get3A_202 = arith.constant 0 : index
          %get3A_203 = tpu.vector_load %arg15[%get3A_201, %get3A_202] {strides = array<i32>} : memref<64x128xi32, #tpu.memory_space<vmem>>, vector<16xi32>,
          %get3A_204 = arith.index_cast %add3A_185 : i32 to index
          %get3A_205 = arith.constant 0 : index
          %get3A_206 = tpu.vector_load %arg16[%get3A_204, %get3A_205] {strides = array<i32>} : memref<64x128xi32, #tpu.memory_space<vmem>>, vector<16xi32>,
          %shift_left3A = arith.constant 16 : i32
          %shift_left3A_207 = vector.broadcast %shift_left3A : i32 to vector<16xi32>
          %shift_left3A_208 = arith.shli %get3A_203, %shift_left3A_207 : vector<16xi32>
          %bitcast3A = vector.bitcast %shift_left3A_208 : vector<16xi32> to vector<16xf32>
          %mul3A_209 = arith.mulf %bitcast3A, %gather3A_188 : vector<16xf32>
          %and3A = arith.andi %get3A_203, %broadcast_in_dim3A_7 : vector<16xi32>
          %bitcast3A_210 = vector.bitcast %and3A : vector<16xi32> to vector<16xf32>
          %mul3A_211 = arith.mulf %bitcast3A_210, %gather3A_192 : vector<16xf32>
          %add3A_212 = arith.addf %mul3A_209, %mul3A_211 : vector<16xf32>
          %shift_left3A_213 = arith.constant 16 : i32
          %shift_left3A_214 = vector.broadcast %shift_left3A_213 : i32 to vector<16xi32>
          %shift_left3A_215 = arith.shli %get3A_206, %shift_left3A_214 : vector<16xi32>
          %bitcast3A_216 = vector.bitcast %shift_left3A_215 : vector<16xi32> to vector<16xf32>
          %mul3A_217 = arith.mulf %bitcast3A_216, %gather3A_196 : vector<16xf32>
          %add3A_218 = arith.addf %add3A_212, %mul3A_217 : vector<16xf32>
          %and3A_219 = arith.andi %get3A_206, %broadcast_in_dim3A_7 : vector<16xi32>
          %bitcast3A_220 = vector.bitcast %and3A_219 : vector<16xi32> to vector<16xf32>
          %mul3A_221 = arith.mulf %bitcast3A_220, %gather3A_200 : vector<16xf32>
          %add3A_222 = arith.addf %add3A_218, %mul3A_221 : vector<16xf32>
          %swap3A = arith.index_cast %add3A_185 : i32 to index
          %swap3A_223 = arith.constant 0 : index
          %swap3A_224 = tpu.vector_load %arg19[%swap3A, %swap3A_223] {strides = array<i32>} : memref<64x128xf32, #tpu.memory_space<vmem>>, vector<16xf32>,
          tpu.vector_store %arg19[%swap3A, %swap3A_223], %add3A_222 {strides = array<i32>} : memref<64x128xf32, #tpu.memory_space<vmem>>, vector<16xf32>,
          %get3A_225 = arith.index_cast %add3A_185 : i32 to index
          %get3A_226 = arith.constant 16 : index
          %get3A_227 = tpu.vector_load %arg15[%get3A_225, %get3A_226] {strides = array<i32>} : memref<64x128xi32, #tpu.memory_space<vmem>>, vector<16xi32>,
          %get3A_228 = arith.index_cast %add3A_185 : i32 to index
          %get3A_229 = arith.constant 16 : index
          %get3A_230 = tpu.vector_load %arg16[%get3A_228, %get3A_229] {strides = array<i32>} : memref<64x128xi32, #tpu.memory_space<vmem>>, vector<16xi32>,
          %shift_left3A_231 = arith.constant 16 : i32
          %shift_left3A_232 = vector.broadcast %shift_left3A_231 : i32 to vector<16xi32>
          %shift_left3A_233 = arith.shli %get3A_227, %shift_left3A_232 : vector<16xi32>
          %bitcast3A_234 = vector.bitcast %shift_left3A_233 : vector<16xi32> to vector<16xf32>
          %mul3A_235 = arith.mulf %bitcast3A_234, %gather3A_188 : vector<16xf32>
          %and3A_236 = arith.andi %get3A_227, %broadcast_in_dim3A_7 : vector<16xi32>
          %bitcast3A_237 = vector.bitcast %and3A_236 : vector<16xi32> to vector<16xf32>
          %mul3A_238 = arith.mulf %bitcast3A_237, %gather3A_192 : vector<16xf32>
          %add3A_239 = arith.addf %mul3A_235, %mul3A_238 : vector<16xf32>
          %shift_left3A_240 = arith.constant 16 : i32
          %shift_left3A_241 = vector.broadcast %shift_left3A_240 : i32 to vector<16xi32>
          %shift_left3A_242 = arith.shli %get3A_230, %shift_left3A_241 : vector<16xi32>
          %bitcast3A_243 = vector.bitcast %shift_left3A_242 : vector<16xi32> to vector<16xf32>
          %mul3A_244 = arith.mulf %bitcast3A_243, %gather3A_196 : vector<16xf32>
          %add3A_245 = arith.addf %add3A_239, %mul3A_244 : vector<16xf32>
          %and3A_246 = arith.andi %get3A_230, %broadcast_in_dim3A_7 : vector<16xi32>
          %bitcast3A_247 = vector.bitcast %and3A_246 : vector<16xi32> to vector<16xf32>
          %mul3A_248 = arith.mulf %bitcast3A_247, %gather3A_200 : vector<16xf32>
          %add3A_249 = arith.addf %add3A_245, %mul3A_248 : vector<16xf32>
          %swap3A_250 = arith.index_cast %add3A_185 : i32 to index
          %swap3A_251 = arith.constant 16 : index
          %swap3A_252 = tpu.vector_load %arg19[%swap3A_250, %swap3A_251] {strides = array<i32>} : memref<64x128xf32, #tpu.memory_space<vmem>>, vector<16xf32>,
          tpu.vector_store %arg19[%swap3A_250, %swap3A_251], %add3A_249 {strides = array<i32>} : memref<64x128xf32, #tpu.memory_space<vmem>>, vector<16xf32>,
          %get3A_253 = arith.index_cast %add3A_185 : i32 to index
          %get3A_254 = arith.constant 32 : index
          %get3A_255 = tpu.vector_load %arg15[%get3A_253, %get3A_254] {strides = array<i32>} : memref<64x128xi32, #tpu.memory_space<vmem>>, vector<16xi32>,
          %get3A_256 = arith.index_cast %add3A_185 : i32 to index
          %get3A_257 = arith.constant 32 : index
          %get3A_258 = tpu.vector_load %arg16[%get3A_256, %get3A_257] {strides = array<i32>} : memref<64x128xi32, #tpu.memory_space<vmem>>, vector<16xi32>,
          %shift_left3A_259 = arith.constant 16 : i32
          %shift_left3A_260 = vector.broadcast %shift_left3A_259 : i32 to vector<16xi32>
          %shift_left3A_261 = arith.shli %get3A_255, %shift_left3A_260 : vector<16xi32>
          %bitcast3A_262 = vector.bitcast %shift_left3A_261 : vector<16xi32> to vector<16xf32>
          %mul3A_263 = arith.mulf %bitcast3A_262, %gather3A_188 : vector<16xf32>
          %and3A_264 = arith.andi %get3A_255, %broadcast_in_dim3A_7 : vector<16xi32>
          %bitcast3A_265 = vector.bitcast %and3A_264 : vector<16xi32> to vector<16xf32>
          %mul3A_266 = arith.mulf %bitcast3A_265, %gather3A_192 : vector<16xf32>
          %add3A_267 = arith.addf %mul3A_263, %mul3A_266 : vector<16xf32>
          %shift_left3A_268 = arith.constant 16 : i32
          %shift_left3A_269 = vector.broadcast %shift_left3A_268 : i32 to vector<16xi32>
          %shift_left3A_270 = arith.shli %get3A_258, %shift_left3A_269 : vector<16xi32>
          %bitcast3A_271 = vector.bitcast %shift_left3A_270 : vector<16xi32> to vector<16xf32>
          %mul3A_272 = arith.mulf %bitcast3A_271, %gather3A_196 : vector<16xf32>
          %add3A_273 = arith.addf %add3A_267, %mul3A_272 : vector<16xf32>
          %and3A_274 = arith.andi %get3A_258, %broadcast_in_dim3A_7 : vector<16xi32>
          %bitcast3A_275 = vector.bitcast %and3A_274 : vector<16xi32> to vector<16xf32>
          %mul3A_276 = arith.mulf %bitcast3A_275, %gather3A_200 : vector<16xf32>
          %add3A_277 = arith.addf %add3A_273, %mul3A_276 : vector<16xf32>
          %swap3A_278 = arith.index_cast %add3A_185 : i32 to index
          %swap3A_279 = arith.constant 32 : index
          %swap3A_280 = tpu.vector_load %arg19[%swap3A_278, %swap3A_279] {strides = array<i32>} : memref<64x128xf32, #tpu.memory_space<vmem>>, vector<16xf32>,
          tpu.vector_store %arg19[%swap3A_278, %swap3A_279], %add3A_277 {strides = array<i32>} : memref<64x128xf32, #tpu.memory_space<vmem>>, vector<16xf32>,
          %get3A_281 = arith.index_cast %add3A_185 : i32 to index
          %get3A_282 = arith.constant 48 : index
          %get3A_283 = tpu.vector_load %arg15[%get3A_281, %get3A_282] {strides = array<i32>} : memref<64x128xi32, #tpu.memory_space<vmem>>, vector<16xi32>,
          %get3A_284 = arith.index_cast %add3A_185 : i32 to index
          %get3A_285 = arith.constant 48 : index
          %get3A_286 = tpu.vector_load %arg16[%get3A_284, %get3A_285] {strides = array<i32>} : memref<64x128xi32, #tpu.memory_space<vmem>>, vector<16xi32>,
          %shift_left3A_287 = arith.constant 16 : i32
          %shift_left3A_288 = vector.broadcast %shift_left3A_287 : i32 to vector<16xi32>
          %shift_left3A_289 = arith.shli %get3A_283, %shift_left3A_288 : vector<16xi32>
          %bitcast3A_290 = vector.bitcast %shift_left3A_289 : vector<16xi32> to vector<16xf32>
          %mul3A_291 = arith.mulf %bitcast3A_290, %gather3A_188 : vector<16xf32>
          %and3A_292 = arith.andi %get3A_283, %broadcast_in_dim3A_7 : vector<16xi32>
          %bitcast3A_293 = vector.bitcast %and3A_292 : vector<16xi32> to vector<16xf32>
          %mul3A_294 = arith.mulf %bitcast3A_293, %gather3A_192 : vector<16xf32>
          %add3A_295 = arith.addf %mul3A_291, %mul3A_294 : vector<16xf32>
          %shift_left3A_296 = arith.constant 16 : i32
          %shift_left3A_297 = vector.broadcast %shift_left3A_296 : i32 to vector<16xi32>
          %shift_left3A_298 = arith.shli %get3A_286, %shift_left3A_297 : vector<16xi32>
          %bitcast3A_299 = vector.bitcast %shift_left3A_298 : vector<16xi32> to vector<16xf32>
          %mul3A_300 = arith.mulf %bitcast3A_299, %gather3A_196 : vector<16xf32>
          %add3A_301 = arith.addf %add3A_295, %mul3A_300 : vector<16xf32>
          %and3A_302 = arith.andi %get3A_286, %broadcast_in_dim3A_7 : vector<16xi32>
          %bitcast3A_303 = vector.bitcast %and3A_302 : vector<16xi32> to vector<16xf32>
          %mul3A_304 = arith.mulf %bitcast3A_303, %gather3A_200 : vector<16xf32>
          %add3A_305 = arith.addf %add3A_301, %mul3A_304 : vector<16xf32>
          %swap3A_306 = arith.index_cast %add3A_185 : i32 to index
          %swap3A_307 = arith.constant 48 : index
          %swap3A_308 = tpu.vector_load %arg19[%swap3A_306, %swap3A_307] {strides = array<i32>} : memref<64x128xf32, #tpu.memory_space<vmem>>, vector<16xf32>,
          tpu.vector_store %arg19[%swap3A_306, %swap3A_307], %add3A_305 {strides = array<i32>} : memref<64x128xf32, #tpu.memory_space<vmem>>, vector<16xf32>,
          %get3A_309 = arith.index_cast %add3A_185 : i32 to index
          %get3A_310 = arith.constant 64 : index
          %get3A_311 = tpu.vector_load %arg15[%get3A_309, %get3A_310] {strides = array<i32>} : memref<64x128xi32, #tpu.memory_space<vmem>>, vector<16xi32>,
          %get3A_312 = arith.index_cast %add3A_185 : i32 to index
          %get3A_313 = arith.constant 64 : index
          %get3A_314 = tpu.vector_load %arg16[%get3A_312, %get3A_313] {strides = array<i32>} : memref<64x128xi32, #tpu.memory_space<vmem>>, vector<16xi32>,
          %shift_left3A_315 = arith.constant 16 : i32
          %shift_left3A_316 = vector.broadcast %shift_left3A_315 : i32 to vector<16xi32>
          %shift_left3A_317 = arith.shli %get3A_311, %shift_left3A_316 : vector<16xi32>
          %bitcast3A_318 = vector.bitcast %shift_left3A_317 : vector<16xi32> to vector<16xf32>
          %mul3A_319 = arith.mulf %bitcast3A_318, %gather3A_188 : vector<16xf32>
          %and3A_320 = arith.andi %get3A_311, %broadcast_in_dim3A_7 : vector<16xi32>
          %bitcast3A_321 = vector.bitcast %and3A_320 : vector<16xi32> to vector<16xf32>
          %mul3A_322 = arith.mulf %bitcast3A_321, %gather3A_192 : vector<16xf32>
          %add3A_323 = arith.addf %mul3A_319, %mul3A_322 : vector<16xf32>
          %shift_left3A_324 = arith.constant 16 : i32
          %shift_left3A_325 = vector.broadcast %shift_left3A_324 : i32 to vector<16xi32>
          %shift_left3A_326 = arith.shli %get3A_314, %shift_left3A_325 : vector<16xi32>
          %bitcast3A_327 = vector.bitcast %shift_left3A_326 : vector<16xi32> to vector<16xf32>
          %mul3A_328 = arith.mulf %bitcast3A_327, %gather3A_196 : vector<16xf32>
          %add3A_329 = arith.addf %add3A_323, %mul3A_328 : vector<16xf32>
          %and3A_330 = arith.andi %get3A_314, %broadcast_in_dim3A_7 : vector<16xi32>
          %bitcast3A_331 = vector.bitcast %and3A_330 : vector<16xi32> to vector<16xf32>
          %mul3A_332 = arith.mulf %bitcast3A_331, %gather3A_200 : vector<16xf32>
          %add3A_333 = arith.addf %add3A_329, %mul3A_332 : vector<16xf32>
          %swap3A_334 = arith.index_cast %add3A_185 : i32 to index
          %swap3A_335 = arith.constant 64 : index
          %swap3A_336 = tpu.vector_load %arg19[%swap3A_334, %swap3A_335] {strides = array<i32>} : memref<64x128xf32, #tpu.memory_space<vmem>>, vector<16xf32>,
          tpu.vector_store %arg19[%swap3A_334, %swap3A_335], %add3A_333 {strides = array<i32>} : memref<64x128xf32, #tpu.memory_space<vmem>>, vector<16xf32>,
          %get3A_337 = arith.index_cast %add3A_185 : i32 to index
          %get3A_338 = arith.constant 80 : index
          %get3A_339 = tpu.vector_load %arg15[%get3A_337, %get3A_338] {strides = array<i32>} : memref<64x128xi32, #tpu.memory_space<vmem>>, vector<16xi32>,
          %get3A_340 = arith.index_cast %add3A_185 : i32 to index
          %get3A_341 = arith.constant 80 : index
          %get3A_342 = tpu.vector_load %arg16[%get3A_340, %get3A_341] {strides = array<i32>} : memref<64x128xi32, #tpu.memory_space<vmem>>, vector<16xi32>,
          %shift_left3A_343 = arith.constant 16 : i32
          %shift_left3A_344 = vector.broadcast %shift_left3A_343 : i32 to vector<16xi32>
          %shift_left3A_345 = arith.shli %get3A_339, %shift_left3A_344 : vector<16xi32>
          %bitcast3A_346 = vector.bitcast %shift_left3A_345 : vector<16xi32> to vector<16xf32>
          %mul3A_347 = arith.mulf %bitcast3A_346, %gather3A_188 : vector<16xf32>
          %and3A_348 = arith.andi %get3A_339, %broadcast_in_dim3A_7 : vector<16xi32>
          %bitcast3A_349 = vector.bitcast %and3A_348 : vector<16xi32> to vector<16xf32>
          %mul3A_350 = arith.mulf %bitcast3A_349, %gather3A_192 : vector<16xf32>
          %add3A_351 = arith.addf %mul3A_347, %mul3A_350 : vector<16xf32>
          %shift_left3A_352 = arith.constant 16 : i32
          %shift_left3A_353 = vector.broadcast %shift_left3A_352 : i32 to vector<16xi32>
          %shift_left3A_354 = arith.shli %get3A_342, %shift_left3A_353 : vector<16xi32>
          %bitcast3A_355 = vector.bitcast %shift_left3A_354 : vector<16xi32> to vector<16xf32>
          %mul3A_356 = arith.mulf %bitcast3A_355, %gather3A_196 : vector<16xf32>
          %add3A_357 = arith.addf %add3A_351, %mul3A_356 : vector<16xf32>
          %and3A_358 = arith.andi %get3A_342, %broadcast_in_dim3A_7 : vector<16xi32>
          %bitcast3A_359 = vector.bitcast %and3A_358 : vector<16xi32> to vector<16xf32>
          %mul3A_360 = arith.mulf %bitcast3A_359, %gather3A_200 : vector<16xf32>
          %add3A_361 = arith.addf %add3A_357, %mul3A_360 : vector<16xf32>
          %swap3A_362 = arith.index_cast %add3A_185 : i32 to index
          %swap3A_363 = arith.constant 80 : index
          %swap3A_364 = tpu.vector_load %arg19[%swap3A_362, %swap3A_363] {strides = array<i32>} : memref<64x128xf32, #tpu.memory_space<vmem>>, vector<16xf32>,
          tpu.vector_store %arg19[%swap3A_362, %swap3A_363], %add3A_361 {strides = array<i32>} : memref<64x128xf32, #tpu.memory_space<vmem>>, vector<16xf32>,
          %get3A_365 = arith.index_cast %add3A_185 : i32 to index
          %get3A_366 = arith.constant 96 : index
          %get3A_367 = tpu.vector_load %arg15[%get3A_365, %get3A_366] {strides = array<i32>} : memref<64x128xi32, #tpu.memory_space<vmem>>, vector<16xi32>,
          %get3A_368 = arith.index_cast %add3A_185 : i32 to index
          %get3A_369 = arith.constant 96 : index
          %get3A_370 = tpu.vector_load %arg16[%get3A_368, %get3A_369] {strides = array<i32>} : memref<64x128xi32, #tpu.memory_space<vmem>>, vector<16xi32>,
          %shift_left3A_371 = arith.constant 16 : i32
          %shift_left3A_372 = vector.broadcast %shift_left3A_371 : i32 to vector<16xi32>
          %shift_left3A_373 = arith.shli %get3A_367, %shift_left3A_372 : vector<16xi32>
          %bitcast3A_374 = vector.bitcast %shift_left3A_373 : vector<16xi32> to vector<16xf32>
          %mul3A_375 = arith.mulf %bitcast3A_374, %gather3A_188 : vector<16xf32>
          %and3A_376 = arith.andi %get3A_367, %broadcast_in_dim3A_7 : vector<16xi32>
          %bitcast3A_377 = vector.bitcast %and3A_376 : vector<16xi32> to vector<16xf32>
          %mul3A_378 = arith.mulf %bitcast3A_377, %gather3A_192 : vector<16xf32>
          %add3A_379 = arith.addf %mul3A_375, %mul3A_378 : vector<16xf32>
          %shift_left3A_380 = arith.constant 16 : i32
          %shift_left3A_381 = vector.broadcast %shift_left3A_380 : i32 to vector<16xi32>
          %shift_left3A_382 = arith.shli %get3A_370, %shift_left3A_381 : vector<16xi32>
          %bitcast3A_383 = vector.bitcast %shift_left3A_382 : vector<16xi32> to vector<16xf32>
          %mul3A_384 = arith.mulf %bitcast3A_383, %gather3A_196 : vector<16xf32>
          %add3A_385 = arith.addf %add3A_379, %mul3A_384 : vector<16xf32>
          %and3A_386 = arith.andi %get3A_370, %broadcast_in_dim3A_7 : vector<16xi32>
          %bitcast3A_387 = vector.bitcast %and3A_386 : vector<16xi32> to vector<16xf32>
          %mul3A_388 = arith.mulf %bitcast3A_387, %gather3A_200 : vector<16xf32>
          %add3A_389 = arith.addf %add3A_385, %mul3A_388 : vector<16xf32>
          %swap3A_390 = arith.index_cast %add3A_185 : i32 to index
          %swap3A_391 = arith.constant 96 : index
          %swap3A_392 = tpu.vector_load %arg19[%swap3A_390, %swap3A_391] {strides = array<i32>} : memref<64x128xf32, #tpu.memory_space<vmem>>, vector<16xf32>,
          tpu.vector_store %arg19[%swap3A_390, %swap3A_391], %add3A_389 {strides = array<i32>} : memref<64x128xf32, #tpu.memory_space<vmem>>, vector<16xf32>,
          %get3A_393 = arith.index_cast %add3A_185 : i32 to index
          %get3A_394 = arith.constant 112 : index
          %get3A_395 = tpu.vector_load %arg15[%get3A_393, %get3A_394] {strides = array<i32>} : memref<64x128xi32, #tpu.memory_space<vmem>>, vector<16xi32>,
          %get3A_396 = arith.index_cast %add3A_185 : i32 to index
          %get3A_397 = arith.constant 112 : index
          %get3A_398 = tpu.vector_load %arg16[%get3A_396, %get3A_397] {strides = array<i32>} : memref<64x128xi32, #tpu.memory_space<vmem>>, vector<16xi32>,
          %shift_left3A_399 = arith.constant 16 : i32
          %shift_left3A_400 = vector.broadcast %shift_left3A_399 : i32 to vector<16xi32>
          %shift_left3A_401 = arith.shli %get3A_395, %shift_left3A_400 : vector<16xi32>
          %bitcast3A_402 = vector.bitcast %shift_left3A_401 : vector<16xi32> to vector<16xf32>
          %mul3A_403 = arith.mulf %bitcast3A_402, %gather3A_188 : vector<16xf32>
          %and3A_404 = arith.andi %get3A_395, %broadcast_in_dim3A_7 : vector<16xi32>
          %bitcast3A_405 = vector.bitcast %and3A_404 : vector<16xi32> to vector<16xf32>
          %mul3A_406 = arith.mulf %bitcast3A_405, %gather3A_192 : vector<16xf32>
          %add3A_407 = arith.addf %mul3A_403, %mul3A_406 : vector<16xf32>
          %shift_left3A_408 = arith.constant 16 : i32
          %shift_left3A_409 = vector.broadcast %shift_left3A_408 : i32 to vector<16xi32>
          %shift_left3A_410 = arith.shli %get3A_398, %shift_left3A_409 : vector<16xi32>
          %bitcast3A_411 = vector.bitcast %shift_left3A_410 : vector<16xi32> to vector<16xf32>
          %mul3A_412 = arith.mulf %bitcast3A_411, %gather3A_196 : vector<16xf32>
          %add3A_413 = arith.addf %add3A_407, %mul3A_412 : vector<16xf32>
          %and3A_414 = arith.andi %get3A_398, %broadcast_in_dim3A_7 : vector<16xi32>
          %bitcast3A_415 = vector.bitcast %and3A_414 : vector<16xi32> to vector<16xf32>
          %mul3A_416 = arith.mulf %bitcast3A_415, %gather3A_200 : vector<16xf32>
          %add3A_417 = arith.addf %add3A_413, %mul3A_416 : vector<16xf32>
          %swap3A_418 = arith.index_cast %add3A_185 : i32 to index
          %swap3A_419 = arith.constant 112 : index
          %swap3A_420 = tpu.vector_load %arg19[%swap3A_418, %swap3A_419] {strides = array<i32>} : memref<64x128xf32, #tpu.memory_space<vmem>>, vector<16xf32>,
          tpu.vector_store %arg19[%swap3A_418, %swap3A_419], %add3A_417 {strides = array<i32>} : memref<64x128xf32, #tpu.memory_space<vmem>>, vector<16xf32>,
          %scan3A_421 = arith.constant 0 : i32
          scf.yield %scan3A_421 : i32
        }
        %scan3A_179 = arith.constant 16 : i32
        %scan3A_180 = arith.constant 0 : i32
        scf.yield %scan3A_180 : i32
      }
      %scan3A_104 = arith.constant 4 : i32
      "tpu.region"() ({
        %run_scoped3A = tpu.sem_alloc : memref<!tpu.dma_semaphore, #tpu.memory_space<semaphore_mem>>
        %dma_start3A_148 = arith.constant 0 : i32
        %dma_start3A_149 = arith.constant 0 : i32
        %dma_start3A_150 = tpu.memref_slice %arg8[%dma_start3A_148, %dma_start3A_149] : memref<10000x128xf32, #tpu.memory_space<vmem_shared>> -> memref<10000x128xf32, #tpu.memory_space<vmem_shared>>
        tpu.enqueue_indirect_dma source(%arg19 : memref<64x128xf32, #tpu.memory_space<vmem>>) target(%dma_start3A_150 : memref<10000x128xf32, #tpu.memory_space<vmem_shared>>) offsets(%arg13 : memref<64xi32, #tpu.memory_space<vmem>>) semaphore(%run_scoped3A : memref<!tpu.dma_semaphore, #tpu.memory_space<semaphore_mem>>) {add = true}
        %dma_wait3A_151 = arith.constant 0 : i32
        %dma_wait3A_152 = arith.constant 0 : i32
        %dma_wait3A_153 = tpu.memref_slice %arg8[%dma_wait3A_151, %dma_wait3A_152] : memref<10000x128xf32, #tpu.memory_space<vmem_shared>> -> memref<10000x128xf32, #tpu.memory_space<vmem_shared>>
        tpu.wait_indirect_dma semaphore(%run_scoped3A : memref<!tpu.dma_semaphore, #tpu.memory_space<semaphore_mem>>) src(%arg19 : memref<64x128xf32, #tpu.memory_space<vmem>>) dst(%dma_wait3A_153 : memref<10000x128xf32, #tpu.memory_space<vmem_shared>>)
        tpu.yield
      }) : () -> ()
      %add3A_105 = arith.constant 2 : i32
      %add3A_106 = arith.addi %add3A_81, %add3A_105 : i32
      %lt3A_107 = arith.constant 80 : i32
      %lt3A_108 = arith.cmpi slt, %add3A_106, %lt3A_107 : i32
      %convert_element_type3A_109 = arith.extui %lt3A_108 : i1 to i32
      %cond3A_110 = arith.constant 0 : i32
      %cond3A_111 = arith.cmpi ne, %convert_element_type3A_109, %cond3A_110 : i32
      scf.if %cond3A_111 {
        %add3A_148 = arith.constant 2 : i32
        %add3A_149 = arith.addi %add3A_81, %add3A_148 : i32
        %mul3A_150 = arith.constant 64 : i32
        %mul3A_151 = arith.muli %add3A_149, %mul3A_150 : i32
        %add3A_152 = arith.addi %mul3A_4, %mul3A_151 : i32
        %mul3A_153 = arith.constant 4 : i32
        %mul3A_154 = arith.muli %add3A_152, %mul3A_153 : i32
        %dma_start3A_155 = tpu.memref_slice %arg4[%mul3A_154] : memref<655360xf32, #tpu.memory_space<hbm>> -> memref<256xf32, #tpu.memory_space<hbm>>
        %dma_start3A_156 = tpu.memref_slice %arg4[%mul3A_154] : memref<655360xf32, #tpu.memory_space<hbm>> -> memref<256xf32, #tpu.memory_space<hbm>>
        tpu.enqueue_dma source(%dma_start3A_156 : memref<256xf32, #tpu.memory_space<hbm>>) target(%arg9 : memref<256xf32, #tpu.memory_space<vmem>>) target_semaphore(%arg20 : memref<!tpu.dma_semaphore, #tpu.memory_space<semaphore_mem>>)
        %mul3A_157 = arith.constant 64 : i32
        %mul3A_158 = arith.muli %add3A_149, %mul3A_157 : i32
        %add3A_159 = arith.addi %mul3A_4, %mul3A_158 : i32
        %mul3A_160 = arith.constant 2 : i32
        %mul3A_161 = arith.muli %add3A_159, %mul3A_160 : i32
        %dma_start3A_162 = tpu.memref_slice %arg3[%mul3A_161] : memref<327680xi32, #tpu.memory_space<hbm>> -> memref<128xi32, #tpu.memory_space<hbm>>
        %dma_start3A_163 = tpu.memref_slice %arg3[%mul3A_161] : memref<327680xi32, #tpu.memory_space<hbm>> -> memref<128xi32, #tpu.memory_space<hbm>>
        tpu.enqueue_dma source(%dma_start3A_163 : memref<128xi32, #tpu.memory_space<hbm>>) target(%arg11 : memref<128xi32, #tpu.memory_space<vmem>>) target_semaphore(%arg20 : memref<!tpu.dma_semaphore, #tpu.memory_space<semaphore_mem>>)
        %mul3A_164 = arith.constant 64 : i32
        %mul3A_165 = arith.muli %add3A_149, %mul3A_164 : i32
        %add3A_166 = arith.addi %mul3A_4, %mul3A_165 : i32
        %dma_start3A_167 = tpu.memref_slice %arg5[%add3A_166] : memref<163840xi32, #tpu.memory_space<hbm>> -> memref<64xi32, #tpu.memory_space<hbm>>
        %dma_start3A_168 = tpu.memref_slice %arg5[%add3A_166] : memref<163840xi32, #tpu.memory_space<hbm>> -> memref<64xi32, #tpu.memory_space<hbm>>
        tpu.enqueue_dma source(%dma_start3A_168 : memref<64xi32, #tpu.memory_space<hbm>>) target(%arg13 : memref<64xi32, #tpu.memory_space<vmem>>) target_semaphore(%arg20 : memref<!tpu.dma_semaphore, #tpu.memory_space<semaphore_mem>>)
      } else {
      }
      %mul3A_112 = arith.constant 2 : i32
      %mul3A_113 = arith.muli %scan3A_76, %mul3A_112 : i32
      %add3A_114 = arith.constant 1 : i32
      %add3A_115 = arith.addi %mul3A_113, %add3A_114 : i32
      %add3A_116 = arith.constant 1 : i32
      %add3A_117 = arith.addi %add3A_115, %add3A_116 : i32
      %lt3A_118 = arith.constant 80 : i32
      %lt3A_119 = arith.cmpi slt, %add3A_117, %lt3A_118 : i32
      %convert_element_type3A_120 = arith.extui %lt3A_119 : i1 to i32
      %cond3A_121 = arith.constant 0 : i32
      %cond3A_122 = arith.cmpi ne, %convert_element_type3A_120, %cond3A_121 : i32
      scf.if %cond3A_122 {
        %add3A_148 = arith.constant 1 : i32
        %add3A_149 = arith.addi %add3A_115, %add3A_148 : i32
        %mul3A_150 = arith.constant 64 : i32
        %mul3A_151 = arith.muli %add3A_149, %mul3A_150 : i32
        %add3A_152 = arith.addi %mul3A_4, %mul3A_151 : i32
        %mul3A_153 = arith.constant 4 : i32
        %mul3A_154 = arith.muli %add3A_152, %mul3A_153 : i32
        %dma_wait3A_155 = tpu.memref_slice %arg4[%mul3A_154] : memref<655360xf32, #tpu.memory_space<hbm>> -> memref<256xf32, #tpu.memory_space<hbm>>
        %dma_wait3A_156 = tpu.memref_slice %arg4[%mul3A_154] : memref<655360xf32, #tpu.memory_space<hbm>> -> memref<256xf32, #tpu.memory_space<hbm>>
        tpu.wait_dma2 semaphore(%arg20 : memref<!tpu.dma_semaphore, #tpu.memory_space<semaphore_mem>>) src(%dma_wait3A_156 : memref<256xf32, #tpu.memory_space<hbm>>) dst(%arg9 : memref<256xf32, #tpu.memory_space<vmem>>)
        %mul3A_157 = arith.constant 64 : i32
        %mul3A_158 = arith.muli %add3A_149, %mul3A_157 : i32
        %add3A_159 = arith.addi %mul3A_4, %mul3A_158 : i32
        %mul3A_160 = arith.constant 2 : i32
        %mul3A_161 = arith.muli %add3A_159, %mul3A_160 : i32
        %dma_wait3A_162 = tpu.memref_slice %arg3[%mul3A_161] : memref<327680xi32, #tpu.memory_space<hbm>> -> memref<128xi32, #tpu.memory_space<hbm>>
        %dma_wait3A_163 = tpu.memref_slice %arg3[%mul3A_161] : memref<327680xi32, #tpu.memory_space<hbm>> -> memref<128xi32, #tpu.memory_space<hbm>>
        tpu.wait_dma2 semaphore(%arg20 : memref<!tpu.dma_semaphore, #tpu.memory_space<semaphore_mem>>) src(%dma_wait3A_163 : memref<128xi32, #tpu.memory_space<hbm>>) dst(%arg11 : memref<128xi32, #tpu.memory_space<vmem>>)
        %mul3A_164 = arith.constant 64 : i32
        %mul3A_165 = arith.muli %add3A_149, %mul3A_164 : i32
        %add3A_166 = arith.addi %mul3A_4, %mul3A_165 : i32
        %dma_wait3A_167 = tpu.memref_slice %arg5[%add3A_166] : memref<163840xi32, #tpu.memory_space<hbm>> -> memref<64xi32, #tpu.memory_space<hbm>>
        %dma_wait3A_168 = tpu.memref_slice %arg5[%add3A_166] : memref<163840xi32, #tpu.memory_space<hbm>> -> memref<64xi32, #tpu.memory_space<hbm>>
        tpu.wait_dma2 semaphore(%arg20 : memref<!tpu.dma_semaphore, #tpu.memory_space<semaphore_mem>>) src(%dma_wait3A_168 : memref<64xi32, #tpu.memory_space<hbm>>) dst(%arg13 : memref<64xi32, #tpu.memory_space<vmem>>)
        %dma_start3A_169 = arith.constant 0 : i32
        %dma_start3A_170 = tpu.memref_slice %arg11[%dma_start3A_169] : memref<128xi32, #tpu.memory_space<vmem>> -> memref<64xi32, #tpu.memory_space<vmem>>
        %dma_start3A_171 = arith.constant 0 : i32
        %dma_start3A_172 = arith.constant 0 : i32
        %dma_start3A_173 = tpu.memref_slice %arg2[%dma_start3A_171, %dma_start3A_172] : memref<250000x128xi32, #tpu.memory_space<hbm>> -> memref<250000x128xi32, #tpu.memory_space<hbm>>
        tpu.enqueue_indirect_dma source(%dma_start3A_173 : memref<250000x128xi32, #tpu.memory_space<hbm>>) target(%arg15 : memref<64x128xi32, #tpu.memory_space<vmem>>) offsets(%dma_start3A_170 : memref<64xi32, #tpu.memory_space<vmem>>) semaphore(%arg22 : memref<!tpu.dma_semaphore, #tpu.memory_space<semaphore_mem>>)
        %dma_start3A_174 = arith.constant 64 : i32
        %dma_start3A_175 = tpu.memref_slice %arg11[%dma_start3A_174] : memref<128xi32, #tpu.memory_space<vmem>> -> memref<64xi32, #tpu.memory_space<vmem>>
        %dma_start3A_176 = arith.constant 0 : i32
        %dma_start3A_177 = arith.constant 0 : i32
        %dma_start3A_178 = tpu.memref_slice %arg2[%dma_start3A_176, %dma_start3A_177] : memref<250000x128xi32, #tpu.memory_space<hbm>> -> memref<250000x128xi32, #tpu.memory_space<hbm>>
        tpu.enqueue_indirect_dma source(%dma_start3A_178 : memref<250000x128xi32, #tpu.memory_space<hbm>>) target(%arg16 : memref<64x128xi32, #tpu.memory_space<vmem>>) offsets(%dma_start3A_175 : memref<64xi32, #tpu.memory_space<vmem>>) semaphore(%arg22 : memref<!tpu.dma_semaphore, #tpu.memory_space<semaphore_mem>>)
      } else {
      }
      %dma_wait3A_123 = arith.constant 0 : i32
      %dma_wait3A_124 = tpu.memref_slice %arg12[%dma_wait3A_123] : memref<128xi32, #tpu.memory_space<vmem>> -> memref<64xi32, #tpu.memory_space<vmem>>
      %dma_wait3A_125 = arith.constant 0 : i32
      %dma_wait3A_126 = arith.constant 0 : i32
      %dma_wait3A_127 = tpu.memref_slice %arg2[%dma_wait3A_125, %dma_wait3A_126] : memref<250000x128xi32, #tpu.memory_space<hbm>> -> memref<250000x128xi32, #tpu.memory_space<hbm>>
      tpu.wait_indirect_dma semaphore(%arg23 : memref<!tpu.dma_semaphore, #tpu.memory_space<semaphore_mem>>) src(%dma_wait3A_127 : memref<250000x128xi32, #tpu.memory_space<hbm>>) dst(%arg17 : memref<64x128xi32, #tpu.memory_space<vmem>>)
      %dma_wait3A_128 = arith.constant 64 : i32
      %dma_wait3A_129 = tpu.memref_slice %arg12[%dma_wait3A_128] : memref<128xi32, #tpu.memory_space<vmem>> -> memref<64xi32, #tpu.memory_space<vmem>>
      %dma_wait3A_130 = arith.constant 0 : i32
      %dma_wait3A_131 = arith.constant 0 : i32
      %dma_wait3A_132 = tpu.memref_slice %arg2[%dma_wait3A_130, %dma_wait3A_131] : memref<250000x128xi32, #tpu.memory_space<hbm>> -> memref<250000x128xi32, #tpu.memory_space<hbm>>
      tpu.wait_indirect_dma semaphore(%arg23 : memref<!tpu.dma_semaphore, #tpu.memory_space<semaphore_mem>>) src(%dma_wait3A_132 : memref<250000x128xi32, #tpu.memory_space<hbm>>) dst(%arg18 : memref<64x128xi32, #tpu.memory_space<vmem>>)
      %scan3A_133 = arith.constant 0 : i32
      %scan3A_134 = arith.constant 0 : i32
      %scan3A_135 = arith.constant 4 : i32
      %scan3A_136 = arith.addi %scan3A_134, %scan3A_135 : i32
      %scan3A_137 = arith.constant 1 : i32
      %scan3A_138 = scf.for %scan3A_148 = %scan3A_134 to %scan3A_136 step %scan3A_137 iter_args(%scan3A_149 = %scan3A_133) -> (i32)  : i32 {
        %mul3A_150 = arith.constant 16 : i32
        %mul3A_151 = arith.muli %scan3A_148, %mul3A_150 : i32
        %add3A_152 = arith.constant 0 : i32
        %add3A_153 = arith.addi %add3A_152, %mul3A_151 : i32
        %get3A = arith.index_cast %add3A_153 : i32 to index
        %get3A_154 = tpu.vector_load %arg10[%get3A] {strides = array<i32>} : memref<256xf32, #tpu.memory_space<vmem>>, vector<16xf32>,
        %mul3A_155 = arith.constant 16 : i32
        %mul3A_156 = arith.muli %scan3A_148, %mul3A_155 : i32
        %add3A_157 = arith.constant 64 : i32
        %add3A_158 = arith.addi %add3A_157, %mul3A_156 : i32
        %get3A_159 = arith.index_cast %add3A_158 : i32 to index
        %get3A_160 = tpu.vector_load %arg10[%get3A_159] {strides = array<i32>} : memref<256xf32, #tpu.memory_space<vmem>>, vector<16xf32>,
        %mul3A_161 = arith.constant 16 : i32
        %mul3A_162 = arith.muli %scan3A_148, %mul3A_161 : i32
        %add3A_163 = arith.constant 128 : i32
        %add3A_164 = arith.addi %add3A_163, %mul3A_162 : i32
        %get3A_165 = arith.index_cast %add3A_164 : i32 to index
        %get3A_166 = tpu.vector_load %arg10[%get3A_165] {strides = array<i32>} : memref<256xf32, #tpu.memory_space<vmem>>, vector<16xf32>,
        %mul3A_167 = arith.constant 16 : i32
        %mul3A_168 = arith.muli %scan3A_148, %mul3A_167 : i32
        %add3A_169 = arith.constant 192 : i32
        %add3A_170 = arith.addi %add3A_169, %mul3A_168 : i32
        %get3A_171 = arith.index_cast %add3A_170 : i32 to index
        %get3A_172 = tpu.vector_load %arg10[%get3A_171] {strides = array<i32>} : memref<256xf32, #tpu.memory_space<vmem>>, vector<16xf32>,
        %scan3A_173 = arith.constant 0 : i32
        %scan3A_174 = arith.constant 0 : i32
        %scan3A_175 = arith.constant 16 : i32
        %scan3A_176 = arith.addi %scan3A_174, %scan3A_175 : i32
        %scan3A_177 = arith.constant 1 : i32
        %scan3A_178 = scf.for %scan3A_181 = %scan3A_174 to %scan3A_176 step %scan3A_177 iter_args(%scan3A_182 = %scan3A_173) -> (i32)  : i32 {
          %mul3A_183 = arith.constant 16 : i32
          %mul3A_184 = arith.muli %scan3A_148, %mul3A_183 : i32
          %add3A_185 = arith.addi %mul3A_184, %scan3A_181 : i32
          %broadcast_in_dim3A_186 = vector.broadcast %scan3A_181 : i32 to vector<16xi32>
          %broadcast_in_dim3A_187 = vector.shape_cast %broadcast_in_dim3A_186 : vector<16xi32> to vector<16x1xi32>
          %gather3A = vector.shape_cast %broadcast_in_dim3A_187 : vector<16x1xi32> to vector<16xi32>
          %gather3A_188 = tpu.dynamic_gather %get3A_154[%gather3A] in [0] : vector<16xf32>, vector<16xi32> -> vector<16xf32>
          %broadcast_in_dim3A_189 = vector.broadcast %scan3A_181 : i32 to vector<16xi32>
          %broadcast_in_dim3A_190 = vector.shape_cast %broadcast_in_dim3A_189 : vector<16xi32> to vector<16x1xi32>
          %gather3A_191 = vector.shape_cast %broadcast_in_dim3A_190 : vector<16x1xi32> to vector<16xi32>
          %gather3A_192 = tpu.dynamic_gather %get3A_160[%gather3A_191] in [0] : vector<16xf32>, vector<16xi32> -> vector<16xf32>
          %broadcast_in_dim3A_193 = vector.broadcast %scan3A_181 : i32 to vector<16xi32>
          %broadcast_in_dim3A_194 = vector.shape_cast %broadcast_in_dim3A_193 : vector<16xi32> to vector<16x1xi32>
          %gather3A_195 = vector.shape_cast %broadcast_in_dim3A_194 : vector<16x1xi32> to vector<16xi32>
          %gather3A_196 = tpu.dynamic_gather %get3A_166[%gather3A_195] in [0] : vector<16xf32>, vector<16xi32> -> vector<16xf32>
          %broadcast_in_dim3A_197 = vector.broadcast %scan3A_181 : i32 to vector<16xi32>
          %broadcast_in_dim3A_198 = vector.shape_cast %broadcast_in_dim3A_197 : vector<16xi32> to vector<16x1xi32>
          %gather3A_199 = vector.shape_cast %broadcast_in_dim3A_198 : vector<16x1xi32> to vector<16xi32>
          %gather3A_200 = tpu.dynamic_gather %get3A_172[%gather3A_199] in [0] : vector<16xf32>, vector<16xi32> -> vector<16xf32>
          %get3A_201 = arith.index_cast %add3A_185 : i32 to index
          %get3A_202 = arith.constant 0 : index
          %get3A_203 = tpu.vector_load %arg17[%get3A_201, %get3A_202] {strides = array<i32>} : memref<64x128xi32, #tpu.memory_space<vmem>>, vector<16xi32>,
          %get3A_204 = arith.index_cast %add3A_185 : i32 to index
          %get3A_205 = arith.constant 0 : index
          %get3A_206 = tpu.vector_load %arg18[%get3A_204, %get3A_205] {strides = array<i32>} : memref<64x128xi32, #tpu.memory_space<vmem>>, vector<16xi32>,
          %shift_left3A = arith.constant 16 : i32
          %shift_left3A_207 = vector.broadcast %shift_left3A : i32 to vector<16xi32>
          %shift_left3A_208 = arith.shli %get3A_203, %shift_left3A_207 : vector<16xi32>
          %bitcast3A = vector.bitcast %shift_left3A_208 : vector<16xi32> to vector<16xf32>
          %mul3A_209 = arith.mulf %bitcast3A, %gather3A_188 : vector<16xf32>
          %and3A = arith.andi %get3A_203, %broadcast_in_dim3A_7 : vector<16xi32>
          %bitcast3A_210 = vector.bitcast %and3A : vector<16xi32> to vector<16xf32>
          %mul3A_211 = arith.mulf %bitcast3A_210, %gather3A_192 : vector<16xf32>
          %add3A_212 = arith.addf %mul3A_209, %mul3A_211 : vector<16xf32>
          %shift_left3A_213 = arith.constant 16 : i32
          %shift_left3A_214 = vector.broadcast %shift_left3A_213 : i32 to vector<16xi32>
          %shift_left3A_215 = arith.shli %get3A_206, %shift_left3A_214 : vector<16xi32>
          %bitcast3A_216 = vector.bitcast %shift_left3A_215 : vector<16xi32> to vector<16xf32>
          %mul3A_217 = arith.mulf %bitcast3A_216, %gather3A_196 : vector<16xf32>
          %add3A_218 = arith.addf %add3A_212, %mul3A_217 : vector<16xf32>
          %and3A_219 = arith.andi %get3A_206, %broadcast_in_dim3A_7 : vector<16xi32>
          %bitcast3A_220 = vector.bitcast %and3A_219 : vector<16xi32> to vector<16xf32>
          %mul3A_221 = arith.mulf %bitcast3A_220, %gather3A_200 : vector<16xf32>
          %add3A_222 = arith.addf %add3A_218, %mul3A_221 : vector<16xf32>
          %swap3A = arith.index_cast %add3A_185 : i32 to index
          %swap3A_223 = arith.constant 0 : index
          %swap3A_224 = tpu.vector_load %arg19[%swap3A, %swap3A_223] {strides = array<i32>} : memref<64x128xf32, #tpu.memory_space<vmem>>, vector<16xf32>,
          tpu.vector_store %arg19[%swap3A, %swap3A_223], %add3A_222 {strides = array<i32>} : memref<64x128xf32, #tpu.memory_space<vmem>>, vector<16xf32>,
          %get3A_225 = arith.index_cast %add3A_185 : i32 to index
          %get3A_226 = arith.constant 16 : index
          %get3A_227 = tpu.vector_load %arg17[%get3A_225, %get3A_226] {strides = array<i32>} : memref<64x128xi32, #tpu.memory_space<vmem>>, vector<16xi32>,
          %get3A_228 = arith.index_cast %add3A_185 : i32 to index
          %get3A_229 = arith.constant 16 : index
          %get3A_230 = tpu.vector_load %arg18[%get3A_228, %get3A_229] {strides = array<i32>} : memref<64x128xi32, #tpu.memory_space<vmem>>, vector<16xi32>,
          %shift_left3A_231 = arith.constant 16 : i32
          %shift_left3A_232 = vector.broadcast %shift_left3A_231 : i32 to vector<16xi32>
          %shift_left3A_233 = arith.shli %get3A_227, %shift_left3A_232 : vector<16xi32>
          %bitcast3A_234 = vector.bitcast %shift_left3A_233 : vector<16xi32> to vector<16xf32>
          %mul3A_235 = arith.mulf %bitcast3A_234, %gather3A_188 : vector<16xf32>
          %and3A_236 = arith.andi %get3A_227, %broadcast_in_dim3A_7 : vector<16xi32>
          %bitcast3A_237 = vector.bitcast %and3A_236 : vector<16xi32> to vector<16xf32>
          %mul3A_238 = arith.mulf %bitcast3A_237, %gather3A_192 : vector<16xf32>
          %add3A_239 = arith.addf %mul3A_235, %mul3A_238 : vector<16xf32>
          %shift_left3A_240 = arith.constant 16 : i32
          %shift_left3A_241 = vector.broadcast %shift_left3A_240 : i32 to vector<16xi32>
          %shift_left3A_242 = arith.shli %get3A_230, %shift_left3A_241 : vector<16xi32>
          %bitcast3A_243 = vector.bitcast %shift_left3A_242 : vector<16xi32> to vector<16xf32>
          %mul3A_244 = arith.mulf %bitcast3A_243, %gather3A_196 : vector<16xf32>
          %add3A_245 = arith.addf %add3A_239, %mul3A_244 : vector<16xf32>
          %and3A_246 = arith.andi %get3A_230, %broadcast_in_dim3A_7 : vector<16xi32>
          %bitcast3A_247 = vector.bitcast %and3A_246 : vector<16xi32> to vector<16xf32>
          %mul3A_248 = arith.mulf %bitcast3A_247, %gather3A_200 : vector<16xf32>
          %add3A_249 = arith.addf %add3A_245, %mul3A_248 : vector<16xf32>
          %swap3A_250 = arith.index_cast %add3A_185 : i32 to index
          %swap3A_251 = arith.constant 16 : index
          %swap3A_252 = tpu.vector_load %arg19[%swap3A_250, %swap3A_251] {strides = array<i32>} : memref<64x128xf32, #tpu.memory_space<vmem>>, vector<16xf32>,
          tpu.vector_store %arg19[%swap3A_250, %swap3A_251], %add3A_249 {strides = array<i32>} : memref<64x128xf32, #tpu.memory_space<vmem>>, vector<16xf32>,
          %get3A_253 = arith.index_cast %add3A_185 : i32 to index
          %get3A_254 = arith.constant 32 : index
          %get3A_255 = tpu.vector_load %arg17[%get3A_253, %get3A_254] {strides = array<i32>} : memref<64x128xi32, #tpu.memory_space<vmem>>, vector<16xi32>,
          %get3A_256 = arith.index_cast %add3A_185 : i32 to index
          %get3A_257 = arith.constant 32 : index
          %get3A_258 = tpu.vector_load %arg18[%get3A_256, %get3A_257] {strides = array<i32>} : memref<64x128xi32, #tpu.memory_space<vmem>>, vector<16xi32>,
          %shift_left3A_259 = arith.constant 16 : i32
          %shift_left3A_260 = vector.broadcast %shift_left3A_259 : i32 to vector<16xi32>
          %shift_left3A_261 = arith.shli %get3A_255, %shift_left3A_260 : vector<16xi32>
          %bitcast3A_262 = vector.bitcast %shift_left3A_261 : vector<16xi32> to vector<16xf32>
          %mul3A_263 = arith.mulf %bitcast3A_262, %gather3A_188 : vector<16xf32>
          %and3A_264 = arith.andi %get3A_255, %broadcast_in_dim3A_7 : vector<16xi32>
          %bitcast3A_265 = vector.bitcast %and3A_264 : vector<16xi32> to vector<16xf32>
          %mul3A_266 = arith.mulf %bitcast3A_265, %gather3A_192 : vector<16xf32>
          %add3A_267 = arith.addf %mul3A_263, %mul3A_266 : vector<16xf32>
          %shift_left3A_268 = arith.constant 16 : i32
          %shift_left3A_269 = vector.broadcast %shift_left3A_268 : i32 to vector<16xi32>
          %shift_left3A_270 = arith.shli %get3A_258, %shift_left3A_269 : vector<16xi32>
          %bitcast3A_271 = vector.bitcast %shift_left3A_270 : vector<16xi32> to vector<16xf32>
          %mul3A_272 = arith.mulf %bitcast3A_271, %gather3A_196 : vector<16xf32>
          %add3A_273 = arith.addf %add3A_267, %mul3A_272 : vector<16xf32>
          %and3A_274 = arith.andi %get3A_258, %broadcast_in_dim3A_7 : vector<16xi32>
          %bitcast3A_275 = vector.bitcast %and3A_274 : vector<16xi32> to vector<16xf32>
          %mul3A_276 = arith.mulf %bitcast3A_275, %gather3A_200 : vector<16xf32>
          %add3A_277 = arith.addf %add3A_273, %mul3A_276 : vector<16xf32>
          %swap3A_278 = arith.index_cast %add3A_185 : i32 to index
          %swap3A_279 = arith.constant 32 : index
          %swap3A_280 = tpu.vector_load %arg19[%swap3A_278, %swap3A_279] {strides = array<i32>} : memref<64x128xf32, #tpu.memory_space<vmem>>, vector<16xf32>,
          tpu.vector_store %arg19[%swap3A_278, %swap3A_279], %add3A_277 {strides = array<i32>} : memref<64x128xf32, #tpu.memory_space<vmem>>, vector<16xf32>,
          %get3A_281 = arith.index_cast %add3A_185 : i32 to index
          %get3A_282 = arith.constant 48 : index
          %get3A_283 = tpu.vector_load %arg17[%get3A_281, %get3A_282] {strides = array<i32>} : memref<64x128xi32, #tpu.memory_space<vmem>>, vector<16xi32>,
          %get3A_284 = arith.index_cast %add3A_185 : i32 to index
          %get3A_285 = arith.constant 48 : index
          %get3A_286 = tpu.vector_load %arg18[%get3A_284, %get3A_285] {strides = array<i32>} : memref<64x128xi32, #tpu.memory_space<vmem>>, vector<16xi32>,
          %shift_left3A_287 = arith.constant 16 : i32
          %shift_left3A_288 = vector.broadcast %shift_left3A_287 : i32 to vector<16xi32>
          %shift_left3A_289 = arith.shli %get3A_283, %shift_left3A_288 : vector<16xi32>
          %bitcast3A_290 = vector.bitcast %shift_left3A_289 : vector<16xi32> to vector<16xf32>
          %mul3A_291 = arith.mulf %bitcast3A_290, %gather3A_188 : vector<16xf32>
          %and3A_292 = arith.andi %get3A_283, %broadcast_in_dim3A_7 : vector<16xi32>
          %bitcast3A_293 = vector.bitcast %and3A_292 : vector<16xi32> to vector<16xf32>
          %mul3A_294 = arith.mulf %bitcast3A_293, %gather3A_192 : vector<16xf32>
          %add3A_295 = arith.addf %mul3A_291, %mul3A_294 : vector<16xf32>
          %shift_left3A_296 = arith.constant 16 : i32
          %shift_left3A_297 = vector.broadcast %shift_left3A_296 : i32 to vector<16xi32>
          %shift_left3A_298 = arith.shli %get3A_286, %shift_left3A_297 : vector<16xi32>
          %bitcast3A_299 = vector.bitcast %shift_left3A_298 : vector<16xi32> to vector<16xf32>
          %mul3A_300 = arith.mulf %bitcast3A_299, %gather3A_196 : vector<16xf32>
          %add3A_301 = arith.addf %add3A_295, %mul3A_300 : vector<16xf32>
          %and3A_302 = arith.andi %get3A_286, %broadcast_in_dim3A_7 : vector<16xi32>
          %bitcast3A_303 = vector.bitcast %and3A_302 : vector<16xi32> to vector<16xf32>
          %mul3A_304 = arith.mulf %bitcast3A_303, %gather3A_200 : vector<16xf32>
          %add3A_305 = arith.addf %add3A_301, %mul3A_304 : vector<16xf32>
          %swap3A_306 = arith.index_cast %add3A_185 : i32 to index
          %swap3A_307 = arith.constant 48 : index
          %swap3A_308 = tpu.vector_load %arg19[%swap3A_306, %swap3A_307] {strides = array<i32>} : memref<64x128xf32, #tpu.memory_space<vmem>>, vector<16xf32>,
          tpu.vector_store %arg19[%swap3A_306, %swap3A_307], %add3A_305 {strides = array<i32>} : memref<64x128xf32, #tpu.memory_space<vmem>>, vector<16xf32>,
          %get3A_309 = arith.index_cast %add3A_185 : i32 to index
          %get3A_310 = arith.constant 64 : index
          %get3A_311 = tpu.vector_load %arg17[%get3A_309, %get3A_310] {strides = array<i32>} : memref<64x128xi32, #tpu.memory_space<vmem>>, vector<16xi32>,
          %get3A_312 = arith.index_cast %add3A_185 : i32 to index
          %get3A_313 = arith.constant 64 : index
          %get3A_314 = tpu.vector_load %arg18[%get3A_312, %get3A_313] {strides = array<i32>} : memref<64x128xi32, #tpu.memory_space<vmem>>, vector<16xi32>,
          %shift_left3A_315 = arith.constant 16 : i32
          %shift_left3A_316 = vector.broadcast %shift_left3A_315 : i32 to vector<16xi32>
          %shift_left3A_317 = arith.shli %get3A_311, %shift_left3A_316 : vector<16xi32>
          %bitcast3A_318 = vector.bitcast %shift_left3A_317 : vector<16xi32> to vector<16xf32>
          %mul3A_319 = arith.mulf %bitcast3A_318, %gather3A_188 : vector<16xf32>
          %and3A_320 = arith.andi %get3A_311, %broadcast_in_dim3A_7 : vector<16xi32>
          %bitcast3A_321 = vector.bitcast %and3A_320 : vector<16xi32> to vector<16xf32>
          %mul3A_322 = arith.mulf %bitcast3A_321, %gather3A_192 : vector<16xf32>
          %add3A_323 = arith.addf %mul3A_319, %mul3A_322 : vector<16xf32>
          %shift_left3A_324 = arith.constant 16 : i32
          %shift_left3A_325 = vector.broadcast %shift_left3A_324 : i32 to vector<16xi32>
          %shift_left3A_326 = arith.shli %get3A_314, %shift_left3A_325 : vector<16xi32>
          %bitcast3A_327 = vector.bitcast %shift_left3A_326 : vector<16xi32> to vector<16xf32>
          %mul3A_328 = arith.mulf %bitcast3A_327, %gather3A_196 : vector<16xf32>
          %add3A_329 = arith.addf %add3A_323, %mul3A_328 : vector<16xf32>
          %and3A_330 = arith.andi %get3A_314, %broadcast_in_dim3A_7 : vector<16xi32>
          %bitcast3A_331 = vector.bitcast %and3A_330 : vector<16xi32> to vector<16xf32>
          %mul3A_332 = arith.mulf %bitcast3A_331, %gather3A_200 : vector<16xf32>
          %add3A_333 = arith.addf %add3A_329, %mul3A_332 : vector<16xf32>
          %swap3A_334 = arith.index_cast %add3A_185 : i32 to index
          %swap3A_335 = arith.constant 64 : index
          %swap3A_336 = tpu.vector_load %arg19[%swap3A_334, %swap3A_335] {strides = array<i32>} : memref<64x128xf32, #tpu.memory_space<vmem>>, vector<16xf32>,
          tpu.vector_store %arg19[%swap3A_334, %swap3A_335], %add3A_333 {strides = array<i32>} : memref<64x128xf32, #tpu.memory_space<vmem>>, vector<16xf32>,
          %get3A_337 = arith.index_cast %add3A_185 : i32 to index
          %get3A_338 = arith.constant 80 : index
          %get3A_339 = tpu.vector_load %arg17[%get3A_337, %get3A_338] {strides = array<i32>} : memref<64x128xi32, #tpu.memory_space<vmem>>, vector<16xi32>,
          %get3A_340 = arith.index_cast %add3A_185 : i32 to index
          %get3A_341 = arith.constant 80 : index
          %get3A_342 = tpu.vector_load %arg18[%get3A_340, %get3A_341] {strides = array<i32>} : memref<64x128xi32, #tpu.memory_space<vmem>>, vector<16xi32>,
          %shift_left3A_343 = arith.constant 16 : i32
          %shift_left3A_344 = vector.broadcast %shift_left3A_343 : i32 to vector<16xi32>
          %shift_left3A_345 = arith.shli %get3A_339, %shift_left3A_344 : vector<16xi32>
          %bitcast3A_346 = vector.bitcast %shift_left3A_345 : vector<16xi32> to vector<16xf32>
          %mul3A_347 = arith.mulf %bitcast3A_346, %gather3A_188 : vector<16xf32>
          %and3A_348 = arith.andi %get3A_339, %broadcast_in_dim3A_7 : vector<16xi32>
          %bitcast3A_349 = vector.bitcast %and3A_348 : vector<16xi32> to vector<16xf32>
          %mul3A_350 = arith.mulf %bitcast3A_349, %gather3A_192 : vector<16xf32>
          %add3A_351 = arith.addf %mul3A_347, %mul3A_350 : vector<16xf32>
          %shift_left3A_352 = arith.constant 16 : i32
          %shift_left3A_353 = vector.broadcast %shift_left3A_352 : i32 to vector<16xi32>
          %shift_left3A_354 = arith.shli %get3A_342, %shift_left3A_353 : vector<16xi32>
          %bitcast3A_355 = vector.bitcast %shift_left3A_354 : vector<16xi32> to vector<16xf32>
          %mul3A_356 = arith.mulf %bitcast3A_355, %gather3A_196 : vector<16xf32>
          %add3A_357 = arith.addf %add3A_351, %mul3A_356 : vector<16xf32>
          %and3A_358 = arith.andi %get3A_342, %broadcast_in_dim3A_7 : vector<16xi32>
          %bitcast3A_359 = vector.bitcast %and3A_358 : vector<16xi32> to vector<16xf32>
          %mul3A_360 = arith.mulf %bitcast3A_359, %gather3A_200 : vector<16xf32>
          %add3A_361 = arith.addf %add3A_357, %mul3A_360 : vector<16xf32>
          %swap3A_362 = arith.index_cast %add3A_185 : i32 to index
          %swap3A_363 = arith.constant 80 : index
          %swap3A_364 = tpu.vector_load %arg19[%swap3A_362, %swap3A_363] {strides = array<i32>} : memref<64x128xf32, #tpu.memory_space<vmem>>, vector<16xf32>,
          tpu.vector_store %arg19[%swap3A_362, %swap3A_363], %add3A_361 {strides = array<i32>} : memref<64x128xf32, #tpu.memory_space<vmem>>, vector<16xf32>,
          %get3A_365 = arith.index_cast %add3A_185 : i32 to index
          %get3A_366 = arith.constant 96 : index
          %get3A_367 = tpu.vector_load %arg17[%get3A_365, %get3A_366] {strides = array<i32>} : memref<64x128xi32, #tpu.memory_space<vmem>>, vector<16xi32>,
          %get3A_368 = arith.index_cast %add3A_185 : i32 to index
          %get3A_369 = arith.constant 96 : index
          %get3A_370 = tpu.vector_load %arg18[%get3A_368, %get3A_369] {strides = array<i32>} : memref<64x128xi32, #tpu.memory_space<vmem>>, vector<16xi32>,
          %shift_left3A_371 = arith.constant 16 : i32
          %shift_left3A_372 = vector.broadcast %shift_left3A_371 : i32 to vector<16xi32>
          %shift_left3A_373 = arith.shli %get3A_367, %shift_left3A_372 : vector<16xi32>
          %bitcast3A_374 = vector.bitcast %shift_left3A_373 : vector<16xi32> to vector<16xf32>
          %mul3A_375 = arith.mulf %bitcast3A_374, %gather3A_188 : vector<16xf32>
          %and3A_376 = arith.andi %get3A_367, %broadcast_in_dim3A_7 : vector<16xi32>
          %bitcast3A_377 = vector.bitcast %and3A_376 : vector<16xi32> to vector<16xf32>
          %mul3A_378 = arith.mulf %bitcast3A_377, %gather3A_192 : vector<16xf32>
          %add3A_379 = arith.addf %mul3A_375, %mul3A_378 : vector<16xf32>
          %shift_left3A_380 = arith.constant 16 : i32
          %shift_left3A_381 = vector.broadcast %shift_left3A_380 : i32 to vector<16xi32>
          %shift_left3A_382 = arith.shli %get3A_370, %shift_left3A_381 : vector<16xi32>
          %bitcast3A_383 = vector.bitcast %shift_left3A_382 : vector<16xi32> to vector<16xf32>
          %mul3A_384 = arith.mulf %bitcast3A_383, %gather3A_196 : vector<16xf32>
          %add3A_385 = arith.addf %add3A_379, %mul3A_384 : vector<16xf32>
          %and3A_386 = arith.andi %get3A_370, %broadcast_in_dim3A_7 : vector<16xi32>
          %bitcast3A_387 = vector.bitcast %and3A_386 : vector<16xi32> to vector<16xf32>
          %mul3A_388 = arith.mulf %bitcast3A_387, %gather3A_200 : vector<16xf32>
          %add3A_389 = arith.addf %add3A_385, %mul3A_388 : vector<16xf32>
          %swap3A_390 = arith.index_cast %add3A_185 : i32 to index
          %swap3A_391 = arith.constant 96 : index
          %swap3A_392 = tpu.vector_load %arg19[%swap3A_390, %swap3A_391] {strides = array<i32>} : memref<64x128xf32, #tpu.memory_space<vmem>>, vector<16xf32>,
          tpu.vector_store %arg19[%swap3A_390, %swap3A_391], %add3A_389 {strides = array<i32>} : memref<64x128xf32, #tpu.memory_space<vmem>>, vector<16xf32>,
          %get3A_393 = arith.index_cast %add3A_185 : i32 to index
          %get3A_394 = arith.constant 112 : index
          %get3A_395 = tpu.vector_load %arg17[%get3A_393, %get3A_394] {strides = array<i32>} : memref<64x128xi32, #tpu.memory_space<vmem>>, vector<16xi32>,
          %get3A_396 = arith.index_cast %add3A_185 : i32 to index
          %get3A_397 = arith.constant 112 : index
          %get3A_398 = tpu.vector_load %arg18[%get3A_396, %get3A_397] {strides = array<i32>} : memref<64x128xi32, #tpu.memory_space<vmem>>, vector<16xi32>,
          %shift_left3A_399 = arith.constant 16 : i32
          %shift_left3A_400 = vector.broadcast %shift_left3A_399 : i32 to vector<16xi32>
          %shift_left3A_401 = arith.shli %get3A_395, %shift_left3A_400 : vector<16xi32>
          %bitcast3A_402 = vector.bitcast %shift_left3A_401 : vector<16xi32> to vector<16xf32>
          %mul3A_403 = arith.mulf %bitcast3A_402, %gather3A_188 : vector<16xf32>
          %and3A_404 = arith.andi %get3A_395, %broadcast_in_dim3A_7 : vector<16xi32>
          %bitcast3A_405 = vector.bitcast %and3A_404 : vector<16xi32> to vector<16xf32>
          %mul3A_406 = arith.mulf %bitcast3A_405, %gather3A_192 : vector<16xf32>
          %add3A_407 = arith.addf %mul3A_403, %mul3A_406 : vector<16xf32>
          %shift_left3A_408 = arith.constant 16 : i32
          %shift_left3A_409 = vector.broadcast %shift_left3A_408 : i32 to vector<16xi32>
          %shift_left3A_410 = arith.shli %get3A_398, %shift_left3A_409 : vector<16xi32>
          %bitcast3A_411 = vector.bitcast %shift_left3A_410 : vector<16xi32> to vector<16xf32>
          %mul3A_412 = arith.mulf %bitcast3A_411, %gather3A_196 : vector<16xf32>
          %add3A_413 = arith.addf %add3A_407, %mul3A_412 : vector<16xf32>
          %and3A_414 = arith.andi %get3A_398, %broadcast_in_dim3A_7 : vector<16xi32>
          %bitcast3A_415 = vector.bitcast %and3A_414 : vector<16xi32> to vector<16xf32>
          %mul3A_416 = arith.mulf %bitcast3A_415, %gather3A_200 : vector<16xf32>
          %add3A_417 = arith.addf %add3A_413, %mul3A_416 : vector<16xf32>
          %swap3A_418 = arith.index_cast %add3A_185 : i32 to index
          %swap3A_419 = arith.constant 112 : index
          %swap3A_420 = tpu.vector_load %arg19[%swap3A_418, %swap3A_419] {strides = array<i32>} : memref<64x128xf32, #tpu.memory_space<vmem>>, vector<16xf32>,
          tpu.vector_store %arg19[%swap3A_418, %swap3A_419], %add3A_417 {strides = array<i32>} : memref<64x128xf32, #tpu.memory_space<vmem>>, vector<16xf32>,
          %scan3A_421 = arith.constant 0 : i32
          scf.yield %scan3A_421 : i32
        }
        %scan3A_179 = arith.constant 16 : i32
        %scan3A_180 = arith.constant 0 : i32
        scf.yield %scan3A_180 : i32
      }
      %scan3A_139 = arith.constant 4 : i32
      "tpu.region"() ({
        %run_scoped3A = tpu.sem_alloc : memref<!tpu.dma_semaphore, #tpu.memory_space<semaphore_mem>>
        %dma_start3A_148 = arith.constant 0 : i32
        %dma_start3A_149 = arith.constant 0 : i32
        %dma_start3A_150 = tpu.memref_slice %arg8[%dma_start3A_148, %dma_start3A_149] : memref<10000x128xf32, #tpu.memory_space<vmem_shared>> -> memref<10000x128xf32, #tpu.memory_space<vmem_shared>>
        tpu.enqueue_indirect_dma source(%arg19 : memref<64x128xf32, #tpu.memory_space<vmem>>) target(%dma_start3A_150 : memref<10000x128xf32, #tpu.memory_space<vmem_shared>>) offsets(%arg14 : memref<64xi32, #tpu.memory_space<vmem>>) semaphore(%run_scoped3A : memref<!tpu.dma_semaphore, #tpu.memory_space<semaphore_mem>>) {add = true}
        %dma_wait3A_151 = arith.constant 0 : i32
        %dma_wait3A_152 = arith.constant 0 : i32
        %dma_wait3A_153 = tpu.memref_slice %arg8[%dma_wait3A_151, %dma_wait3A_152] : memref<10000x128xf32, #tpu.memory_space<vmem_shared>> -> memref<10000x128xf32, #tpu.memory_space<vmem_shared>>
        tpu.wait_indirect_dma semaphore(%run_scoped3A : memref<!tpu.dma_semaphore, #tpu.memory_space<semaphore_mem>>) src(%arg19 : memref<64x128xf32, #tpu.memory_space<vmem>>) dst(%dma_wait3A_153 : memref<10000x128xf32, #tpu.memory_space<vmem_shared>>)
        tpu.yield
      }) : () -> ()
      %add3A_140 = arith.constant 2 : i32
      %add3A_141 = arith.addi %add3A_115, %add3A_140 : i32
      %lt3A_142 = arith.constant 80 : i32
      %lt3A_143 = arith.cmpi slt, %add3A_141, %lt3A_142 : i32
      %convert_element_type3A_144 = arith.extui %lt3A_143 : i1 to i32
      %cond3A_145 = arith.constant 0 : i32
      %cond3A_146 = arith.cmpi ne, %convert_element_type3A_144, %cond3A_145 : i32
      scf.if %cond3A_146 {
        %add3A_148 = arith.constant 2 : i32
        %add3A_149 = arith.addi %add3A_115, %add3A_148 : i32
        %mul3A_150 = arith.constant 64 : i32
        %mul3A_151 = arith.muli %add3A_149, %mul3A_150 : i32
        %add3A_152 = arith.addi %mul3A_4, %mul3A_151 : i32
        %mul3A_153 = arith.constant 4 : i32
        %mul3A_154 = arith.muli %add3A_152, %mul3A_153 : i32
        %dma_start3A_155 = tpu.memref_slice %arg4[%mul3A_154] : memref<655360xf32, #tpu.memory_space<hbm>> -> memref<256xf32, #tpu.memory_space<hbm>>
        %dma_start3A_156 = tpu.memref_slice %arg4[%mul3A_154] : memref<655360xf32, #tpu.memory_space<hbm>> -> memref<256xf32, #tpu.memory_space<hbm>>
        tpu.enqueue_dma source(%dma_start3A_156 : memref<256xf32, #tpu.memory_space<hbm>>) target(%arg10 : memref<256xf32, #tpu.memory_space<vmem>>) target_semaphore(%arg21 : memref<!tpu.dma_semaphore, #tpu.memory_space<semaphore_mem>>)
        %mul3A_157 = arith.constant 64 : i32
        %mul3A_158 = arith.muli %add3A_149, %mul3A_157 : i32
        %add3A_159 = arith.addi %mul3A_4, %mul3A_158 : i32
        %mul3A_160 = arith.constant 2 : i32
        %mul3A_161 = arith.muli %add3A_159, %mul3A_160 : i32
        %dma_start3A_162 = tpu.memref_slice %arg3[%mul3A_161] : memref<327680xi32, #tpu.memory_space<hbm>> -> memref<128xi32, #tpu.memory_space<hbm>>
        %dma_start3A_163 = tpu.memref_slice %arg3[%mul3A_161] : memref<327680xi32, #tpu.memory_space<hbm>> -> memref<128xi32, #tpu.memory_space<hbm>>
        tpu.enqueue_dma source(%dma_start3A_163 : memref<128xi32, #tpu.memory_space<hbm>>) target(%arg12 : memref<128xi32, #tpu.memory_space<vmem>>) target_semaphore(%arg21 : memref<!tpu.dma_semaphore, #tpu.memory_space<semaphore_mem>>)
        %mul3A_164 = arith.constant 64 : i32
        %mul3A_165 = arith.muli %add3A_149, %mul3A_164 : i32
        %add3A_166 = arith.addi %mul3A_4, %mul3A_165 : i32
        %dma_start3A_167 = tpu.memref_slice %arg5[%add3A_166] : memref<163840xi32, #tpu.memory_space<hbm>> -> memref<64xi32, #tpu.memory_space<hbm>>
        %dma_start3A_168 = tpu.memref_slice %arg5[%add3A_166] : memref<163840xi32, #tpu.memory_space<hbm>> -> memref<64xi32, #tpu.memory_space<hbm>>
        tpu.enqueue_dma source(%dma_start3A_168 : memref<64xi32, #tpu.memory_space<hbm>>) target(%arg14 : memref<64xi32, #tpu.memory_space<vmem>>) target_semaphore(%arg21 : memref<!tpu.dma_semaphore, #tpu.memory_space<semaphore_mem>>)
      } else {
      }
      %scan3A_147 = arith.constant 0 : i32
      scf.yield %scan3A_147 : i32
    }
    %scan3A_69 = arith.constant 40 : i32
    %barrier3A_70 = arith.constant 0 : index
    tpu.barrier barrier_id(%barrier3A_70)
    "tpu.region"() ({
      %run_scoped3A = tpu.sem_alloc : memref<!tpu.dma_semaphore, #tpu.memory_space<semaphore_mem>>
      %dma_start3A_76 = arith.constant 0 : i32
      %dma_start3A_77 = tpu.memref_slice %arg7[%arg0, %mul3A_2, %dma_start3A_76] : memref<2x10000x128xf32, #tpu.memory_space<hbm>> -> memref<1x624x128xf32, #tpu.memory_space<hbm>>
      %dma_start3A_78 = tpu.memref_squeeze %dma_start3A_77 : memref<1x624x128xf32, #tpu.memory_space<hbm>> -> memref<624x128xf32, #tpu.memory_space<hbm>>
      %dma_start3A_79 = arith.constant 0 : i32
      %dma_start3A_80 = tpu.memref_slice %arg8[%mul3A_2, %dma_start3A_79] : memref<10000x128xf32, #tpu.memory_space<vmem_shared>> -> memref<624x128xf32, #tpu.memory_space<vmem_shared>>
      tpu.enqueue_dma source(%dma_start3A_80 : memref<624x128xf32, #tpu.memory_space<vmem_shared>>) target(%dma_start3A_78 : memref<624x128xf32, #tpu.memory_space<hbm>>) target_semaphore(%run_scoped3A : memref<!tpu.dma_semaphore, #tpu.memory_space<semaphore_mem>>)
      %dma_wait3A_81 = arith.constant 0 : i32
      %dma_wait3A_82 = tpu.memref_slice %arg7[%arg0, %mul3A_2, %dma_wait3A_81] : memref<2x10000x128xf32, #tpu.memory_space<hbm>> -> memref<1x624x128xf32, #tpu.memory_space<hbm>>
      %dma_wait3A_83 = tpu.memref_squeeze %dma_wait3A_82 : memref<1x624x128xf32, #tpu.memory_space<hbm>> -> memref<624x128xf32, #tpu.memory_space<hbm>>
      %dma_wait3A_84 = arith.constant 0 : i32
      %dma_wait3A_85 = tpu.memref_slice %arg8[%mul3A_2, %dma_wait3A_84] : memref<10000x128xf32, #tpu.memory_space<vmem_shared>> -> memref<624x128xf32, #tpu.memory_space<vmem_shared>>
      tpu.wait_dma2 semaphore(%run_scoped3A : memref<!tpu.dma_semaphore, #tpu.memory_space<semaphore_mem>>) src(%dma_wait3A_85 : memref<624x128xf32, #tpu.memory_space<vmem_shared>>) dst(%dma_wait3A_83 : memref<624x128xf32, #tpu.memory_space<hbm>>)
      tpu.yield
    }) : () -> ()
    %eq3A_71 = arith.constant 15 : i32
    %eq3A_72 = arith.cmpi eq, %arg1, %eq3A_71 : i32
    %convert_element_type3A_73 = arith.extui %eq3A_72 : i1 to i32
    %cond3A_74 = arith.constant 0 : i32
    %cond3A_75 = arith.cmpi ne, %convert_element_type3A_73, %cond3A_74 : i32
    scf.if %cond3A_75 {
      "tpu.region"() ({
        %run_scoped3A = tpu.sem_alloc : memref<!tpu.dma_semaphore, #tpu.memory_space<semaphore_mem>>
        %dma_start3A_76 = arith.constant 9984 : i32
        %dma_start3A_77 = arith.constant 0 : i32
        %dma_start3A_78 = tpu.memref_slice %arg7[%arg0, %dma_start3A_76, %dma_start3A_77] : memref<2x10000x128xf32, #tpu.memory_space<hbm>> -> memref<1x16x128xf32, #tpu.memory_space<hbm>>
        %dma_start3A_79 = tpu.memref_squeeze %dma_start3A_78 : memref<1x16x128xf32, #tpu.memory_space<hbm>> -> memref<16x128xf32, #tpu.memory_space<hbm>>
        %dma_start3A_80 = arith.constant 9984 : i32
        %dma_start3A_81 = arith.constant 0 : i32
        %dma_start3A_82 = tpu.memref_slice %arg8[%dma_start3A_80, %dma_start3A_81] : memref<10000x128xf32, #tpu.memory_space<vmem_shared>> -> memref<16x128xf32, #tpu.memory_space<vmem_shared>>
        tpu.enqueue_dma source(%dma_start3A_82 : memref<16x128xf32, #tpu.memory_space<vmem_shared>>) target(%dma_start3A_79 : memref<16x128xf32, #tpu.memory_space<hbm>>) target_semaphore(%run_scoped3A : memref<!tpu.dma_semaphore, #tpu.memory_space<semaphore_mem>>)
        %dma_wait3A_83 = arith.constant 9984 : i32
        %dma_wait3A_84 = arith.constant 0 : i32
        %dma_wait3A_85 = tpu.memref_slice %arg7[%arg0, %dma_wait3A_83, %dma_wait3A_84] : memref<2x10000x128xf32, #tpu.memory_space<hbm>> -> memref<1x16x128xf32, #tpu.memory_space<hbm>>
        %dma_wait3A_86 = tpu.memref_squeeze %dma_wait3A_85 : memref<1x16x128xf32, #tpu.memory_space<hbm>> -> memref<16x128xf32, #tpu.memory_space<hbm>>
        %dma_wait3A_87 = arith.constant 9984 : i32
        %dma_wait3A_88 = arith.constant 0 : i32
        %dma_wait3A_89 = tpu.memref_slice %arg8[%dma_wait3A_87, %dma_wait3A_88] : memref<10000x128xf32, #tpu.memory_space<vmem_shared>> -> memref<16x128xf32, #tpu.memory_space<vmem_shared>>
        tpu.wait_dma2 semaphore(%run_scoped3A : memref<!tpu.dma_semaphore, #tpu.memory_space<semaphore_mem>>) src(%dma_wait3A_89 : memref<16x128xf32, #tpu.memory_space<vmem_shared>>) dst(%dma_wait3A_86 : memref<16x128xf32, #tpu.memory_space<hbm>>)
        tpu.yield
      }) : () -> ()
    } else {
    }
    return
  }
}

#map = affine_map<(d0, d1) -> (0)>
module attributes {stable_mosaic.version = 14 : i64} {
  func.func @_sc_deg_body(%arg0: i32, %arg1: i32, %arg2: memref<655360xf32, #tpu.memory_space<hbm>>, %arg3: memref<163840xi32, #tpu.memory_space<hbm>>, %arg4: memref<10000xf32, #tpu.memory_space<hbm>>, %arg5: memref<320000xf32, #tpu.memory_space<hbm>>, %arg6: memref<10000xf32, #tpu.memory_space<vmem>>, %arg7: memref<320xf32, #tpu.memory_space<vmem>>, %arg8: memref<320xf32, #tpu.memory_space<vmem>>, %arg9: memref<320xf32, #tpu.memory_space<vmem>>, %arg10: memref<320xf32, #tpu.memory_space<vmem>>, %arg11: memref<320xi32, #tpu.memory_space<vmem>>) attributes {dimension_semantics = [#tpu.dimension_semantics<core_parallel>, #tpu.dimension_semantics<subcore_parallel>], iteration_bounds = array<i64: 2, 16>, scalar_prefetch = 0 : i64, scratch_operands = 6 : i64, tpu.core_type = #tpu.core_type<sc_vector_subcore>, window_params = [{transform_indices = #map}, {transform_indices = #map}, {transform_indices = #map}, {transform_indices = #map}]} {
    %mul3A = arith.constant 16 : i32
    %mul3A_0 = arith.muli %arg0, %mul3A : i32
    %add3A = arith.addi %mul3A_0, %arg1 : i32
    "tpu.region"() ({
      %run_scoped3A = tpu.sem_alloc : memref<!tpu.dma_semaphore, #tpu.memory_space<semaphore_mem>>
      tpu.enqueue_dma source(%arg4 : memref<10000xf32, #tpu.memory_space<hbm>>) target(%arg6 : memref<10000xf32, #tpu.memory_space<vmem>>) target_semaphore(%run_scoped3A : memref<!tpu.dma_semaphore, #tpu.memory_space<semaphore_mem>>)
      tpu.wait_dma2 semaphore(%run_scoped3A : memref<!tpu.dma_semaphore, #tpu.memory_space<semaphore_mem>>) src(%arg4 : memref<10000xf32, #tpu.memory_space<hbm>>) dst(%arg6 : memref<10000xf32, #tpu.memory_space<vmem>>)
      tpu.yield
    }) : () -> ()
    %scan3A = arith.constant 0 : i32
    %scan3A_1 = arith.constant 0 : i32
    %scan3A_2 = arith.constant 16 : i32
    %scan3A_3 = arith.addi %scan3A_1, %scan3A_2 : i32
    %scan3A_4 = arith.constant 1 : i32
    %scan3A_5 = scf.for %scan3A_9 = %scan3A_1 to %scan3A_3 step %scan3A_4 iter_args(%scan3A_10 = %scan3A) -> (i32)  : i32 {
      %mul3A_11 = arith.constant 5120 : i32
      %mul3A_12 = arith.muli %add3A, %mul3A_11 : i32
      %mul3A_13 = arith.constant 320 : i32
      %mul3A_14 = arith.muli %scan3A_9, %mul3A_13 : i32
      %add3A_15 = arith.addi %mul3A_12, %mul3A_14 : i32
      %add3A_16 = arith.constant 0 : i32
      %add3A_17 = arith.addi %add3A_16, %add3A_15 : i32
      "tpu.region"() ({
        %run_scoped3A = tpu.sem_alloc : memref<!tpu.dma_semaphore, #tpu.memory_space<semaphore_mem>>
        %dma_start3A = tpu.memref_slice %arg2[%add3A_17] : memref<655360xf32, #tpu.memory_space<hbm>> -> memref<320xf32, #tpu.memory_space<hbm>>
        %dma_start3A_32 = tpu.memref_slice %arg2[%add3A_17] : memref<655360xf32, #tpu.memory_space<hbm>> -> memref<320xf32, #tpu.memory_space<hbm>>
        tpu.enqueue_dma source(%dma_start3A_32 : memref<320xf32, #tpu.memory_space<hbm>>) target(%arg7 : memref<320xf32, #tpu.memory_space<vmem>>) target_semaphore(%run_scoped3A : memref<!tpu.dma_semaphore, #tpu.memory_space<semaphore_mem>>)
        %dma_wait3A = tpu.memref_slice %arg2[%add3A_17] : memref<655360xf32, #tpu.memory_space<hbm>> -> memref<320xf32, #tpu.memory_space<hbm>>
        %dma_wait3A_33 = tpu.memref_slice %arg2[%add3A_17] : memref<655360xf32, #tpu.memory_space<hbm>> -> memref<320xf32, #tpu.memory_space<hbm>>
        tpu.wait_dma2 semaphore(%run_scoped3A : memref<!tpu.dma_semaphore, #tpu.memory_space<semaphore_mem>>) src(%dma_wait3A_33 : memref<320xf32, #tpu.memory_space<hbm>>) dst(%arg7 : memref<320xf32, #tpu.memory_space<vmem>>)
        tpu.yield
      }) : () -> ()
      %add3A_18 = arith.constant 163840 : i32
      %add3A_19 = arith.addi %add3A_18, %add3A_15 : i32
      "tpu.region"() ({
        %run_scoped3A = tpu.sem_alloc : memref<!tpu.dma_semaphore, #tpu.memory_space<semaphore_mem>>
        %dma_start3A = tpu.memref_slice %arg2[%add3A_19] : memref<655360xf32, #tpu.memory_space<hbm>> -> memref<320xf32, #tpu.memory_space<hbm>>
        %dma_start3A_32 = tpu.memref_slice %arg2[%add3A_19] : memref<655360xf32, #tpu.memory_space<hbm>> -> memref<320xf32, #tpu.memory_space<hbm>>
        tpu.enqueue_dma source(%dma_start3A_32 : memref<320xf32, #tpu.memory_space<hbm>>) target(%arg8 : memref<320xf32, #tpu.memory_space<vmem>>) target_semaphore(%run_scoped3A : memref<!tpu.dma_semaphore, #tpu.memory_space<semaphore_mem>>)
        %dma_wait3A = tpu.memref_slice %arg2[%add3A_19] : memref<655360xf32, #tpu.memory_space<hbm>> -> memref<320xf32, #tpu.memory_space<hbm>>
        %dma_wait3A_33 = tpu.memref_slice %arg2[%add3A_19] : memref<655360xf32, #tpu.memory_space<hbm>> -> memref<320xf32, #tpu.memory_space<hbm>>
        tpu.wait_dma2 semaphore(%run_scoped3A : memref<!tpu.dma_semaphore, #tpu.memory_space<semaphore_mem>>) src(%dma_wait3A_33 : memref<320xf32, #tpu.memory_space<hbm>>) dst(%arg8 : memref<320xf32, #tpu.memory_space<vmem>>)
        tpu.yield
      }) : () -> ()
      %add3A_20 = arith.constant 327680 : i32
      %add3A_21 = arith.addi %add3A_20, %add3A_15 : i32
      "tpu.region"() ({
        %run_scoped3A = tpu.sem_alloc : memref<!tpu.dma_semaphore, #tpu.memory_space<semaphore_mem>>
        %dma_start3A = tpu.memref_slice %arg2[%add3A_21] : memref<655360xf32, #tpu.memory_space<hbm>> -> memref<320xf32, #tpu.memory_space<hbm>>
        %dma_start3A_32 = tpu.memref_slice %arg2[%add3A_21] : memref<655360xf32, #tpu.memory_space<hbm>> -> memref<320xf32, #tpu.memory_space<hbm>>
        tpu.enqueue_dma source(%dma_start3A_32 : memref<320xf32, #tpu.memory_space<hbm>>) target(%arg9 : memref<320xf32, #tpu.memory_space<vmem>>) target_semaphore(%run_scoped3A : memref<!tpu.dma_semaphore, #tpu.memory_space<semaphore_mem>>)
        %dma_wait3A = tpu.memref_slice %arg2[%add3A_21] : memref<655360xf32, #tpu.memory_space<hbm>> -> memref<320xf32, #tpu.memory_space<hbm>>
        %dma_wait3A_33 = tpu.memref_slice %arg2[%add3A_21] : memref<655360xf32, #tpu.memory_space<hbm>> -> memref<320xf32, #tpu.memory_space<hbm>>
        tpu.wait_dma2 semaphore(%run_scoped3A : memref<!tpu.dma_semaphore, #tpu.memory_space<semaphore_mem>>) src(%dma_wait3A_33 : memref<320xf32, #tpu.memory_space<hbm>>) dst(%arg9 : memref<320xf32, #tpu.memory_space<vmem>>)
        tpu.yield
      }) : () -> ()
      %add3A_22 = arith.constant 491520 : i32
      %add3A_23 = arith.addi %add3A_22, %add3A_15 : i32
      "tpu.region"() ({
        %run_scoped3A = tpu.sem_alloc : memref<!tpu.dma_semaphore, #tpu.memory_space<semaphore_mem>>
        %dma_start3A = tpu.memref_slice %arg2[%add3A_23] : memref<655360xf32, #tpu.memory_space<hbm>> -> memref<320xf32, #tpu.memory_space<hbm>>
        %dma_start3A_32 = tpu.memref_slice %arg2[%add3A_23] : memref<655360xf32, #tpu.memory_space<hbm>> -> memref<320xf32, #tpu.memory_space<hbm>>
        tpu.enqueue_dma source(%dma_start3A_32 : memref<320xf32, #tpu.memory_space<hbm>>) target(%arg10 : memref<320xf32, #tpu.memory_space<vmem>>) target_semaphore(%run_scoped3A : memref<!tpu.dma_semaphore, #tpu.memory_space<semaphore_mem>>)
        %dma_wait3A = tpu.memref_slice %arg2[%add3A_23] : memref<655360xf32, #tpu.memory_space<hbm>> -> memref<320xf32, #tpu.memory_space<hbm>>
        %dma_wait3A_33 = tpu.memref_slice %arg2[%add3A_23] : memref<655360xf32, #tpu.memory_space<hbm>> -> memref<320xf32, #tpu.memory_space<hbm>>
        tpu.wait_dma2 semaphore(%run_scoped3A : memref<!tpu.dma_semaphore, #tpu.memory_space<semaphore_mem>>) src(%dma_wait3A_33 : memref<320xf32, #tpu.memory_space<hbm>>) dst(%arg10 : memref<320xf32, #tpu.memory_space<vmem>>)
        tpu.yield
      }) : () -> ()
      "tpu.region"() ({
        %run_scoped3A = tpu.sem_alloc : memref<!tpu.dma_semaphore, #tpu.memory_space<semaphore_mem>>
        %dma_start3A = tpu.memref_slice %arg3[%add3A_15] : memref<163840xi32, #tpu.memory_space<hbm>> -> memref<320xi32, #tpu.memory_space<hbm>>
        %dma_start3A_32 = tpu.memref_slice %arg3[%add3A_15] : memref<163840xi32, #tpu.memory_space<hbm>> -> memref<320xi32, #tpu.memory_space<hbm>>
        tpu.enqueue_dma source(%dma_start3A_32 : memref<320xi32, #tpu.memory_space<hbm>>) target(%arg11 : memref<320xi32, #tpu.memory_space<vmem>>) target_semaphore(%run_scoped3A : memref<!tpu.dma_semaphore, #tpu.memory_space<semaphore_mem>>)
        %dma_wait3A = tpu.memref_slice %arg3[%add3A_15] : memref<163840xi32, #tpu.memory_space<hbm>> -> memref<320xi32, #tpu.memory_space<hbm>>
        %dma_wait3A_33 = tpu.memref_slice %arg3[%add3A_15] : memref<163840xi32, #tpu.memory_space<hbm>> -> memref<320xi32, #tpu.memory_space<hbm>>
        tpu.wait_dma2 semaphore(%run_scoped3A : memref<!tpu.dma_semaphore, #tpu.memory_space<semaphore_mem>>) src(%dma_wait3A_33 : memref<320xi32, #tpu.memory_space<hbm>>) dst(%arg11 : memref<320xi32, #tpu.memory_space<vmem>>)
        tpu.yield
      }) : () -> ()
      %scan3A_24 = arith.constant 0 : i32
      %scan3A_25 = arith.constant 0 : i32
      %scan3A_26 = arith.constant 20 : i32
      %scan3A_27 = arith.addi %scan3A_25, %scan3A_26 : i32
      %scan3A_28 = arith.constant 1 : i32
      %scan3A_29 = scf.for %scan3A_32 = %scan3A_25 to %scan3A_27 step %scan3A_28 iter_args(%scan3A_33 = %scan3A_24) -> (i32)  : i32 {
        %mul3A_34 = arith.constant 16 : i32
        %mul3A_35 = arith.muli %scan3A_32, %mul3A_34 : i32
        %get3A = arith.index_cast %mul3A_35 : i32 to index
        %get3A_36 = tpu.vector_load %arg7[%get3A] {strides = array<i32>} : memref<320xf32, #tpu.memory_space<vmem>>, vector<16xf32>,
        %get3A_37 = arith.index_cast %mul3A_35 : i32 to index
        %get3A_38 = tpu.vector_load %arg8[%get3A_37] {strides = array<i32>} : memref<320xf32, #tpu.memory_space<vmem>>, vector<16xf32>,
        %add3A_39 = arith.addf %get3A_36, %get3A_38 : vector<16xf32>
        %get3A_40 = arith.index_cast %mul3A_35 : i32 to index
        %get3A_41 = tpu.vector_load %arg9[%get3A_40] {strides = array<i32>} : memref<320xf32, #tpu.memory_space<vmem>>, vector<16xf32>,
        %add3A_42 = arith.addf %add3A_39, %get3A_41 : vector<16xf32>
        %get3A_43 = arith.index_cast %mul3A_35 : i32 to index
        %get3A_44 = tpu.vector_load %arg10[%get3A_43] {strides = array<i32>} : memref<320xf32, #tpu.memory_space<vmem>>, vector<16xf32>,
        %add3A_45 = arith.addf %add3A_42, %get3A_44 : vector<16xf32>
        %get3A_46 = arith.index_cast %mul3A_35 : i32 to index
        %get3A_47 = tpu.vector_load %arg11[%get3A_46] {strides = array<i32>} : memref<320xi32, #tpu.memory_space<vmem>>, vector<16xi32>,
        tpu.vector_store_idx %arg6[%get3A_47], %add3A_45 {add = true} : memref<10000xf32, #tpu.memory_space<vmem>>[vector<16xi32>], vector<16xf32>,
        %scan3A_48 = arith.constant 0 : i32
        scf.yield %scan3A_48 : i32
      }
      %scan3A_30 = arith.constant 20 : i32
      %scan3A_31 = arith.constant 0 : i32
      scf.yield %scan3A_31 : i32
    }
    %scan3A_6 = arith.constant 16 : i32
    %mul3A_7 = arith.constant 10000 : i32
    %mul3A_8 = arith.muli %add3A, %mul3A_7 : i32
    "tpu.region"() ({
      %run_scoped3A = tpu.sem_alloc : memref<!tpu.dma_semaphore, #tpu.memory_space<semaphore_mem>>
      %dma_start3A = tpu.memref_slice %arg5[%mul3A_8] : memref<320000xf32, #tpu.memory_space<hbm>> -> memref<10000xf32, #tpu.memory_space<hbm>>
      %dma_start3A_9 = tpu.memref_slice %arg5[%mul3A_8] : memref<320000xf32, #tpu.memory_space<hbm>> -> memref<10000xf32, #tpu.memory_space<hbm>>
      tpu.enqueue_dma source(%arg6 : memref<10000xf32, #tpu.memory_space<vmem>>) target(%dma_start3A_9 : memref<10000xf32, #tpu.memory_space<hbm>>) target_semaphore(%run_scoped3A : memref<!tpu.dma_semaphore, #tpu.memory_space<semaphore_mem>>)
      %dma_wait3A = tpu.memref_slice %arg5[%mul3A_8] : memref<320000xf32, #tpu.memory_space<hbm>> -> memref<10000xf32, #tpu.memory_space<hbm>>
      %dma_wait3A_10 = tpu.memref_slice %arg5[%mul3A_8] : memref<320000xf32, #tpu.memory_space<hbm>> -> memref<10000xf32, #tpu.memory_space<hbm>>
      tpu.wait_dma2 semaphore(%run_scoped3A : memref<!tpu.dma_semaphore, #tpu.memory_space<semaphore_mem>>) src(%arg6 : memref<10000xf32, #tpu.memory_space<vmem>>) dst(%dma_wait3A_10 : memref<10000xf32, #tpu.memory_space<hbm>>)
      tpu.yield
    }) : () -> ()
    return
  }
}

module attributes {stable_mosaic.version = 14 : i64} {
  func.func @_basis_body(%arg0: memref<1250x128xi32, #tpu.memory_space<vmem>>, %arg1: memref<1250x128xf32, #tpu.memory_space<vmem>>, %arg2: memref<1250x128xf32, #tpu.memory_space<vmem>>, %arg3: memref<4x1250x128xf32, #tpu.memory_space<vmem>>, %arg4: memref<2x1250x128xi32, #tpu.memory_space<vmem>>) attributes {dimension_semantics = [], scalar_prefetch = 0 : i64, scratch_operands = 0 : i64, tpu.core_type = #tpu.core_type<tc>} {
    %get3A = arith.constant 0 : index
    %get3A_0 = arith.constant 0 : index
    %get3A_1 = vector.load %arg0[%get3A, %get3A_0] : memref<1250x128xi32, #tpu.memory_space<vmem>>, vector<1250x128xi32>
    %get3A_2 = arith.constant 0 : index
    %get3A_3 = arith.constant 0 : index
    %get3A_4 = vector.load %arg1[%get3A_2, %get3A_3] : memref<1250x128xf32, #tpu.memory_space<vmem>>, vector<1250x128xf32>
    %mul3A = arith.constant 4.000000e+00 : f32
    %mul3A_5 = vector.broadcast %mul3A : f32 to vector<1250x128xf32>
    %mul3A_6 = arith.mulf %get3A_4, %mul3A_5 : vector<1250x128xf32>
    %get3A_7 = arith.constant 0 : index
    %get3A_8 = arith.constant 0 : index
    %get3A_9 = vector.load %arg2[%get3A_7, %get3A_8] : memref<1250x128xf32, #tpu.memory_space<vmem>>, vector<1250x128xf32>
    %mul3A_10 = arith.constant 4.000000e+00 : f32
    %mul3A_11 = vector.broadcast %mul3A_10 : f32 to vector<1250x128xf32>
    %mul3A_12 = arith.mulf %get3A_9, %mul3A_11 : vector<1250x128xf32>
    %floor3A = math.floor %mul3A_6 : vector<1250x128xf32>
    %convert_element_type3A = arith.fptosi %floor3A : vector<1250x128xf32> to vector<1250x128xi32>
    %jit3A = arith.constant 0 : i32
    %jit3A_13 = arith.constant 3 : i32
    %max3A = vector.broadcast %jit3A : i32 to vector<1250x128xi32>
    %max3A_14 = arith.maxsi %max3A, %convert_element_type3A : vector<1250x128xi32>
    %min3A = vector.broadcast %jit3A_13 : i32 to vector<1250x128xi32>
    %min3A_15 = arith.minsi %min3A, %max3A_14 : vector<1250x128xi32>
    %floor3A_16 = math.floor %mul3A_12 : vector<1250x128xf32>
    %convert_element_type3A_17 = arith.fptosi %floor3A_16 : vector<1250x128xf32> to vector<1250x128xi32>
    %jit3A_18 = arith.constant 0 : i32
    %jit3A_19 = arith.constant 3 : i32
    %max3A_20 = vector.broadcast %jit3A_18 : i32 to vector<1250x128xi32>
    %max3A_21 = arith.maxsi %max3A_20, %convert_element_type3A_17 : vector<1250x128xi32>
    %min3A_22 = vector.broadcast %jit3A_19 : i32 to vector<1250x128xi32>
    %min3A_23 = arith.minsi %min3A_22, %max3A_21 : vector<1250x128xi32>
    %convert_element_type3A_24 = arith.sitofp %min3A_15 : vector<1250x128xi32> to vector<1250x128xf32>
    %sub3A = arith.subf %mul3A_6, %convert_element_type3A_24 : vector<1250x128xf32>
    %convert_element_type3A_25 = arith.sitofp %min3A_23 : vector<1250x128xi32> to vector<1250x128xf32>
    %sub3A_26 = arith.subf %mul3A_12, %convert_element_type3A_25 : vector<1250x128xf32>
    %mul3A_27 = arith.constant 25 : i32
    %mul3A_28 = vector.broadcast %mul3A_27 : i32 to vector<1250x128xi32>
    %mul3A_29 = arith.muli %get3A_1, %mul3A_28 : vector<1250x128xi32>
    %add3A = arith.addi %mul3A_29, %min3A_15 : vector<1250x128xi32>
    %mul3A_30 = arith.constant 5 : i32
    %mul3A_31 = vector.broadcast %mul3A_30 : i32 to vector<1250x128xi32>
    %mul3A_32 = arith.muli %min3A_23, %mul3A_31 : vector<1250x128xi32>
    %add3A_33 = arith.addi %add3A, %mul3A_32 : vector<1250x128xi32>
    %sub3A_34 = arith.constant 1.000000e+00 : f32
    %sub3A_35 = vector.broadcast %sub3A_34 : f32 to vector<1250x128xf32>
    %sub3A_36 = arith.subf %sub3A_35, %sub3A : vector<1250x128xf32>
    %sub3A_37 = arith.constant 1.000000e+00 : f32
    %sub3A_38 = vector.broadcast %sub3A_37 : f32 to vector<1250x128xf32>
    %sub3A_39 = arith.subf %sub3A_38, %sub3A_26 : vector<1250x128xf32>
    %mul3A_40 = arith.mulf %sub3A_36, %sub3A_39 : vector<1250x128xf32>
    %swap3A = arith.constant 0 : index
    %swap3A_41 = arith.constant 0 : index
    %swap3A_42 = arith.constant 0 : index
    %swap3A_43 = vector.load %arg3[%swap3A, %swap3A_41, %swap3A_42] : memref<4x1250x128xf32, #tpu.memory_space<vmem>>, vector<1x1250x128xf32>
    %swap3A_44 = vector.shape_cast %swap3A_43 : vector<1x1250x128xf32> to vector<1250x128xf32>
    %swap3A_45 = vector.shape_cast %mul3A_40 : vector<1250x128xf32> to vector<1x1250x128xf32>
    tpu.vector_store %arg3[%swap3A, %swap3A_41, %swap3A_42], %swap3A_45 {strides = array<i32>} : memref<4x1250x128xf32, #tpu.memory_space<vmem>>, vector<1x1250x128xf32>,
    %sub3A_46 = arith.constant 1.000000e+00 : f32
    %sub3A_47 = vector.broadcast %sub3A_46 : f32 to vector<1250x128xf32>
    %sub3A_48 = arith.subf %sub3A_47, %sub3A_26 : vector<1250x128xf32>
    %mul3A_49 = arith.mulf %sub3A, %sub3A_48 : vector<1250x128xf32>
    %swap3A_50 = arith.constant 1 : index
    %swap3A_51 = arith.constant 0 : index
    %swap3A_52 = arith.constant 0 : index
    %swap3A_53 = vector.load %arg3[%swap3A_50, %swap3A_51, %swap3A_52] : memref<4x1250x128xf32, #tpu.memory_space<vmem>>, vector<1x1250x128xf32>
    %swap3A_54 = vector.shape_cast %swap3A_53 : vector<1x1250x128xf32> to vector<1250x128xf32>
    %swap3A_55 = vector.shape_cast %mul3A_49 : vector<1250x128xf32> to vector<1x1250x128xf32>
    tpu.vector_store %arg3[%swap3A_50, %swap3A_51, %swap3A_52], %swap3A_55 {strides = array<i32>} : memref<4x1250x128xf32, #tpu.memory_space<vmem>>, vector<1x1250x128xf32>,
    %sub3A_56 = arith.constant 1.000000e+00 : f32
    %sub3A_57 = vector.broadcast %sub3A_56 : f32 to vector<1250x128xf32>
    %sub3A_58 = arith.subf %sub3A_57, %sub3A : vector<1250x128xf32>
    %mul3A_59 = arith.mulf %sub3A_58, %sub3A_26 : vector<1250x128xf32>
    %swap3A_60 = arith.constant 2 : index
    %swap3A_61 = arith.constant 0 : index
    %swap3A_62 = arith.constant 0 : index
    %swap3A_63 = vector.load %arg3[%swap3A_60, %swap3A_61, %swap3A_62] : memref<4x1250x128xf32, #tpu.memory_space<vmem>>, vector<1x1250x128xf32>
    %swap3A_64 = vector.shape_cast %swap3A_63 : vector<1x1250x128xf32> to vector<1250x128xf32>
    %swap3A_65 = vector.shape_cast %mul3A_59 : vector<1250x128xf32> to vector<1x1250x128xf32>
    tpu.vector_store %arg3[%swap3A_60, %swap3A_61, %swap3A_62], %swap3A_65 {strides = array<i32>} : memref<4x1250x128xf32, #tpu.memory_space<vmem>>, vector<1x1250x128xf32>,
    %mul3A_66 = arith.mulf %sub3A, %sub3A_26 : vector<1250x128xf32>
    %swap3A_67 = arith.constant 3 : index
    %swap3A_68 = arith.constant 0 : index
    %swap3A_69 = arith.constant 0 : index
    %swap3A_70 = vector.load %arg3[%swap3A_67, %swap3A_68, %swap3A_69] : memref<4x1250x128xf32, #tpu.memory_space<vmem>>, vector<1x1250x128xf32>
    %swap3A_71 = vector.shape_cast %swap3A_70 : vector<1x1250x128xf32> to vector<1250x128xf32>
    %swap3A_72 = vector.shape_cast %mul3A_66 : vector<1250x128xf32> to vector<1x1250x128xf32>
    tpu.vector_store %arg3[%swap3A_67, %swap3A_68, %swap3A_69], %swap3A_72 {strides = array<i32>} : memref<4x1250x128xf32, #tpu.memory_space<vmem>>, vector<1x1250x128xf32>,
    %swap3A_73 = arith.constant 0 : index
    %swap3A_74 = arith.constant 0 : index
    %swap3A_75 = arith.constant 0 : index
    %swap3A_76 = vector.load %arg4[%swap3A_73, %swap3A_74, %swap3A_75] : memref<2x1250x128xi32, #tpu.memory_space<vmem>>, vector<1x1250x128xi32>
    %swap3A_77 = vector.shape_cast %swap3A_76 : vector<1x1250x128xi32> to vector<1250x128xi32>
    %swap3A_78 = vector.shape_cast %add3A_33 : vector<1250x128xi32> to vector<1x1250x128xi32>
    tpu.vector_store %arg4[%swap3A_73, %swap3A_74, %swap3A_75], %swap3A_78 {strides = array<i32>} : memref<2x1250x128xi32, #tpu.memory_space<vmem>>, vector<1x1250x128xi32>,
    %add3A_79 = arith.constant 5 : i32
    %add3A_80 = vector.broadcast %add3A_79 : i32 to vector<1250x128xi32>
    %add3A_81 = arith.addi %add3A_33, %add3A_80 : vector<1250x128xi32>
    %swap3A_82 = arith.constant 1 : index
    %swap3A_83 = arith.constant 0 : index
    %swap3A_84 = arith.constant 0 : index
    %swap3A_85 = vector.load %arg4[%swap3A_82, %swap3A_83, %swap3A_84] : memref<2x1250x128xi32, #tpu.memory_space<vmem>>, vector<1x1250x128xi32>
    %swap3A_86 = vector.shape_cast %swap3A_85 : vector<1x1250x128xi32> to vector<1250x128xi32>
    %swap3A_87 = vector.shape_cast %add3A_81 : vector<1250x128xi32> to vector<1x1250x128xi32>
    tpu.vector_store %arg4[%swap3A_82, %swap3A_83, %swap3A_84], %swap3A_87 {strides = array<i32>} : memref<2x1250x128xi32, #tpu.memory_space<vmem>>, vector<1x1250x128xi32>,
    return
  }
}

module attributes {stable_mosaic.version = 14 : i64} {
  func.func @_z_body(%arg0: i32, %arg1: memref<400x128xf32, #tpu.memory_space<vmem>>, %arg2: memref<128x3328xf32, #tpu.memory_space<vmem>>, %arg3: memref<400x3200xi32, #tpu.memory_space<vmem>>) attributes {dimension_semantics = [#tpu.dimension_semantics<arbitrary>], iteration_bounds = array<i64: 25>, scalar_prefetch = 0 : i64, scratch_operands = 0 : i64, tpu.core_type = #tpu.core_type<tc>, window_params = [{transform_indices = @transform_0, window_bounds = array<i64: 400, 128>}, {pipeline_mode = #tpu.pipeline_mode<synchronous>, transform_indices = @transform_1, window_bounds = array<i64: 128, 3328>}, {transform_indices = @transform_2, window_bounds = array<i64: 400, 3200>}]} {
    %get3A = arith.constant 0 : index
    %get3A_0 = arith.constant 0 : index
    %get3A_1 = vector.load %arg1[%get3A, %get3A_0] : memref<400x128xf32, #tpu.memory_space<vmem>>, vector<400x128xf32>
    %get3A_2 = arith.constant 0 : index
    %get3A_3 = arith.constant 0 : index
    %get3A_4 = vector.load %arg2[%get3A_2, %get3A_3] : memref<128x3328xf32, #tpu.memory_space<vmem>>, vector<128x128xf32>
    %dot_general3A = arith.constant dense<0.000000e+00> : vector<400x128xf32>
    %dot_general3A_5 = tpu.matmul %get3A_1, %get3A_4, %dot_general3A {dimension_numbers = #tpu.dot_dimension_numbers<[1], [0], [0], [1], [0, 0, 1, 1], [], []>, transpose_lhs_hint = false} : vector<400x128xf32>, vector<128x128xf32>, vector<400x128xf32> -> vector<400x128xf32>
    %get3A_6 = arith.constant 0 : index
    %get3A_7 = arith.constant 128 : index
    %get3A_8 = vector.load %arg2[%get3A_6, %get3A_7] : memref<128x3328xf32, #tpu.memory_space<vmem>>, vector<128x128xf32>
    %dot_general3A_9 = arith.constant dense<0.000000e+00> : vector<400x128xf32>
    %dot_general3A_10 = tpu.matmul %get3A_1, %get3A_8, %dot_general3A_9 {dimension_numbers = #tpu.dot_dimension_numbers<[1], [0], [0], [1], [0, 0, 1, 1], [], []>, transpose_lhs_hint = false} : vector<400x128xf32>, vector<128x128xf32>, vector<400x128xf32> -> vector<400x128xf32>
    %convert_element_type3A = arith.truncf %dot_general3A_5 : vector<400x128xf32> to vector<400x128xbf16>
    %bitcast_convert_type3A = tpu.bitcast %convert_element_type3A : vector<400x128xbf16> -> vector<400x128xi16>
    %convert_element_type3A_11 = arith.extui %bitcast_convert_type3A : vector<400x128xi16> to vector<400x128xi32>
    %convert_element_type3A_12 = arith.truncf %dot_general3A_10 : vector<400x128xf32> to vector<400x128xbf16>
    %bitcast_convert_type3A_13 = tpu.bitcast %convert_element_type3A_12 : vector<400x128xbf16> -> vector<400x128xi16>
    %convert_element_type3A_14 = arith.extui %bitcast_convert_type3A_13 : vector<400x128xi16> to vector<400x128xi32>
    %shift_left3A = arith.constant 16 : i32
    %shift_left3A_15 = vector.broadcast %shift_left3A : i32 to vector<400x128xi32>
    %shift_left3A_16 = arith.shli %convert_element_type3A_14, %shift_left3A_15 : vector<400x128xi32>
    %or3A = arith.ori %convert_element_type3A_11, %shift_left3A_16 : vector<400x128xi32>
    %get3A_17 = arith.constant 0 : index
    %get3A_18 = arith.constant 128 : index
    %get3A_19 = vector.load %arg2[%get3A_17, %get3A_18] : memref<128x3328xf32, #tpu.memory_space<vmem>>, vector<128x128xf32>
    %dot_general3A_20 = arith.constant dense<0.000000e+00> : vector<400x128xf32>
    %dot_general3A_21 = tpu.matmul %get3A_1, %get3A_19, %dot_general3A_20 {dimension_numbers = #tpu.dot_dimension_numbers<[1], [0], [0], [1], [0, 0, 1, 1], [], []>, transpose_lhs_hint = false} : vector<400x128xf32>, vector<128x128xf32>, vector<400x128xf32> -> vector<400x128xf32>
    %get3A_22 = arith.constant 0 : index
    %get3A_23 = arith.constant 256 : index
    %get3A_24 = vector.load %arg2[%get3A_22, %get3A_23] : memref<128x3328xf32, #tpu.memory_space<vmem>>, vector<128x128xf32>
    %dot_general3A_25 = arith.constant dense<0.000000e+00> : vector<400x128xf32>
    %dot_general3A_26 = tpu.matmul %get3A_1, %get3A_24, %dot_general3A_25 {dimension_numbers = #tpu.dot_dimension_numbers<[1], [0], [0], [1], [0, 0, 1, 1], [], []>, transpose_lhs_hint = false} : vector<400x128xf32>, vector<128x128xf32>, vector<400x128xf32> -> vector<400x128xf32>
    %convert_element_type3A_27 = arith.truncf %dot_general3A_21 : vector<400x128xf32> to vector<400x128xbf16>
    %bitcast_convert_type3A_28 = tpu.bitcast %convert_element_type3A_27 : vector<400x128xbf16> -> vector<400x128xi16>
    %convert_element_type3A_29 = arith.extui %bitcast_convert_type3A_28 : vector<400x128xi16> to vector<400x128xi32>
    %convert_element_type3A_30 = arith.truncf %dot_general3A_26 : vector<400x128xf32> to vector<400x128xbf16>
    %bitcast_convert_type3A_31 = tpu.bitcast %convert_element_type3A_30 : vector<400x128xbf16> -> vector<400x128xi16>
    %convert_element_type3A_32 = arith.extui %bitcast_convert_type3A_31 : vector<400x128xi16> to vector<400x128xi32>
    %shift_left3A_33 = arith.constant 16 : i32
    %shift_left3A_34 = vector.broadcast %shift_left3A_33 : i32 to vector<400x128xi32>
    %shift_left3A_35 = arith.shli %convert_element_type3A_32, %shift_left3A_34 : vector<400x128xi32>
    %or3A_36 = arith.ori %convert_element_type3A_29, %shift_left3A_35 : vector<400x128xi32>
    %get3A_37 = arith.constant 0 : index
    %get3A_38 = arith.constant 256 : index
    %get3A_39 = vector.load %arg2[%get3A_37, %get3A_38] : memref<128x3328xf32, #tpu.memory_space<vmem>>, vector<128x128xf32>
    %dot_general3A_40 = arith.constant dense<0.000000e+00> : vector<400x128xf32>
    %dot_general3A_41 = tpu.matmul %get3A_1, %get3A_39, %dot_general3A_40 {dimension_numbers = #tpu.dot_dimension_numbers<[1], [0], [0], [1], [0, 0, 1, 1], [], []>, transpose_lhs_hint = false} : vector<400x128xf32>, vector<128x128xf32>, vector<400x128xf32> -> vector<400x128xf32>
    %get3A_42 = arith.constant 0 : index
    %get3A_43 = arith.constant 384 : index
    %get3A_44 = vector.load %arg2[%get3A_42, %get3A_43] : memref<128x3328xf32, #tpu.memory_space<vmem>>, vector<128x128xf32>
    %dot_general3A_45 = arith.constant dense<0.000000e+00> : vector<400x128xf32>
    %dot_general3A_46 = tpu.matmul %get3A_1, %get3A_44, %dot_general3A_45 {dimension_numbers = #tpu.dot_dimension_numbers<[1], [0], [0], [1], [0, 0, 1, 1], [], []>, transpose_lhs_hint = false} : vector<400x128xf32>, vector<128x128xf32>, vector<400x128xf32> -> vector<400x128xf32>
    %convert_element_type3A_47 = arith.truncf %dot_general3A_41 : vector<400x128xf32> to vector<400x128xbf16>
    %bitcast_convert_type3A_48 = tpu.bitcast %convert_element_type3A_47 : vector<400x128xbf16> -> vector<400x128xi16>
    %convert_element_type3A_49 = arith.extui %bitcast_convert_type3A_48 : vector<400x128xi16> to vector<400x128xi32>
    %convert_element_type3A_50 = arith.truncf %dot_general3A_46 : vector<400x128xf32> to vector<400x128xbf16>
    %bitcast_convert_type3A_51 = tpu.bitcast %convert_element_type3A_50 : vector<400x128xbf16> -> vector<400x128xi16>
    %convert_element_type3A_52 = arith.extui %bitcast_convert_type3A_51 : vector<400x128xi16> to vector<400x128xi32>
    %shift_left3A_53 = arith.constant 16 : i32
    %shift_left3A_54 = vector.broadcast %shift_left3A_53 : i32 to vector<400x128xi32>
    %shift_left3A_55 = arith.shli %convert_element_type3A_52, %shift_left3A_54 : vector<400x128xi32>
    %or3A_56 = arith.ori %convert_element_type3A_49, %shift_left3A_55 : vector<400x128xi32>
    %get3A_57 = arith.constant 0 : index
    %get3A_58 = arith.constant 384 : index
    %get3A_59 = vector.load %arg2[%get3A_57, %get3A_58] : memref<128x3328xf32, #tpu.memory_space<vmem>>, vector<128x128xf32>
    %dot_general3A_60 = arith.constant dense<0.000000e+00> : vector<400x128xf32>
    %dot_general3A_61 = tpu.matmul %get3A_1, %get3A_59, %dot_general3A_60 {dimension_numbers = #tpu.dot_dimension_numbers<[1], [0], [0], [1], [0, 0, 1, 1], [], []>, transpose_lhs_hint = false} : vector<400x128xf32>, vector<128x128xf32>, vector<400x128xf32> -> vector<400x128xf32>
    %get3A_62 = arith.constant 0 : index
    %get3A_63 = arith.constant 512 : index
    %get3A_64 = vector.load %arg2[%get3A_62, %get3A_63] : memref<128x3328xf32, #tpu.memory_space<vmem>>, vector<128x128xf32>
    %dot_general3A_65 = arith.constant dense<0.000000e+00> : vector<400x128xf32>
    %dot_general3A_66 = tpu.matmul %get3A_1, %get3A_64, %dot_general3A_65 {dimension_numbers = #tpu.dot_dimension_numbers<[1], [0], [0], [1], [0, 0, 1, 1], [], []>, transpose_lhs_hint = false} : vector<400x128xf32>, vector<128x128xf32>, vector<400x128xf32> -> vector<400x128xf32>
    %convert_element_type3A_67 = arith.truncf %dot_general3A_61 : vector<400x128xf32> to vector<400x128xbf16>
    %bitcast_convert_type3A_68 = tpu.bitcast %convert_element_type3A_67 : vector<400x128xbf16> -> vector<400x128xi16>
    %convert_element_type3A_69 = arith.extui %bitcast_convert_type3A_68 : vector<400x128xi16> to vector<400x128xi32>
    %convert_element_type3A_70 = arith.truncf %dot_general3A_66 : vector<400x128xf32> to vector<400x128xbf16>
    %bitcast_convert_type3A_71 = tpu.bitcast %convert_element_type3A_70 : vector<400x128xbf16> -> vector<400x128xi16>
    %convert_element_type3A_72 = arith.extui %bitcast_convert_type3A_71 : vector<400x128xi16> to vector<400x128xi32>
    %shift_left3A_73 = arith.constant 16 : i32
    %shift_left3A_74 = vector.broadcast %shift_left3A_73 : i32 to vector<400x128xi32>
    %shift_left3A_75 = arith.shli %convert_element_type3A_72, %shift_left3A_74 : vector<400x128xi32>
    %or3A_76 = arith.ori %convert_element_type3A_69, %shift_left3A_75 : vector<400x128xi32>
    %get3A_77 = arith.constant 0 : index
    %get3A_78 = arith.constant 512 : index
    %get3A_79 = vector.load %arg2[%get3A_77, %get3A_78] : memref<128x3328xf32, #tpu.memory_space<vmem>>, vector<128x128xf32>
    %dot_general3A_80 = arith.constant dense<0.000000e+00> : vector<400x128xf32>
    %dot_general3A_81 = tpu.matmul %get3A_1, %get3A_79, %dot_general3A_80 {dimension_numbers = #tpu.dot_dimension_numbers<[1], [0], [0], [1], [0, 0, 1, 1], [], []>, transpose_lhs_hint = false} : vector<400x128xf32>, vector<128x128xf32>, vector<400x128xf32> -> vector<400x128xf32>
    %get3A_82 = arith.constant 0 : index
    %get3A_83 = arith.constant 640 : index
    %get3A_84 = vector.load %arg2[%get3A_82, %get3A_83] : memref<128x3328xf32, #tpu.memory_space<vmem>>, vector<128x128xf32>
    %dot_general3A_85 = arith.constant dense<0.000000e+00> : vector<400x128xf32>
    %dot_general3A_86 = tpu.matmul %get3A_1, %get3A_84, %dot_general3A_85 {dimension_numbers = #tpu.dot_dimension_numbers<[1], [0], [0], [1], [0, 0, 1, 1], [], []>, transpose_lhs_hint = false} : vector<400x128xf32>, vector<128x128xf32>, vector<400x128xf32> -> vector<400x128xf32>
    %convert_element_type3A_87 = arith.truncf %dot_general3A_81 : vector<400x128xf32> to vector<400x128xbf16>
    %bitcast_convert_type3A_88 = tpu.bitcast %convert_element_type3A_87 : vector<400x128xbf16> -> vector<400x128xi16>
    %convert_element_type3A_89 = arith.extui %bitcast_convert_type3A_88 : vector<400x128xi16> to vector<400x128xi32>
    %convert_element_type3A_90 = arith.truncf %dot_general3A_86 : vector<400x128xf32> to vector<400x128xbf16>
    %bitcast_convert_type3A_91 = tpu.bitcast %convert_element_type3A_90 : vector<400x128xbf16> -> vector<400x128xi16>
    %convert_element_type3A_92 = arith.extui %bitcast_convert_type3A_91 : vector<400x128xi16> to vector<400x128xi32>
    %shift_left3A_93 = arith.constant 16 : i32
    %shift_left3A_94 = vector.broadcast %shift_left3A_93 : i32 to vector<400x128xi32>
    %shift_left3A_95 = arith.shli %convert_element_type3A_92, %shift_left3A_94 : vector<400x128xi32>
    %or3A_96 = arith.ori %convert_element_type3A_89, %shift_left3A_95 : vector<400x128xi32>
    %get3A_97 = arith.constant 0 : index
    %get3A_98 = arith.constant 640 : index
    %get3A_99 = vector.load %arg2[%get3A_97, %get3A_98] : memref<128x3328xf32, #tpu.memory_space<vmem>>, vector<128x128xf32>
    %dot_general3A_100 = arith.constant dense<0.000000e+00> : vector<400x128xf32>
    %dot_general3A_101 = tpu.matmul %get3A_1, %get3A_99, %dot_general3A_100 {dimension_numbers = #tpu.dot_dimension_numbers<[1], [0], [0], [1], [0, 0, 1, 1], [], []>, transpose_lhs_hint = false} : vector<400x128xf32>, vector<128x128xf32>, vector<400x128xf32> -> vector<400x128xf32>
    %get3A_102 = arith.constant 0 : index
    %get3A_103 = arith.constant 768 : index
    %get3A_104 = vector.load %arg2[%get3A_102, %get3A_103] : memref<128x3328xf32, #tpu.memory_space<vmem>>, vector<128x128xf32>
    %dot_general3A_105 = arith.constant dense<0.000000e+00> : vector<400x128xf32>
    %dot_general3A_106 = tpu.matmul %get3A_1, %get3A_104, %dot_general3A_105 {dimension_numbers = #tpu.dot_dimension_numbers<[1], [0], [0], [1], [0, 0, 1, 1], [], []>, transpose_lhs_hint = false} : vector<400x128xf32>, vector<128x128xf32>, vector<400x128xf32> -> vector<400x128xf32>
    %convert_element_type3A_107 = arith.truncf %dot_general3A_101 : vector<400x128xf32> to vector<400x128xbf16>
    %bitcast_convert_type3A_108 = tpu.bitcast %convert_element_type3A_107 : vector<400x128xbf16> -> vector<400x128xi16>
    %convert_element_type3A_109 = arith.extui %bitcast_convert_type3A_108 : vector<400x128xi16> to vector<400x128xi32>
    %convert_element_type3A_110 = arith.truncf %dot_general3A_106 : vector<400x128xf32> to vector<400x128xbf16>
    %bitcast_convert_type3A_111 = tpu.bitcast %convert_element_type3A_110 : vector<400x128xbf16> -> vector<400x128xi16>
    %convert_element_type3A_112 = arith.extui %bitcast_convert_type3A_111 : vector<400x128xi16> to vector<400x128xi32>
    %shift_left3A_113 = arith.constant 16 : i32
    %shift_left3A_114 = vector.broadcast %shift_left3A_113 : i32 to vector<400x128xi32>
    %shift_left3A_115 = arith.shli %convert_element_type3A_112, %shift_left3A_114 : vector<400x128xi32>
    %or3A_116 = arith.ori %convert_element_type3A_109, %shift_left3A_115 : vector<400x128xi32>
    %get3A_117 = arith.constant 0 : index
    %get3A_118 = arith.constant 768 : index
    %get3A_119 = vector.load %arg2[%get3A_117, %get3A_118] : memref<128x3328xf32, #tpu.memory_space<vmem>>, vector<128x128xf32>
    %dot_general3A_120 = arith.constant dense<0.000000e+00> : vector<400x128xf32>
    %dot_general3A_121 = tpu.matmul %get3A_1, %get3A_119, %dot_general3A_120 {dimension_numbers = #tpu.dot_dimension_numbers<[1], [0], [0], [1], [0, 0, 1, 1], [], []>, transpose_lhs_hint = false} : vector<400x128xf32>, vector<128x128xf32>, vector<400x128xf32> -> vector<400x128xf32>
    %get3A_122 = arith.constant 0 : index
    %get3A_123 = arith.constant 896 : index
    %get3A_124 = vector.load %arg2[%get3A_122, %get3A_123] : memref<128x3328xf32, #tpu.memory_space<vmem>>, vector<128x128xf32>
    %dot_general3A_125 = arith.constant dense<0.000000e+00> : vector<400x128xf32>
    %dot_general3A_126 = tpu.matmul %get3A_1, %get3A_124, %dot_general3A_125 {dimension_numbers = #tpu.dot_dimension_numbers<[1], [0], [0], [1], [0, 0, 1, 1], [], []>, transpose_lhs_hint = false} : vector<400x128xf32>, vector<128x128xf32>, vector<400x128xf32> -> vector<400x128xf32>
    %convert_element_type3A_127 = arith.truncf %dot_general3A_121 : vector<400x128xf32> to vector<400x128xbf16>
    %bitcast_convert_type3A_128 = tpu.bitcast %convert_element_type3A_127 : vector<400x128xbf16> -> vector<400x128xi16>
    %convert_element_type3A_129 = arith.extui %bitcast_convert_type3A_128 : vector<400x128xi16> to vector<400x128xi32>
    %convert_element_type3A_130 = arith.truncf %dot_general3A_126 : vector<400x128xf32> to vector<400x128xbf16>
    %bitcast_convert_type3A_131 = tpu.bitcast %convert_element_type3A_130 : vector<400x128xbf16> -> vector<400x128xi16>
    %convert_element_type3A_132 = arith.extui %bitcast_convert_type3A_131 : vector<400x128xi16> to vector<400x128xi32>
    %shift_left3A_133 = arith.constant 16 : i32
    %shift_left3A_134 = vector.broadcast %shift_left3A_133 : i32 to vector<400x128xi32>
    %shift_left3A_135 = arith.shli %convert_element_type3A_132, %shift_left3A_134 : vector<400x128xi32>
    %or3A_136 = arith.ori %convert_element_type3A_129, %shift_left3A_135 : vector<400x128xi32>
    %get3A_137 = arith.constant 0 : index
    %get3A_138 = arith.constant 896 : index
    %get3A_139 = vector.load %arg2[%get3A_137, %get3A_138] : memref<128x3328xf32, #tpu.memory_space<vmem>>, vector<128x128xf32>
    %dot_general3A_140 = arith.constant dense<0.000000e+00> : vector<400x128xf32>
    %dot_general3A_141 = tpu.matmul %get3A_1, %get3A_139, %dot_general3A_140 {dimension_numbers = #tpu.dot_dimension_numbers<[1], [0], [0], [1], [0, 0, 1, 1], [], []>, transpose_lhs_hint = false} : vector<400x128xf32>, vector<128x128xf32>, vector<400x128xf32> -> vector<400x128xf32>
    %get3A_142 = arith.constant 0 : index
    %get3A_143 = arith.constant 1024 : index
    %get3A_144 = vector.load %arg2[%get3A_142, %get3A_143] : memref<128x3328xf32, #tpu.memory_space<vmem>>, vector<128x128xf32>
    %dot_general3A_145 = arith.constant dense<0.000000e+00> : vector<400x128xf32>
    %dot_general3A_146 = tpu.matmul %get3A_1, %get3A_144, %dot_general3A_145 {dimension_numbers = #tpu.dot_dimension_numbers<[1], [0], [0], [1], [0, 0, 1, 1], [], []>, transpose_lhs_hint = false} : vector<400x128xf32>, vector<128x128xf32>, vector<400x128xf32> -> vector<400x128xf32>
    %convert_element_type3A_147 = arith.truncf %dot_general3A_141 : vector<400x128xf32> to vector<400x128xbf16>
    %bitcast_convert_type3A_148 = tpu.bitcast %convert_element_type3A_147 : vector<400x128xbf16> -> vector<400x128xi16>
    %convert_element_type3A_149 = arith.extui %bitcast_convert_type3A_148 : vector<400x128xi16> to vector<400x128xi32>
    %convert_element_type3A_150 = arith.truncf %dot_general3A_146 : vector<400x128xf32> to vector<400x128xbf16>
    %bitcast_convert_type3A_151 = tpu.bitcast %convert_element_type3A_150 : vector<400x128xbf16> -> vector<400x128xi16>
    %convert_element_type3A_152 = arith.extui %bitcast_convert_type3A_151 : vector<400x128xi16> to vector<400x128xi32>
    %shift_left3A_153 = arith.constant 16 : i32
    %shift_left3A_154 = vector.broadcast %shift_left3A_153 : i32 to vector<400x128xi32>
    %shift_left3A_155 = arith.shli %convert_element_type3A_152, %shift_left3A_154 : vector<400x128xi32>
    %or3A_156 = arith.ori %convert_element_type3A_149, %shift_left3A_155 : vector<400x128xi32>
    %get3A_157 = arith.constant 0 : index
    %get3A_158 = arith.constant 1024 : index
    %get3A_159 = vector.load %arg2[%get3A_157, %get3A_158] : memref<128x3328xf32, #tpu.memory_space<vmem>>, vector<128x128xf32>
    %dot_general3A_160 = arith.constant dense<0.000000e+00> : vector<400x128xf32>
    %dot_general3A_161 = tpu.matmul %get3A_1, %get3A_159, %dot_general3A_160 {dimension_numbers = #tpu.dot_dimension_numbers<[1], [0], [0], [1], [0, 0, 1, 1], [], []>, transpose_lhs_hint = false} : vector<400x128xf32>, vector<128x128xf32>, vector<400x128xf32> -> vector<400x128xf32>
    %get3A_162 = arith.constant 0 : index
    %get3A_163 = arith.constant 1152 : index
    %get3A_164 = vector.load %arg2[%get3A_162, %get3A_163] : memref<128x3328xf32, #tpu.memory_space<vmem>>, vector<128x128xf32>
    %dot_general3A_165 = arith.constant dense<0.000000e+00> : vector<400x128xf32>
    %dot_general3A_166 = tpu.matmul %get3A_1, %get3A_164, %dot_general3A_165 {dimension_numbers = #tpu.dot_dimension_numbers<[1], [0], [0], [1], [0, 0, 1, 1], [], []>, transpose_lhs_hint = false} : vector<400x128xf32>, vector<128x128xf32>, vector<400x128xf32> -> vector<400x128xf32>
    %convert_element_type3A_167 = arith.truncf %dot_general3A_161 : vector<400x128xf32> to vector<400x128xbf16>
    %bitcast_convert_type3A_168 = tpu.bitcast %convert_element_type3A_167 : vector<400x128xbf16> -> vector<400x128xi16>
    %convert_element_type3A_169 = arith.extui %bitcast_convert_type3A_168 : vector<400x128xi16> to vector<400x128xi32>
    %convert_element_type3A_170 = arith.truncf %dot_general3A_166 : vector<400x128xf32> to vector<400x128xbf16>
    %bitcast_convert_type3A_171 = tpu.bitcast %convert_element_type3A_170 : vector<400x128xbf16> -> vector<400x128xi16>
    %convert_element_type3A_172 = arith.extui %bitcast_convert_type3A_171 : vector<400x128xi16> to vector<400x128xi32>
    %shift_left3A_173 = arith.constant 16 : i32
    %shift_left3A_174 = vector.broadcast %shift_left3A_173 : i32 to vector<400x128xi32>
    %shift_left3A_175 = arith.shli %convert_element_type3A_172, %shift_left3A_174 : vector<400x128xi32>
    %or3A_176 = arith.ori %convert_element_type3A_169, %shift_left3A_175 : vector<400x128xi32>
    %get3A_177 = arith.constant 0 : index
    %get3A_178 = arith.constant 1152 : index
    %get3A_179 = vector.load %arg2[%get3A_177, %get3A_178] : memref<128x3328xf32, #tpu.memory_space<vmem>>, vector<128x128xf32>
    %dot_general3A_180 = arith.constant dense<0.000000e+00> : vector<400x128xf32>
    %dot_general3A_181 = tpu.matmul %get3A_1, %get3A_179, %dot_general3A_180 {dimension_numbers = #tpu.dot_dimension_numbers<[1], [0], [0], [1], [0, 0, 1, 1], [], []>, transpose_lhs_hint = false} : vector<400x128xf32>, vector<128x128xf32>, vector<400x128xf32> -> vector<400x128xf32>
    %get3A_182 = arith.constant 0 : index
    %get3A_183 = arith.constant 1280 : index
    %get3A_184 = vector.load %arg2[%get3A_182, %get3A_183] : memref<128x3328xf32, #tpu.memory_space<vmem>>, vector<128x128xf32>
    %dot_general3A_185 = arith.constant dense<0.000000e+00> : vector<400x128xf32>
    %dot_general3A_186 = tpu.matmul %get3A_1, %get3A_184, %dot_general3A_185 {dimension_numbers = #tpu.dot_dimension_numbers<[1], [0], [0], [1], [0, 0, 1, 1], [], []>, transpose_lhs_hint = false} : vector<400x128xf32>, vector<128x128xf32>, vector<400x128xf32> -> vector<400x128xf32>
    %convert_element_type3A_187 = arith.truncf %dot_general3A_181 : vector<400x128xf32> to vector<400x128xbf16>
    %bitcast_convert_type3A_188 = tpu.bitcast %convert_element_type3A_187 : vector<400x128xbf16> -> vector<400x128xi16>
    %convert_element_type3A_189 = arith.extui %bitcast_convert_type3A_188 : vector<400x128xi16> to vector<400x128xi32>
    %convert_element_type3A_190 = arith.truncf %dot_general3A_186 : vector<400x128xf32> to vector<400x128xbf16>
    %bitcast_convert_type3A_191 = tpu.bitcast %convert_element_type3A_190 : vector<400x128xbf16> -> vector<400x128xi16>
    %convert_element_type3A_192 = arith.extui %bitcast_convert_type3A_191 : vector<400x128xi16> to vector<400x128xi32>
    %shift_left3A_193 = arith.constant 16 : i32
    %shift_left3A_194 = vector.broadcast %shift_left3A_193 : i32 to vector<400x128xi32>
    %shift_left3A_195 = arith.shli %convert_element_type3A_192, %shift_left3A_194 : vector<400x128xi32>
    %or3A_196 = arith.ori %convert_element_type3A_189, %shift_left3A_195 : vector<400x128xi32>
    %get3A_197 = arith.constant 0 : index
    %get3A_198 = arith.constant 1280 : index
    %get3A_199 = vector.load %arg2[%get3A_197, %get3A_198] : memref<128x3328xf32, #tpu.memory_space<vmem>>, vector<128x128xf32>
    %dot_general3A_200 = arith.constant dense<0.000000e+00> : vector<400x128xf32>
    %dot_general3A_201 = tpu.matmul %get3A_1, %get3A_199, %dot_general3A_200 {dimension_numbers = #tpu.dot_dimension_numbers<[1], [0], [0], [1], [0, 0, 1, 1], [], []>, transpose_lhs_hint = false} : vector<400x128xf32>, vector<128x128xf32>, vector<400x128xf32> -> vector<400x128xf32>
    %get3A_202 = arith.constant 0 : index
    %get3A_203 = arith.constant 1408 : index
    %get3A_204 = vector.load %arg2[%get3A_202, %get3A_203] : memref<128x3328xf32, #tpu.memory_space<vmem>>, vector<128x128xf32>
    %dot_general3A_205 = arith.constant dense<0.000000e+00> : vector<400x128xf32>
    %dot_general3A_206 = tpu.matmul %get3A_1, %get3A_204, %dot_general3A_205 {dimension_numbers = #tpu.dot_dimension_numbers<[1], [0], [0], [1], [0, 0, 1, 1], [], []>, transpose_lhs_hint = false} : vector<400x128xf32>, vector<128x128xf32>, vector<400x128xf32> -> vector<400x128xf32>
    %convert_element_type3A_207 = arith.truncf %dot_general3A_201 : vector<400x128xf32> to vector<400x128xbf16>
    %bitcast_convert_type3A_208 = tpu.bitcast %convert_element_type3A_207 : vector<400x128xbf16> -> vector<400x128xi16>
    %convert_element_type3A_209 = arith.extui %bitcast_convert_type3A_208 : vector<400x128xi16> to vector<400x128xi32>
    %convert_element_type3A_210 = arith.truncf %dot_general3A_206 : vector<400x128xf32> to vector<400x128xbf16>
    %bitcast_convert_type3A_211 = tpu.bitcast %convert_element_type3A_210 : vector<400x128xbf16> -> vector<400x128xi16>
    %convert_element_type3A_212 = arith.extui %bitcast_convert_type3A_211 : vector<400x128xi16> to vector<400x128xi32>
    %shift_left3A_213 = arith.constant 16 : i32
    %shift_left3A_214 = vector.broadcast %shift_left3A_213 : i32 to vector<400x128xi32>
    %shift_left3A_215 = arith.shli %convert_element_type3A_212, %shift_left3A_214 : vector<400x128xi32>
    %or3A_216 = arith.ori %convert_element_type3A_209, %shift_left3A_215 : vector<400x128xi32>
    %get3A_217 = arith.constant 0 : index
    %get3A_218 = arith.constant 1408 : index
    %get3A_219 = vector.load %arg2[%get3A_217, %get3A_218] : memref<128x3328xf32, #tpu.memory_space<vmem>>, vector<128x128xf32>
    %dot_general3A_220 = arith.constant dense<0.000000e+00> : vector<400x128xf32>
    %dot_general3A_221 = tpu.matmul %get3A_1, %get3A_219, %dot_general3A_220 {dimension_numbers = #tpu.dot_dimension_numbers<[1], [0], [0], [1], [0, 0, 1, 1], [], []>, transpose_lhs_hint = false} : vector<400x128xf32>, vector<128x128xf32>, vector<400x128xf32> -> vector<400x128xf32>
    %get3A_222 = arith.constant 0 : index
    %get3A_223 = arith.constant 1536 : index
    %get3A_224 = vector.load %arg2[%get3A_222, %get3A_223] : memref<128x3328xf32, #tpu.memory_space<vmem>>, vector<128x128xf32>
    %dot_general3A_225 = arith.constant dense<0.000000e+00> : vector<400x128xf32>
    %dot_general3A_226 = tpu.matmul %get3A_1, %get3A_224, %dot_general3A_225 {dimension_numbers = #tpu.dot_dimension_numbers<[1], [0], [0], [1], [0, 0, 1, 1], [], []>, transpose_lhs_hint = false} : vector<400x128xf32>, vector<128x128xf32>, vector<400x128xf32> -> vector<400x128xf32>
    %convert_element_type3A_227 = arith.truncf %dot_general3A_221 : vector<400x128xf32> to vector<400x128xbf16>
    %bitcast_convert_type3A_228 = tpu.bitcast %convert_element_type3A_227 : vector<400x128xbf16> -> vector<400x128xi16>
    %convert_element_type3A_229 = arith.extui %bitcast_convert_type3A_228 : vector<400x128xi16> to vector<400x128xi32>
    %convert_element_type3A_230 = arith.truncf %dot_general3A_226 : vector<400x128xf32> to vector<400x128xbf16>
    %bitcast_convert_type3A_231 = tpu.bitcast %convert_element_type3A_230 : vector<400x128xbf16> -> vector<400x128xi16>
    %convert_element_type3A_232 = arith.extui %bitcast_convert_type3A_231 : vector<400x128xi16> to vector<400x128xi32>
    %shift_left3A_233 = arith.constant 16 : i32
    %shift_left3A_234 = vector.broadcast %shift_left3A_233 : i32 to vector<400x128xi32>
    %shift_left3A_235 = arith.shli %convert_element_type3A_232, %shift_left3A_234 : vector<400x128xi32>
    %or3A_236 = arith.ori %convert_element_type3A_229, %shift_left3A_235 : vector<400x128xi32>
    %get3A_237 = arith.constant 0 : index
    %get3A_238 = arith.constant 1536 : index
    %get3A_239 = vector.load %arg2[%get3A_237, %get3A_238] : memref<128x3328xf32, #tpu.memory_space<vmem>>, vector<128x128xf32>
    %dot_general3A_240 = arith.constant dense<0.000000e+00> : vector<400x128xf32>
    %dot_general3A_241 = tpu.matmul %get3A_1, %get3A_239, %dot_general3A_240 {dimension_numbers = #tpu.dot_dimension_numbers<[1], [0], [0], [1], [0, 0, 1, 1], [], []>, transpose_lhs_hint = false} : vector<400x128xf32>, vector<128x128xf32>, vector<400x128xf32> -> vector<400x128xf32>
    %get3A_242 = arith.constant 0 : index
    %get3A_243 = arith.constant 1664 : index
    %get3A_244 = vector.load %arg2[%get3A_242, %get3A_243] : memref<128x3328xf32, #tpu.memory_space<vmem>>, vector<128x128xf32>
    %dot_general3A_245 = arith.constant dense<0.000000e+00> : vector<400x128xf32>
    %dot_general3A_246 = tpu.matmul %get3A_1, %get3A_244, %dot_general3A_245 {dimension_numbers = #tpu.dot_dimension_numbers<[1], [0], [0], [1], [0, 0, 1, 1], [], []>, transpose_lhs_hint = false} : vector<400x128xf32>, vector<128x128xf32>, vector<400x128xf32> -> vector<400x128xf32>
    %convert_element_type3A_247 = arith.truncf %dot_general3A_241 : vector<400x128xf32> to vector<400x128xbf16>
    %bitcast_convert_type3A_248 = tpu.bitcast %convert_element_type3A_247 : vector<400x128xbf16> -> vector<400x128xi16>
    %convert_element_type3A_249 = arith.extui %bitcast_convert_type3A_248 : vector<400x128xi16> to vector<400x128xi32>
    %convert_element_type3A_250 = arith.truncf %dot_general3A_246 : vector<400x128xf32> to vector<400x128xbf16>
    %bitcast_convert_type3A_251 = tpu.bitcast %convert_element_type3A_250 : vector<400x128xbf16> -> vector<400x128xi16>
    %convert_element_type3A_252 = arith.extui %bitcast_convert_type3A_251 : vector<400x128xi16> to vector<400x128xi32>
    %shift_left3A_253 = arith.constant 16 : i32
    %shift_left3A_254 = vector.broadcast %shift_left3A_253 : i32 to vector<400x128xi32>
    %shift_left3A_255 = arith.shli %convert_element_type3A_252, %shift_left3A_254 : vector<400x128xi32>
    %or3A_256 = arith.ori %convert_element_type3A_249, %shift_left3A_255 : vector<400x128xi32>
    %get3A_257 = arith.constant 0 : index
    %get3A_258 = arith.constant 1664 : index
    %get3A_259 = vector.load %arg2[%get3A_257, %get3A_258] : memref<128x3328xf32, #tpu.memory_space<vmem>>, vector<128x128xf32>
    %dot_general3A_260 = arith.constant dense<0.000000e+00> : vector<400x128xf32>
    %dot_general3A_261 = tpu.matmul %get3A_1, %get3A_259, %dot_general3A_260 {dimension_numbers = #tpu.dot_dimension_numbers<[1], [0], [0], [1], [0, 0, 1, 1], [], []>, transpose_lhs_hint = false} : vector<400x128xf32>, vector<128x128xf32>, vector<400x128xf32> -> vector<400x128xf32>
    %get3A_262 = arith.constant 0 : index
    %get3A_263 = arith.constant 1792 : index
    %get3A_264 = vector.load %arg2[%get3A_262, %get3A_263] : memref<128x3328xf32, #tpu.memory_space<vmem>>, vector<128x128xf32>
    %dot_general3A_265 = arith.constant dense<0.000000e+00> : vector<400x128xf32>
    %dot_general3A_266 = tpu.matmul %get3A_1, %get3A_264, %dot_general3A_265 {dimension_numbers = #tpu.dot_dimension_numbers<[1], [0], [0], [1], [0, 0, 1, 1], [], []>, transpose_lhs_hint = false} : vector<400x128xf32>, vector<128x128xf32>, vector<400x128xf32> -> vector<400x128xf32>
    %convert_element_type3A_267 = arith.truncf %dot_general3A_261 : vector<400x128xf32> to vector<400x128xbf16>
    %bitcast_convert_type3A_268 = tpu.bitcast %convert_element_type3A_267 : vector<400x128xbf16> -> vector<400x128xi16>
    %convert_element_type3A_269 = arith.extui %bitcast_convert_type3A_268 : vector<400x128xi16> to vector<400x128xi32>
    %convert_element_type3A_270 = arith.truncf %dot_general3A_266 : vector<400x128xf32> to vector<400x128xbf16>
    %bitcast_convert_type3A_271 = tpu.bitcast %convert_element_type3A_270 : vector<400x128xbf16> -> vector<400x128xi16>
    %convert_element_type3A_272 = arith.extui %bitcast_convert_type3A_271 : vector<400x128xi16> to vector<400x128xi32>
    %shift_left3A_273 = arith.constant 16 : i32
    %shift_left3A_274 = vector.broadcast %shift_left3A_273 : i32 to vector<400x128xi32>
    %shift_left3A_275 = arith.shli %convert_element_type3A_272, %shift_left3A_274 : vector<400x128xi32>
    %or3A_276 = arith.ori %convert_element_type3A_269, %shift_left3A_275 : vector<400x128xi32>
    %get3A_277 = arith.constant 0 : index
    %get3A_278 = arith.constant 1792 : index
    %get3A_279 = vector.load %arg2[%get3A_277, %get3A_278] : memref<128x3328xf32, #tpu.memory_space<vmem>>, vector<128x128xf32>
    %dot_general3A_280 = arith.constant dense<0.000000e+00> : vector<400x128xf32>
    %dot_general3A_281 = tpu.matmul %get3A_1, %get3A_279, %dot_general3A_280 {dimension_numbers = #tpu.dot_dimension_numbers<[1], [0], [0], [1], [0, 0, 1, 1], [], []>, transpose_lhs_hint = false} : vector<400x128xf32>, vector<128x128xf32>, vector<400x128xf32> -> vector<400x128xf32>
    %get3A_282 = arith.constant 0 : index
    %get3A_283 = arith.constant 1920 : index
    %get3A_284 = vector.load %arg2[%get3A_282, %get3A_283] : memref<128x3328xf32, #tpu.memory_space<vmem>>, vector<128x128xf32>
    %dot_general3A_285 = arith.constant dense<0.000000e+00> : vector<400x128xf32>
    %dot_general3A_286 = tpu.matmul %get3A_1, %get3A_284, %dot_general3A_285 {dimension_numbers = #tpu.dot_dimension_numbers<[1], [0], [0], [1], [0, 0, 1, 1], [], []>, transpose_lhs_hint = false} : vector<400x128xf32>, vector<128x128xf32>, vector<400x128xf32> -> vector<400x128xf32>
    %convert_element_type3A_287 = arith.truncf %dot_general3A_281 : vector<400x128xf32> to vector<400x128xbf16>
    %bitcast_convert_type3A_288 = tpu.bitcast %convert_element_type3A_287 : vector<400x128xbf16> -> vector<400x128xi16>
    %convert_element_type3A_289 = arith.extui %bitcast_convert_type3A_288 : vector<400x128xi16> to vector<400x128xi32>
    %convert_element_type3A_290 = arith.truncf %dot_general3A_286 : vector<400x128xf32> to vector<400x128xbf16>
    %bitcast_convert_type3A_291 = tpu.bitcast %convert_element_type3A_290 : vector<400x128xbf16> -> vector<400x128xi16>
    %convert_element_type3A_292 = arith.extui %bitcast_convert_type3A_291 : vector<400x128xi16> to vector<400x128xi32>
    %shift_left3A_293 = arith.constant 16 : i32
    %shift_left3A_294 = vector.broadcast %shift_left3A_293 : i32 to vector<400x128xi32>
    %shift_left3A_295 = arith.shli %convert_element_type3A_292, %shift_left3A_294 : vector<400x128xi32>
    %or3A_296 = arith.ori %convert_element_type3A_289, %shift_left3A_295 : vector<400x128xi32>
    %get3A_297 = arith.constant 0 : index
    %get3A_298 = arith.constant 1920 : index
    %get3A_299 = vector.load %arg2[%get3A_297, %get3A_298] : memref<128x3328xf32, #tpu.memory_space<vmem>>, vector<128x128xf32>
    %dot_general3A_300 = arith.constant dense<0.000000e+00> : vector<400x128xf32>
    %dot_general3A_301 = tpu.matmul %get3A_1, %get3A_299, %dot_general3A_300 {dimension_numbers = #tpu.dot_dimension_numbers<[1], [0], [0], [1], [0, 0, 1, 1], [], []>, transpose_lhs_hint = false} : vector<400x128xf32>, vector<128x128xf32>, vector<400x128xf32> -> vector<400x128xf32>
    %get3A_302 = arith.constant 0 : index
    %get3A_303 = arith.constant 2048 : index
    %get3A_304 = vector.load %arg2[%get3A_302, %get3A_303] : memref<128x3328xf32, #tpu.memory_space<vmem>>, vector<128x128xf32>
    %dot_general3A_305 = arith.constant dense<0.000000e+00> : vector<400x128xf32>
    %dot_general3A_306 = tpu.matmul %get3A_1, %get3A_304, %dot_general3A_305 {dimension_numbers = #tpu.dot_dimension_numbers<[1], [0], [0], [1], [0, 0, 1, 1], [], []>, transpose_lhs_hint = false} : vector<400x128xf32>, vector<128x128xf32>, vector<400x128xf32> -> vector<400x128xf32>
    %convert_element_type3A_307 = arith.truncf %dot_general3A_301 : vector<400x128xf32> to vector<400x128xbf16>
    %bitcast_convert_type3A_308 = tpu.bitcast %convert_element_type3A_307 : vector<400x128xbf16> -> vector<400x128xi16>
    %convert_element_type3A_309 = arith.extui %bitcast_convert_type3A_308 : vector<400x128xi16> to vector<400x128xi32>
    %convert_element_type3A_310 = arith.truncf %dot_general3A_306 : vector<400x128xf32> to vector<400x128xbf16>
    %bitcast_convert_type3A_311 = tpu.bitcast %convert_element_type3A_310 : vector<400x128xbf16> -> vector<400x128xi16>
    %convert_element_type3A_312 = arith.extui %bitcast_convert_type3A_311 : vector<400x128xi16> to vector<400x128xi32>
    %shift_left3A_313 = arith.constant 16 : i32
    %shift_left3A_314 = vector.broadcast %shift_left3A_313 : i32 to vector<400x128xi32>
    %shift_left3A_315 = arith.shli %convert_element_type3A_312, %shift_left3A_314 : vector<400x128xi32>
    %or3A_316 = arith.ori %convert_element_type3A_309, %shift_left3A_315 : vector<400x128xi32>
    %get3A_317 = arith.constant 0 : index
    %get3A_318 = arith.constant 2048 : index
    %get3A_319 = vector.load %arg2[%get3A_317, %get3A_318] : memref<128x3328xf32, #tpu.memory_space<vmem>>, vector<128x128xf32>
    %dot_general3A_320 = arith.constant dense<0.000000e+00> : vector<400x128xf32>
    %dot_general3A_321 = tpu.matmul %get3A_1, %get3A_319, %dot_general3A_320 {dimension_numbers = #tpu.dot_dimension_numbers<[1], [0], [0], [1], [0, 0, 1, 1], [], []>, transpose_lhs_hint = false} : vector<400x128xf32>, vector<128x128xf32>, vector<400x128xf32> -> vector<400x128xf32>
    %get3A_322 = arith.constant 0 : index
    %get3A_323 = arith.constant 2176 : index
    %get3A_324 = vector.load %arg2[%get3A_322, %get3A_323] : memref<128x3328xf32, #tpu.memory_space<vmem>>, vector<128x128xf32>
    %dot_general3A_325 = arith.constant dense<0.000000e+00> : vector<400x128xf32>
    %dot_general3A_326 = tpu.matmul %get3A_1, %get3A_324, %dot_general3A_325 {dimension_numbers = #tpu.dot_dimension_numbers<[1], [0], [0], [1], [0, 0, 1, 1], [], []>, transpose_lhs_hint = false} : vector<400x128xf32>, vector<128x128xf32>, vector<400x128xf32> -> vector<400x128xf32>
    %convert_element_type3A_327 = arith.truncf %dot_general3A_321 : vector<400x128xf32> to vector<400x128xbf16>
    %bitcast_convert_type3A_328 = tpu.bitcast %convert_element_type3A_327 : vector<400x128xbf16> -> vector<400x128xi16>
    %convert_element_type3A_329 = arith.extui %bitcast_convert_type3A_328 : vector<400x128xi16> to vector<400x128xi32>
    %convert_element_type3A_330 = arith.truncf %dot_general3A_326 : vector<400x128xf32> to vector<400x128xbf16>
    %bitcast_convert_type3A_331 = tpu.bitcast %convert_element_type3A_330 : vector<400x128xbf16> -> vector<400x128xi16>
    %convert_element_type3A_332 = arith.extui %bitcast_convert_type3A_331 : vector<400x128xi16> to vector<400x128xi32>
    %shift_left3A_333 = arith.constant 16 : i32
    %shift_left3A_334 = vector.broadcast %shift_left3A_333 : i32 to vector<400x128xi32>
    %shift_left3A_335 = arith.shli %convert_element_type3A_332, %shift_left3A_334 : vector<400x128xi32>
    %or3A_336 = arith.ori %convert_element_type3A_329, %shift_left3A_335 : vector<400x128xi32>
    %get3A_337 = arith.constant 0 : index
    %get3A_338 = arith.constant 2176 : index
    %get3A_339 = vector.load %arg2[%get3A_337, %get3A_338] : memref<128x3328xf32, #tpu.memory_space<vmem>>, vector<128x128xf32>
    %dot_general3A_340 = arith.constant dense<0.000000e+00> : vector<400x128xf32>
    %dot_general3A_341 = tpu.matmul %get3A_1, %get3A_339, %dot_general3A_340 {dimension_numbers = #tpu.dot_dimension_numbers<[1], [0], [0], [1], [0, 0, 1, 1], [], []>, transpose_lhs_hint = false} : vector<400x128xf32>, vector<128x128xf32>, vector<400x128xf32> -> vector<400x128xf32>
    %get3A_342 = arith.constant 0 : index
    %get3A_343 = arith.constant 2304 : index
    %get3A_344 = vector.load %arg2[%get3A_342, %get3A_343] : memref<128x3328xf32, #tpu.memory_space<vmem>>, vector<128x128xf32>
    %dot_general3A_345 = arith.constant dense<0.000000e+00> : vector<400x128xf32>
    %dot_general3A_346 = tpu.matmul %get3A_1, %get3A_344, %dot_general3A_345 {dimension_numbers = #tpu.dot_dimension_numbers<[1], [0], [0], [1], [0, 0, 1, 1], [], []>, transpose_lhs_hint = false} : vector<400x128xf32>, vector<128x128xf32>, vector<400x128xf32> -> vector<400x128xf32>
    %convert_element_type3A_347 = arith.truncf %dot_general3A_341 : vector<400x128xf32> to vector<400x128xbf16>
    %bitcast_convert_type3A_348 = tpu.bitcast %convert_element_type3A_347 : vector<400x128xbf16> -> vector<400x128xi16>
    %convert_element_type3A_349 = arith.extui %bitcast_convert_type3A_348 : vector<400x128xi16> to vector<400x128xi32>
    %convert_element_type3A_350 = arith.truncf %dot_general3A_346 : vector<400x128xf32> to vector<400x128xbf16>
    %bitcast_convert_type3A_351 = tpu.bitcast %convert_element_type3A_350 : vector<400x128xbf16> -> vector<400x128xi16>
    %convert_element_type3A_352 = arith.extui %bitcast_convert_type3A_351 : vector<400x128xi16> to vector<400x128xi32>
    %shift_left3A_353 = arith.constant 16 : i32
    %shift_left3A_354 = vector.broadcast %shift_left3A_353 : i32 to vector<400x128xi32>
    %shift_left3A_355 = arith.shli %convert_element_type3A_352, %shift_left3A_354 : vector<400x128xi32>
    %or3A_356 = arith.ori %convert_element_type3A_349, %shift_left3A_355 : vector<400x128xi32>
    %get3A_357 = arith.constant 0 : index
    %get3A_358 = arith.constant 2304 : index
    %get3A_359 = vector.load %arg2[%get3A_357, %get3A_358] : memref<128x3328xf32, #tpu.memory_space<vmem>>, vector<128x128xf32>
    %dot_general3A_360 = arith.constant dense<0.000000e+00> : vector<400x128xf32>
    %dot_general3A_361 = tpu.matmul %get3A_1, %get3A_359, %dot_general3A_360 {dimension_numbers = #tpu.dot_dimension_numbers<[1], [0], [0], [1], [0, 0, 1, 1], [], []>, transpose_lhs_hint = false} : vector<400x128xf32>, vector<128x128xf32>, vector<400x128xf32> -> vector<400x128xf32>
    %get3A_362 = arith.constant 0 : index
    %get3A_363 = arith.constant 2432 : index
    %get3A_364 = vector.load %arg2[%get3A_362, %get3A_363] : memref<128x3328xf32, #tpu.memory_space<vmem>>, vector<128x128xf32>
    %dot_general3A_365 = arith.constant dense<0.000000e+00> : vector<400x128xf32>
    %dot_general3A_366 = tpu.matmul %get3A_1, %get3A_364, %dot_general3A_365 {dimension_numbers = #tpu.dot_dimension_numbers<[1], [0], [0], [1], [0, 0, 1, 1], [], []>, transpose_lhs_hint = false} : vector<400x128xf32>, vector<128x128xf32>, vector<400x128xf32> -> vector<400x128xf32>
    %convert_element_type3A_367 = arith.truncf %dot_general3A_361 : vector<400x128xf32> to vector<400x128xbf16>
    %bitcast_convert_type3A_368 = tpu.bitcast %convert_element_type3A_367 : vector<400x128xbf16> -> vector<400x128xi16>
    %convert_element_type3A_369 = arith.extui %bitcast_convert_type3A_368 : vector<400x128xi16> to vector<400x128xi32>
    %convert_element_type3A_370 = arith.truncf %dot_general3A_366 : vector<400x128xf32> to vector<400x128xbf16>
    %bitcast_convert_type3A_371 = tpu.bitcast %convert_element_type3A_370 : vector<400x128xbf16> -> vector<400x128xi16>
    %convert_element_type3A_372 = arith.extui %bitcast_convert_type3A_371 : vector<400x128xi16> to vector<400x128xi32>
    %shift_left3A_373 = arith.constant 16 : i32
    %shift_left3A_374 = vector.broadcast %shift_left3A_373 : i32 to vector<400x128xi32>
    %shift_left3A_375 = arith.shli %convert_element_type3A_372, %shift_left3A_374 : vector<400x128xi32>
    %or3A_376 = arith.ori %convert_element_type3A_369, %shift_left3A_375 : vector<400x128xi32>
    %get3A_377 = arith.constant 0 : index
    %get3A_378 = arith.constant 2432 : index
    %get3A_379 = vector.load %arg2[%get3A_377, %get3A_378] : memref<128x3328xf32, #tpu.memory_space<vmem>>, vector<128x128xf32>
    %dot_general3A_380 = arith.constant dense<0.000000e+00> : vector<400x128xf32>
    %dot_general3A_381 = tpu.matmul %get3A_1, %get3A_379, %dot_general3A_380 {dimension_numbers = #tpu.dot_dimension_numbers<[1], [0], [0], [1], [0, 0, 1, 1], [], []>, transpose_lhs_hint = false} : vector<400x128xf32>, vector<128x128xf32>, vector<400x128xf32> -> vector<400x128xf32>
    %get3A_382 = arith.constant 0 : index
    %get3A_383 = arith.constant 2560 : index
    %get3A_384 = vector.load %arg2[%get3A_382, %get3A_383] : memref<128x3328xf32, #tpu.memory_space<vmem>>, vector<128x128xf32>
    %dot_general3A_385 = arith.constant dense<0.000000e+00> : vector<400x128xf32>
    %dot_general3A_386 = tpu.matmul %get3A_1, %get3A_384, %dot_general3A_385 {dimension_numbers = #tpu.dot_dimension_numbers<[1], [0], [0], [1], [0, 0, 1, 1], [], []>, transpose_lhs_hint = false} : vector<400x128xf32>, vector<128x128xf32>, vector<400x128xf32> -> vector<400x128xf32>
    %convert_element_type3A_387 = arith.truncf %dot_general3A_381 : vector<400x128xf32> to vector<400x128xbf16>
    %bitcast_convert_type3A_388 = tpu.bitcast %convert_element_type3A_387 : vector<400x128xbf16> -> vector<400x128xi16>
    %convert_element_type3A_389 = arith.extui %bitcast_convert_type3A_388 : vector<400x128xi16> to vector<400x128xi32>
    %convert_element_type3A_390 = arith.truncf %dot_general3A_386 : vector<400x128xf32> to vector<400x128xbf16>
    %bitcast_convert_type3A_391 = tpu.bitcast %convert_element_type3A_390 : vector<400x128xbf16> -> vector<400x128xi16>
    %convert_element_type3A_392 = arith.extui %bitcast_convert_type3A_391 : vector<400x128xi16> to vector<400x128xi32>
    %shift_left3A_393 = arith.constant 16 : i32
    %shift_left3A_394 = vector.broadcast %shift_left3A_393 : i32 to vector<400x128xi32>
    %shift_left3A_395 = arith.shli %convert_element_type3A_392, %shift_left3A_394 : vector<400x128xi32>
    %or3A_396 = arith.ori %convert_element_type3A_389, %shift_left3A_395 : vector<400x128xi32>
    %get3A_397 = arith.constant 0 : index
    %get3A_398 = arith.constant 2560 : index
    %get3A_399 = vector.load %arg2[%get3A_397, %get3A_398] : memref<128x3328xf32, #tpu.memory_space<vmem>>, vector<128x128xf32>
    %dot_general3A_400 = arith.constant dense<0.000000e+00> : vector<400x128xf32>
    %dot_general3A_401 = tpu.matmul %get3A_1, %get3A_399, %dot_general3A_400 {dimension_numbers = #tpu.dot_dimension_numbers<[1], [0], [0], [1], [0, 0, 1, 1], [], []>, transpose_lhs_hint = false} : vector<400x128xf32>, vector<128x128xf32>, vector<400x128xf32> -> vector<400x128xf32>
    %get3A_402 = arith.constant 0 : index
    %get3A_403 = arith.constant 2688 : index
    %get3A_404 = vector.load %arg2[%get3A_402, %get3A_403] : memref<128x3328xf32, #tpu.memory_space<vmem>>, vector<128x128xf32>
    %dot_general3A_405 = arith.constant dense<0.000000e+00> : vector<400x128xf32>
    %dot_general3A_406 = tpu.matmul %get3A_1, %get3A_404, %dot_general3A_405 {dimension_numbers = #tpu.dot_dimension_numbers<[1], [0], [0], [1], [0, 0, 1, 1], [], []>, transpose_lhs_hint = false} : vector<400x128xf32>, vector<128x128xf32>, vector<400x128xf32> -> vector<400x128xf32>
    %convert_element_type3A_407 = arith.truncf %dot_general3A_401 : vector<400x128xf32> to vector<400x128xbf16>
    %bitcast_convert_type3A_408 = tpu.bitcast %convert_element_type3A_407 : vector<400x128xbf16> -> vector<400x128xi16>
    %convert_element_type3A_409 = arith.extui %bitcast_convert_type3A_408 : vector<400x128xi16> to vector<400x128xi32>
    %convert_element_type3A_410 = arith.truncf %dot_general3A_406 : vector<400x128xf32> to vector<400x128xbf16>
    %bitcast_convert_type3A_411 = tpu.bitcast %convert_element_type3A_410 : vector<400x128xbf16> -> vector<400x128xi16>
    %convert_element_type3A_412 = arith.extui %bitcast_convert_type3A_411 : vector<400x128xi16> to vector<400x128xi32>
    %shift_left3A_413 = arith.constant 16 : i32
    %shift_left3A_414 = vector.broadcast %shift_left3A_413 : i32 to vector<400x128xi32>
    %shift_left3A_415 = arith.shli %convert_element_type3A_412, %shift_left3A_414 : vector<400x128xi32>
    %or3A_416 = arith.ori %convert_element_type3A_409, %shift_left3A_415 : vector<400x128xi32>
    %get3A_417 = arith.constant 0 : index
    %get3A_418 = arith.constant 2688 : index
    %get3A_419 = vector.load %arg2[%get3A_417, %get3A_418] : memref<128x3328xf32, #tpu.memory_space<vmem>>, vector<128x128xf32>
    %dot_general3A_420 = arith.constant dense<0.000000e+00> : vector<400x128xf32>
    %dot_general3A_421 = tpu.matmul %get3A_1, %get3A_419, %dot_general3A_420 {dimension_numbers = #tpu.dot_dimension_numbers<[1], [0], [0], [1], [0, 0, 1, 1], [], []>, transpose_lhs_hint = false} : vector<400x128xf32>, vector<128x128xf32>, vector<400x128xf32> -> vector<400x128xf32>
    %get3A_422 = arith.constant 0 : index
    %get3A_423 = arith.constant 2816 : index
    %get3A_424 = vector.load %arg2[%get3A_422, %get3A_423] : memref<128x3328xf32, #tpu.memory_space<vmem>>, vector<128x128xf32>
    %dot_general3A_425 = arith.constant dense<0.000000e+00> : vector<400x128xf32>
    %dot_general3A_426 = tpu.matmul %get3A_1, %get3A_424, %dot_general3A_425 {dimension_numbers = #tpu.dot_dimension_numbers<[1], [0], [0], [1], [0, 0, 1, 1], [], []>, transpose_lhs_hint = false} : vector<400x128xf32>, vector<128x128xf32>, vector<400x128xf32> -> vector<400x128xf32>
    %convert_element_type3A_427 = arith.truncf %dot_general3A_421 : vector<400x128xf32> to vector<400x128xbf16>
    %bitcast_convert_type3A_428 = tpu.bitcast %convert_element_type3A_427 : vector<400x128xbf16> -> vector<400x128xi16>
    %convert_element_type3A_429 = arith.extui %bitcast_convert_type3A_428 : vector<400x128xi16> to vector<400x128xi32>
    %convert_element_type3A_430 = arith.truncf %dot_general3A_426 : vector<400x128xf32> to vector<400x128xbf16>
    %bitcast_convert_type3A_431 = tpu.bitcast %convert_element_type3A_430 : vector<400x128xbf16> -> vector<400x128xi16>
    %convert_element_type3A_432 = arith.extui %bitcast_convert_type3A_431 : vector<400x128xi16> to vector<400x128xi32>
    %shift_left3A_433 = arith.constant 16 : i32
    %shift_left3A_434 = vector.broadcast %shift_left3A_433 : i32 to vector<400x128xi32>
    %shift_left3A_435 = arith.shli %convert_element_type3A_432, %shift_left3A_434 : vector<400x128xi32>
    %or3A_436 = arith.ori %convert_element_type3A_429, %shift_left3A_435 : vector<400x128xi32>
    %get3A_437 = arith.constant 0 : index
    %get3A_438 = arith.constant 2816 : index
    %get3A_439 = vector.load %arg2[%get3A_437, %get3A_438] : memref<128x3328xf32, #tpu.memory_space<vmem>>, vector<128x128xf32>
    %dot_general3A_440 = arith.constant dense<0.000000e+00> : vector<400x128xf32>
    %dot_general3A_441 = tpu.matmul %get3A_1, %get3A_439, %dot_general3A_440 {dimension_numbers = #tpu.dot_dimension_numbers<[1], [0], [0], [1], [0, 0, 1, 1], [], []>, transpose_lhs_hint = false} : vector<400x128xf32>, vector<128x128xf32>, vector<400x128xf32> -> vector<400x128xf32>
    %get3A_442 = arith.constant 0 : index
    %get3A_443 = arith.constant 2944 : index
    %get3A_444 = vector.load %arg2[%get3A_442, %get3A_443] : memref<128x3328xf32, #tpu.memory_space<vmem>>, vector<128x128xf32>
    %dot_general3A_445 = arith.constant dense<0.000000e+00> : vector<400x128xf32>
    %dot_general3A_446 = tpu.matmul %get3A_1, %get3A_444, %dot_general3A_445 {dimension_numbers = #tpu.dot_dimension_numbers<[1], [0], [0], [1], [0, 0, 1, 1], [], []>, transpose_lhs_hint = false} : vector<400x128xf32>, vector<128x128xf32>, vector<400x128xf32> -> vector<400x128xf32>
    %convert_element_type3A_447 = arith.truncf %dot_general3A_441 : vector<400x128xf32> to vector<400x128xbf16>
    %bitcast_convert_type3A_448 = tpu.bitcast %convert_element_type3A_447 : vector<400x128xbf16> -> vector<400x128xi16>
    %convert_element_type3A_449 = arith.extui %bitcast_convert_type3A_448 : vector<400x128xi16> to vector<400x128xi32>
    %convert_element_type3A_450 = arith.truncf %dot_general3A_446 : vector<400x128xf32> to vector<400x128xbf16>
    %bitcast_convert_type3A_451 = tpu.bitcast %convert_element_type3A_450 : vector<400x128xbf16> -> vector<400x128xi16>
    %convert_element_type3A_452 = arith.extui %bitcast_convert_type3A_451 : vector<400x128xi16> to vector<400x128xi32>
    %shift_left3A_453 = arith.constant 16 : i32
    %shift_left3A_454 = vector.broadcast %shift_left3A_453 : i32 to vector<400x128xi32>
    %shift_left3A_455 = arith.shli %convert_element_type3A_452, %shift_left3A_454 : vector<400x128xi32>
    %or3A_456 = arith.ori %convert_element_type3A_449, %shift_left3A_455 : vector<400x128xi32>
    %get3A_457 = arith.constant 0 : index
    %get3A_458 = arith.constant 2944 : index
    %get3A_459 = vector.load %arg2[%get3A_457, %get3A_458] : memref<128x3328xf32, #tpu.memory_space<vmem>>, vector<128x128xf32>
    %dot_general3A_460 = arith.constant dense<0.000000e+00> : vector<400x128xf32>
    %dot_general3A_461 = tpu.matmul %get3A_1, %get3A_459, %dot_general3A_460 {dimension_numbers = #tpu.dot_dimension_numbers<[1], [0], [0], [1], [0, 0, 1, 1], [], []>, transpose_lhs_hint = false} : vector<400x128xf32>, vector<128x128xf32>, vector<400x128xf32> -> vector<400x128xf32>
    %get3A_462 = arith.constant 0 : index
    %get3A_463 = arith.constant 3072 : index
    %get3A_464 = vector.load %arg2[%get3A_462, %get3A_463] : memref<128x3328xf32, #tpu.memory_space<vmem>>, vector<128x128xf32>
    %dot_general3A_465 = arith.constant dense<0.000000e+00> : vector<400x128xf32>
    %dot_general3A_466 = tpu.matmul %get3A_1, %get3A_464, %dot_general3A_465 {dimension_numbers = #tpu.dot_dimension_numbers<[1], [0], [0], [1], [0, 0, 1, 1], [], []>, transpose_lhs_hint = false} : vector<400x128xf32>, vector<128x128xf32>, vector<400x128xf32> -> vector<400x128xf32>
    %convert_element_type3A_467 = arith.truncf %dot_general3A_461 : vector<400x128xf32> to vector<400x128xbf16>
    %bitcast_convert_type3A_468 = tpu.bitcast %convert_element_type3A_467 : vector<400x128xbf16> -> vector<400x128xi16>
    %convert_element_type3A_469 = arith.extui %bitcast_convert_type3A_468 : vector<400x128xi16> to vector<400x128xi32>
    %convert_element_type3A_470 = arith.truncf %dot_general3A_466 : vector<400x128xf32> to vector<400x128xbf16>
    %bitcast_convert_type3A_471 = tpu.bitcast %convert_element_type3A_470 : vector<400x128xbf16> -> vector<400x128xi16>
    %convert_element_type3A_472 = arith.extui %bitcast_convert_type3A_471 : vector<400x128xi16> to vector<400x128xi32>
    %shift_left3A_473 = arith.constant 16 : i32
    %shift_left3A_474 = vector.broadcast %shift_left3A_473 : i32 to vector<400x128xi32>
    %shift_left3A_475 = arith.shli %convert_element_type3A_472, %shift_left3A_474 : vector<400x128xi32>
    %or3A_476 = arith.ori %convert_element_type3A_469, %shift_left3A_475 : vector<400x128xi32>
    %get3A_477 = arith.constant 0 : index
    %get3A_478 = arith.constant 3072 : index
    %get3A_479 = vector.load %arg2[%get3A_477, %get3A_478] : memref<128x3328xf32, #tpu.memory_space<vmem>>, vector<128x128xf32>
    %dot_general3A_480 = arith.constant dense<0.000000e+00> : vector<400x128xf32>
    %dot_general3A_481 = tpu.matmul %get3A_1, %get3A_479, %dot_general3A_480 {dimension_numbers = #tpu.dot_dimension_numbers<[1], [0], [0], [1], [0, 0, 1, 1], [], []>, transpose_lhs_hint = false} : vector<400x128xf32>, vector<128x128xf32>, vector<400x128xf32> -> vector<400x128xf32>
    %get3A_482 = arith.constant 0 : index
    %get3A_483 = arith.constant 3200 : index
    %get3A_484 = vector.load %arg2[%get3A_482, %get3A_483] : memref<128x3328xf32, #tpu.memory_space<vmem>>, vector<128x128xf32>
    %dot_general3A_485 = arith.constant dense<0.000000e+00> : vector<400x128xf32>
    %dot_general3A_486 = tpu.matmul %get3A_1, %get3A_484, %dot_general3A_485 {dimension_numbers = #tpu.dot_dimension_numbers<[1], [0], [0], [1], [0, 0, 1, 1], [], []>, transpose_lhs_hint = false} : vector<400x128xf32>, vector<128x128xf32>, vector<400x128xf32> -> vector<400x128xf32>
    %convert_element_type3A_487 = arith.truncf %dot_general3A_481 : vector<400x128xf32> to vector<400x128xbf16>
    %bitcast_convert_type3A_488 = tpu.bitcast %convert_element_type3A_487 : vector<400x128xbf16> -> vector<400x128xi16>
    %convert_element_type3A_489 = arith.extui %bitcast_convert_type3A_488 : vector<400x128xi16> to vector<400x128xi32>
    %convert_element_type3A_490 = arith.truncf %dot_general3A_486 : vector<400x128xf32> to vector<400x128xbf16>
    %bitcast_convert_type3A_491 = tpu.bitcast %convert_element_type3A_490 : vector<400x128xbf16> -> vector<400x128xi16>
    %convert_element_type3A_492 = arith.extui %bitcast_convert_type3A_491 : vector<400x128xi16> to vector<400x128xi32>
    %shift_left3A_493 = arith.constant 16 : i32
    %shift_left3A_494 = vector.broadcast %shift_left3A_493 : i32 to vector<400x128xi32>
    %shift_left3A_495 = arith.shli %convert_element_type3A_492, %shift_left3A_494 : vector<400x128xi32>
    %or3A_496 = arith.ori %convert_element_type3A_489, %shift_left3A_495 : vector<400x128xi32>
    %concatenate3A = tpu.concatenate %or3A, %or3A_36, %or3A_56, %or3A_76, %or3A_96, %or3A_116, %or3A_136, %or3A_156, %or3A_176, %or3A_196, %or3A_216, %or3A_236, %or3A_256, %or3A_276, %or3A_296, %or3A_316, %or3A_336, %or3A_356, %or3A_376, %or3A_396, %or3A_416, %or3A_436, %or3A_456, %or3A_476, %or3A_496 in 1 : vector<400x128xi32>, vector<400x128xi32>, vector<400x128xi32>, vector<400x128xi32>, vector<400x128xi32>, vector<400x128xi32>, vector<400x128xi32>, vector<400x128xi32>, vector<400x128xi32>, vector<400x128xi32>, vector<400x128xi32>, vector<400x128xi32>, vector<400x128xi32>, vector<400x128xi32>, vector<400x128xi32>, vector<400x128xi32>, vector<400x128xi32>, vector<400x128xi32>, vector<400x128xi32>, vector<400x128xi32>, vector<400x128xi32>, vector<400x128xi32>, vector<400x128xi32>, vector<400x128xi32>, vector<400x128xi32> -> vector<400x3200xi32>
    %swap3A = arith.constant 0 : index
    %swap3A_497 = arith.constant 0 : index
    %swap3A_498 = vector.load %arg3[%swap3A, %swap3A_497] : memref<400x3200xi32, #tpu.memory_space<vmem>>, vector<400x3200xi32>
    tpu.vector_store %arg3[%swap3A, %swap3A_497], %concatenate3A {strides = array<i32>} : memref<400x3200xi32, #tpu.memory_space<vmem>>, vector<400x3200xi32>,
    return
  }
  func.func @transform_0(%arg0: i32) -> (i32, i32) {
    %c0_i32 = arith.constant 0 : i32
    %c0_i32_0 = arith.constant 0 : i32
    return %arg0, %c0_i32 : i32, i32
  }
  func.func @transform_1(%arg0: i32) -> (i32, i32) {
    %c0_i32 = arith.constant 0 : i32
    %c0_i32_0 = arith.constant 0 : i32
    %c0_i32_1 = arith.constant 0 : i32
    return %c0_i32, %c0_i32_0 : i32, i32
  }
  func.func @transform_2(%arg0: i32) -> (i32, i32) {
    %c0_i32 = arith.constant 0 : i32
    %c0_i32_0 = arith.constant 0 : i32
    return %arg0, %c0_i32 : i32, i32
  }
}

module attributes {stable_mosaic.version = 14 : i64} {
  func.func @_fin1_body(%arg0: i32, %arg1: memref<2x400x128xf32, #tpu.memory_space<vmem>>, %arg2: memref<400x32xf32, #tpu.memory_space<vmem>>, %arg3: memref<400x128xf32, #tpu.memory_space<vmem>>, %arg4: memref<128x128xf32, #tpu.memory_space<vmem>>, %arg5: memref<1x128xf32, #tpu.memory_space<vmem>>, %arg6: memref<128x3328xf32, #tpu.memory_space<vmem>>, %arg7: memref<400x128xf32, #tpu.memory_space<vmem>>, %arg8: memref<400x3200xi32, #tpu.memory_space<vmem>>) attributes {dimension_semantics = [#tpu.dimension_semantics<arbitrary>], iteration_bounds = array<i64: 25>, scalar_prefetch = 0 : i64, scratch_operands = 0 : i64, tpu.core_type = #tpu.core_type<tc>, window_params = [{transform_indices = @transform_0, window_bounds = array<i64: 2, 400, 128>}, {transform_indices = @transform_1, window_bounds = array<i64: 400, 32>}, {transform_indices = @transform_2, window_bounds = array<i64: 400, 128>}, {pipeline_mode = #tpu.pipeline_mode<synchronous>, transform_indices = @transform_3, window_bounds = array<i64: 128, 128>}, {pipeline_mode = #tpu.pipeline_mode<synchronous>, transform_indices = @transform_4, window_bounds = array<i64: 1, 128>}, {pipeline_mode = #tpu.pipeline_mode<synchronous>, transform_indices = @transform_5, window_bounds = array<i64: 128, 3328>}, {transform_indices = @transform_6, window_bounds = array<i64: 400, 128>}, {transform_indices = @transform_7, window_bounds = array<i64: 400, 3200>}]} {
    %get3A = arith.constant 0 : index
    %get3A_0 = arith.constant 0 : index
    %get3A_1 = arith.constant 0 : index
    %get3A_2 = vector.load %arg1[%get3A, %get3A_0, %get3A_1] : memref<2x400x128xf32, #tpu.memory_space<vmem>>, vector<1x400x128xf32>
    %get3A_3 = vector.shape_cast %get3A_2 : vector<1x400x128xf32> to vector<400x128xf32>
    %get3A_4 = arith.constant 1 : index
    %get3A_5 = arith.constant 0 : index
    %get3A_6 = arith.constant 0 : index
    %get3A_7 = vector.load %arg1[%get3A_4, %get3A_5, %get3A_6] : memref<2x400x128xf32, #tpu.memory_space<vmem>>, vector<1x400x128xf32>
    %get3A_8 = vector.shape_cast %get3A_7 : vector<1x400x128xf32> to vector<400x128xf32>
    %add3A = arith.addf %get3A_3, %get3A_8 : vector<400x128xf32>
    %get3A_9 = arith.constant 0 : index
    %get3A_10 = arith.constant 0 : index
    %get3A_11 = vector.load %arg2[%get3A_9, %get3A_10] : memref<400x32xf32, #tpu.memory_space<vmem>>, vector<400x32xf32>
    %reduce_sum3A = arith.constant dense<0.000000e+00> : vector<400xf32>
    %reduce_sum3A_12 = vector.multi_reduction <add>, %get3A_11, %reduce_sum3A [1] : vector<400x32xf32> to vector<400xf32>
    %max3A = arith.constant 1.000000e+00 : f32
    %max3A_13 = vector.broadcast %max3A : f32 to vector<400xf32>
    %max3A_14 = arith.maximumf %reduce_sum3A_12, %max3A_13 : vector<400xf32>
    %broadcast_in_dim3A = vector.shape_cast %max3A_14 : vector<400xf32> to vector<400x1xf32>
    %div3A = vector.broadcast %broadcast_in_dim3A : vector<400x1xf32> to vector<400x128xf32>
    %div3A_15 = arith.divf %add3A, %div3A : vector<400x128xf32>
    %get3A_16 = arith.constant 0 : index
    %get3A_17 = arith.constant 0 : index
    %get3A_18 = vector.load %arg3[%get3A_16, %get3A_17] : memref<400x128xf32, #tpu.memory_space<vmem>>, vector<400x128xf32>
    %get3A_19 = arith.constant 0 : index
    %get3A_20 = arith.constant 0 : index
    %get3A_21 = vector.load %arg4[%get3A_19, %get3A_20] : memref<128x128xf32, #tpu.memory_space<vmem>>, vector<128x128xf32>
    %dot_general3A = arith.constant dense<0.000000e+00> : vector<400x128xf32>
    %dot_general3A_22 = tpu.matmul %get3A_18, %get3A_21, %dot_general3A {dimension_numbers = #tpu.dot_dimension_numbers<[1], [0], [0], [1], [0, 0, 1, 1], [], []>, transpose_lhs_hint = false} : vector<400x128xf32>, vector<128x128xf32>, vector<400x128xf32> -> vector<400x128xf32>
    %add3A_23 = arith.addf %div3A_15, %dot_general3A_22 : vector<400x128xf32>
    %get3A_24 = arith.constant 0 : index
    %get3A_25 = arith.constant 0 : index
    %get3A_26 = vector.load %arg5[%get3A_24, %get3A_25] : memref<1x128xf32, #tpu.memory_space<vmem>>, vector<1x128xf32>
    %add3A_27 = vector.broadcast %get3A_26 : vector<1x128xf32> to vector<400x128xf32>
    %add3A_28 = arith.addf %add3A_23, %add3A_27 : vector<400x128xf32>
    %gt3A = arith.constant 0.000000e+00 : f32
    %gt3A_29 = vector.broadcast %gt3A : f32 to vector<400x128xf32>
    %gt3A_30 = arith.cmpf ogt, %add3A_28, %gt3A_29 : vector<400x128xf32>
    %exp3A = math.exp %add3A_28 : vector<400x128xf32>
    %sub3A = arith.constant 1.000000e+00 : f32
    %sub3A_31 = vector.broadcast %sub3A : f32 to vector<400x128xf32>
    %sub3A_32 = arith.subf %exp3A, %sub3A_31 : vector<400x128xf32>
    %select_n3A = arith.select %gt3A_30, %add3A_28, %sub3A_32 : vector<400x128xi1>, vector<400x128xf32>
    %swap3A = arith.constant 0 : index
    %swap3A_33 = arith.constant 0 : index
    %swap3A_34 = vector.load %arg7[%swap3A, %swap3A_33] : memref<400x128xf32, #tpu.memory_space<vmem>>, vector<400x128xf32>
    tpu.vector_store %arg7[%swap3A, %swap3A_33], %select_n3A {strides = array<i32>} : memref<400x128xf32, #tpu.memory_space<vmem>>, vector<400x128xf32>,
    %get3A_35 = arith.constant 0 : index
    %get3A_36 = arith.constant 0 : index
    %get3A_37 = vector.load %arg6[%get3A_35, %get3A_36] : memref<128x3328xf32, #tpu.memory_space<vmem>>, vector<128x128xf32>
    %dot_general3A_38 = arith.constant dense<0.000000e+00> : vector<400x128xf32>
    %dot_general3A_39 = tpu.matmul %select_n3A, %get3A_37, %dot_general3A_38 {dimension_numbers = #tpu.dot_dimension_numbers<[1], [0], [0], [1], [0, 0, 1, 1], [], []>, transpose_lhs_hint = false} : vector<400x128xf32>, vector<128x128xf32>, vector<400x128xf32> -> vector<400x128xf32>
    %get3A_40 = arith.constant 0 : index
    %get3A_41 = arith.constant 128 : index
    %get3A_42 = vector.load %arg6[%get3A_40, %get3A_41] : memref<128x3328xf32, #tpu.memory_space<vmem>>, vector<128x128xf32>
    %dot_general3A_43 = arith.constant dense<0.000000e+00> : vector<400x128xf32>
    %dot_general3A_44 = tpu.matmul %select_n3A, %get3A_42, %dot_general3A_43 {dimension_numbers = #tpu.dot_dimension_numbers<[1], [0], [0], [1], [0, 0, 1, 1], [], []>, transpose_lhs_hint = false} : vector<400x128xf32>, vector<128x128xf32>, vector<400x128xf32> -> vector<400x128xf32>
    %convert_element_type3A = arith.truncf %dot_general3A_39 : vector<400x128xf32> to vector<400x128xbf16>
    %bitcast_convert_type3A = tpu.bitcast %convert_element_type3A : vector<400x128xbf16> -> vector<400x128xi16>
    %convert_element_type3A_45 = arith.extui %bitcast_convert_type3A : vector<400x128xi16> to vector<400x128xi32>
    %convert_element_type3A_46 = arith.truncf %dot_general3A_44 : vector<400x128xf32> to vector<400x128xbf16>
    %bitcast_convert_type3A_47 = tpu.bitcast %convert_element_type3A_46 : vector<400x128xbf16> -> vector<400x128xi16>
    %convert_element_type3A_48 = arith.extui %bitcast_convert_type3A_47 : vector<400x128xi16> to vector<400x128xi32>
    %shift_left3A = arith.constant 16 : i32
    %shift_left3A_49 = vector.broadcast %shift_left3A : i32 to vector<400x128xi32>
    %shift_left3A_50 = arith.shli %convert_element_type3A_48, %shift_left3A_49 : vector<400x128xi32>
    %or3A = arith.ori %convert_element_type3A_45, %shift_left3A_50 : vector<400x128xi32>
    %get3A_51 = arith.constant 0 : index
    %get3A_52 = arith.constant 128 : index
    %get3A_53 = vector.load %arg6[%get3A_51, %get3A_52] : memref<128x3328xf32, #tpu.memory_space<vmem>>, vector<128x128xf32>
    %dot_general3A_54 = arith.constant dense<0.000000e+00> : vector<400x128xf32>
    %dot_general3A_55 = tpu.matmul %select_n3A, %get3A_53, %dot_general3A_54 {dimension_numbers = #tpu.dot_dimension_numbers<[1], [0], [0], [1], [0, 0, 1, 1], [], []>, transpose_lhs_hint = false} : vector<400x128xf32>, vector<128x128xf32>, vector<400x128xf32> -> vector<400x128xf32>
    %get3A_56 = arith.constant 0 : index
    %get3A_57 = arith.constant 256 : index
    %get3A_58 = vector.load %arg6[%get3A_56, %get3A_57] : memref<128x3328xf32, #tpu.memory_space<vmem>>, vector<128x128xf32>
    %dot_general3A_59 = arith.constant dense<0.000000e+00> : vector<400x128xf32>
    %dot_general3A_60 = tpu.matmul %select_n3A, %get3A_58, %dot_general3A_59 {dimension_numbers = #tpu.dot_dimension_numbers<[1], [0], [0], [1], [0, 0, 1, 1], [], []>, transpose_lhs_hint = false} : vector<400x128xf32>, vector<128x128xf32>, vector<400x128xf32> -> vector<400x128xf32>
    %convert_element_type3A_61 = arith.truncf %dot_general3A_55 : vector<400x128xf32> to vector<400x128xbf16>
    %bitcast_convert_type3A_62 = tpu.bitcast %convert_element_type3A_61 : vector<400x128xbf16> -> vector<400x128xi16>
    %convert_element_type3A_63 = arith.extui %bitcast_convert_type3A_62 : vector<400x128xi16> to vector<400x128xi32>
    %convert_element_type3A_64 = arith.truncf %dot_general3A_60 : vector<400x128xf32> to vector<400x128xbf16>
    %bitcast_convert_type3A_65 = tpu.bitcast %convert_element_type3A_64 : vector<400x128xbf16> -> vector<400x128xi16>
    %convert_element_type3A_66 = arith.extui %bitcast_convert_type3A_65 : vector<400x128xi16> to vector<400x128xi32>
    %shift_left3A_67 = arith.constant 16 : i32
    %shift_left3A_68 = vector.broadcast %shift_left3A_67 : i32 to vector<400x128xi32>
    %shift_left3A_69 = arith.shli %convert_element_type3A_66, %shift_left3A_68 : vector<400x128xi32>
    %or3A_70 = arith.ori %convert_element_type3A_63, %shift_left3A_69 : vector<400x128xi32>
    %get3A_71 = arith.constant 0 : index
    %get3A_72 = arith.constant 256 : index
    %get3A_73 = vector.load %arg6[%get3A_71, %get3A_72] : memref<128x3328xf32, #tpu.memory_space<vmem>>, vector<128x128xf32>
    %dot_general3A_74 = arith.constant dense<0.000000e+00> : vector<400x128xf32>
    %dot_general3A_75 = tpu.matmul %select_n3A, %get3A_73, %dot_general3A_74 {dimension_numbers = #tpu.dot_dimension_numbers<[1], [0], [0], [1], [0, 0, 1, 1], [], []>, transpose_lhs_hint = false} : vector<400x128xf32>, vector<128x128xf32>, vector<400x128xf32> -> vector<400x128xf32>
    %get3A_76 = arith.constant 0 : index
    %get3A_77 = arith.constant 384 : index
    %get3A_78 = vector.load %arg6[%get3A_76, %get3A_77] : memref<128x3328xf32, #tpu.memory_space<vmem>>, vector<128x128xf32>
    %dot_general3A_79 = arith.constant dense<0.000000e+00> : vector<400x128xf32>
    %dot_general3A_80 = tpu.matmul %select_n3A, %get3A_78, %dot_general3A_79 {dimension_numbers = #tpu.dot_dimension_numbers<[1], [0], [0], [1], [0, 0, 1, 1], [], []>, transpose_lhs_hint = false} : vector<400x128xf32>, vector<128x128xf32>, vector<400x128xf32> -> vector<400x128xf32>
    %convert_element_type3A_81 = arith.truncf %dot_general3A_75 : vector<400x128xf32> to vector<400x128xbf16>
    %bitcast_convert_type3A_82 = tpu.bitcast %convert_element_type3A_81 : vector<400x128xbf16> -> vector<400x128xi16>
    %convert_element_type3A_83 = arith.extui %bitcast_convert_type3A_82 : vector<400x128xi16> to vector<400x128xi32>
    %convert_element_type3A_84 = arith.truncf %dot_general3A_80 : vector<400x128xf32> to vector<400x128xbf16>
    %bitcast_convert_type3A_85 = tpu.bitcast %convert_element_type3A_84 : vector<400x128xbf16> -> vector<400x128xi16>
    %convert_element_type3A_86 = arith.extui %bitcast_convert_type3A_85 : vector<400x128xi16> to vector<400x128xi32>
    %shift_left3A_87 = arith.constant 16 : i32
    %shift_left3A_88 = vector.broadcast %shift_left3A_87 : i32 to vector<400x128xi32>
    %shift_left3A_89 = arith.shli %convert_element_type3A_86, %shift_left3A_88 : vector<400x128xi32>
    %or3A_90 = arith.ori %convert_element_type3A_83, %shift_left3A_89 : vector<400x128xi32>
    %get3A_91 = arith.constant 0 : index
    %get3A_92 = arith.constant 384 : index
    %get3A_93 = vector.load %arg6[%get3A_91, %get3A_92] : memref<128x3328xf32, #tpu.memory_space<vmem>>, vector<128x128xf32>
    %dot_general3A_94 = arith.constant dense<0.000000e+00> : vector<400x128xf32>
    %dot_general3A_95 = tpu.matmul %select_n3A, %get3A_93, %dot_general3A_94 {dimension_numbers = #tpu.dot_dimension_numbers<[1], [0], [0], [1], [0, 0, 1, 1], [], []>, transpose_lhs_hint = false} : vector<400x128xf32>, vector<128x128xf32>, vector<400x128xf32> -> vector<400x128xf32>
    %get3A_96 = arith.constant 0 : index
    %get3A_97 = arith.constant 512 : index
    %get3A_98 = vector.load %arg6[%get3A_96, %get3A_97] : memref<128x3328xf32, #tpu.memory_space<vmem>>, vector<128x128xf32>
    %dot_general3A_99 = arith.constant dense<0.000000e+00> : vector<400x128xf32>
    %dot_general3A_100 = tpu.matmul %select_n3A, %get3A_98, %dot_general3A_99 {dimension_numbers = #tpu.dot_dimension_numbers<[1], [0], [0], [1], [0, 0, 1, 1], [], []>, transpose_lhs_hint = false} : vector<400x128xf32>, vector<128x128xf32>, vector<400x128xf32> -> vector<400x128xf32>
    %convert_element_type3A_101 = arith.truncf %dot_general3A_95 : vector<400x128xf32> to vector<400x128xbf16>
    %bitcast_convert_type3A_102 = tpu.bitcast %convert_element_type3A_101 : vector<400x128xbf16> -> vector<400x128xi16>
    %convert_element_type3A_103 = arith.extui %bitcast_convert_type3A_102 : vector<400x128xi16> to vector<400x128xi32>
    %convert_element_type3A_104 = arith.truncf %dot_general3A_100 : vector<400x128xf32> to vector<400x128xbf16>
    %bitcast_convert_type3A_105 = tpu.bitcast %convert_element_type3A_104 : vector<400x128xbf16> -> vector<400x128xi16>
    %convert_element_type3A_106 = arith.extui %bitcast_convert_type3A_105 : vector<400x128xi16> to vector<400x128xi32>
    %shift_left3A_107 = arith.constant 16 : i32
    %shift_left3A_108 = vector.broadcast %shift_left3A_107 : i32 to vector<400x128xi32>
    %shift_left3A_109 = arith.shli %convert_element_type3A_106, %shift_left3A_108 : vector<400x128xi32>
    %or3A_110 = arith.ori %convert_element_type3A_103, %shift_left3A_109 : vector<400x128xi32>
    %get3A_111 = arith.constant 0 : index
    %get3A_112 = arith.constant 512 : index
    %get3A_113 = vector.load %arg6[%get3A_111, %get3A_112] : memref<128x3328xf32, #tpu.memory_space<vmem>>, vector<128x128xf32>
    %dot_general3A_114 = arith.constant dense<0.000000e+00> : vector<400x128xf32>
    %dot_general3A_115 = tpu.matmul %select_n3A, %get3A_113, %dot_general3A_114 {dimension_numbers = #tpu.dot_dimension_numbers<[1], [0], [0], [1], [0, 0, 1, 1], [], []>, transpose_lhs_hint = false} : vector<400x128xf32>, vector<128x128xf32>, vector<400x128xf32> -> vector<400x128xf32>
    %get3A_116 = arith.constant 0 : index
    %get3A_117 = arith.constant 640 : index
    %get3A_118 = vector.load %arg6[%get3A_116, %get3A_117] : memref<128x3328xf32, #tpu.memory_space<vmem>>, vector<128x128xf32>
    %dot_general3A_119 = arith.constant dense<0.000000e+00> : vector<400x128xf32>
    %dot_general3A_120 = tpu.matmul %select_n3A, %get3A_118, %dot_general3A_119 {dimension_numbers = #tpu.dot_dimension_numbers<[1], [0], [0], [1], [0, 0, 1, 1], [], []>, transpose_lhs_hint = false} : vector<400x128xf32>, vector<128x128xf32>, vector<400x128xf32> -> vector<400x128xf32>
    %convert_element_type3A_121 = arith.truncf %dot_general3A_115 : vector<400x128xf32> to vector<400x128xbf16>
    %bitcast_convert_type3A_122 = tpu.bitcast %convert_element_type3A_121 : vector<400x128xbf16> -> vector<400x128xi16>
    %convert_element_type3A_123 = arith.extui %bitcast_convert_type3A_122 : vector<400x128xi16> to vector<400x128xi32>
    %convert_element_type3A_124 = arith.truncf %dot_general3A_120 : vector<400x128xf32> to vector<400x128xbf16>
    %bitcast_convert_type3A_125 = tpu.bitcast %convert_element_type3A_124 : vector<400x128xbf16> -> vector<400x128xi16>
    %convert_element_type3A_126 = arith.extui %bitcast_convert_type3A_125 : vector<400x128xi16> to vector<400x128xi32>
    %shift_left3A_127 = arith.constant 16 : i32
    %shift_left3A_128 = vector.broadcast %shift_left3A_127 : i32 to vector<400x128xi32>
    %shift_left3A_129 = arith.shli %convert_element_type3A_126, %shift_left3A_128 : vector<400x128xi32>
    %or3A_130 = arith.ori %convert_element_type3A_123, %shift_left3A_129 : vector<400x128xi32>
    %get3A_131 = arith.constant 0 : index
    %get3A_132 = arith.constant 640 : index
    %get3A_133 = vector.load %arg6[%get3A_131, %get3A_132] : memref<128x3328xf32, #tpu.memory_space<vmem>>, vector<128x128xf32>
    %dot_general3A_134 = arith.constant dense<0.000000e+00> : vector<400x128xf32>
    %dot_general3A_135 = tpu.matmul %select_n3A, %get3A_133, %dot_general3A_134 {dimension_numbers = #tpu.dot_dimension_numbers<[1], [0], [0], [1], [0, 0, 1, 1], [], []>, transpose_lhs_hint = false} : vector<400x128xf32>, vector<128x128xf32>, vector<400x128xf32> -> vector<400x128xf32>
    %get3A_136 = arith.constant 0 : index
    %get3A_137 = arith.constant 768 : index
    %get3A_138 = vector.load %arg6[%get3A_136, %get3A_137] : memref<128x3328xf32, #tpu.memory_space<vmem>>, vector<128x128xf32>
    %dot_general3A_139 = arith.constant dense<0.000000e+00> : vector<400x128xf32>
    %dot_general3A_140 = tpu.matmul %select_n3A, %get3A_138, %dot_general3A_139 {dimension_numbers = #tpu.dot_dimension_numbers<[1], [0], [0], [1], [0, 0, 1, 1], [], []>, transpose_lhs_hint = false} : vector<400x128xf32>, vector<128x128xf32>, vector<400x128xf32> -> vector<400x128xf32>
    %convert_element_type3A_141 = arith.truncf %dot_general3A_135 : vector<400x128xf32> to vector<400x128xbf16>
    %bitcast_convert_type3A_142 = tpu.bitcast %convert_element_type3A_141 : vector<400x128xbf16> -> vector<400x128xi16>
    %convert_element_type3A_143 = arith.extui %bitcast_convert_type3A_142 : vector<400x128xi16> to vector<400x128xi32>
    %convert_element_type3A_144 = arith.truncf %dot_general3A_140 : vector<400x128xf32> to vector<400x128xbf16>
    %bitcast_convert_type3A_145 = tpu.bitcast %convert_element_type3A_144 : vector<400x128xbf16> -> vector<400x128xi16>
    %convert_element_type3A_146 = arith.extui %bitcast_convert_type3A_145 : vector<400x128xi16> to vector<400x128xi32>
    %shift_left3A_147 = arith.constant 16 : i32
    %shift_left3A_148 = vector.broadcast %shift_left3A_147 : i32 to vector<400x128xi32>
    %shift_left3A_149 = arith.shli %convert_element_type3A_146, %shift_left3A_148 : vector<400x128xi32>
    %or3A_150 = arith.ori %convert_element_type3A_143, %shift_left3A_149 : vector<400x128xi32>
    %get3A_151 = arith.constant 0 : index
    %get3A_152 = arith.constant 768 : index
    %get3A_153 = vector.load %arg6[%get3A_151, %get3A_152] : memref<128x3328xf32, #tpu.memory_space<vmem>>, vector<128x128xf32>
    %dot_general3A_154 = arith.constant dense<0.000000e+00> : vector<400x128xf32>
    %dot_general3A_155 = tpu.matmul %select_n3A, %get3A_153, %dot_general3A_154 {dimension_numbers = #tpu.dot_dimension_numbers<[1], [0], [0], [1], [0, 0, 1, 1], [], []>, transpose_lhs_hint = false} : vector<400x128xf32>, vector<128x128xf32>, vector<400x128xf32> -> vector<400x128xf32>
    %get3A_156 = arith.constant 0 : index
    %get3A_157 = arith.constant 896 : index
    %get3A_158 = vector.load %arg6[%get3A_156, %get3A_157] : memref<128x3328xf32, #tpu.memory_space<vmem>>, vector<128x128xf32>
    %dot_general3A_159 = arith.constant dense<0.000000e+00> : vector<400x128xf32>
    %dot_general3A_160 = tpu.matmul %select_n3A, %get3A_158, %dot_general3A_159 {dimension_numbers = #tpu.dot_dimension_numbers<[1], [0], [0], [1], [0, 0, 1, 1], [], []>, transpose_lhs_hint = false} : vector<400x128xf32>, vector<128x128xf32>, vector<400x128xf32> -> vector<400x128xf32>
    %convert_element_type3A_161 = arith.truncf %dot_general3A_155 : vector<400x128xf32> to vector<400x128xbf16>
    %bitcast_convert_type3A_162 = tpu.bitcast %convert_element_type3A_161 : vector<400x128xbf16> -> vector<400x128xi16>
    %convert_element_type3A_163 = arith.extui %bitcast_convert_type3A_162 : vector<400x128xi16> to vector<400x128xi32>
    %convert_element_type3A_164 = arith.truncf %dot_general3A_160 : vector<400x128xf32> to vector<400x128xbf16>
    %bitcast_convert_type3A_165 = tpu.bitcast %convert_element_type3A_164 : vector<400x128xbf16> -> vector<400x128xi16>
    %convert_element_type3A_166 = arith.extui %bitcast_convert_type3A_165 : vector<400x128xi16> to vector<400x128xi32>
    %shift_left3A_167 = arith.constant 16 : i32
    %shift_left3A_168 = vector.broadcast %shift_left3A_167 : i32 to vector<400x128xi32>
    %shift_left3A_169 = arith.shli %convert_element_type3A_166, %shift_left3A_168 : vector<400x128xi32>
    %or3A_170 = arith.ori %convert_element_type3A_163, %shift_left3A_169 : vector<400x128xi32>
    %get3A_171 = arith.constant 0 : index
    %get3A_172 = arith.constant 896 : index
    %get3A_173 = vector.load %arg6[%get3A_171, %get3A_172] : memref<128x3328xf32, #tpu.memory_space<vmem>>, vector<128x128xf32>
    %dot_general3A_174 = arith.constant dense<0.000000e+00> : vector<400x128xf32>
    %dot_general3A_175 = tpu.matmul %select_n3A, %get3A_173, %dot_general3A_174 {dimension_numbers = #tpu.dot_dimension_numbers<[1], [0], [0], [1], [0, 0, 1, 1], [], []>, transpose_lhs_hint = false} : vector<400x128xf32>, vector<128x128xf32>, vector<400x128xf32> -> vector<400x128xf32>
    %get3A_176 = arith.constant 0 : index
    %get3A_177 = arith.constant 1024 : index
    %get3A_178 = vector.load %arg6[%get3A_176, %get3A_177] : memref<128x3328xf32, #tpu.memory_space<vmem>>, vector<128x128xf32>
    %dot_general3A_179 = arith.constant dense<0.000000e+00> : vector<400x128xf32>
    %dot_general3A_180 = tpu.matmul %select_n3A, %get3A_178, %dot_general3A_179 {dimension_numbers = #tpu.dot_dimension_numbers<[1], [0], [0], [1], [0, 0, 1, 1], [], []>, transpose_lhs_hint = false} : vector<400x128xf32>, vector<128x128xf32>, vector<400x128xf32> -> vector<400x128xf32>
    %convert_element_type3A_181 = arith.truncf %dot_general3A_175 : vector<400x128xf32> to vector<400x128xbf16>
    %bitcast_convert_type3A_182 = tpu.bitcast %convert_element_type3A_181 : vector<400x128xbf16> -> vector<400x128xi16>
    %convert_element_type3A_183 = arith.extui %bitcast_convert_type3A_182 : vector<400x128xi16> to vector<400x128xi32>
    %convert_element_type3A_184 = arith.truncf %dot_general3A_180 : vector<400x128xf32> to vector<400x128xbf16>
    %bitcast_convert_type3A_185 = tpu.bitcast %convert_element_type3A_184 : vector<400x128xbf16> -> vector<400x128xi16>
    %convert_element_type3A_186 = arith.extui %bitcast_convert_type3A_185 : vector<400x128xi16> to vector<400x128xi32>
    %shift_left3A_187 = arith.constant 16 : i32
    %shift_left3A_188 = vector.broadcast %shift_left3A_187 : i32 to vector<400x128xi32>
    %shift_left3A_189 = arith.shli %convert_element_type3A_186, %shift_left3A_188 : vector<400x128xi32>
    %or3A_190 = arith.ori %convert_element_type3A_183, %shift_left3A_189 : vector<400x128xi32>
    %get3A_191 = arith.constant 0 : index
    %get3A_192 = arith.constant 1024 : index
    %get3A_193 = vector.load %arg6[%get3A_191, %get3A_192] : memref<128x3328xf32, #tpu.memory_space<vmem>>, vector<128x128xf32>
    %dot_general3A_194 = arith.constant dense<0.000000e+00> : vector<400x128xf32>
    %dot_general3A_195 = tpu.matmul %select_n3A, %get3A_193, %dot_general3A_194 {dimension_numbers = #tpu.dot_dimension_numbers<[1], [0], [0], [1], [0, 0, 1, 1], [], []>, transpose_lhs_hint = false} : vector<400x128xf32>, vector<128x128xf32>, vector<400x128xf32> -> vector<400x128xf32>
    %get3A_196 = arith.constant 0 : index
    %get3A_197 = arith.constant 1152 : index
    %get3A_198 = vector.load %arg6[%get3A_196, %get3A_197] : memref<128x3328xf32, #tpu.memory_space<vmem>>, vector<128x128xf32>
    %dot_general3A_199 = arith.constant dense<0.000000e+00> : vector<400x128xf32>
    %dot_general3A_200 = tpu.matmul %select_n3A, %get3A_198, %dot_general3A_199 {dimension_numbers = #tpu.dot_dimension_numbers<[1], [0], [0], [1], [0, 0, 1, 1], [], []>, transpose_lhs_hint = false} : vector<400x128xf32>, vector<128x128xf32>, vector<400x128xf32> -> vector<400x128xf32>
    %convert_element_type3A_201 = arith.truncf %dot_general3A_195 : vector<400x128xf32> to vector<400x128xbf16>
    %bitcast_convert_type3A_202 = tpu.bitcast %convert_element_type3A_201 : vector<400x128xbf16> -> vector<400x128xi16>
    %convert_element_type3A_203 = arith.extui %bitcast_convert_type3A_202 : vector<400x128xi16> to vector<400x128xi32>
    %convert_element_type3A_204 = arith.truncf %dot_general3A_200 : vector<400x128xf32> to vector<400x128xbf16>
    %bitcast_convert_type3A_205 = tpu.bitcast %convert_element_type3A_204 : vector<400x128xbf16> -> vector<400x128xi16>
    %convert_element_type3A_206 = arith.extui %bitcast_convert_type3A_205 : vector<400x128xi16> to vector<400x128xi32>
    %shift_left3A_207 = arith.constant 16 : i32
    %shift_left3A_208 = vector.broadcast %shift_left3A_207 : i32 to vector<400x128xi32>
    %shift_left3A_209 = arith.shli %convert_element_type3A_206, %shift_left3A_208 : vector<400x128xi32>
    %or3A_210 = arith.ori %convert_element_type3A_203, %shift_left3A_209 : vector<400x128xi32>
    %get3A_211 = arith.constant 0 : index
    %get3A_212 = arith.constant 1152 : index
    %get3A_213 = vector.load %arg6[%get3A_211, %get3A_212] : memref<128x3328xf32, #tpu.memory_space<vmem>>, vector<128x128xf32>
    %dot_general3A_214 = arith.constant dense<0.000000e+00> : vector<400x128xf32>
    %dot_general3A_215 = tpu.matmul %select_n3A, %get3A_213, %dot_general3A_214 {dimension_numbers = #tpu.dot_dimension_numbers<[1], [0], [0], [1], [0, 0, 1, 1], [], []>, transpose_lhs_hint = false} : vector<400x128xf32>, vector<128x128xf32>, vector<400x128xf32> -> vector<400x128xf32>
    %get3A_216 = arith.constant 0 : index
    %get3A_217 = arith.constant 1280 : index
    %get3A_218 = vector.load %arg6[%get3A_216, %get3A_217] : memref<128x3328xf32, #tpu.memory_space<vmem>>, vector<128x128xf32>
    %dot_general3A_219 = arith.constant dense<0.000000e+00> : vector<400x128xf32>
    %dot_general3A_220 = tpu.matmul %select_n3A, %get3A_218, %dot_general3A_219 {dimension_numbers = #tpu.dot_dimension_numbers<[1], [0], [0], [1], [0, 0, 1, 1], [], []>, transpose_lhs_hint = false} : vector<400x128xf32>, vector<128x128xf32>, vector<400x128xf32> -> vector<400x128xf32>
    %convert_element_type3A_221 = arith.truncf %dot_general3A_215 : vector<400x128xf32> to vector<400x128xbf16>
    %bitcast_convert_type3A_222 = tpu.bitcast %convert_element_type3A_221 : vector<400x128xbf16> -> vector<400x128xi16>
    %convert_element_type3A_223 = arith.extui %bitcast_convert_type3A_222 : vector<400x128xi16> to vector<400x128xi32>
    %convert_element_type3A_224 = arith.truncf %dot_general3A_220 : vector<400x128xf32> to vector<400x128xbf16>
    %bitcast_convert_type3A_225 = tpu.bitcast %convert_element_type3A_224 : vector<400x128xbf16> -> vector<400x128xi16>
    %convert_element_type3A_226 = arith.extui %bitcast_convert_type3A_225 : vector<400x128xi16> to vector<400x128xi32>
    %shift_left3A_227 = arith.constant 16 : i32
    %shift_left3A_228 = vector.broadcast %shift_left3A_227 : i32 to vector<400x128xi32>
    %shift_left3A_229 = arith.shli %convert_element_type3A_226, %shift_left3A_228 : vector<400x128xi32>
    %or3A_230 = arith.ori %convert_element_type3A_223, %shift_left3A_229 : vector<400x128xi32>
    %get3A_231 = arith.constant 0 : index
    %get3A_232 = arith.constant 1280 : index
    %get3A_233 = vector.load %arg6[%get3A_231, %get3A_232] : memref<128x3328xf32, #tpu.memory_space<vmem>>, vector<128x128xf32>
    %dot_general3A_234 = arith.constant dense<0.000000e+00> : vector<400x128xf32>
    %dot_general3A_235 = tpu.matmul %select_n3A, %get3A_233, %dot_general3A_234 {dimension_numbers = #tpu.dot_dimension_numbers<[1], [0], [0], [1], [0, 0, 1, 1], [], []>, transpose_lhs_hint = false} : vector<400x128xf32>, vector<128x128xf32>, vector<400x128xf32> -> vector<400x128xf32>
    %get3A_236 = arith.constant 0 : index
    %get3A_237 = arith.constant 1408 : index
    %get3A_238 = vector.load %arg6[%get3A_236, %get3A_237] : memref<128x3328xf32, #tpu.memory_space<vmem>>, vector<128x128xf32>
    %dot_general3A_239 = arith.constant dense<0.000000e+00> : vector<400x128xf32>
    %dot_general3A_240 = tpu.matmul %select_n3A, %get3A_238, %dot_general3A_239 {dimension_numbers = #tpu.dot_dimension_numbers<[1], [0], [0], [1], [0, 0, 1, 1], [], []>, transpose_lhs_hint = false} : vector<400x128xf32>, vector<128x128xf32>, vector<400x128xf32> -> vector<400x128xf32>
    %convert_element_type3A_241 = arith.truncf %dot_general3A_235 : vector<400x128xf32> to vector<400x128xbf16>
    %bitcast_convert_type3A_242 = tpu.bitcast %convert_element_type3A_241 : vector<400x128xbf16> -> vector<400x128xi16>
    %convert_element_type3A_243 = arith.extui %bitcast_convert_type3A_242 : vector<400x128xi16> to vector<400x128xi32>
    %convert_element_type3A_244 = arith.truncf %dot_general3A_240 : vector<400x128xf32> to vector<400x128xbf16>
    %bitcast_convert_type3A_245 = tpu.bitcast %convert_element_type3A_244 : vector<400x128xbf16> -> vector<400x128xi16>
    %convert_element_type3A_246 = arith.extui %bitcast_convert_type3A_245 : vector<400x128xi16> to vector<400x128xi32>
    %shift_left3A_247 = arith.constant 16 : i32
    %shift_left3A_248 = vector.broadcast %shift_left3A_247 : i32 to vector<400x128xi32>
    %shift_left3A_249 = arith.shli %convert_element_type3A_246, %shift_left3A_248 : vector<400x128xi32>
    %or3A_250 = arith.ori %convert_element_type3A_243, %shift_left3A_249 : vector<400x128xi32>
    %get3A_251 = arith.constant 0 : index
    %get3A_252 = arith.constant 1408 : index
    %get3A_253 = vector.load %arg6[%get3A_251, %get3A_252] : memref<128x3328xf32, #tpu.memory_space<vmem>>, vector<128x128xf32>
    %dot_general3A_254 = arith.constant dense<0.000000e+00> : vector<400x128xf32>
    %dot_general3A_255 = tpu.matmul %select_n3A, %get3A_253, %dot_general3A_254 {dimension_numbers = #tpu.dot_dimension_numbers<[1], [0], [0], [1], [0, 0, 1, 1], [], []>, transpose_lhs_hint = false} : vector<400x128xf32>, vector<128x128xf32>, vector<400x128xf32> -> vector<400x128xf32>
    %get3A_256 = arith.constant 0 : index
    %get3A_257 = arith.constant 1536 : index
    %get3A_258 = vector.load %arg6[%get3A_256, %get3A_257] : memref<128x3328xf32, #tpu.memory_space<vmem>>, vector<128x128xf32>
    %dot_general3A_259 = arith.constant dense<0.000000e+00> : vector<400x128xf32>
    %dot_general3A_260 = tpu.matmul %select_n3A, %get3A_258, %dot_general3A_259 {dimension_numbers = #tpu.dot_dimension_numbers<[1], [0], [0], [1], [0, 0, 1, 1], [], []>, transpose_lhs_hint = false} : vector<400x128xf32>, vector<128x128xf32>, vector<400x128xf32> -> vector<400x128xf32>
    %convert_element_type3A_261 = arith.truncf %dot_general3A_255 : vector<400x128xf32> to vector<400x128xbf16>
    %bitcast_convert_type3A_262 = tpu.bitcast %convert_element_type3A_261 : vector<400x128xbf16> -> vector<400x128xi16>
    %convert_element_type3A_263 = arith.extui %bitcast_convert_type3A_262 : vector<400x128xi16> to vector<400x128xi32>
    %convert_element_type3A_264 = arith.truncf %dot_general3A_260 : vector<400x128xf32> to vector<400x128xbf16>
    %bitcast_convert_type3A_265 = tpu.bitcast %convert_element_type3A_264 : vector<400x128xbf16> -> vector<400x128xi16>
    %convert_element_type3A_266 = arith.extui %bitcast_convert_type3A_265 : vector<400x128xi16> to vector<400x128xi32>
    %shift_left3A_267 = arith.constant 16 : i32
    %shift_left3A_268 = vector.broadcast %shift_left3A_267 : i32 to vector<400x128xi32>
    %shift_left3A_269 = arith.shli %convert_element_type3A_266, %shift_left3A_268 : vector<400x128xi32>
    %or3A_270 = arith.ori %convert_element_type3A_263, %shift_left3A_269 : vector<400x128xi32>
    %get3A_271 = arith.constant 0 : index
    %get3A_272 = arith.constant 1536 : index
    %get3A_273 = vector.load %arg6[%get3A_271, %get3A_272] : memref<128x3328xf32, #tpu.memory_space<vmem>>, vector<128x128xf32>
    %dot_general3A_274 = arith.constant dense<0.000000e+00> : vector<400x128xf32>
    %dot_general3A_275 = tpu.matmul %select_n3A, %get3A_273, %dot_general3A_274 {dimension_numbers = #tpu.dot_dimension_numbers<[1], [0], [0], [1], [0, 0, 1, 1], [], []>, transpose_lhs_hint = false} : vector<400x128xf32>, vector<128x128xf32>, vector<400x128xf32> -> vector<400x128xf32>
    %get3A_276 = arith.constant 0 : index
    %get3A_277 = arith.constant 1664 : index
    %get3A_278 = vector.load %arg6[%get3A_276, %get3A_277] : memref<128x3328xf32, #tpu.memory_space<vmem>>, vector<128x128xf32>
    %dot_general3A_279 = arith.constant dense<0.000000e+00> : vector<400x128xf32>
    %dot_general3A_280 = tpu.matmul %select_n3A, %get3A_278, %dot_general3A_279 {dimension_numbers = #tpu.dot_dimension_numbers<[1], [0], [0], [1], [0, 0, 1, 1], [], []>, transpose_lhs_hint = false} : vector<400x128xf32>, vector<128x128xf32>, vector<400x128xf32> -> vector<400x128xf32>
    %convert_element_type3A_281 = arith.truncf %dot_general3A_275 : vector<400x128xf32> to vector<400x128xbf16>
    %bitcast_convert_type3A_282 = tpu.bitcast %convert_element_type3A_281 : vector<400x128xbf16> -> vector<400x128xi16>
    %convert_element_type3A_283 = arith.extui %bitcast_convert_type3A_282 : vector<400x128xi16> to vector<400x128xi32>
    %convert_element_type3A_284 = arith.truncf %dot_general3A_280 : vector<400x128xf32> to vector<400x128xbf16>
    %bitcast_convert_type3A_285 = tpu.bitcast %convert_element_type3A_284 : vector<400x128xbf16> -> vector<400x128xi16>
    %convert_element_type3A_286 = arith.extui %bitcast_convert_type3A_285 : vector<400x128xi16> to vector<400x128xi32>
    %shift_left3A_287 = arith.constant 16 : i32
    %shift_left3A_288 = vector.broadcast %shift_left3A_287 : i32 to vector<400x128xi32>
    %shift_left3A_289 = arith.shli %convert_element_type3A_286, %shift_left3A_288 : vector<400x128xi32>
    %or3A_290 = arith.ori %convert_element_type3A_283, %shift_left3A_289 : vector<400x128xi32>
    %get3A_291 = arith.constant 0 : index
    %get3A_292 = arith.constant 1664 : index
    %get3A_293 = vector.load %arg6[%get3A_291, %get3A_292] : memref<128x3328xf32, #tpu.memory_space<vmem>>, vector<128x128xf32>
    %dot_general3A_294 = arith.constant dense<0.000000e+00> : vector<400x128xf32>
    %dot_general3A_295 = tpu.matmul %select_n3A, %get3A_293, %dot_general3A_294 {dimension_numbers = #tpu.dot_dimension_numbers<[1], [0], [0], [1], [0, 0, 1, 1], [], []>, transpose_lhs_hint = false} : vector<400x128xf32>, vector<128x128xf32>, vector<400x128xf32> -> vector<400x128xf32>
    %get3A_296 = arith.constant 0 : index
    %get3A_297 = arith.constant 1792 : index
    %get3A_298 = vector.load %arg6[%get3A_296, %get3A_297] : memref<128x3328xf32, #tpu.memory_space<vmem>>, vector<128x128xf32>
    %dot_general3A_299 = arith.constant dense<0.000000e+00> : vector<400x128xf32>
    %dot_general3A_300 = tpu.matmul %select_n3A, %get3A_298, %dot_general3A_299 {dimension_numbers = #tpu.dot_dimension_numbers<[1], [0], [0], [1], [0, 0, 1, 1], [], []>, transpose_lhs_hint = false} : vector<400x128xf32>, vector<128x128xf32>, vector<400x128xf32> -> vector<400x128xf32>
    %convert_element_type3A_301 = arith.truncf %dot_general3A_295 : vector<400x128xf32> to vector<400x128xbf16>
    %bitcast_convert_type3A_302 = tpu.bitcast %convert_element_type3A_301 : vector<400x128xbf16> -> vector<400x128xi16>
    %convert_element_type3A_303 = arith.extui %bitcast_convert_type3A_302 : vector<400x128xi16> to vector<400x128xi32>
    %convert_element_type3A_304 = arith.truncf %dot_general3A_300 : vector<400x128xf32> to vector<400x128xbf16>
    %bitcast_convert_type3A_305 = tpu.bitcast %convert_element_type3A_304 : vector<400x128xbf16> -> vector<400x128xi16>
    %convert_element_type3A_306 = arith.extui %bitcast_convert_type3A_305 : vector<400x128xi16> to vector<400x128xi32>
    %shift_left3A_307 = arith.constant 16 : i32
    %shift_left3A_308 = vector.broadcast %shift_left3A_307 : i32 to vector<400x128xi32>
    %shift_left3A_309 = arith.shli %convert_element_type3A_306, %shift_left3A_308 : vector<400x128xi32>
    %or3A_310 = arith.ori %convert_element_type3A_303, %shift_left3A_309 : vector<400x128xi32>
    %get3A_311 = arith.constant 0 : index
    %get3A_312 = arith.constant 1792 : index
    %get3A_313 = vector.load %arg6[%get3A_311, %get3A_312] : memref<128x3328xf32, #tpu.memory_space<vmem>>, vector<128x128xf32>
    %dot_general3A_314 = arith.constant dense<0.000000e+00> : vector<400x128xf32>
    %dot_general3A_315 = tpu.matmul %select_n3A, %get3A_313, %dot_general3A_314 {dimension_numbers = #tpu.dot_dimension_numbers<[1], [0], [0], [1], [0, 0, 1, 1], [], []>, transpose_lhs_hint = false} : vector<400x128xf32>, vector<128x128xf32>, vector<400x128xf32> -> vector<400x128xf32>
    %get3A_316 = arith.constant 0 : index
    %get3A_317 = arith.constant 1920 : index
    %get3A_318 = vector.load %arg6[%get3A_316, %get3A_317] : memref<128x3328xf32, #tpu.memory_space<vmem>>, vector<128x128xf32>
    %dot_general3A_319 = arith.constant dense<0.000000e+00> : vector<400x128xf32>
    %dot_general3A_320 = tpu.matmul %select_n3A, %get3A_318, %dot_general3A_319 {dimension_numbers = #tpu.dot_dimension_numbers<[1], [0], [0], [1], [0, 0, 1, 1], [], []>, transpose_lhs_hint = false} : vector<400x128xf32>, vector<128x128xf32>, vector<400x128xf32> -> vector<400x128xf32>
    %convert_element_type3A_321 = arith.truncf %dot_general3A_315 : vector<400x128xf32> to vector<400x128xbf16>
    %bitcast_convert_type3A_322 = tpu.bitcast %convert_element_type3A_321 : vector<400x128xbf16> -> vector<400x128xi16>
    %convert_element_type3A_323 = arith.extui %bitcast_convert_type3A_322 : vector<400x128xi16> to vector<400x128xi32>
    %convert_element_type3A_324 = arith.truncf %dot_general3A_320 : vector<400x128xf32> to vector<400x128xbf16>
    %bitcast_convert_type3A_325 = tpu.bitcast %convert_element_type3A_324 : vector<400x128xbf16> -> vector<400x128xi16>
    %convert_element_type3A_326 = arith.extui %bitcast_convert_type3A_325 : vector<400x128xi16> to vector<400x128xi32>
    %shift_left3A_327 = arith.constant 16 : i32
    %shift_left3A_328 = vector.broadcast %shift_left3A_327 : i32 to vector<400x128xi32>
    %shift_left3A_329 = arith.shli %convert_element_type3A_326, %shift_left3A_328 : vector<400x128xi32>
    %or3A_330 = arith.ori %convert_element_type3A_323, %shift_left3A_329 : vector<400x128xi32>
    %get3A_331 = arith.constant 0 : index
    %get3A_332 = arith.constant 1920 : index
    %get3A_333 = vector.load %arg6[%get3A_331, %get3A_332] : memref<128x3328xf32, #tpu.memory_space<vmem>>, vector<128x128xf32>
    %dot_general3A_334 = arith.constant dense<0.000000e+00> : vector<400x128xf32>
    %dot_general3A_335 = tpu.matmul %select_n3A, %get3A_333, %dot_general3A_334 {dimension_numbers = #tpu.dot_dimension_numbers<[1], [0], [0], [1], [0, 0, 1, 1], [], []>, transpose_lhs_hint = false} : vector<400x128xf32>, vector<128x128xf32>, vector<400x128xf32> -> vector<400x128xf32>
    %get3A_336 = arith.constant 0 : index
    %get3A_337 = arith.constant 2048 : index
    %get3A_338 = vector.load %arg6[%get3A_336, %get3A_337] : memref<128x3328xf32, #tpu.memory_space<vmem>>, vector<128x128xf32>
    %dot_general3A_339 = arith.constant dense<0.000000e+00> : vector<400x128xf32>
    %dot_general3A_340 = tpu.matmul %select_n3A, %get3A_338, %dot_general3A_339 {dimension_numbers = #tpu.dot_dimension_numbers<[1], [0], [0], [1], [0, 0, 1, 1], [], []>, transpose_lhs_hint = false} : vector<400x128xf32>, vector<128x128xf32>, vector<400x128xf32> -> vector<400x128xf32>
    %convert_element_type3A_341 = arith.truncf %dot_general3A_335 : vector<400x128xf32> to vector<400x128xbf16>
    %bitcast_convert_type3A_342 = tpu.bitcast %convert_element_type3A_341 : vector<400x128xbf16> -> vector<400x128xi16>
    %convert_element_type3A_343 = arith.extui %bitcast_convert_type3A_342 : vector<400x128xi16> to vector<400x128xi32>
    %convert_element_type3A_344 = arith.truncf %dot_general3A_340 : vector<400x128xf32> to vector<400x128xbf16>
    %bitcast_convert_type3A_345 = tpu.bitcast %convert_element_type3A_344 : vector<400x128xbf16> -> vector<400x128xi16>
    %convert_element_type3A_346 = arith.extui %bitcast_convert_type3A_345 : vector<400x128xi16> to vector<400x128xi32>
    %shift_left3A_347 = arith.constant 16 : i32
    %shift_left3A_348 = vector.broadcast %shift_left3A_347 : i32 to vector<400x128xi32>
    %shift_left3A_349 = arith.shli %convert_element_type3A_346, %shift_left3A_348 : vector<400x128xi32>
    %or3A_350 = arith.ori %convert_element_type3A_343, %shift_left3A_349 : vector<400x128xi32>
    %get3A_351 = arith.constant 0 : index
    %get3A_352 = arith.constant 2048 : index
    %get3A_353 = vector.load %arg6[%get3A_351, %get3A_352] : memref<128x3328xf32, #tpu.memory_space<vmem>>, vector<128x128xf32>
    %dot_general3A_354 = arith.constant dense<0.000000e+00> : vector<400x128xf32>
    %dot_general3A_355 = tpu.matmul %select_n3A, %get3A_353, %dot_general3A_354 {dimension_numbers = #tpu.dot_dimension_numbers<[1], [0], [0], [1], [0, 0, 1, 1], [], []>, transpose_lhs_hint = false} : vector<400x128xf32>, vector<128x128xf32>, vector<400x128xf32> -> vector<400x128xf32>
    %get3A_356 = arith.constant 0 : index
    %get3A_357 = arith.constant 2176 : index
    %get3A_358 = vector.load %arg6[%get3A_356, %get3A_357] : memref<128x3328xf32, #tpu.memory_space<vmem>>, vector<128x128xf32>
    %dot_general3A_359 = arith.constant dense<0.000000e+00> : vector<400x128xf32>
    %dot_general3A_360 = tpu.matmul %select_n3A, %get3A_358, %dot_general3A_359 {dimension_numbers = #tpu.dot_dimension_numbers<[1], [0], [0], [1], [0, 0, 1, 1], [], []>, transpose_lhs_hint = false} : vector<400x128xf32>, vector<128x128xf32>, vector<400x128xf32> -> vector<400x128xf32>
    %convert_element_type3A_361 = arith.truncf %dot_general3A_355 : vector<400x128xf32> to vector<400x128xbf16>
    %bitcast_convert_type3A_362 = tpu.bitcast %convert_element_type3A_361 : vector<400x128xbf16> -> vector<400x128xi16>
    %convert_element_type3A_363 = arith.extui %bitcast_convert_type3A_362 : vector<400x128xi16> to vector<400x128xi32>
    %convert_element_type3A_364 = arith.truncf %dot_general3A_360 : vector<400x128xf32> to vector<400x128xbf16>
    %bitcast_convert_type3A_365 = tpu.bitcast %convert_element_type3A_364 : vector<400x128xbf16> -> vector<400x128xi16>
    %convert_element_type3A_366 = arith.extui %bitcast_convert_type3A_365 : vector<400x128xi16> to vector<400x128xi32>
    %shift_left3A_367 = arith.constant 16 : i32
    %shift_left3A_368 = vector.broadcast %shift_left3A_367 : i32 to vector<400x128xi32>
    %shift_left3A_369 = arith.shli %convert_element_type3A_366, %shift_left3A_368 : vector<400x128xi32>
    %or3A_370 = arith.ori %convert_element_type3A_363, %shift_left3A_369 : vector<400x128xi32>
    %get3A_371 = arith.constant 0 : index
    %get3A_372 = arith.constant 2176 : index
    %get3A_373 = vector.load %arg6[%get3A_371, %get3A_372] : memref<128x3328xf32, #tpu.memory_space<vmem>>, vector<128x128xf32>
    %dot_general3A_374 = arith.constant dense<0.000000e+00> : vector<400x128xf32>
    %dot_general3A_375 = tpu.matmul %select_n3A, %get3A_373, %dot_general3A_374 {dimension_numbers = #tpu.dot_dimension_numbers<[1], [0], [0], [1], [0, 0, 1, 1], [], []>, transpose_lhs_hint = false} : vector<400x128xf32>, vector<128x128xf32>, vector<400x128xf32> -> vector<400x128xf32>
    %get3A_376 = arith.constant 0 : index
    %get3A_377 = arith.constant 2304 : index
    %get3A_378 = vector.load %arg6[%get3A_376, %get3A_377] : memref<128x3328xf32, #tpu.memory_space<vmem>>, vector<128x128xf32>
    %dot_general3A_379 = arith.constant dense<0.000000e+00> : vector<400x128xf32>
    %dot_general3A_380 = tpu.matmul %select_n3A, %get3A_378, %dot_general3A_379 {dimension_numbers = #tpu.dot_dimension_numbers<[1], [0], [0], [1], [0, 0, 1, 1], [], []>, transpose_lhs_hint = false} : vector<400x128xf32>, vector<128x128xf32>, vector<400x128xf32> -> vector<400x128xf32>
    %convert_element_type3A_381 = arith.truncf %dot_general3A_375 : vector<400x128xf32> to vector<400x128xbf16>
    %bitcast_convert_type3A_382 = tpu.bitcast %convert_element_type3A_381 : vector<400x128xbf16> -> vector<400x128xi16>
    %convert_element_type3A_383 = arith.extui %bitcast_convert_type3A_382 : vector<400x128xi16> to vector<400x128xi32>
    %convert_element_type3A_384 = arith.truncf %dot_general3A_380 : vector<400x128xf32> to vector<400x128xbf16>
    %bitcast_convert_type3A_385 = tpu.bitcast %convert_element_type3A_384 : vector<400x128xbf16> -> vector<400x128xi16>
    %convert_element_type3A_386 = arith.extui %bitcast_convert_type3A_385 : vector<400x128xi16> to vector<400x128xi32>
    %shift_left3A_387 = arith.constant 16 : i32
    %shift_left3A_388 = vector.broadcast %shift_left3A_387 : i32 to vector<400x128xi32>
    %shift_left3A_389 = arith.shli %convert_element_type3A_386, %shift_left3A_388 : vector<400x128xi32>
    %or3A_390 = arith.ori %convert_element_type3A_383, %shift_left3A_389 : vector<400x128xi32>
    %get3A_391 = arith.constant 0 : index
    %get3A_392 = arith.constant 2304 : index
    %get3A_393 = vector.load %arg6[%get3A_391, %get3A_392] : memref<128x3328xf32, #tpu.memory_space<vmem>>, vector<128x128xf32>
    %dot_general3A_394 = arith.constant dense<0.000000e+00> : vector<400x128xf32>
    %dot_general3A_395 = tpu.matmul %select_n3A, %get3A_393, %dot_general3A_394 {dimension_numbers = #tpu.dot_dimension_numbers<[1], [0], [0], [1], [0, 0, 1, 1], [], []>, transpose_lhs_hint = false} : vector<400x128xf32>, vector<128x128xf32>, vector<400x128xf32> -> vector<400x128xf32>
    %get3A_396 = arith.constant 0 : index
    %get3A_397 = arith.constant 2432 : index
    %get3A_398 = vector.load %arg6[%get3A_396, %get3A_397] : memref<128x3328xf32, #tpu.memory_space<vmem>>, vector<128x128xf32>
    %dot_general3A_399 = arith.constant dense<0.000000e+00> : vector<400x128xf32>
    %dot_general3A_400 = tpu.matmul %select_n3A, %get3A_398, %dot_general3A_399 {dimension_numbers = #tpu.dot_dimension_numbers<[1], [0], [0], [1], [0, 0, 1, 1], [], []>, transpose_lhs_hint = false} : vector<400x128xf32>, vector<128x128xf32>, vector<400x128xf32> -> vector<400x128xf32>
    %convert_element_type3A_401 = arith.truncf %dot_general3A_395 : vector<400x128xf32> to vector<400x128xbf16>
    %bitcast_convert_type3A_402 = tpu.bitcast %convert_element_type3A_401 : vector<400x128xbf16> -> vector<400x128xi16>
    %convert_element_type3A_403 = arith.extui %bitcast_convert_type3A_402 : vector<400x128xi16> to vector<400x128xi32>
    %convert_element_type3A_404 = arith.truncf %dot_general3A_400 : vector<400x128xf32> to vector<400x128xbf16>
    %bitcast_convert_type3A_405 = tpu.bitcast %convert_element_type3A_404 : vector<400x128xbf16> -> vector<400x128xi16>
    %convert_element_type3A_406 = arith.extui %bitcast_convert_type3A_405 : vector<400x128xi16> to vector<400x128xi32>
    %shift_left3A_407 = arith.constant 16 : i32
    %shift_left3A_408 = vector.broadcast %shift_left3A_407 : i32 to vector<400x128xi32>
    %shift_left3A_409 = arith.shli %convert_element_type3A_406, %shift_left3A_408 : vector<400x128xi32>
    %or3A_410 = arith.ori %convert_element_type3A_403, %shift_left3A_409 : vector<400x128xi32>
    %get3A_411 = arith.constant 0 : index
    %get3A_412 = arith.constant 2432 : index
    %get3A_413 = vector.load %arg6[%get3A_411, %get3A_412] : memref<128x3328xf32, #tpu.memory_space<vmem>>, vector<128x128xf32>
    %dot_general3A_414 = arith.constant dense<0.000000e+00> : vector<400x128xf32>
    %dot_general3A_415 = tpu.matmul %select_n3A, %get3A_413, %dot_general3A_414 {dimension_numbers = #tpu.dot_dimension_numbers<[1], [0], [0], [1], [0, 0, 1, 1], [], []>, transpose_lhs_hint = false} : vector<400x128xf32>, vector<128x128xf32>, vector<400x128xf32> -> vector<400x128xf32>
    %get3A_416 = arith.constant 0 : index
    %get3A_417 = arith.constant 2560 : index
    %get3A_418 = vector.load %arg6[%get3A_416, %get3A_417] : memref<128x3328xf32, #tpu.memory_space<vmem>>, vector<128x128xf32>
    %dot_general3A_419 = arith.constant dense<0.000000e+00> : vector<400x128xf32>
    %dot_general3A_420 = tpu.matmul %select_n3A, %get3A_418, %dot_general3A_419 {dimension_numbers = #tpu.dot_dimension_numbers<[1], [0], [0], [1], [0, 0, 1, 1], [], []>, transpose_lhs_hint = false} : vector<400x128xf32>, vector<128x128xf32>, vector<400x128xf32> -> vector<400x128xf32>
    %convert_element_type3A_421 = arith.truncf %dot_general3A_415 : vector<400x128xf32> to vector<400x128xbf16>
    %bitcast_convert_type3A_422 = tpu.bitcast %convert_element_type3A_421 : vector<400x128xbf16> -> vector<400x128xi16>
    %convert_element_type3A_423 = arith.extui %bitcast_convert_type3A_422 : vector<400x128xi16> to vector<400x128xi32>
    %convert_element_type3A_424 = arith.truncf %dot_general3A_420 : vector<400x128xf32> to vector<400x128xbf16>
    %bitcast_convert_type3A_425 = tpu.bitcast %convert_element_type3A_424 : vector<400x128xbf16> -> vector<400x128xi16>
    %convert_element_type3A_426 = arith.extui %bitcast_convert_type3A_425 : vector<400x128xi16> to vector<400x128xi32>
    %shift_left3A_427 = arith.constant 16 : i32
    %shift_left3A_428 = vector.broadcast %shift_left3A_427 : i32 to vector<400x128xi32>
    %shift_left3A_429 = arith.shli %convert_element_type3A_426, %shift_left3A_428 : vector<400x128xi32>
    %or3A_430 = arith.ori %convert_element_type3A_423, %shift_left3A_429 : vector<400x128xi32>
    %get3A_431 = arith.constant 0 : index
    %get3A_432 = arith.constant 2560 : index
    %get3A_433 = vector.load %arg6[%get3A_431, %get3A_432] : memref<128x3328xf32, #tpu.memory_space<vmem>>, vector<128x128xf32>
    %dot_general3A_434 = arith.constant dense<0.000000e+00> : vector<400x128xf32>
    %dot_general3A_435 = tpu.matmul %select_n3A, %get3A_433, %dot_general3A_434 {dimension_numbers = #tpu.dot_dimension_numbers<[1], [0], [0], [1], [0, 0, 1, 1], [], []>, transpose_lhs_hint = false} : vector<400x128xf32>, vector<128x128xf32>, vector<400x128xf32> -> vector<400x128xf32>
    %get3A_436 = arith.constant 0 : index
    %get3A_437 = arith.constant 2688 : index
    %get3A_438 = vector.load %arg6[%get3A_436, %get3A_437] : memref<128x3328xf32, #tpu.memory_space<vmem>>, vector<128x128xf32>
    %dot_general3A_439 = arith.constant dense<0.000000e+00> : vector<400x128xf32>
    %dot_general3A_440 = tpu.matmul %select_n3A, %get3A_438, %dot_general3A_439 {dimension_numbers = #tpu.dot_dimension_numbers<[1], [0], [0], [1], [0, 0, 1, 1], [], []>, transpose_lhs_hint = false} : vector<400x128xf32>, vector<128x128xf32>, vector<400x128xf32> -> vector<400x128xf32>
    %convert_element_type3A_441 = arith.truncf %dot_general3A_435 : vector<400x128xf32> to vector<400x128xbf16>
    %bitcast_convert_type3A_442 = tpu.bitcast %convert_element_type3A_441 : vector<400x128xbf16> -> vector<400x128xi16>
    %convert_element_type3A_443 = arith.extui %bitcast_convert_type3A_442 : vector<400x128xi16> to vector<400x128xi32>
    %convert_element_type3A_444 = arith.truncf %dot_general3A_440 : vector<400x128xf32> to vector<400x128xbf16>
    %bitcast_convert_type3A_445 = tpu.bitcast %convert_element_type3A_444 : vector<400x128xbf16> -> vector<400x128xi16>
    %convert_element_type3A_446 = arith.extui %bitcast_convert_type3A_445 : vector<400x128xi16> to vector<400x128xi32>
    %shift_left3A_447 = arith.constant 16 : i32
    %shift_left3A_448 = vector.broadcast %shift_left3A_447 : i32 to vector<400x128xi32>
    %shift_left3A_449 = arith.shli %convert_element_type3A_446, %shift_left3A_448 : vector<400x128xi32>
    %or3A_450 = arith.ori %convert_element_type3A_443, %shift_left3A_449 : vector<400x128xi32>
    %get3A_451 = arith.constant 0 : index
    %get3A_452 = arith.constant 2688 : index
    %get3A_453 = vector.load %arg6[%get3A_451, %get3A_452] : memref<128x3328xf32, #tpu.memory_space<vmem>>, vector<128x128xf32>
    %dot_general3A_454 = arith.constant dense<0.000000e+00> : vector<400x128xf32>
    %dot_general3A_455 = tpu.matmul %select_n3A, %get3A_453, %dot_general3A_454 {dimension_numbers = #tpu.dot_dimension_numbers<[1], [0], [0], [1], [0, 0, 1, 1], [], []>, transpose_lhs_hint = false} : vector<400x128xf32>, vector<128x128xf32>, vector<400x128xf32> -> vector<400x128xf32>
    %get3A_456 = arith.constant 0 : index
    %get3A_457 = arith.constant 2816 : index
    %get3A_458 = vector.load %arg6[%get3A_456, %get3A_457] : memref<128x3328xf32, #tpu.memory_space<vmem>>, vector<128x128xf32>
    %dot_general3A_459 = arith.constant dense<0.000000e+00> : vector<400x128xf32>
    %dot_general3A_460 = tpu.matmul %select_n3A, %get3A_458, %dot_general3A_459 {dimension_numbers = #tpu.dot_dimension_numbers<[1], [0], [0], [1], [0, 0, 1, 1], [], []>, transpose_lhs_hint = false} : vector<400x128xf32>, vector<128x128xf32>, vector<400x128xf32> -> vector<400x128xf32>
    %convert_element_type3A_461 = arith.truncf %dot_general3A_455 : vector<400x128xf32> to vector<400x128xbf16>
    %bitcast_convert_type3A_462 = tpu.bitcast %convert_element_type3A_461 : vector<400x128xbf16> -> vector<400x128xi16>
    %convert_element_type3A_463 = arith.extui %bitcast_convert_type3A_462 : vector<400x128xi16> to vector<400x128xi32>
    %convert_element_type3A_464 = arith.truncf %dot_general3A_460 : vector<400x128xf32> to vector<400x128xbf16>
    %bitcast_convert_type3A_465 = tpu.bitcast %convert_element_type3A_464 : vector<400x128xbf16> -> vector<400x128xi16>
    %convert_element_type3A_466 = arith.extui %bitcast_convert_type3A_465 : vector<400x128xi16> to vector<400x128xi32>
    %shift_left3A_467 = arith.constant 16 : i32
    %shift_left3A_468 = vector.broadcast %shift_left3A_467 : i32 to vector<400x128xi32>
    %shift_left3A_469 = arith.shli %convert_element_type3A_466, %shift_left3A_468 : vector<400x128xi32>
    %or3A_470 = arith.ori %convert_element_type3A_463, %shift_left3A_469 : vector<400x128xi32>
    %get3A_471 = arith.constant 0 : index
    %get3A_472 = arith.constant 2816 : index
    %get3A_473 = vector.load %arg6[%get3A_471, %get3A_472] : memref<128x3328xf32, #tpu.memory_space<vmem>>, vector<128x128xf32>
    %dot_general3A_474 = arith.constant dense<0.000000e+00> : vector<400x128xf32>
    %dot_general3A_475 = tpu.matmul %select_n3A, %get3A_473, %dot_general3A_474 {dimension_numbers = #tpu.dot_dimension_numbers<[1], [0], [0], [1], [0, 0, 1, 1], [], []>, transpose_lhs_hint = false} : vector<400x128xf32>, vector<128x128xf32>, vector<400x128xf32> -> vector<400x128xf32>
    %get3A_476 = arith.constant 0 : index
    %get3A_477 = arith.constant 2944 : index
    %get3A_478 = vector.load %arg6[%get3A_476, %get3A_477] : memref<128x3328xf32, #tpu.memory_space<vmem>>, vector<128x128xf32>
    %dot_general3A_479 = arith.constant dense<0.000000e+00> : vector<400x128xf32>
    %dot_general3A_480 = tpu.matmul %select_n3A, %get3A_478, %dot_general3A_479 {dimension_numbers = #tpu.dot_dimension_numbers<[1], [0], [0], [1], [0, 0, 1, 1], [], []>, transpose_lhs_hint = false} : vector<400x128xf32>, vector<128x128xf32>, vector<400x128xf32> -> vector<400x128xf32>
    %convert_element_type3A_481 = arith.truncf %dot_general3A_475 : vector<400x128xf32> to vector<400x128xbf16>
    %bitcast_convert_type3A_482 = tpu.bitcast %convert_element_type3A_481 : vector<400x128xbf16> -> vector<400x128xi16>
    %convert_element_type3A_483 = arith.extui %bitcast_convert_type3A_482 : vector<400x128xi16> to vector<400x128xi32>
    %convert_element_type3A_484 = arith.truncf %dot_general3A_480 : vector<400x128xf32> to vector<400x128xbf16>
    %bitcast_convert_type3A_485 = tpu.bitcast %convert_element_type3A_484 : vector<400x128xbf16> -> vector<400x128xi16>
    %convert_element_type3A_486 = arith.extui %bitcast_convert_type3A_485 : vector<400x128xi16> to vector<400x128xi32>
    %shift_left3A_487 = arith.constant 16 : i32
    %shift_left3A_488 = vector.broadcast %shift_left3A_487 : i32 to vector<400x128xi32>
    %shift_left3A_489 = arith.shli %convert_element_type3A_486, %shift_left3A_488 : vector<400x128xi32>
    %or3A_490 = arith.ori %convert_element_type3A_483, %shift_left3A_489 : vector<400x128xi32>
    %get3A_491 = arith.constant 0 : index
    %get3A_492 = arith.constant 2944 : index
    %get3A_493 = vector.load %arg6[%get3A_491, %get3A_492] : memref<128x3328xf32, #tpu.memory_space<vmem>>, vector<128x128xf32>
    %dot_general3A_494 = arith.constant dense<0.000000e+00> : vector<400x128xf32>
    %dot_general3A_495 = tpu.matmul %select_n3A, %get3A_493, %dot_general3A_494 {dimension_numbers = #tpu.dot_dimension_numbers<[1], [0], [0], [1], [0, 0, 1, 1], [], []>, transpose_lhs_hint = false} : vector<400x128xf32>, vector<128x128xf32>, vector<400x128xf32> -> vector<400x128xf32>
    %get3A_496 = arith.constant 0 : index
    %get3A_497 = arith.constant 3072 : index
    %get3A_498 = vector.load %arg6[%get3A_496, %get3A_497] : memref<128x3328xf32, #tpu.memory_space<vmem>>, vector<128x128xf32>
    %dot_general3A_499 = arith.constant dense<0.000000e+00> : vector<400x128xf32>
    %dot_general3A_500 = tpu.matmul %select_n3A, %get3A_498, %dot_general3A_499 {dimension_numbers = #tpu.dot_dimension_numbers<[1], [0], [0], [1], [0, 0, 1, 1], [], []>, transpose_lhs_hint = false} : vector<400x128xf32>, vector<128x128xf32>, vector<400x128xf32> -> vector<400x128xf32>
    %convert_element_type3A_501 = arith.truncf %dot_general3A_495 : vector<400x128xf32> to vector<400x128xbf16>
    %bitcast_convert_type3A_502 = tpu.bitcast %convert_element_type3A_501 : vector<400x128xbf16> -> vector<400x128xi16>
    %convert_element_type3A_503 = arith.extui %bitcast_convert_type3A_502 : vector<400x128xi16> to vector<400x128xi32>
    %convert_element_type3A_504 = arith.truncf %dot_general3A_500 : vector<400x128xf32> to vector<400x128xbf16>
    %bitcast_convert_type3A_505 = tpu.bitcast %convert_element_type3A_504 : vector<400x128xbf16> -> vector<400x128xi16>
    %convert_element_type3A_506 = arith.extui %bitcast_convert_type3A_505 : vector<400x128xi16> to vector<400x128xi32>
    %shift_left3A_507 = arith.constant 16 : i32
    %shift_left3A_508 = vector.broadcast %shift_left3A_507 : i32 to vector<400x128xi32>
    %shift_left3A_509 = arith.shli %convert_element_type3A_506, %shift_left3A_508 : vector<400x128xi32>
    %or3A_510 = arith.ori %convert_element_type3A_503, %shift_left3A_509 : vector<400x128xi32>
    %get3A_511 = arith.constant 0 : index
    %get3A_512 = arith.constant 3072 : index
    %get3A_513 = vector.load %arg6[%get3A_511, %get3A_512] : memref<128x3328xf32, #tpu.memory_space<vmem>>, vector<128x128xf32>
    %dot_general3A_514 = arith.constant dense<0.000000e+00> : vector<400x128xf32>
    %dot_general3A_515 = tpu.matmul %select_n3A, %get3A_513, %dot_general3A_514 {dimension_numbers = #tpu.dot_dimension_numbers<[1], [0], [0], [1], [0, 0, 1, 1], [], []>, transpose_lhs_hint = false} : vector<400x128xf32>, vector<128x128xf32>, vector<400x128xf32> -> vector<400x128xf32>
    %get3A_516 = arith.constant 0 : index
    %get3A_517 = arith.constant 3200 : index
    %get3A_518 = vector.load %arg6[%get3A_516, %get3A_517] : memref<128x3328xf32, #tpu.memory_space<vmem>>, vector<128x128xf32>
    %dot_general3A_519 = arith.constant dense<0.000000e+00> : vector<400x128xf32>
    %dot_general3A_520 = tpu.matmul %select_n3A, %get3A_518, %dot_general3A_519 {dimension_numbers = #tpu.dot_dimension_numbers<[1], [0], [0], [1], [0, 0, 1, 1], [], []>, transpose_lhs_hint = false} : vector<400x128xf32>, vector<128x128xf32>, vector<400x128xf32> -> vector<400x128xf32>
    %convert_element_type3A_521 = arith.truncf %dot_general3A_515 : vector<400x128xf32> to vector<400x128xbf16>
    %bitcast_convert_type3A_522 = tpu.bitcast %convert_element_type3A_521 : vector<400x128xbf16> -> vector<400x128xi16>
    %convert_element_type3A_523 = arith.extui %bitcast_convert_type3A_522 : vector<400x128xi16> to vector<400x128xi32>
    %convert_element_type3A_524 = arith.truncf %dot_general3A_520 : vector<400x128xf32> to vector<400x128xbf16>
    %bitcast_convert_type3A_525 = tpu.bitcast %convert_element_type3A_524 : vector<400x128xbf16> -> vector<400x128xi16>
    %convert_element_type3A_526 = arith.extui %bitcast_convert_type3A_525 : vector<400x128xi16> to vector<400x128xi32>
    %shift_left3A_527 = arith.constant 16 : i32
    %shift_left3A_528 = vector.broadcast %shift_left3A_527 : i32 to vector<400x128xi32>
    %shift_left3A_529 = arith.shli %convert_element_type3A_526, %shift_left3A_528 : vector<400x128xi32>
    %or3A_530 = arith.ori %convert_element_type3A_523, %shift_left3A_529 : vector<400x128xi32>
    %concatenate3A = tpu.concatenate %or3A, %or3A_70, %or3A_90, %or3A_110, %or3A_130, %or3A_150, %or3A_170, %or3A_190, %or3A_210, %or3A_230, %or3A_250, %or3A_270, %or3A_290, %or3A_310, %or3A_330, %or3A_350, %or3A_370, %or3A_390, %or3A_410, %or3A_430, %or3A_450, %or3A_470, %or3A_490, %or3A_510, %or3A_530 in 1 : vector<400x128xi32>, vector<400x128xi32>, vector<400x128xi32>, vector<400x128xi32>, vector<400x128xi32>, vector<400x128xi32>, vector<400x128xi32>, vector<400x128xi32>, vector<400x128xi32>, vector<400x128xi32>, vector<400x128xi32>, vector<400x128xi32>, vector<400x128xi32>, vector<400x128xi32>, vector<400x128xi32>, vector<400x128xi32>, vector<400x128xi32>, vector<400x128xi32>, vector<400x128xi32>, vector<400x128xi32>, vector<400x128xi32>, vector<400x128xi32>, vector<400x128xi32>, vector<400x128xi32>, vector<400x128xi32> -> vector<400x3200xi32>
    %swap3A_531 = arith.constant 0 : index
    %swap3A_532 = arith.constant 0 : index
    %swap3A_533 = vector.load %arg8[%swap3A_531, %swap3A_532] : memref<400x3200xi32, #tpu.memory_space<vmem>>, vector<400x3200xi32>
    tpu.vector_store %arg8[%swap3A_531, %swap3A_532], %concatenate3A {strides = array<i32>} : memref<400x3200xi32, #tpu.memory_space<vmem>>, vector<400x3200xi32>,
    return
  }
  func.func @transform_0(%arg0: i32) -> (i32, i32, i32) {
    %c0_i32 = arith.constant 0 : i32
    %c0_i32_0 = arith.constant 0 : i32
    %c0_i32_1 = arith.constant 0 : i32
    return %c0_i32, %arg0, %c0_i32_0 : i32, i32, i32
  }
  func.func @transform_1(%arg0: i32) -> (i32, i32) {
    %c0_i32 = arith.constant 0 : i32
    %c0_i32_0 = arith.constant 0 : i32
    return %arg0, %c0_i32 : i32, i32
  }
  func.func @transform_2(%arg0: i32) -> (i32, i32) {
    %c0_i32 = arith.constant 0 : i32
    %c0_i32_0 = arith.constant 0 : i32
    return %arg0, %c0_i32 : i32, i32
  }
  func.func @transform_3(%arg0: i32) -> (i32, i32) {
    %c0_i32 = arith.constant 0 : i32
    %c0_i32_0 = arith.constant 0 : i32
    %c0_i32_1 = arith.constant 0 : i32
    return %c0_i32, %c0_i32_0 : i32, i32
  }
  func.func @transform_4(%arg0: i32) -> (i32, i32) {
    %c0_i32 = arith.constant 0 : i32
    %c0_i32_0 = arith.constant 0 : i32
    %c0_i32_1 = arith.constant 0 : i32
    return %c0_i32, %c0_i32_0 : i32, i32
  }
  func.func @transform_5(%arg0: i32) -> (i32, i32) {
    %c0_i32 = arith.constant 0 : i32
    %c0_i32_0 = arith.constant 0 : i32
    %c0_i32_1 = arith.constant 0 : i32
    return %c0_i32, %c0_i32_0 : i32, i32
  }
  func.func @transform_6(%arg0: i32) -> (i32, i32) {
    %c0_i32 = arith.constant 0 : i32
    %c0_i32_0 = arith.constant 0 : i32
    return %arg0, %c0_i32 : i32, i32
  }
  func.func @transform_7(%arg0: i32) -> (i32, i32) {
    %c0_i32 = arith.constant 0 : i32
    %c0_i32_0 = arith.constant 0 : i32
    return %arg0, %c0_i32 : i32, i32
  }
}

module attributes {stable_mosaic.version = 14 : i64} {
  func.func @_fin2_body(%arg0: i32, %arg1: memref<2x400x128xf32, #tpu.memory_space<vmem>>, %arg2: memref<400x32xf32, #tpu.memory_space<vmem>>, %arg3: memref<400x128xf32, #tpu.memory_space<vmem>>, %arg4: memref<128x128xf32, #tpu.memory_space<vmem>>, %arg5: memref<1x128xf32, #tpu.memory_space<vmem>>, %arg6: memref<400x128xf32, #tpu.memory_space<vmem>>) attributes {dimension_semantics = [#tpu.dimension_semantics<arbitrary>], iteration_bounds = array<i64: 25>, scalar_prefetch = 0 : i64, scratch_operands = 0 : i64, tpu.core_type = #tpu.core_type<tc>, window_params = [{transform_indices = @transform_0, window_bounds = array<i64: 2, 400, 128>}, {transform_indices = @transform_1, window_bounds = array<i64: 400, 32>}, {transform_indices = @transform_2, window_bounds = array<i64: 400, 128>}, {pipeline_mode = #tpu.pipeline_mode<synchronous>, transform_indices = @transform_3, window_bounds = array<i64: 128, 128>}, {pipeline_mode = #tpu.pipeline_mode<synchronous>, transform_indices = @transform_4, window_bounds = array<i64: 1, 128>}, {transform_indices = @transform_5, window_bounds = array<i64: 400, 128>}]} {
    %get3A = arith.constant 0 : index
    %get3A_0 = arith.constant 0 : index
    %get3A_1 = arith.constant 0 : index
    %get3A_2 = vector.load %arg1[%get3A, %get3A_0, %get3A_1] : memref<2x400x128xf32, #tpu.memory_space<vmem>>, vector<1x400x128xf32>
    %get3A_3 = vector.shape_cast %get3A_2 : vector<1x400x128xf32> to vector<400x128xf32>
    %get3A_4 = arith.constant 1 : index
    %get3A_5 = arith.constant 0 : index
    %get3A_6 = arith.constant 0 : index
    %get3A_7 = vector.load %arg1[%get3A_4, %get3A_5, %get3A_6] : memref<2x400x128xf32, #tpu.memory_space<vmem>>, vector<1x400x128xf32>
    %get3A_8 = vector.shape_cast %get3A_7 : vector<1x400x128xf32> to vector<400x128xf32>
    %add3A = arith.addf %get3A_3, %get3A_8 : vector<400x128xf32>
    %get3A_9 = arith.constant 0 : index
    %get3A_10 = arith.constant 0 : index
    %get3A_11 = vector.load %arg2[%get3A_9, %get3A_10] : memref<400x32xf32, #tpu.memory_space<vmem>>, vector<400x32xf32>
    %reduce_sum3A = arith.constant dense<0.000000e+00> : vector<400xf32>
    %reduce_sum3A_12 = vector.multi_reduction <add>, %get3A_11, %reduce_sum3A [1] : vector<400x32xf32> to vector<400xf32>
    %max3A = arith.constant 1.000000e+00 : f32
    %max3A_13 = vector.broadcast %max3A : f32 to vector<400xf32>
    %max3A_14 = arith.maximumf %reduce_sum3A_12, %max3A_13 : vector<400xf32>
    %broadcast_in_dim3A = vector.shape_cast %max3A_14 : vector<400xf32> to vector<400x1xf32>
    %div3A = vector.broadcast %broadcast_in_dim3A : vector<400x1xf32> to vector<400x128xf32>
    %div3A_15 = arith.divf %add3A, %div3A : vector<400x128xf32>
    %get3A_16 = arith.constant 0 : index
    %get3A_17 = arith.constant 0 : index
    %get3A_18 = vector.load %arg3[%get3A_16, %get3A_17] : memref<400x128xf32, #tpu.memory_space<vmem>>, vector<400x128xf32>
    %get3A_19 = arith.constant 0 : index
    %get3A_20 = arith.constant 0 : index
    %get3A_21 = vector.load %arg4[%get3A_19, %get3A_20] : memref<128x128xf32, #tpu.memory_space<vmem>>, vector<128x128xf32>
    %dot_general3A = arith.constant dense<0.000000e+00> : vector<400x128xf32>
    %dot_general3A_22 = tpu.matmul %get3A_18, %get3A_21, %dot_general3A {dimension_numbers = #tpu.dot_dimension_numbers<[1], [0], [0], [1], [0, 0, 1, 1], [], []>, transpose_lhs_hint = false} : vector<400x128xf32>, vector<128x128xf32>, vector<400x128xf32> -> vector<400x128xf32>
    %add3A_23 = arith.addf %div3A_15, %dot_general3A_22 : vector<400x128xf32>
    %get3A_24 = arith.constant 0 : index
    %get3A_25 = arith.constant 0 : index
    %get3A_26 = vector.load %arg5[%get3A_24, %get3A_25] : memref<1x128xf32, #tpu.memory_space<vmem>>, vector<1x128xf32>
    %add3A_27 = vector.broadcast %get3A_26 : vector<1x128xf32> to vector<400x128xf32>
    %add3A_28 = arith.addf %add3A_23, %add3A_27 : vector<400x128xf32>
    %gt3A = arith.constant 0.000000e+00 : f32
    %gt3A_29 = vector.broadcast %gt3A : f32 to vector<400x128xf32>
    %gt3A_30 = arith.cmpf ogt, %add3A_28, %gt3A_29 : vector<400x128xf32>
    %exp3A = math.exp %add3A_28 : vector<400x128xf32>
    %sub3A = arith.constant 1.000000e+00 : f32
    %sub3A_31 = vector.broadcast %sub3A : f32 to vector<400x128xf32>
    %sub3A_32 = arith.subf %exp3A, %sub3A_31 : vector<400x128xf32>
    %select_n3A = arith.select %gt3A_30, %add3A_28, %sub3A_32 : vector<400x128xi1>, vector<400x128xf32>
    %swap3A = arith.constant 0 : index
    %swap3A_33 = arith.constant 0 : index
    %swap3A_34 = vector.load %arg6[%swap3A, %swap3A_33] : memref<400x128xf32, #tpu.memory_space<vmem>>, vector<400x128xf32>
    tpu.vector_store %arg6[%swap3A, %swap3A_33], %select_n3A {strides = array<i32>} : memref<400x128xf32, #tpu.memory_space<vmem>>, vector<400x128xf32>,
    return
  }
  func.func @transform_0(%arg0: i32) -> (i32, i32, i32) {
    %c0_i32 = arith.constant 0 : i32
    %c0_i32_0 = arith.constant 0 : i32
    %c0_i32_1 = arith.constant 0 : i32
    return %c0_i32, %arg0, %c0_i32_0 : i32, i32, i32
  }
  func.func @transform_1(%arg0: i32) -> (i32, i32) {
    %c0_i32 = arith.constant 0 : i32
    %c0_i32_0 = arith.constant 0 : i32
    return %arg0, %c0_i32 : i32, i32
  }
  func.func @transform_2(%arg0: i32) -> (i32, i32) {
    %c0_i32 = arith.constant 0 : i32
    %c0_i32_0 = arith.constant 0 : i32
    return %arg0, %c0_i32 : i32, i32
  }
  func.func @transform_3(%arg0: i32) -> (i32, i32) {
    %c0_i32 = arith.constant 0 : i32
    %c0_i32_0 = arith.constant 0 : i32
    %c0_i32_1 = arith.constant 0 : i32
    return %c0_i32, %c0_i32_0 : i32, i32
  }
  func.func @transform_4(%arg0: i32) -> (i32, i32) {
    %c0_i32 = arith.constant 0 : i32
    %c0_i32_0 = arith.constant 0 : i32
    %c0_i32_1 = arith.constant 0 : i32
    return %c0_i32, %c0_i32_0 : i32, i32
  }
  func.func @transform_5(%arg0: i32) -> (i32, i32) {
    %c0_i32 = arith.constant 0 : i32
    %c0_i32_0 = arith.constant 0 : i32
    return %arg0, %c0_i32 : i32, i32
  }
}

</mosaic_0001>

<sc_bundles>
// kernel: kernel.12.cloned.1.call-start
scs
__scs_entry_jumppad:
0x0: {  	(pc) =	sbr.rel $0x88, $3  }
0x1: {  	(tag) =	ssettag $0x0;
	lr =	simm.s32 $0x1  }
0x2: {  	[smem:$0x3F98] =	sst lr;
	_ =	strace $0xD0000000  }
0x3: {  	_ = 	snop  }
0x4: {  	_ = 	snop  }
0x5: {  	_ = 	snop  }
0x6: {  	_ = 	snop  }
0x7: {  	_ = 	snop  }
__scs_overlays_trampoline_lowered:
0x8: {  	[smem:$0x3FA7] =	sst s0  }
0x9: {  	[smem:$0x3FA8] =	sst s1  }
0xa: {  	[smem:$0x3FA9] =	sst s2  }
0xb: {  	[smem:$0x3FAA] =	sst s3  }
0xc: {  	[smem:$0x3FAB] =	sst s4  }
0xd: {  	[smem:$0x3FAC] =	sst s5  }
0xe: {  	[smem:$0x3FAD] =	sst s6  }
0xf: {  	[smem:$0x3FAE] =	sst s7  }
0x10: {  	[smem:$0x3FAF] =	sst s8  }
0x11: {  	[smem:$0x3FB0] =	sst s9;
	s0 =	simm.s32 @!p0 $0x0  }
0x12: {  	s1 =	sld [smem:$0x3F96];
	s0 =	simm.s32 @p0 $0x1  }
0x13: {  	[smem:$0x3FB1] =	sst s0;
	s0 =	simm.s32 @!p1 $0x0  }
0x14: {  	s2 =	sld [smem:$0x3F95];
	s0 =	simm.s32 @p1 $0x1  }
0x15: {  	[smem:$0x3FB2] =	sst s0;
	s0 =	simm.s32 @!p2 $0x0  }
0x16: {  	s3 =	sld [smem:$0x3FDB];
	s0 =	simm.s32 @p2 $0x1  }
0x17: {  	s4 =	simm.s32 $0x1BF5;
	[smem:$0x3FB4] =	sst s0  }
0x18: {  	s0 =	sld [smem:$0x3F97];
	_ =	swait.ge [sflag:s4], $0x0  }
0x19: {  	s7 =	sld [smem:$0x3F98]  }
0x1a: {  	s8 =	sadd.s32 $0xFFFFE003, lr  }
0x1b: {  	s9 =	sadd.s32 $0xFFFFFEF7, lr;
	s5 =	simm.s32 $0xFFFFFFFF;
	p2 =	slt.u32 s8, $0xFFFFF086  }
0x1c: {  	p1 =	slt.u32 s9, $0xF7A;
	s5 =	simm.s32 @!p2 $0x0  }
0x1d: {  	s5 =	simm.s32 @p1 $0x1;
	p0 =	seq.s32 s7, s2  }
0x1e: {  	s7 =	smul.u32 @!p0 $0xF7A, s2;
	p2 =	seq.s32 @!p0 s5, $0x0  }
0x1f: {  	s9 =	smul.u32 $0xF7A, s1;
	s8 =	simm.s32 @!p0 $0x1BF5;
	p2 =	por !p2, p0  }
0x20: {  	[sflag:s8] =	ssyncset.s32 @!p0 $0xFFFFF086;
	s6 =	sadd.s32 @!p0 s3, s7;
	s7 =	simm.s32 @!p0 $0x108  }
0x21: {  	s3 =	sadd.s32 s3, s9;
	s6 =	sadd.s32 @!p0 $0x88, s6;
	s7 =	simm.s32 @p2 $0x1082  }
0x22: {  	[simem:s7], [sflag:s8] =	dma.local @!p0 [hbm:s6], $0xF7A  }
0x23: {  	s9 =	sor.u32 $0xD0000000, s2;
	s6 =	simm.s32 $0x108;
	_ =	swait.ge @!p0 [sflag:s8], $0x0  }
0x24: {  	s3 =	sadd.s32 $0x88, s3;
	s6 =	simm.s32 @!p1 $0x1082;
	[sflag:s4] =	ssyncset.s32 $0xFFFFF086  }
0x25: {  	[simem:s6], [sflag:s4] =	dma.local [hbm:s3], $0xF7A  }
0x26: {  	[smem:$0x3F98] =	sst s1;
	(tag) =	ssettag s2;
	_ =	strace s9  }
0x27: {  	s1 =	sld [smem:$0x3FA8]  }
0x28: {  	s2 =	sld [smem:$0x3FA9]  }
0x29: {  	s4 =	sld [smem:$0x3FAB]  }
0x2a: {  	p0 =	seq.s32 s5, $0x0;
	s5 =	sld [smem:$0x3FAC]  }
0x2b: {  	s6 =	sld [smem:$0x3FAD]  }
0x2c: {  	s7 =	sld [smem:$0x3FAE]  }
0x2d: {  	s3 =	simm.s32 $0x108;
	s8 =	sld [smem:$0x3FAF]  }
0x2e: {  	s3 =	simm.s32 @!p0 $0x1082;
	s9 =	sld [smem:$0x3FB0]  }
0x2f: {  	lr =	sadd.s32 s0, s3;
	s0 =	sld [smem:$0x3FA7]  }
0x30: {  	s3 =	sld [smem:$0x3FAA]  }
0x31: {  	[smem:$0x3FB3] =	sst s10  }
0x32: {  	s10 =	sld [smem:$0x3FB1];
	_ =	sdelay $0x3  }
0x33: {  	p0 =	seq.s32 s10, $0x1;
	s10 =	sld [smem:$0x3FB3];
	_ =	sdelay $0x3  }
0x34: {  	[smem:$0x3FB3] =	sst s10  }
0x35: {  	s10 =	sld [smem:$0x3FB2];
	_ =	sdelay $0x3  }
0x36: {  	p1 =	seq.s32 s10, $0x1;
	s10 =	sld [smem:$0x3FB3];
	_ =	sdelay $0x3  }
0x37: {  	[smem:$0x3FB3] =	sst s10  }
0x38: {  	s10 =	sld [smem:$0x3FB4]  }
0x39: {  	_ = 	snop;
	(pc) =	sbr.ind lr, $3  }
0x3a: {  	_ = 	snop  }
0x3b: {  	_ = 	snop  }
0x3c: {  	p2 =	seq.s32 s10, $0x1;
	s10 =	sld [smem:$0x3FB3]  }
0x3d: {  	_ =	shalt  }
0x3e: {  	_ =	shalt  }
0x3f: {  	_ =	shalt  }
0x40: {  	_ =	shalt  }
0x41: {  	_ =	shalt  }
0x42: {  	_ =	shalt  }
0x43: {  	_ =	shalt  }
0x44: {  	_ =	shalt  }
0x45: {  	_ =	shalt  }
0x46: {  	_ =	shalt  }
0x47: {  	_ =	shalt  }
0x48: {  	_ =	shalt  }
0x49: {  	_ =	shalt  }
0x4a: {  	_ =	shalt  }
0x4b: {  	_ =	shalt  }
0x4c: {  	_ =	shalt  }
0x4d: {  	_ =	shalt  }
0x4e: {  	_ =	shalt  }
0x4f: {  	_ =	shalt  }
0x50: {  	_ =	shalt  }
0x51: {  	_ =	shalt  }
0x52: {  	_ =	shalt  }
0x53: {  	_ =	shalt  }
0x54: {  	_ =	shalt  }
0x55: {  	_ =	shalt  }
0x56: {  	_ =	shalt  }
0x57: {  	_ =	shalt  }
0x58: {  	_ =	shalt  }
0x59: {  	_ =	shalt  }
0x5a: {  	_ =	shalt  }
0x5b: {  	_ =	shalt  }
0x5c: {  	_ =	shalt  }
0x5d: {  	_ =	shalt  }
0x5e: {  	_ =	shalt  }
0x5f: {  	_ =	shalt  }
0x60: {  	_ =	shalt  }
0x61: {  	_ =	shalt  }
0x62: {  	_ =	shalt  }
0x63: {  	_ =	shalt  }
0x64: {  	_ =	shalt  }
0x65: {  	_ =	shalt  }
0x66: {  	_ =	shalt  }
0x67: {  	_ =	shalt  }
0x68: {  	_ =	shalt  }
0x69: {  	_ =	shalt  }
0x6a: {  	_ =	shalt  }
0x6b: {  	_ =	shalt  }
0x6c: {  	_ =	shalt  }
0x6d: {  	_ =	shalt  }
0x6e: {  	_ =	shalt  }
0x6f: {  	_ =	shalt  }
0x70: {  	_ =	shalt  }
0x71: {  	_ =	shalt  }
0x72: {  	_ =	shalt  }
0x73: {  	_ =	shalt  }
0x74: {  	_ =	shalt  }
0x75: {  	_ =	shalt  }
0x76: {  	_ =	shalt  }
0x77: {  	_ =	shalt  }
0x78: {  	_ =	shalt  }
0x79: {  	_ =	shalt  }
0x7a: {  	_ =	shalt  }
0x7b: {  	_ =	shalt  }
0x7c: {  	_ =	shalt  }
0x7d: {  	_ =	shalt  }
0x7e: {  	_ =	shalt  }
0x7f: {  	_ =	shalt  }
0x80: {  	_ =	shalt  }
0x81: {  	_ =	shalt  }
0x82: {  	_ =	shalt  }
0x83: {  	_ =	shalt  }
0x84: {  	_ =	shalt  }
0x85: {  	_ =	shalt  }
0x86: {  	_ =	shalt  }
0x87: {  	_ =	shalt  }
.Lfunc_end0:
.L_simem_size_0:
called_computation.1_lowered:
.L_overlay_start_0:
0x88: {  	s2 =	sld [smem:$0x3FD9]  }
0x89: {  	s3 =	sld [smem:$0x3FFE];
	_ =	sdelay $0x1  }
0x8a: {  	s1 =	srdreg.scid  }
0x8b: {  	s0 =	sand.u32 $0x1, s1  }
0x8c: {  	s17 =	sshll.u32 s0, $0xA;
	s2 =	sadd.s32 s3, s2  }
0x8d: {  	s2 =	sadd.s32 s2, s17  }
0x8e: {  	[smem:$0x3FBF] =	sst s2  }
0x8f: {  	_ = 	snop  }
0x90: {  	s18 =	sld [smem:$0x3FD0];
	(tm) =	ssettm $0x1  }
0x91: {  	s19 =	sld [smem:$0x3FFB];
	_ =	sdelay $0x3  }
0x92: {  	_ =	strace s19  }
0x93: {  	s2 =	sld [smem:$0x3FFC];
	_ =	sdelay $0x3  }
0x94: {  	_ =	strace s2  }
0x95: {  	s2 =	sld [smem:$0x3FFD];
	_ =	sdelay $0x3  }
0x96: {  	_ =	strace s2  }
0x97: {  	_ =	strace $0x8FFFFFFF  }
0x98: {  	s20 =	sld [smem:$0x3FDB];
	_ =	sdelay $0x1  }
0x99: {  	s4 =	simm.s32 $_scs_section_size  }
0x9a: {  	s5 =	simm.s32 $_size__tile_overlayer_lowered;
	s6 =	simm.s32 $_tile_overlayer_lowered  }
0x9b: {  	s7 =	simm.s32 $0x1BFF;
	s21 =	sshll.u32 s6, $0x1;
	s4 =	sadd.s32 s4, s20  }
0x9c: {  	s22 =	simm.s32 $0x0;
	s5 =	sshll.u32 s5, $0x1;
	s6 =	sadd.s32 s21, s4  }
0x9d: {  	[timem:s22], [sflag:s7] =	dma.local [hbm:s6], s5  }
0x9e: {  	_ =	swait.ge [sflag:s7], s5  }
0x9f: {  	s5 =	ssub.s32 $0x0, s5;
	[sflag:s7] =	ssyncset.done $0x0  }
0xa0: {  	[sflag:s7] =	ssyncadd.s32 s5;
	_ =	sdelay $0x1  }
0xa1: {  	s23 =	simm.s32 $0x1B8B  }
0xa2: {  	_ =	swait.ge [sflag:s23], $0x1  }
0xa3: {  	[sflag:s23] =	ssyncset.done $0x0  }
0xa4: {  	[sflag:s23] =	ssyncadd.s32 $0xFFFFFFFF  }
0xa5: {  	s5 =	sld [smem:$0x0]  }
0xa6: {  	s6 =	sand.u32 $0xFFFFFFFE, s1  }
0xa7: {  	p0 =	sne.s32 s1, s6  }
0xa8: {  	s6 =	sshll.u32 @p0 s6, $0xE  }
0xa9: {  	s6 =	sadd.s32 @p0 $0x11B8D, s6;
	s7 =	sshll.u32 @p0 s5, $0x11  }
0xaa: {  	s6 =	sor.u32 @p0 s7, s6  }
0xab: {  	[sflag:s6] =	ssyncadd.remote.s32 @p0 $0x1;
	_ =	sdelay $0x1  }
0xac: {  	s6 =	simm.s32 @p0 $0x1B8D  }
0xad: {  	_ =	swait.eq @p0 [sflag:s6], $0x1  }
0xae: {  	[sflag:s6] =	ssyncadd.s32 @p0 $0xFFFFFFFF  }
0xaf: {  	s7 =	sshll.u32 @!p0 s1, $0xE  }
0xb0: {  	s7 =	sor.u32 @!p0 $0x4000, s7;
	s6 =	simm.s32 @!p0 $0x1B8D  }
0xb1: {  	s5 =	sshll.u32 @!p0 s5, $0x11;
	s7 =	sadd.s32 @!p0 $0x11B8D, s7;
	_ =	swait.eq @!p0 [sflag:s6], $0x1  }
0xb2: {  	s5 =	sor.u32 @!p0 s5, s7;
	[sflag:s6] =	ssyncadd.s32 @!p0 $0xFFFFFFFF  }
0xb3: {  	s25 =	simm.s32 $0x1B8E;
	s24 =	sld [smem:$0x3FFE];
	[sflag:s5] =	ssyncadd.remote.s32 @!p0 $0x1  }
0xb4: {  	s26 =	simm.s32 $execute0_lowered;
	[smem:$0x3FD2] =	sst s25  }
0xb5: {  	s6 =	sshll.u32 s26, $0x1;
	_ =	strace $0x80000049;
	[dreg:$0x1] =	wrdreg $0xFFFFFFFF  }
0xb6: {  	s28 =	simm.s32 $_size_execute0_lowered;
	s4 =	sadd.s32 s4, s6;
	[dreg:$0x0] =	wrdreg $0x0  }
0xb7: {  	s6 =	sshll.u32 s28, $0x1;
	[dreg:$0x2] =	wrdreg s4  }
0xb8: {  	[dreg:$0x3] =	wrdreg s6  }
0xb9: {  	[dreg:$0x4] =	wrdreg $0xC0  }
0xba: {  	_ =	task [dreg:s22], $0x5FFFF  }
0xbb: {  	[dreg:$0x1] =	wrdreg $0xFFFFFFFF  }
0xbc: {  	[dreg:$0x0] =	wrdreg $0x60  }
0xbd: {  	[dreg:$0x2] =	wrdreg s24  }
0xbe: {  	[dreg:$0x3] =	wrdreg s18  }
0xbf: {  	[dreg:$0x4] =	wrdreg $0x0  }
0xc0: {  	[dreg:$0x5] =	wrdreg $0xA  }
0xc1: {  	_ =	task.clear_ibuf [dreg:s22], $0x6FFFF;
	_ =	strace $0x90000049  }
0xc2: {  	s29 =	simm.s32 $0xA;
	_ =	strace $0x8000004B  }
0xc3: {  	_ =	swait.ge [sflag:s29], $0x1  }
0xc4: {  	[sflag:s29] =	ssyncadd.s32 $0xFFFFFFFF  }
0xc5: {  	_ =	strace $0x9000004B  }
0xc6: {  	_ =	sfence  }
0xc7: {  	s30 =	sld [smem:$0x0];
	_ =	sdelay $0x2  }
0xc8: {  	s31 =	sshll.u32 s1, $0xD;
	s1 =	sshrl.u32 s1, $0x2  }
0xc9: {  	s4 =	sand.u32 $0x4000, s31;
	s1 =	sadd.s32 s1, s30  }
0xca: {  	s0 =	sor.u32 s4, s0;
	s1 =	sshll.u32 s1, $0x11  }
0xcb: {  	s0 =	sor.u32 s1, s0  }
0xcc: {  	s0 =	sadd.s32 $0x8F2B, s0  }
0xcd: {  	[sflag:s0] =	ssyncadd.remote.s32 $0x1  }
0xce: {  	_ =	sfence.sel $0xFFFF  }
0xcf: {  	[dreg:$0x0] =	wrdreg $0xFFFFFFFF;
	(pc) =	sbr.abs _section_cstart, $3  }
0xd0: {  	[dreg:$0x1] =	wrdreg $0xFFFFFFFF  }
0xd1: {  	_ =	task.clear_ibuf [dreg:s22], $0x2FFFF;
	_ =	strace $0x9FFFFFFF  }
0xd2: {  	(tm) =	ssettm $0x7FFFFFFF  }
0xd3: {  	_ =	shalt  }
tec
execute0_lowered:
.L_overlay_start_1:
0x0: {  	(tag) =	ssettag $0x1  }
0x1: {  	s0 =	rddreg [dreg:$0x0]  }
0x2: {  	s5 =	rddreg [dreg:$0x1]  }
0x3: {  	s1 =	rddreg [dreg:$0x2]  }
0x4: {  	s2 =	simm.s32 $0x0;
	s8 =	srdreg.scid;
	s15 =	stileid.u32  }
0x5: {  	s28 =	simm.s32 $0x13B80;
	s30 =	simm.s32 $0x40;
	s31 =	simm.s32 $0x13B00  }
0x6: {  	[smem:$0x7FF] =	sst s2;
	s3 =	sadd.s32 $0x415200, s0;
	s4 =	sadd.s32 $0x26800, s0  }
0x7: {  	s6 =	sadd.s32 $0x30800, s0;
	s7 =	sadd.s32 $0x17400, s0;
	s11 =	smul.u32 $0x4E000, s15  }
0x8: {  	s0 =	sadd.s32 $0x44800, s0;
	s8 =	sand.u32 $0x1, s8;
	s13 =	smul.u32 $0x13800, s15  }
0x9: {  	s14 =	sshll.u32 s15, $0x6;
	s29 =	sadd.s32 $0x138000, s1;
	p0 =	sne.s32 s15, $0xF  }
0xa: {  	_ =	strace $0x8000004A;
	s9 =	ssub.s32 $0x2, s8;
	s10 =	sshll.u32 s8, $0x4  }
0xb: {  	s16 =	sor.u32 $0x1C05, s14;
	[dreg:$0x7] =	wrdreg s29;
	s8 =	smul.u32 $0x138800, s8  }
0xc: {  	s12 =	sshrl.u32 s9, $0x1;
	s10 =	sor.u32 s15, s10;
	s11 =	sshrl.u32 s11, $0x2  }
0xd: {  	s25 =	sshrl.u32 s13, $0x3;
	s9 =	ssub.s32 s9, s12;
	s12 =	smul.u32 $0x1400, s10  }
0xe: {  	[dreg:$0x6] =	wrdreg s16;
	s11 =	sadd.s32 s11, s1;
	s26 =	smul.u32 $0xA00, s10  }
0xf: {  	s15 =	simm.s32 $0x0;
	s14 =	smul.u32 $0x500, s10;
	[dreg:$0x4] =	wrdreg s11  }
0x10: {  	s11 =	sadd.s32 s5, s25;
	s5 =	sadd.s32 $0x27000, s5;
	s25 =	sadd.s32 s13, s8  }
0x11: {  	s8 =	sshrl.u32 s8, $0x3;
	s29 =	smax.u32 s9, $0x1;
	[dreg:$0x5] =	wrdreg s11  }
0x12: {  	s9 =	simm.s32 $0x13B40;
	s13 =	simm.s32 $0x1BC80;
	[dreg:$0x8] =	wrdreg s5  }
0x13: {  	s17 =	sadd.s32 s6, s26;
	s18 =	sshrl.u32 s12, $0x3;
	[dreg:$0x11] =	wrdreg s29  }
0x14: {  	s19 =	sor.u32 $0x40, s12;
	s5 =	sadd.s32 s4, s14;
	[dreg:$0x9] =	wrdreg s17  }
0x15: {  	s8 =	sadd.s32 s0, s8;
	s14 =	simm.s32 $0x4;
	[dreg:$0xa] =	wrdreg s5  }
0x16: {  	s20 =	sadd.s32 s7, s18;
	s21 =	sshrl.u32 s19, $0x1;
	s22 =	sshrl.u32 s19, $0x2  }
0x17: {  	s11 =	sshrl.u32 s19, $0x3;
	s19 =	sor.u32 $0x80, s12;
	s26 =	sadd.s32 $0x27000, s8  }
0x18: {  	[dreg:$0xb] =	wrdreg s20;
	s5 =	sadd.s32 s6, s21;
	s23 =	sadd.s32 s4, s22  }
.Ltmp0:
0x19: {  	s24 =	sadd.s32 s7, s11;
	[dreg:$0x10] =	wrdreg s26;
	(pc) =	sbr.rel .LBB2_1-.Ltmp0, $4  }
0x1a: {  	s20 =	sor.u32 $0xC0, s12;
	s11 =	simm.s32 $0x19C80;
	[dreg:$0xc] =	wrdreg s5  }
0x1b: {  	s12 =	simm.s32 $0x3;
	[dreg:$0xd] =	wrdreg s23;
	s5 =	sshrl.u32 s25, $0x3  }
0x1c: {  	[dreg:$0xe] =	wrdreg s24;
	s24 =	simm.s32 $0x5;
	s0 =	sadd.s32 s0, s5  }
0x1d: {  	s5 =	simm.s32 $0x2;
	[dreg:$0xf] =	wrdreg s0;
	s0 =	simm.s32 $0x13C00  }
.LBB2_12:
0x1e: {  	[bflag:$0x0] =	sbarrier.arrive $0xFFFF  }
0x1f: {  	s16 =	rddreg [dreg:$0x6]  }
0x20: {  	s8 =	rddreg [dreg:$0xf]  }
0x21: {  	s10 =	rddreg [dreg:$0x13]  }
0x22: {  	[hbm:s8], [sflag:s16] =	dma.local [spmem:s10], $0x2700  }
0x23: {  	_ =	swait.ge [sflag:s24], $0x2700  }
0x24: {  	[sflag:s24] =	ssyncset.done $0x0;
	s8 =	rddreg [dreg:$0x10]  }
0x25: {  	s10 =	rddreg [dreg:$0x14];
	[sflag:s24] =	ssyncadd.s32 $0xFFFFD900  }
0x26: {  	[hbm:s8], [sflag:s16] =	dma.local @!p0 [spmem:s10], $0x100  }
0x27: {  	s8 =	simm.s32 @!p0 $0x5  }
0x28: {  	_ =	swait.ge @!p0 [sflag:s8], $0x100  }
0x29: {  	s15 =	rddreg [dreg:$0x12]  }
0x2a: {  	s29 =	rddreg [dreg:$0x11];
	s15 =	sadd.s32 $0x1, s15  }
0x2b: {  	p1 =	sne.s32 s15, s29  }
.Ltmp1:
0x2c: {  	_ = 	snop;
	(pc) =	sbr.rel @!p1 .LBB2_13-.Ltmp1, $3  }
0x2d: {  	_ =	sdelay $0x1  }
0x2e: {  	[sflag:s8] =	ssyncset.done @!p0 $0x0  }
0x2f: {  	[sflag:s8] =	ssyncadd.s32 @!p0 $0xFFFFFF00  }
.LBB2_1:
0x30: {  	[dreg:$0x12] =	wrdreg s15  }
0x31: {  	s8 =	rddreg [dreg:$0x4]  }
0x32: {  	s25 =	rddreg [dreg:$0x5];
	s10 =	sshrl.u32 s8, $0x3  }
0x33: {  	[dreg:$0x13] =	wrdreg s10  }
0x34: {  	[spmem:s10], [sflag:s16] =	dma.local [hbm:s25], $0x2700  }
0x35: {  	_ =	swait.ge [sflag:s24], $0x2700  }
0x36: {  	s8 =	rddreg [dreg:$0x7]  }
0x37: {  	[sflag:s24] =	ssyncset.done $0x0;
	s10 =	sshrl.u32 @!p0 s8, $0x3;
	s8 =	rddreg [dreg:$0x8]  }
0x38: {  	[sflag:s24] =	ssyncadd.s32 $0xFFFFD900;
	[dreg:$0x14] =	wrdreg s10  }
0x39: {  	[spmem:s10], [sflag:s16] =	dma.local @!p0 [hbm:s8], $0x100  }
0x3a: {  	s10 =	simm.s32 @!p0 $0x5  }
0x3b: {  	_ =	swait.ge @!p0 [sflag:s10], $0x100  }
0x3c: {  	[sflag:s10] =	ssyncset.done @!p0 $0x0  }
0x3d: {  	[sflag:s10] =	ssyncadd.s32 @!p0 $0xFFFFFF00  }
0x3e: {  	[bflag:$0x0] =	sbarrier.arrive $0xFFFF  }
0x3f: {  	s29 =	simm.s32 $0x13880;
	s26 =	rddreg [dreg:$0x9]  }
0x40: {  	[tilespmem:s29], [sflag:$0x1] =	stream.linear.gather [hbm4b:s26+s2], $0x100, $0x38;
	[tilespmem:$0x1DC80] =	vst v63  }
0x41: {  	s15 =	simm.s32 $0x13A80;
	s10 =	rddreg [dreg:$0xa]  }
0x42: {  	[tilespmem:s15], [sflag:$0x1] =	stream.linear.gather [hbm4b:s10+s2], $0x80, $0x38;
	[tilespmem:$0x1DC80] =	vst v63  }
0x43: {  	s17 =	simm.s32 $0x1;
	s16 =	rddreg [dreg:$0xb]  }
0x44: {  	[tilespmem:s28], [sflag:$0x1] =	stream.linear.gather [hbm4b:s16+s2], $0x40, $0x38;
	[tilespmem:$0x1DC80] =	vst v63  }
0x45: {  	_ =	swait.ge [sflag:s17], $0x100  }
0x46: {  	[sflag:s17] =	ssyncset.done $0x0  }
0x47: {  	[sflag:s17] =	ssyncadd.s32 $0xFFFFFF00  }
0x48: {  	_ =	swait.ge [sflag:s17], $0x80  }
0x49: {  	[sflag:s17] =	ssyncset.done $0x0  }
0x4a: {  	[sflag:s17] =	ssyncadd.s32 $0xFFFFFF80  }
0x4b: {  	_ =	swait.ge [sflag:s17], $0x40  }
0x4c: {  	[sflag:s17] =	ssyncset.done $0x0  }
0x4d: {  	s18 =	simm.s32 $0x13C80;
	[sflag:s17] =	ssyncadd.s32 $0xFFFFFFC0  }
0x4e: {  	[tilespmem:s18], [sflag:$0x3] =	stream.indirect.gather [hbm4b:s3+s30], $0x80, s15, s30, $0xb8;
	[tilespmem:$0x1DC80] =	vst v63  }
0x4f: {  	s21 =	simm.s32 $0x13AC0;
	s22 =	simm.s32 $0x15C80  }
0x50: {  	[tilespmem:s22], [sflag:$0x3] =	stream.indirect.gather [hbm4b:s3+s30], $0x80, s21, s30, $0xb8;
	[tilespmem:$0x1DC80] =	vst v63  }
0x51: {  	s25 =	simm.s32 $0x13980;
	s23 =	rddreg [dreg:$0xc]  }
0x52: {  	[tilespmem:s25], [sflag:$0x2] =	stream.linear.gather [hbm4b:s23+s2], $0x100, $0x38;
	[tilespmem:$0x1DC80] =	vst v63  }
0x53: {  	s26 =	rddreg [dreg:$0xd]  }
0x54: {  	[tilespmem:s31], [sflag:$0x2] =	stream.linear.gather [hbm4b:s26+s2], $0x80, $0x38;
	[tilespmem:$0x1DC80] =	vst v63  }
0x55: {  	s29 =	rddreg [dreg:$0xe];
	s17 =	simm.s32 $0x0  }
0x56: {  	[tilespmem:s0], [sflag:$0x2] =	stream.linear.gather [hbm4b:s29+s2], $0x40, $0x38;
	[tilespmem:$0x1DC80] =	vst v63  }
.LBB2_2:
0x57: {  	_ =	swait.ge [sflag:s5], $0x100  }
0x58: {  	[sflag:s5] =	ssyncset.done $0x0  }
0x59: {  	[sflag:s5] =	ssyncadd.s32 $0xFFFFFF00  }
0x5a: {  	_ =	swait.ge [sflag:s5], $0x80  }
0x5b: {  	[sflag:s5] =	ssyncset.done $0x0  }
0x5c: {  	[sflag:s5] =	ssyncadd.s32 $0xFFFFFF80  }
0x5d: {  	_ =	swait.ge [sflag:s5], $0x40  }
0x5e: {  	[sflag:s5] =	ssyncset.done $0x0  }
0x5f: {  	s8 =	simm.s32 $0x17C80;
	[sflag:s5] =	ssyncadd.s32 $0xFFFFFFC0  }
0x60: {  	[tilespmem:s8], [sflag:$0x4] =	stream.indirect.gather [hbm4b:s3+s30], $0x80, s31, s30, $0xb8;
	[tilespmem:$0x1DC80] =	vst v63  }
0x61: {  	_ = 	snop  }
0x62: {  	[tilespmem:s11], [sflag:$0x4] =	stream.indirect.gather [hbm4b:s3+s30], $0x80, s9, s30, $0xb8;
	[tilespmem:$0x1DC80] =	vst v63  }
0x63: {  	_ =	swait.ge [sflag:s12], $0x2000  }
0x64: {  	[sflag:s12] =	ssyncset.done $0x0  }
0x65: {  	[sflag:s12] =	ssyncadd.s32 $0xFFFFE000  }
0x66: {  	s18 =	simm.s32 $0x0;
	_ =	swait.ge [sflag:s12], $0x2000  }
0x67: {  	s21 =	simm.s32 $0x13CC0;
	s22 =	simm.s32 $0x15CC0;
	[sflag:s12] =	ssyncset.done $0x0  }
0x68: {  	s23 =	simm.s32 $0x1BCC0;
	s16 =	simm.s32 $0x0;
	[sflag:s12] =	ssyncadd.s32 $0xFFFFE000  }
.LBB2_3:
0x69: {  	s10 =	sshll.u32 s16, $0x4;
	v4 =	vld [tilespmem:s21+$0xFFFFFFC0]  }
0x6a: {  	v0 =	vld [tilespmem:s10+$0x13880]  }
0x6b: {  	v1 =	vld [tilespmem:s10+$0x138C0]  }
0x6c: {  	v2 =	vld [tilespmem:s10+$0x13900];
	_ =	sdelay $0x1  }
0x6d: {  	v5 =	vld [tilespmem:s22+$0xFFFFFFC0]  }
0x6e: {  	v6 =	vmov s18;
	v3 =	vld [tilespmem:s10+$0x13940]  }
0x6f: {  	v7 =	vperm.xlane v0, v6;
	v8 =	vperm.xlane v1, v6  }
0x70: {  	v10 =	vshll.u32 v4, $0x10;
	v4 =	vand.u32 $0xFFFF0000, v4;
	v9 =	vperm.xlane v2, v6  }
0x71: {  	v10 =	vmul.f32 v10, v7;
	v4 =	vmul.f32 v4, v8  }
0x72: {  	v11 =	vshll.u32 v5, $0x10  }
0x73: {  	v6 =	vperm.xlane v3, v6;
	v43 =	vmul.f32 v11, v9;
	v4 =	vadd.f32 v4, v10  }
0x74: {  	v5 =	vand.u32 $0xFFFF0000, v5  }
0x75: {  	v5 =	vmul.f32 v5, v6;
	v4 =	vadd.f32 v43, v4;
	_ =	sdelay $0x1  }
0x76: {  	v4 =	vadd.f32 v4, v5;
	_ =	sdelay $0x1  }
0x77: {  	[tilespmem:s23+$0xFFFFFFC0] =	vst v4  }
0x78: {  	v4 =	vld [tilespmem:s21+$0xFFFFFFD0];
	_ =	sdelay $0x1  }
0x79: {  	v5 =	vld [tilespmem:s22+$0xFFFFFFD0];
	_ =	sdelay $0x2  }
0x7a: {  	v44 =	vshll.u32 v4, $0x10;
	v4 =	vand.u32 $0xFFFF0000, v4  }
0x7b: {  	v10 =	vmul.f32 v44, v7;
	v4 =	vmul.f32 v4, v8  }
0x7c: {  	v45 =	vshll.u32 v5, $0x10  }
0x7d: {  	v46 =	vmul.f32 v45, v9;
	v4 =	vadd.f32 v4, v10  }
0x7e: {  	v5 =	vand.u32 $0xFFFF0000, v5  }
0x7f: {  	v5 =	vmul.f32 v5, v6;
	v4 =	vadd.f32 v46, v4;
	_ =	sdelay $0x1  }
0x80: {  	v4 =	vadd.f32 v4, v5;
	_ =	sdelay $0x1  }
0x81: {  	[tilespmem:s23+$0xFFFFFFD0] =	vst v4  }
0x82: {  	v4 =	vld [tilespmem:s21+$0xFFFFFFE0];
	_ =	sdelay $0x1  }
0x83: {  	v5 =	vld [tilespmem:s22+$0xFFFFFFE0];
	_ =	sdelay $0x2  }
0x84: {  	v47 =	vshll.u32 v4, $0x10;
	v4 =	vand.u32 $0xFFFF0000, v4  }
0x85: {  	v10 =	vmul.f32 v47, v7;
	v4 =	vmul.f32 v4, v8  }
0x86: {  	v48 =	vshll.u32 v5, $0x10  }
0x87: {  	v49 =	vmul.f32 v48, v9;
	v4 =	vadd.f32 v4, v10  }
0x88: {  	v5 =	vand.u32 $0xFFFF0000, v5  }
0x89: {  	v5 =	vmul.f32 v5, v6;
	v4 =	vadd.f32 v49, v4;
	_ =	sdelay $0x1  }
0x8a: {  	v4 =	vadd.f32 v4, v5;
	_ =	sdelay $0x1  }
0x8b: {  	[tilespmem:s23+$0xFFFFFFE0] =	vst v4  }
0x8c: {  	v4 =	vld [tilespmem:s21+$0xFFFFFFF0];
	_ =	sdelay $0x1  }
0x8d: {  	v5 =	vld [tilespmem:s22+$0xFFFFFFF0];
	_ =	sdelay $0x2  }
0x8e: {  	v50 =	vshll.u32 v4, $0x10;
	v4 =	vand.u32 $0xFFFF0000, v4  }
0x8f: {  	v10 =	vmul.f32 v50, v7;
	v4 =	vmul.f32 v4, v8  }
0x90: {  	v51 =	vshll.u32 v5, $0x10  }
0x91: {  	v52 =	vmul.f32 v51, v9;
	v4 =	vadd.f32 v4, v10  }
0x92: {  	v5 =	vand.u32 $0xFFFF0000, v5  }
0x93: {  	v5 =	vmul.f32 v5, v6;
	v4 =	vadd.f32 v52, v4;
	_ =	sdelay $0x1  }
0x94: {  	v4 =	vadd.f32 v4, v5;
	_ =	sdelay $0x1  }
0x95: {  	[tilespmem:s23+$0xFFFFFFF0] =	vst v4  }
0x96: {  	v4 =	vld [tilespmem:s21+$0x0];
	_ =	sdelay $0x1  }
0x97: {  	v5 =	vld [tilespmem:s22+$0x0];
	_ =	sdelay $0x2  }
0x98: {  	v53 =	vshll.u32 v4, $0x10;
	v4 =	vand.u32 $0xFFFF0000, v4  }
0x99: {  	v10 =	vmul.f32 v53, v7;
	v4 =	vmul.f32 v4, v8  }
0x9a: {  	v54 =	vshll.u32 v5, $0x10  }
0x9b: {  	v55 =	vmul.f32 v54, v9;
	v4 =	vadd.f32 v4, v10  }
0x9c: {  	v5 =	vand.u32 $0xFFFF0000, v5  }
0x9d: {  	v5 =	vmul.f32 v5, v6;
	v4 =	vadd.f32 v55, v4;
	_ =	sdelay $0x1  }
0x9e: {  	v4 =	vadd.f32 v4, v5;
	_ =	sdelay $0x1  }
0x9f: {  	[tilespmem:s23+$0x0] =	vst v4  }
0xa0: {  	v4 =	vld [tilespmem:s21+$0x10];
	_ =	sdelay $0x1  }
0xa1: {  	v5 =	vld [tilespmem:s22+$0x10];
	_ =	sdelay $0x2  }
0xa2: {  	v56 =	vshll.u32 v4, $0x10;
	v4 =	vand.u32 $0xFFFF0000, v4  }
0xa3: {  	v10 =	vmul.f32 v56, v7;
	v4 =	vmul.f32 v4, v8  }
0xa4: {  	v57 =	vshll.u32 v5, $0x10  }
0xa5: {  	v58 =	vmul.f32 v57, v9;
	v4 =	vadd.f32 v4, v10  }
0xa6: {  	v5 =	vand.u32 $0xFFFF0000, v5  }
0xa7: {  	v5 =	vmul.f32 v5, v6;
	v4 =	vadd.f32 v58, v4;
	_ =	sdelay $0x1  }
0xa8: {  	v4 =	vadd.f32 v4, v5;
	_ =	sdelay $0x1  }
0xa9: {  	[tilespmem:s23+$0x10] =	vst v4  }
0xaa: {  	v4 =	vld [tilespmem:s21+$0x20];
	_ =	sdelay $0x1  }
0xab: {  	v5 =	vld [tilespmem:s22+$0x20];
	_ =	sdelay $0x2  }
0xac: {  	v59 =	vshll.u32 v4, $0x10;
	v4 =	vand.u32 $0xFFFF0000, v4  }
0xad: {  	v10 =	vmul.f32 v59, v7;
	v4 =	vmul.f32 v4, v8  }
0xae: {  	v60 =	vshll.u32 v5, $0x10  }
0xaf: {  	v61 =	vmul.f32 v60, v9;
	v4 =	vadd.f32 v4, v10  }
0xb0: {  	v5 =	vand.u32 $0xFFFF0000, v5  }
0xb1: {  	v5 =	vmul.f32 v5, v6;
	v4 =	vadd.f32 v61, v4;
	_ =	sdelay $0x1  }
0xb2: {  	v4 =	vadd.f32 v4, v5;
	_ =	sdelay $0x1  }
0xb3: {  	[tilespmem:s23+$0x20] =	vst v4  }
0xb4: {  	v4 =	vld [tilespmem:s21+$0x30];
	_ =	sdelay $0x1  }
0xb5: {  	v5 =	vld [tilespmem:s22+$0x30];
	_ =	sdelay $0x2  }
0xb6: {  	v62 =	vshll.u32 v4, $0x10;
	v4 =	vand.u32 $0xFFFF0000, v4  }
0xb7: {  	v7 =	vmul.f32 v62, v7;
	v4 =	vmul.f32 v4, v8  }
0xb8: {  	v63 =	vshll.u32 v5, $0x10  }
0xb9: {  	v4 =	vadd.f32 v4, v7;
	v7 =	vmul.f32 v63, v9  }
0xba: {  	v5 =	vand.u32 $0xFFFF0000, v5  }
0xbb: {  	v5 =	vmul.f32 v5, v6;
	v4 =	vadd.f32 v7, v4  }
0xbc: {  	s26 =	smov.u32 s23  }
0xbd: {  	s29 =	smov.u32 s21;
	s15 =	smov.u32 s22;
	s10 =	simm.s32 $0x1;
	v4 =	vadd.f32 v4, v5  }
.LBB2_4:
0xbe: {  	_ = 	snop  }
0xbf: {  	s29 =	sadd.s32 $0x80, s29;
	s15 =	sadd.s32 $0x80, s15;
	[tilespmem:s26+$0x30] =	vst v4;
	s26 =	sadd.s32 $0x80, s26  }
0xc0: {  	p1 =	sne.s32 s10, $0xF;
	s25 =	smov.u32 s10;
	s10 =	sadd.s32 $0x1, s10;
	v7 =	vld [tilespmem:s29+$0xFFFFFFC0]  }
0xc1: {  	_ = 	snop  }
0xc2: {  	v8 =	vld [tilespmem:s15+$0xFFFFFFC0]  }
0xc3: {  	v9 =	vmov s25  }
0xc4: {  	v5 =	vperm.xlane v0, v9;
	v6 =	vperm.xlane v1, v9  }
0xc5: {  	v4 =	vperm.xlane v2, v9;
	v10 =	vshll.u32 v7, $0x10;
	v7 =	vand.u32 $0xFFFF0000, v7  }
0xc6: {  	v10 =	vmul.f32 v10, v5;
	v11 =	vmul.f32 v7, v6  }
0xc7: {  	v12 =	vshll.u32 v8, $0x10  }
0xc8: {  	v7 =	vperm.xlane v3, v9;
	v9 =	vadd.f32 v11, v10;
	v10 =	vmul.f32 v12, v4  }
0xc9: {  	v8 =	vand.u32 $0xFFFF0000, v8  }
0xca: {  	v8 =	vmul.f32 v8, v7;
	v9 =	vadd.f32 v10, v9;
	_ =	sdelay $0x1  }
0xcb: {  	v8 =	vadd.f32 v9, v8;
	_ =	sdelay $0x1  }
0xcc: {  	[tilespmem:s26+$0xFFFFFFC0] =	vst v8  }
0xcd: {  	v8 =	vld [tilespmem:s29+$0xFFFFFFD0];
	_ =	sdelay $0x1  }
0xce: {  	v9 =	vld [tilespmem:s15+$0xFFFFFFD0];
	_ =	sdelay $0x2  }
0xcf: {  	v10 =	vshll.u32 v8, $0x10;
	v8 =	vand.u32 $0xFFFF0000, v8  }
0xd0: {  	v10 =	vmul.f32 v10, v5;
	v8 =	vmul.f32 v8, v6  }
0xd1: {  	v11 =	vshll.u32 v9, $0x10;
	v9 =	vand.u32 $0xFFFF0000, v9  }
0xd2: {  	v8 =	vadd.f32 v8, v10;
	v10 =	vmul.f32 v11, v4;
	_ =	sdelay $0x1  }
0xd3: {  	v9 =	vmul.f32 v9, v7;
	v8 =	vadd.f32 v10, v8;
	_ =	sdelay $0x1  }
0xd4: {  	v8 =	vadd.f32 v8, v9;
	_ =	sdelay $0x1  }
0xd5: {  	[tilespmem:s26+$0xFFFFFFD0] =	vst v8  }
0xd6: {  	v8 =	vld [tilespmem:s29+$0xFFFFFFE0];
	_ =	sdelay $0x1  }
0xd7: {  	v9 =	vld [tilespmem:s15+$0xFFFFFFE0];
	_ =	sdelay $0x2  }
0xd8: {  	v10 =	vshll.u32 v8, $0x10;
	v8 =	vand.u32 $0xFFFF0000, v8  }
0xd9: {  	v10 =	vmul.f32 v10, v5;
	v8 =	vmul.f32 v8, v6  }
0xda: {  	v11 =	vshll.u32 v9, $0x10;
	v9 =	vand.u32 $0xFFFF0000, v9  }
0xdb: {  	v8 =	vadd.f32 v8, v10;
	v10 =	vmul.f32 v11, v4;
	_ =	sdelay $0x1  }
0xdc: {  	v9 =	vmul.f32 v9, v7;
	v8 =	vadd.f32 v10, v8;
	_ =	sdelay $0x1  }
0xdd: {  	v8 =	vadd.f32 v8, v9;
	_ =	sdelay $0x1  }
0xde: {  	[tilespmem:s26+$0xFFFFFFE0] =	vst v8  }
0xdf: {  	v8 =	vld [tilespmem:s29+$0xFFFFFFF0];
	_ =	sdelay $0x1  }
0xe0: {  	v9 =	vld [tilespmem:s15+$0xFFFFFFF0];
	_ =	sdelay $0x2  }
0xe1: {  	v10 =	vshll.u32 v8, $0x10;
	v8 =	vand.u32 $0xFFFF0000, v8  }
0xe2: {  	v10 =	vmul.f32 v10, v5;
	v8 =	vmul.f32 v8, v6  }
0xe3: {  	v11 =	vshll.u32 v9, $0x10;
	v9 =	vand.u32 $0xFFFF0000, v9  }
0xe4: {  	v8 =	vadd.f32 v8, v10;
	v10 =	vmul.f32 v11, v4;
	_ =	sdelay $0x1  }
0xe5: {  	v9 =	vmul.f32 v9, v7;
	v8 =	vadd.f32 v10, v8;
	_ =	sdelay $0x1  }
0xe6: {  	v8 =	vadd.f32 v8, v9;
	_ =	sdelay $0x1  }
0xe7: {  	[tilespmem:s26+$0xFFFFFFF0] =	vst v8  }
0xe8: {  	v8 =	vld [tilespmem:s29+$0x0];
	_ =	sdelay $0x1  }
0xe9: {  	v9 =	vld [tilespmem:s15+$0x0];
	_ =	sdelay $0x2  }
0xea: {  	v10 =	vshll.u32 v8, $0x10;
	v8 =	vand.u32 $0xFFFF0000, v8  }
0xeb: {  	v10 =	vmul.f32 v10, v5;
	v8 =	vmul.f32 v8, v6  }
0xec: {  	v11 =	vshll.u32 v9, $0x10;
	v9 =	vand.u32 $0xFFFF0000, v9  }
0xed: {  	v8 =	vadd.f32 v8, v10;
	v10 =	vmul.f32 v11, v4;
	_ =	sdelay $0x1  }
0xee: {  	v9 =	vmul.f32 v9, v7;
	v8 =	vadd.f32 v10, v8;
	_ =	sdelay $0x1  }
0xef: {  	v8 =	vadd.f32 v8, v9;
	_ =	sdelay $0x1  }
0xf0: {  	[tilespmem:s26+$0x0] =	vst v8  }
0xf1: {  	v8 =	vld [tilespmem:s29+$0x10]  }
0xf2: {  	v9 =	vld [tilespmem:s15+$0x10];
	_ =	sdelay $0x3  }
0xf3: {  	v10 =	vshll.u32 v8, $0x10;
	v8 =	vand.u32 $0xFFFF0000, v8  }
0xf4: {  	v10 =	vmul.f32 v10, v5;
	v8 =	vmul.f32 v8, v6;
	v11 =	vshll.u32 v9, $0x10  }
0xf5: {  	v9 =	vand.u32 $0xFFFF0000, v9  }
0xf6: {  	v8 =	vadd.f32 v8, v10;
	v10 =	vmul.f32 v11, v4;
	_ =	sdelay $0x1  }
0xf7: {  	v9 =	vmul.f32 v9, v7;
	v8 =	vadd.f32 v10, v8;
	_ =	sdelay $0x1  }
0xf8: {  	v8 =	vadd.f32 v8, v9;
	_ =	sdelay $0x1  }
0xf9: {  	[tilespmem:s26+$0x10] =	vst v8  }
0xfa: {  	v8 =	vld [tilespmem:s29+$0x20]  }
0xfb: {  	v9 =	vld [tilespmem:s15+$0x20];
	_ =	sdelay $0x3  }
0xfc: {  	v10 =	vshll.u32 v8, $0x10;
	v8 =	vand.u32 $0xFFFF0000, v8  }
0xfd: {  	v10 =	vmul.f32 v10, v5;
	v8 =	vmul.f32 v8, v6;
	v11 =	vshll.u32 v9, $0x10;
	_ =	sdelay $0x1  }
0xfe: {  	v8 =	vadd.f32 v8, v10;
	v10 =	vmul.f32 v11, v4  }
0xff: {  	v9 =	vand.u32 $0xFFFF0000, v9  }
0x100: {  	v9 =	vmul.f32 v9, v7;
	v8 =	vadd.f32 v10, v8;
	_ =	sdelay $0x1  }
0x101: {  	v8 =	vadd.f32 v8, v9;
	_ =	sdelay $0x1  }
0x102: {  	[tilespmem:s26+$0x20] =	vst v8  }
0x103: {  	v8 =	vld [tilespmem:s29+$0x30]  }
0x104: {  	v9 =	vld [tilespmem:s15+$0x30];
	_ =	sdelay $0x3  }
0x105: {  	v10 =	vshll.u32 v8, $0x10;
	v8 =	vand.u32 $0xFFFF0000, v8  }
0x106: {  	v5 =	vmul.f32 v10, v5;
	v6 =	vmul.f32 v8, v6;
	v8 =	vand.u32 $0xFFFF0000, v9  }
0x107: {  	v9 =	vshll.u32 v9, $0x10  }
.Ltmp2:
0x108: {  	v4 =	vmul.f32 v9, v4;
	v5 =	vadd.f32 v6, v5;
	(pc) =	sbr.rel @p1 .LBB2_4-.Ltmp2, $3  }
0x109: {  	_ = 	snop  }
0x10a: {  	v4 =	vadd.f32 v4, v5;
	v5 =	vmul.f32 v8, v7;
	_ =	sdelay $0x1  }
0x10b: {  	v4 =	vadd.f32 v4, v5  }
0x10c: {  	s16 =	sadd.s32 $0x1, s16  }
0x10d: {  	p1 =	sne.s32 s16, $0x4  }
.Ltmp3:
0x10e: {  	_ = 	snop;
	(pc) =	sbr.rel @p1 .LBB2_3-.Ltmp3, $2  }
0x10f: {  	_ =	sdelay $0x2  }
0x110: {  	s21 =	sadd.s32 $0x800, s21;
	s22 =	sadd.s32 $0x800, s22;
	s23 =	sadd.s32 $0x800, s23;
	[tilespmem:s26+$0x30] =	vst v4  }
0x111: {  	[spmem:s1] =	stream.indirect.scatter.add.f32 [tilespmem:s13], [sflag:$0x5], $0x80, s28, s30, $0xb8;
	[tilespmem:$0x1DC80] =	vst v63  }
0x112: {  	s18 =	sshll.u32 s17, $0x7;
	p1 =	seq.s32 s17, $0x27  }
0x113: {  	_ =	swait.ge [sflag:s24], $0x2000;
	s10 =	sadd.s32 @!p1 s18, s19  }
0x114: {  	s16 =	simm.s32 @!p1 $0x0;
	[sflag:s24] =	ssyncset.done $0x0;
	s15 =	sshrl.u32 @!p1 s10, $0x1  }
0x115: {  	s21 =	simm.s32 @!p1 $0x13880;
	[sflag:s24] =	ssyncadd.s32 $0xFFFFE000;
	s15 =	sadd.s32 @!p1 s6, s15  }
0x116: {  	[tilespmem:s21], [sflag:$0x1] =	stream.linear.gather @!p1 [hbm4b:s15+s16], $0x100, $0x38;
	[tilespmem:$0x1DC80] =	vst v63  }
0x117: {  	s15 =	sshrl.u32 @!p1 s10, $0x2  }
0x118: {  	s21 =	simm.s32 @!p1 $0x13A80;
	s10 =	sshrl.u32 @!p1 s10, $0x3;
	s15 =	sadd.s32 @!p1 s4, s15  }
0x119: {  	[tilespmem:s21], [sflag:$0x1] =	stream.linear.gather @!p1 [hbm4b:s15+s16], $0x80, $0x38;
	[tilespmem:$0x1DC80] =	vst v63  }
0x11a: {  	s10 =	sadd.s32 @!p1 s7, s10;
	s15 =	simm.s32 @!p1 $0x13B80  }
0x11b: {  	[tilespmem:s15], [sflag:$0x1] =	stream.linear.gather @!p1 [hbm4b:s10+s16], $0x40, $0x38;
	[tilespmem:$0x1DC80] =	vst v63  }
0x11c: {  	s10 =	simm.s32 @!p1 $0x1  }
0x11d: {  	_ =	swait.ge @!p1 [sflag:s10], $0x100  }
0x11e: {  	[sflag:s10] =	ssyncset.done @!p1 $0x0  }
0x11f: {  	[sflag:s10] =	ssyncadd.s32 @!p1 $0xFFFFFF00  }
0x120: {  	_ =	swait.ge @!p1 [sflag:s10], $0x80  }
0x121: {  	[sflag:s10] =	ssyncset.done @!p1 $0x0  }
0x122: {  	[sflag:s10] =	ssyncadd.s32 @!p1 $0xFFFFFF80  }
0x123: {  	_ =	swait.ge @!p1 [sflag:s10], $0x40  }
0x124: {  	[sflag:s10] =	ssyncset.done @!p1 $0x0  }
0x125: {  	s15 =	simm.s32 @!p1 $0x13C80;
	[sflag:s10] =	ssyncadd.s32 @!p1 $0xFFFFFFC0;
	s10 =	simm.s32 @!p1 $0x40  }
0x126: {  	[tilespmem:s15], [sflag:$0x3] =	stream.indirect.gather @!p1 [hbm4b:s3+s10], $0x80, s21, s10, $0xb8;
	[tilespmem:$0x1DC80] =	vst v63  }
0x127: {  	s16 =	simm.s32 @!p1 $0x15C80;
	s15 =	simm.s32 @!p1 $0x13AC0  }
0x128: {  	[tilespmem:s16], [sflag:$0x3] =	stream.indirect.gather @!p1 [hbm4b:s3+s10], $0x80, s15, s10, $0xb8;
	[tilespmem:$0x1DC80] =	vst v63  }
0x129: {  	_ =	swait.ge [sflag:s14], $0x2000  }
0x12a: {  	[sflag:s14] =	ssyncset.done $0x0  }
0x12b: {  	[sflag:s14] =	ssyncadd.s32 $0xFFFFE000  }
0x12c: {  	s25 =	simm.s32 $0x19CC0;
	_ =	swait.ge [sflag:s14], $0x2000  }
0x12d: {  	s26 =	simm.s32 $0x0;
	s21 =	simm.s32 $0x0;
	[sflag:s14] =	ssyncset.done $0x0  }
0x12e: {  	s15 =	simm.s32 $0x17CC0;
	s10 =	simm.s32 $0x1BCC0;
	[sflag:s14] =	ssyncadd.s32 $0xFFFFE000  }
.LBB2_7:
0x12f: {  	s16 =	sshll.u32 s26, $0x4;
	v4 =	vld [tilespmem:s15+$0xFFFFFFC0]  }
0x130: {  	v0 =	vld [tilespmem:s16+$0x13980]  }
0x131: {  	v1 =	vld [tilespmem:s16+$0x139C0]  }
0x132: {  	v2 =	vld [tilespmem:s16+$0x13A00];
	_ =	sdelay $0x1  }
0x133: {  	v5 =	vld [tilespmem:s25+$0xFFFFFFC0]  }
0x134: {  	v6 =	vmov s21;
	v3 =	vld [tilespmem:s16+$0x13A40]  }
0x135: {  	v7 =	vperm.xlane v0, v6;
	v8 =	vperm.xlane v1, v6  }
0x136: {  	v10 =	vshll.u32 v4, $0x10;
	v4 =	vand.u32 $0xFFFF0000, v4;
	v9 =	vperm.xlane v2, v6  }
0x137: {  	v10 =	vmul.f32 v10, v7;
	v4 =	vmul.f32 v4, v8  }
0x138: {  	v11 =	vshll.u32 v5, $0x10  }
0x139: {  	v6 =	vperm.xlane v3, v6;
	v43 =	vmul.f32 v11, v9;
	v4 =	vadd.f32 v4, v10  }
0x13a: {  	v5 =	vand.u32 $0xFFFF0000, v5  }
0x13b: {  	v5 =	vmul.f32 v5, v6;
	v4 =	vadd.f32 v43, v4;
	_ =	sdelay $0x1  }
0x13c: {  	v4 =	vadd.f32 v4, v5;
	_ =	sdelay $0x1  }
0x13d: {  	[tilespmem:s10+$0xFFFFFFC0] =	vst v4  }
0x13e: {  	v4 =	vld [tilespmem:s15+$0xFFFFFFD0];
	_ =	sdelay $0x1  }
0x13f: {  	v5 =	vld [tilespmem:s25+$0xFFFFFFD0];
	_ =	sdelay $0x2  }
0x140: {  	v44 =	vshll.u32 v4, $0x10;
	v4 =	vand.u32 $0xFFFF0000, v4  }
0x141: {  	v10 =	vmul.f32 v44, v7;
	v4 =	vmul.f32 v4, v8  }
0x142: {  	v45 =	vshll.u32 v5, $0x10  }
0x143: {  	v46 =	vmul.f32 v45, v9;
	v4 =	vadd.f32 v4, v10  }
0x144: {  	v5 =	vand.u32 $0xFFFF0000, v5  }
0x145: {  	v5 =	vmul.f32 v5, v6;
	v4 =	vadd.f32 v46, v4;
	_ =	sdelay $0x1  }
0x146: {  	v4 =	vadd.f32 v4, v5;
	_ =	sdelay $0x1  }
0x147: {  	[tilespmem:s10+$0xFFFFFFD0] =	vst v4  }
0x148: {  	v4 =	vld [tilespmem:s15+$0xFFFFFFE0];
	_ =	sdelay $0x1  }
0x149: {  	v5 =	vld [tilespmem:s25+$0xFFFFFFE0];
	_ =	sdelay $0x2  }
0x14a: {  	v47 =	vshll.u32 v4, $0x10;
	v4 =	vand.u32 $0xFFFF0000, v4  }
0x14b: {  	v10 =	vmul.f32 v47, v7;
	v4 =	vmul.f32 v4, v8  }
0x14c: {  	v48 =	vshll.u32 v5, $0x10  }
0x14d: {  	v49 =	vmul.f32 v48, v9;
	v4 =	vadd.f32 v4, v10  }
0x14e: {  	v5 =	vand.u32 $0xFFFF0000, v5  }
0x14f: {  	v5 =	vmul.f32 v5, v6;
	v4 =	vadd.f32 v49, v4;
	_ =	sdelay $0x1  }
0x150: {  	v4 =	vadd.f32 v4, v5;
	_ =	sdelay $0x1  }
0x151: {  	[tilespmem:s10+$0xFFFFFFE0] =	vst v4  }
0x152: {  	v4 =	vld [tilespmem:s15+$0xFFFFFFF0];
	_ =	sdelay $0x1  }
0x153: {  	v5 =	vld [tilespmem:s25+$0xFFFFFFF0];
	_ =	sdelay $0x2  }
0x154: {  	v50 =	vshll.u32 v4, $0x10;
	v4 =	vand.u32 $0xFFFF0000, v4  }
0x155: {  	v10 =	vmul.f32 v50, v7;
	v4 =	vmul.f32 v4, v8  }
0x156: {  	v51 =	vshll.u32 v5, $0x10  }
0x157: {  	v52 =	vmul.f32 v51, v9;
	v4 =	vadd.f32 v4, v10  }
0x158: {  	v5 =	vand.u32 $0xFFFF0000, v5  }
0x159: {  	v5 =	vmul.f32 v5, v6;
	v4 =	vadd.f32 v52, v4;
	_ =	sdelay $0x1  }
0x15a: {  	v4 =	vadd.f32 v4, v5;
	_ =	sdelay $0x1  }
0x15b: {  	[tilespmem:s10+$0xFFFFFFF0] =	vst v4  }
0x15c: {  	v4 =	vld [tilespmem:s15+$0x0];
	_ =	sdelay $0x1  }
0x15d: {  	v5 =	vld [tilespmem:s25+$0x0];
	_ =	sdelay $0x2  }
0x15e: {  	v53 =	vshll.u32 v4, $0x10;
	v4 =	vand.u32 $0xFFFF0000, v4  }
0x15f: {  	v10 =	vmul.f32 v53, v7;
	v4 =	vmul.f32 v4, v8  }
0x160: {  	v54 =	vshll.u32 v5, $0x10  }
0x161: {  	v55 =	vmul.f32 v54, v9;
	v4 =	vadd.f32 v4, v10  }
0x162: {  	v5 =	vand.u32 $0xFFFF0000, v5  }
0x163: {  	v5 =	vmul.f32 v5, v6;
	v4 =	vadd.f32 v55, v4;
	_ =	sdelay $0x1  }
0x164: {  	v4 =	vadd.f32 v4, v5;
	_ =	sdelay $0x1  }
0x165: {  	[tilespmem:s10+$0x0] =	vst v4  }
0x166: {  	v4 =	vld [tilespmem:s15+$0x10];
	_ =	sdelay $0x1  }
0x167: {  	v5 =	vld [tilespmem:s25+$0x10];
	_ =	sdelay $0x2  }
0x168: {  	v56 =	vshll.u32 v4, $0x10;
	v4 =	vand.u32 $0xFFFF0000, v4  }
0x169: {  	v10 =	vmul.f32 v56, v7;
	v4 =	vmul.f32 v4, v8  }
0x16a: {  	v57 =	vshll.u32 v5, $0x10  }
0x16b: {  	v58 =	vmul.f32 v57, v9;
	v4 =	vadd.f32 v4, v10  }
0x16c: {  	v5 =	vand.u32 $0xFFFF0000, v5  }
0x16d: {  	v5 =	vmul.f32 v5, v6;
	v4 =	vadd.f32 v58, v4;
	_ =	sdelay $0x1  }
0x16e: {  	v4 =	vadd.f32 v4, v5;
	_ =	sdelay $0x1  }
0x16f: {  	[tilespmem:s10+$0x10] =	vst v4  }
0x170: {  	v4 =	vld [tilespmem:s15+$0x20];
	_ =	sdelay $0x1  }
0x171: {  	v5 =	vld [tilespmem:s25+$0x20];
	_ =	sdelay $0x2  }
0x172: {  	v59 =	vshll.u32 v4, $0x10;
	v4 =	vand.u32 $0xFFFF0000, v4  }
0x173: {  	v10 =	vmul.f32 v59, v7;
	v4 =	vmul.f32 v4, v8  }
0x174: {  	v60 =	vshll.u32 v5, $0x10  }
0x175: {  	v61 =	vmul.f32 v60, v9;
	v4 =	vadd.f32 v4, v10  }
0x176: {  	v5 =	vand.u32 $0xFFFF0000, v5  }
0x177: {  	v5 =	vmul.f32 v5, v6;
	v4 =	vadd.f32 v61, v4;
	_ =	sdelay $0x1  }
0x178: {  	v4 =	vadd.f32 v4, v5;
	_ =	sdelay $0x1  }
0x179: {  	[tilespmem:s10+$0x20] =	vst v4  }
0x17a: {  	v4 =	vld [tilespmem:s15+$0x30];
	_ =	sdelay $0x1  }
0x17b: {  	v5 =	vld [tilespmem:s25+$0x30];
	_ =	sdelay $0x2  }
0x17c: {  	v62 =	vshll.u32 v4, $0x10;
	v4 =	vand.u32 $0xFFFF0000, v4  }
0x17d: {  	v7 =	vmul.f32 v62, v7;
	v4 =	vmul.f32 v4, v8  }
0x17e: {  	v63 =	vshll.u32 v5, $0x10  }
0x17f: {  	v4 =	vadd.f32 v4, v7;
	v7 =	vmul.f32 v63, v9  }
0x180: {  	v5 =	vand.u32 $0xFFFF0000, v5  }
0x181: {  	v5 =	vmul.f32 v5, v6;
	v4 =	vadd.f32 v7, v4  }
0x182: {  	s29 =	simm.s32 $0x1  }
0x183: {  	s22 =	smov.u32 s15;
	s23 =	smov.u32 s25;
	s16 =	smov.u32 s10;
	v4 =	vadd.f32 v4, v5  }
.LBB2_8:
0x184: {  	_ = 	snop  }
0x185: {  	s22 =	sadd.s32 $0x80, s22;
	s23 =	sadd.s32 $0x80, s23;
	[tilespmem:s16+$0x30] =	vst v4;
	s16 =	sadd.s32 $0x80, s16  }
0x186: {  	p2 =	sne.s32 s29, $0xF;
	s8 =	smov.u32 s29;
	s29 =	sadd.s32 $0x1, s29;
	v7 =	vld [tilespmem:s22+$0xFFFFFFC0]  }
0x187: {  	_ = 	snop  }
0x188: {  	v8 =	vld [tilespmem:s23+$0xFFFFFFC0]  }
0x189: {  	v9 =	vmov s8  }
0x18a: {  	v5 =	vperm.xlane v0, v9;
	v6 =	vperm.xlane v1, v9  }
0x18b: {  	v4 =	vperm.xlane v2, v9;
	v10 =	vshll.u32 v7, $0x10;
	v7 =	vand.u32 $0xFFFF0000, v7  }
0x18c: {  	v10 =	vmul.f32 v10, v5;
	v11 =	vmul.f32 v7, v6  }
0x18d: {  	v12 =	vshll.u32 v8, $0x10  }
0x18e: {  	v7 =	vperm.xlane v3, v9;
	v9 =	vadd.f32 v11, v10;
	v10 =	vmul.f32 v12, v4  }
0x18f: {  	v8 =	vand.u32 $0xFFFF0000, v8  }
0x190: {  	v8 =	vmul.f32 v8, v7;
	v9 =	vadd.f32 v10, v9;
	_ =	sdelay $0x1  }
0x191: {  	v8 =	vadd.f32 v9, v8;
	_ =	sdelay $0x1  }
0x192: {  	[tilespmem:s16+$0xFFFFFFC0] =	vst v8  }
0x193: {  	v8 =	vld [tilespmem:s22+$0xFFFFFFD0];
	_ =	sdelay $0x1  }
0x194: {  	v9 =	vld [tilespmem:s23+$0xFFFFFFD0];
	_ =	sdelay $0x2  }
0x195: {  	v10 =	vshll.u32 v8, $0x10;
	v8 =	vand.u32 $0xFFFF0000, v8  }
0x196: {  	v10 =	vmul.f32 v10, v5;
	v8 =	vmul.f32 v8, v6  }
0x197: {  	v11 =	vshll.u32 v9, $0x10;
	v9 =	vand.u32 $0xFFFF0000, v9  }
0x198: {  	v8 =	vadd.f32 v8, v10;
	v10 =	vmul.f32 v11, v4;
	_ =	sdelay $0x1  }
0x199: {  	v9 =	vmul.f32 v9, v7;
	v8 =	vadd.f32 v10, v8;
	_ =	sdelay $0x1  }
0x19a: {  	v8 =	vadd.f32 v8, v9;
	_ =	sdelay $0x1  }
0x19b: {  	[tilespmem:s16+$0xFFFFFFD0] =	vst v8  }
0x19c: {  	v8 =	vld [tilespmem:s22+$0xFFFFFFE0];
	_ =	sdelay $0x1  }
0x19d: {  	v9 =	vld [tilespmem:s23+$0xFFFFFFE0];
	_ =	sdelay $0x2  }
0x19e: {  	v10 =	vshll.u32 v8, $0x10;
	v8 =	vand.u32 $0xFFFF0000, v8  }
0x19f: {  	v10 =	vmul.f32 v10, v5;
	v8 =	vmul.f32 v8, v6  }
0x1a0: {  	v11 =	vshll.u32 v9, $0x10;
	v9 =	vand.u32 $0xFFFF0000, v9  }
0x1a1: {  	v8 =	vadd.f32 v8, v10;
	v10 =	vmul.f32 v11, v4;
	_ =	sdelay $0x1  }
0x1a2: {  	v9 =	vmul.f32 v9, v7;
	v8 =	vadd.f32 v10, v8;
	_ =	sdelay $0x1  }
0x1a3: {  	v8 =	vadd.f32 v8, v9;
	_ =	sdelay $0x1  }
0x1a4: {  	[tilespmem:s16+$0xFFFFFFE0] =	vst v8  }
0x1a5: {  	v8 =	vld [tilespmem:s22+$0xFFFFFFF0];
	_ =	sdelay $0x1  }
0x1a6: {  	v9 =	vld [tilespmem:s23+$0xFFFFFFF0];
	_ =	sdelay $0x2  }
0x1a7: {  	v10 =	vshll.u32 v8, $0x10;
	v8 =	vand.u32 $0xFFFF0000, v8  }
0x1a8: {  	v10 =	vmul.f32 v10, v5;
	v8 =	vmul.f32 v8, v6  }
0x1a9: {  	v11 =	vshll.u32 v9, $0x10;
	v9 =	vand.u32 $0xFFFF0000, v9  }
0x1aa: {  	v8 =	vadd.f32 v8, v10;
	v10 =	vmul.f32 v11, v4;
	_ =	sdelay $0x1  }
0x1ab: {  	v9 =	vmul.f32 v9, v7;
	v8 =	vadd.f32 v10, v8;
	_ =	sdelay $0x1  }
0x1ac: {  	v8 =	vadd.f32 v8, v9;
	_ =	sdelay $0x1  }
0x1ad: {  	[tilespmem:s16+$0xFFFFFFF0] =	vst v8  }
0x1ae: {  	v8 =	vld [tilespmem:s22+$0x0];
	_ =	sdelay $0x1  }
0x1af: {  	v9 =	vld [tilespmem:s23+$0x0];
	_ =	sdelay $0x2  }
0x1b0: {  	v10 =	vshll.u32 v8, $0x10;
	v8 =	vand.u32 $0xFFFF0000, v8  }
0x1b1: {  	v10 =	vmul.f32 v10, v5;
	v8 =	vmul.f32 v8, v6  }
0x1b2: {  	v11 =	vshll.u32 v9, $0x10;
	v9 =	vand.u32 $0xFFFF0000, v9  }
0x1b3: {  	v8 =	vadd.f32 v8, v10;
	v10 =	vmul.f32 v11, v4;
	_ =	sdelay $0x1  }
0x1b4: {  	v9 =	vmul.f32 v9, v7;
	v8 =	vadd.f32 v10, v8;
	_ =	sdelay $0x1  }
0x1b5: {  	v8 =	vadd.f32 v8, v9;
	_ =	sdelay $0x1  }
0x1b6: {  	[tilespmem:s16+$0x0] =	vst v8  }
0x1b7: {  	v8 =	vld [tilespmem:s22+$0x10]  }
0x1b8: {  	v9 =	vld [tilespmem:s23+$0x10];
	_ =	sdelay $0x3  }
0x1b9: {  	v10 =	vshll.u32 v8, $0x10;
	v8 =	vand.u32 $0xFFFF0000, v8  }
0x1ba: {  	v10 =	vmul.f32 v10, v5;
	v8 =	vmul.f32 v8, v6;
	v11 =	vshll.u32 v9, $0x10  }
0x1bb: {  	v9 =	vand.u32 $0xFFFF0000, v9  }
0x1bc: {  	v8 =	vadd.f32 v8, v10;
	v10 =	vmul.f32 v11, v4;
	_ =	sdelay $0x1  }
0x1bd: {  	v9 =	vmul.f32 v9, v7;
	v8 =	vadd.f32 v10, v8;
	_ =	sdelay $0x1  }
0x1be: {  	v8 =	vadd.f32 v8, v9;
	_ =	sdelay $0x1  }
0x1bf: {  	[tilespmem:s16+$0x10] =	vst v8  }
0x1c0: {  	v8 =	vld [tilespmem:s22+$0x20]  }
0x1c1: {  	v9 =	vld [tilespmem:s23+$0x20];
	_ =	sdelay $0x3  }
0x1c2: {  	v10 =	vshll.u32 v8, $0x10;
	v8 =	vand.u32 $0xFFFF0000, v8  }
0x1c3: {  	v10 =	vmul.f32 v10, v5;
	v8 =	vmul.f32 v8, v6;
	v11 =	vshll.u32 v9, $0x10;
	_ =	sdelay $0x1  }
0x1c4: {  	v8 =	vadd.f32 v8, v10;
	v10 =	vmul.f32 v11, v4  }
0x1c5: {  	v9 =	vand.u32 $0xFFFF0000, v9  }
0x1c6: {  	v9 =	vmul.f32 v9, v7;
	v8 =	vadd.f32 v10, v8;
	_ =	sdelay $0x1  }
0x1c7: {  	v8 =	vadd.f32 v8, v9;
	_ =	sdelay $0x1  }
0x1c8: {  	[tilespmem:s16+$0x20] =	vst v8  }
0x1c9: {  	v8 =	vld [tilespmem:s22+$0x30]  }
0x1ca: {  	v9 =	vld [tilespmem:s23+$0x30];
	_ =	sdelay $0x3  }
0x1cb: {  	v10 =	vshll.u32 v8, $0x10;
	v8 =	vand.u32 $0xFFFF0000, v8  }
0x1cc: {  	v5 =	vmul.f32 v10, v5;
	v6 =	vmul.f32 v8, v6;
	v8 =	vand.u32 $0xFFFF0000, v9  }
0x1cd: {  	v9 =	vshll.u32 v9, $0x10  }
.Ltmp4:
0x1ce: {  	v4 =	vmul.f32 v9, v4;
	v5 =	vadd.f32 v6, v5;
	(pc) =	sbr.rel @p2 .LBB2_8-.Ltmp4, $3  }
0x1cf: {  	_ = 	snop  }
0x1d0: {  	v4 =	vadd.f32 v4, v5;
	v5 =	vmul.f32 v8, v7;
	_ =	sdelay $0x1  }
0x1d1: {  	v4 =	vadd.f32 v4, v5  }
0x1d2: {  	s26 =	sadd.s32 $0x1, s26  }
0x1d3: {  	p2 =	sne.s32 s26, $0x4  }
.Ltmp5:
0x1d4: {  	_ = 	snop;
	(pc) =	sbr.rel @p2 .LBB2_7-.Ltmp5, $2  }
0x1d5: {  	_ =	sdelay $0x2  }
0x1d6: {  	s15 =	sadd.s32 $0x800, s15;
	s25 =	sadd.s32 $0x800, s25;
	s10 =	sadd.s32 $0x800, s10;
	[tilespmem:s16+$0x30] =	vst v4  }
.Ltmp6:
0x1d7: {  	(pc) =	sbr.rel @p1 .LBB2_12-.Ltmp6, $4  }
0x1d8: {  	[spmem:s1] =	stream.indirect.scatter.add.f32 [tilespmem:s13], [sflag:$0x5], $0x80, s0, s30, $0xb8;
	[tilespmem:$0x1DC80] =	vst v63  }
0x1d9: {  	_ =	swait.ge [sflag:s24], $0x2000  }
0x1da: {  	[sflag:s24] =	ssyncset.done $0x0  }
0x1db: {  	[sflag:s24] =	ssyncadd.s32 $0xFFFFE000  }
0x1dc: {  	s8 =	sadd.s32 s18, s20  }
0x1dd: {  	s10 =	sshrl.u32 s8, $0x1  }
0x1de: {  	s15 =	simm.s32 $0x13980;
	s10 =	sadd.s32 s6, s10  }
0x1df: {  	[tilespmem:s15], [sflag:$0x2] =	stream.linear.gather [hbm4b:s10+s2], $0x100, $0x38;
	[tilespmem:$0x1DC80] =	vst v63  }
.Ltmp7:
0x1e0: {  	s29 =	sshrl.u32 s8, $0x2;
	(pc) =	sbr.rel .LBB2_2-.Ltmp7, $4  }
0x1e1: {  	s8 =	sshrl.u32 s8, $0x3;
	s10 =	sadd.s32 s4, s29  }
0x1e2: {  	[tilespmem:s31], [sflag:$0x2] =	stream.linear.gather [hbm4b:s10+s2], $0x80, $0x38;
	[tilespmem:$0x1DC80] =	vst v63  }
0x1e3: {  	s17 =	sadd.s32 $0x1, s17;
	s8 =	sadd.s32 s7, s8  }
0x1e4: {  	[tilespmem:s0], [sflag:$0x2] =	stream.linear.gather [hbm4b:s8+s2], $0x40, $0x38;
	[tilespmem:$0x1DC80] =	vst v63  }
.LBB2_13:
0x1e5: {  	_ =	sfence.sel $0x180000  }
0x1e6: {  	[bflag:$0x0] =	sbarrier.arrive $0xFFFF  }
0x1e7: {  	_ =	strace $0x9000004A  }
0x1e8: {  	s0 =	stileid.u32;
	[bflag:$0x2] =	sbarrier.arrive $0xFFFF  }
0x1e9: {  	p0 =	sne.s32 s0, $0x0;
	s0 =	rddreg [dreg:$0x3]  }
0x1ea: {  	s0 =	sadd.s32 @!p0 $0x100000, s0  }
0x1eb: {  	[sflag:s0] =	ssyncadd.tile.s32 @!p0 $0x1;
	_ =	shalt  }
.Lfunc_end2:
_tile_overlayer_lowered:
.L_overlay_start_2:
0x1ec: {  	(tag) =	ssettag $0x2  }
0x1ed: {  	s0 =	rddreg [dreg:$0x0];
	s2 =	stileid.u32  }
0x1ee: {  	s1 =	rddreg [dreg:$0x1];
	p0 =	sne.s32 s2, $0x0  }
0x1ef: {  	s3 =	rddreg [dreg:$0x2];
	[bflag:$0x3] =	sbarrier.arrive $0xFFFF;
	s2 =	simm.s32 @!p0 $0x1C05  }
0x1f0: {  	[timem:s3], [sflag:s2] =	dma.local @!p0 [hbm:s0], s1  }
0x1f1: {  	s0 =	simm.s32 @!p0 $0x5  }
0x1f2: {  	_ =	swait.ge @!p0 [sflag:s0], s1  }
0x1f3: {  	s1 =	ssub.s32 @!p0 $0x0, s1;
	[sflag:s0] =	ssyncset.done @!p0 $0x0  }
0x1f4: {  	[sflag:s0] =	ssyncadd.s32 @!p0 s1  }
0x1f5: {  	[bflag:$0x3] =	sbarrier.arrive $0xFFFF  }
0x1f6: {  	_ =	shalt  }

// kernel: kernel.15.cloned.1.call-start
scs
__scs_entry_jumppad:
0x0: {  	(pc) =	sbr.rel $0x88, $3  }
0x1: {  	(tag) =	ssettag $0x0;
	lr =	simm.s32 $0x1  }
0x2: {  	[smem:$0x3F98] =	sst lr;
	_ =	strace $0xD0000000  }
0x3: {  	_ = 	snop  }
0x4: {  	_ = 	snop  }
0x5: {  	_ = 	snop  }
0x6: {  	_ = 	snop  }
0x7: {  	_ = 	snop  }
__scs_overlays_trampoline_lowered:
0x8: {  	[smem:$0x3FA7] =	sst s0  }
0x9: {  	[smem:$0x3FA8] =	sst s1  }
0xa: {  	[smem:$0x3FA9] =	sst s2  }
0xb: {  	[smem:$0x3FAA] =	sst s3  }
0xc: {  	[smem:$0x3FAB] =	sst s4  }
0xd: {  	[smem:$0x3FAC] =	sst s5  }
0xe: {  	[smem:$0x3FAD] =	sst s6  }
0xf: {  	[smem:$0x3FAE] =	sst s7  }
0x10: {  	[smem:$0x3FAF] =	sst s8  }
0x11: {  	[smem:$0x3FB0] =	sst s9;
	s0 =	simm.s32 @!p0 $0x0  }
0x12: {  	s1 =	sld [smem:$0x3F96];
	s0 =	simm.s32 @p0 $0x1  }
0x13: {  	[smem:$0x3FB1] =	sst s0;
	s0 =	simm.s32 @!p1 $0x0  }
0x14: {  	s2 =	sld [smem:$0x3F95];
	s0 =	simm.s32 @p1 $0x1  }
0x15: {  	[smem:$0x3FB2] =	sst s0;
	s0 =	simm.s32 @!p2 $0x0  }
0x16: {  	s3 =	sld [smem:$0x3FDB];
	s0 =	simm.s32 @p2 $0x1  }
0x17: {  	s4 =	simm.s32 $0x1BF5;
	[smem:$0x3FB4] =	sst s0  }
0x18: {  	s0 =	sld [smem:$0x3F97];
	_ =	swait.ge [sflag:s4], $0x0  }
0x19: {  	s7 =	sld [smem:$0x3F98]  }
0x1a: {  	s8 =	sadd.s32 $0xFFFFE003, lr  }
0x1b: {  	s9 =	sadd.s32 $0xFFFFFEF7, lr;
	s5 =	simm.s32 $0xFFFFFFFF;
	p2 =	slt.u32 s8, $0xFFFFF086  }
0x1c: {  	p1 =	slt.u32 s9, $0xF7A;
	s5 =	simm.s32 @!p2 $0x0  }
0x1d: {  	s5 =	simm.s32 @p1 $0x1;
	p0 =	seq.s32 s7, s2  }
0x1e: {  	s7 =	smul.u32 @!p0 $0xF7A, s2;
	p2 =	seq.s32 @!p0 s5, $0x0  }
0x1f: {  	s9 =	smul.u32 $0xF7A, s1;
	s8 =	simm.s32 @!p0 $0x1BF5;
	p2 =	por !p2, p0  }
0x20: {  	[sflag:s8] =	ssyncset.s32 @!p0 $0xFFFFF086;
	s6 =	sadd.s32 @!p0 s3, s7;
	s7 =	simm.s32 @!p0 $0x108  }
0x21: {  	s3 =	sadd.s32 s3, s9;
	s6 =	sadd.s32 @!p0 $0x88, s6;
	s7 =	simm.s32 @p2 $0x1082  }
0x22: {  	[simem:s7], [sflag:s8] =	dma.local @!p0 [hbm:s6], $0xF7A  }
0x23: {  	s9 =	sor.u32 $0xD0000000, s2;
	s6 =	simm.s32 $0x108;
	_ =	swait.ge @!p0 [sflag:s8], $0x0  }
0x24: {  	s3 =	sadd.s32 $0x88, s3;
	s6 =	simm.s32 @!p1 $0x1082;
	[sflag:s4] =	ssyncset.s32 $0xFFFFF086  }
0x25: {  	[simem:s6], [sflag:s4] =	dma.local [hbm:s3], $0xF7A  }
0x26: {  	[smem:$0x3F98] =	sst s1;
	(tag) =	ssettag s2;
	_ =	strace s9  }
0x27: {  	s1 =	sld [smem:$0x3FA8]  }
0x28: {  	s2 =	sld [smem:$0x3FA9]  }
0x29: {  	s4 =	sld [smem:$0x3FAB]  }
0x2a: {  	p0 =	seq.s32 s5, $0x0;
	s5 =	sld [smem:$0x3FAC]  }
0x2b: {  	s6 =	sld [smem:$0x3FAD]  }
0x2c: {  	s7 =	sld [smem:$0x3FAE]  }
0x2d: {  	s3 =	simm.s32 $0x108;
	s8 =	sld [smem:$0x3FAF]  }
0x2e: {  	s3 =	simm.s32 @!p0 $0x1082;
	s9 =	sld [smem:$0x3FB0]  }
0x2f: {  	lr =	sadd.s32 s0, s3;
	s0 =	sld [smem:$0x3FA7]  }
0x30: {  	s3 =	sld [smem:$0x3FAA]  }
0x31: {  	[smem:$0x3FB3] =	sst s10  }
0x32: {  	s10 =	sld [smem:$0x3FB1];
	_ =	sdelay $0x3  }
0x33: {  	p0 =	seq.s32 s10, $0x1;
	s10 =	sld [smem:$0x3FB3];
	_ =	sdelay $0x3  }
0x34: {  	[smem:$0x3FB3] =	sst s10  }
0x35: {  	s10 =	sld [smem:$0x3FB2];
	_ =	sdelay $0x3  }
0x36: {  	p1 =	seq.s32 s10, $0x1;
	s10 =	sld [smem:$0x3FB3];
	_ =	sdelay $0x3  }
0x37: {  	[smem:$0x3FB3] =	sst s10  }
0x38: {  	s10 =	sld [smem:$0x3FB4]  }
0x39: {  	_ = 	snop;
	(pc) =	sbr.ind lr, $3  }
0x3a: {  	_ = 	snop  }
0x3b: {  	_ = 	snop  }
0x3c: {  	p2 =	seq.s32 s10, $0x1;
	s10 =	sld [smem:$0x3FB3]  }
0x3d: {  	_ =	shalt  }
0x3e: {  	_ =	shalt  }
0x3f: {  	_ =	shalt  }
0x40: {  	_ =	shalt  }
0x41: {  	_ =	shalt  }
0x42: {  	_ =	shalt  }
0x43: {  	_ =	shalt  }
0x44: {  	_ =	shalt  }
0x45: {  	_ =	shalt  }
0x46: {  	_ =	shalt  }
0x47: {  	_ =	shalt  }
0x48: {  	_ =	shalt  }
0x49: {  	_ =	shalt  }
0x4a: {  	_ =	shalt  }
0x4b: {  	_ =	shalt  }
0x4c: {  	_ =	shalt  }
0x4d: {  	_ =	shalt  }
0x4e: {  	_ =	shalt  }
0x4f: {  	_ =	shalt  }
0x50: {  	_ =	shalt  }
0x51: {  	_ =	shalt  }
0x52: {  	_ =	shalt  }
0x53: {  	_ =	shalt  }
0x54: {  	_ =	shalt  }
0x55: {  	_ =	shalt  }
0x56: {  	_ =	shalt  }
0x57: {  	_ =	shalt  }
0x58: {  	_ =	shalt  }
0x59: {  	_ =	shalt  }
0x5a: {  	_ =	shalt  }
0x5b: {  	_ =	shalt  }
0x5c: {  	_ =	shalt  }
0x5d: {  	_ =	shalt  }
0x5e: {  	_ =	shalt  }
0x5f: {  	_ =	shalt  }
0x60: {  	_ =	shalt  }
0x61: {  	_ =	shalt  }
0x62: {  	_ =	shalt  }
0x63: {  	_ =	shalt  }
0x64: {  	_ =	shalt  }
0x65: {  	_ =	shalt  }
0x66: {  	_ =	shalt  }
0x67: {  	_ =	shalt  }
0x68: {  	_ =	shalt  }
0x69: {  	_ =	shalt  }
0x6a: {  	_ =	shalt  }
0x6b: {  	_ =	shalt  }
0x6c: {  	_ =	shalt  }
0x6d: {  	_ =	shalt  }
0x6e: {  	_ =	shalt  }
0x6f: {  	_ =	shalt  }
0x70: {  	_ =	shalt  }
0x71: {  	_ =	shalt  }
0x72: {  	_ =	shalt  }
0x73: {  	_ =	shalt  }
0x74: {  	_ =	shalt  }
0x75: {  	_ =	shalt  }
0x76: {  	_ =	shalt  }
0x77: {  	_ =	shalt  }
0x78: {  	_ =	shalt  }
0x79: {  	_ =	shalt  }
0x7a: {  	_ =	shalt  }
0x7b: {  	_ =	shalt  }
0x7c: {  	_ =	shalt  }
0x7d: {  	_ =	shalt  }
0x7e: {  	_ =	shalt  }
0x7f: {  	_ =	shalt  }
0x80: {  	_ =	shalt  }
0x81: {  	_ =	shalt  }
0x82: {  	_ =	shalt  }
0x83: {  	_ =	shalt  }
0x84: {  	_ =	shalt  }
0x85: {  	_ =	shalt  }
0x86: {  	_ =	shalt  }
0x87: {  	_ =	shalt  }
.Lfunc_end0:
.L_simem_size_0:
called_computation.2_lowered:
.L_overlay_start_0:
0x88: {  	s2 =	sld [smem:$0x3FD9]  }
0x89: {  	s3 =	sld [smem:$0x3FFE];
	_ =	sdelay $0x1  }
0x8a: {  	s1 =	srdreg.scid  }
0x8b: {  	s0 =	sand.u32 $0x1, s1  }
0x8c: {  	s17 =	sshll.u32 s0, $0xA;
	s2 =	sadd.s32 s3, s2  }
0x8d: {  	s2 =	sadd.s32 s2, s17  }
0x8e: {  	[smem:$0x3FBF] =	sst s2  }
0x8f: {  	_ = 	snop  }
0x90: {  	s2 =	sld [smem:$0x3FD0];
	(tm) =	ssettm $0x1  }
0x91: {  	s18 =	sld [smem:$0x3FFB];
	_ =	sdelay $0x3  }
0x92: {  	_ =	strace s18  }
0x93: {  	s3 =	sld [smem:$0x3FFC];
	_ =	sdelay $0x3  }
0x94: {  	_ =	strace s3  }
0x95: {  	s3 =	sld [smem:$0x3FFD];
	_ =	sdelay $0x3  }
0x96: {  	_ =	strace s3  }
0x97: {  	_ =	strace $0x8FFFFFFF  }
0x98: {  	s19 =	sld [smem:$0x3FDB];
	_ =	sdelay $0x1  }
0x99: {  	s4 =	simm.s32 $_scs_section_size  }
0x9a: {  	s5 =	simm.s32 $_size__tile_overlayer_lowered;
	s6 =	simm.s32 $_tile_overlayer_lowered  }
0x9b: {  	s22 =	simm.s32 $0x1BFF;
	s21 =	sshll.u32 s6, $0x1;
	s3 =	sadd.s32 s4, s19  }
0x9c: {  	s7 =	simm.s32 $0x0;
	s20 =	sshll.u32 s5, $0x1;
	s5 =	sadd.s32 s21, s3  }
0x9d: {  	[timem:s7], [sflag:s22] =	dma.local [hbm:s5], s20  }
0x9e: {  	_ =	swait.ge [sflag:s22], s20  }
0x9f: {  	s4 =	ssub.s32 $0x0, s20;
	[sflag:s22] =	ssyncset.done $0x0  }
0xa0: {  	[sflag:s22] =	ssyncadd.s32 s4;
	_ =	sdelay $0x1  }
0xa1: {  	s23 =	simm.s32 $0x1B8B  }
0xa2: {  	_ =	swait.ge [sflag:s23], $0x1  }
0xa3: {  	[sflag:s23] =	ssyncset.done $0x0  }
0xa4: {  	s25 =	simm.s32 $0x1B8E;
	s24 =	sld [smem:$0x3FFE];
	[sflag:s23] =	ssyncadd.s32 $0xFFFFFFFF  }
0xa5: {  	s26 =	simm.s32 $execute0_lowered;
	[smem:$0x3FD2] =	sst s25  }
0xa6: {  	s5 =	sshll.u32 s26, $0x1;
	_ =	strace $0x8000004C;
	[dreg:$0x1] =	wrdreg $0xFFFFFFFF  }
0xa7: {  	s28 =	simm.s32 $_size_execute0_lowered;
	s3 =	sadd.s32 s3, s5;
	[dreg:$0x0] =	wrdreg $0x0  }
0xa8: {  	s5 =	sshll.u32 s28, $0x1;
	[dreg:$0x2] =	wrdreg s3  }
0xa9: {  	[dreg:$0x3] =	wrdreg s5  }
0xaa: {  	[dreg:$0x4] =	wrdreg $0xC0  }
0xab: {  	_ =	task [dreg:s7], $0x5FFFF  }
0xac: {  	[dreg:$0x1] =	wrdreg $0xFFFFFFFF  }
0xad: {  	[dreg:$0x0] =	wrdreg $0x60  }
0xae: {  	[dreg:$0x2] =	wrdreg s24  }
0xaf: {  	[dreg:$0x3] =	wrdreg s2  }
0xb0: {  	[dreg:$0x4] =	wrdreg $0x0  }
0xb1: {  	[dreg:$0x5] =	wrdreg $0x9  }
0xb2: {  	_ =	task.clear_ibuf [dreg:s7], $0x6FFFF;
	_ =	strace $0x9000004C  }
0xb3: {  	s29 =	simm.s32 $0x9;
	_ =	strace $0x8000004E  }
0xb4: {  	_ =	swait.ge [sflag:s29], $0x1  }
0xb5: {  	[sflag:s29] =	ssyncadd.s32 $0xFFFFFFFF  }
0xb6: {  	_ =	strace $0x9000004E  }
0xb7: {  	_ =	sfence  }
0xb8: {  	s30 =	sld [smem:$0x0];
	_ =	sdelay $0x2  }
0xb9: {  	s31 =	sshll.u32 s1, $0xD;
	s1 =	sshrl.u32 s1, $0x2  }
0xba: {  	s3 =	sand.u32 $0x4000, s31;
	s1 =	sadd.s32 s1, s30  }
0xbb: {  	s0 =	sor.u32 s3, s0;
	s1 =	sshll.u32 s1, $0x11  }
0xbc: {  	s0 =	sor.u32 s1, s0  }
0xbd: {  	s0 =	sadd.s32 $0x8F2B, s0  }
0xbe: {  	[sflag:s0] =	ssyncadd.remote.s32 $0x1  }
0xbf: {  	_ =	sfence.sel $0xFFFF  }
0xc0: {  	[dreg:$0x0] =	wrdreg $0xFFFFFFFF;
	(pc) =	sbr.abs _section_cstart, $3  }
0xc1: {  	[dreg:$0x1] =	wrdreg $0xFFFFFFFF  }
0xc2: {  	_ =	task.clear_ibuf [dreg:s7], $0x2FFFF;
	_ =	strace $0x9FFFFFFF  }
0xc3: {  	(tm) =	ssettm $0x7FFFFFFF  }
tec
execute0_lowered:
.L_overlay_start_1:
0x0: {  	(tag) =	ssettag $0x1  }
0x1: {  	s0 =	rddreg [dreg:$0x0]  }
0x2: {  	s5 =	rddreg [dreg:$0x1]  }
0x3: {  	s1 =	rddreg [dreg:$0x2]  }
0x4: {  	s2 =	simm.s32 $0x0;
	s8 =	srdreg.scid;
	s15 =	stileid.u32  }
0x5: {  	s28 =	simm.s32 $0x13B80;
	s30 =	simm.s32 $0x40;
	s31 =	simm.s32 $0x13B00  }
0x6: {  	[smem:$0x7FF] =	sst s2;
	s3 =	sadd.s32 $0x48A600, s0;
	s4 =	sadd.s32 $0x26800, s0  }
0x7: {  	s6 =	sadd.s32 $0x30800, s0;
	s7 =	sadd.s32 $0x17400, s0;
	s11 =	smul.u32 $0x4E000, s15  }
0x8: {  	s0 =	sadd.s32 $0xB9C00, s0;
	s8 =	sand.u32 $0x1, s8;
	s13 =	smul.u32 $0x13800, s15  }
0x9: {  	s14 =	sshll.u32 s15, $0x6;
	s29 =	sadd.s32 $0x138000, s1;
	p0 =	sne.s32 s15, $0xF  }
0xa: {  	_ =	strace $0x8000004D;
	s9 =	ssub.s32 $0x2, s8;
	s10 =	sshll.u32 s8, $0x4  }
0xb: {  	s16 =	sor.u32 $0x1C05, s14;
	[dreg:$0x7] =	wrdreg s29;
	s8 =	smul.u32 $0x138800, s8  }
0xc: {  	s12 =	sshrl.u32 s9, $0x1;
	s10 =	sor.u32 s15, s10;
	s11 =	sshrl.u32 s11, $0x2  }
0xd: {  	s25 =	sshrl.u32 s13, $0x3;
	s9 =	ssub.s32 s9, s12;
	s12 =	smul.u32 $0x1400, s10  }
0xe: {  	[dreg:$0x6] =	wrdreg s16;
	s11 =	sadd.s32 s11, s1;
	s26 =	smul.u32 $0xA00, s10  }
0xf: {  	s15 =	simm.s32 $0x0;
	s14 =	smul.u32 $0x500, s10;
	[dreg:$0x4] =	wrdreg s11  }
0x10: {  	s11 =	sadd.s32 s5, s25;
	s5 =	sadd.s32 $0x27000, s5;
	s25 =	sadd.s32 s13, s8  }
0x11: {  	s8 =	sshrl.u32 s8, $0x3;
	s29 =	smax.u32 s9, $0x1;
	[dreg:$0x5] =	wrdreg s11  }
0x12: {  	s9 =	simm.s32 $0x13B40;
	s13 =	simm.s32 $0x1BC80;
	[dreg:$0x8] =	wrdreg s5  }
0x13: {  	s17 =	sadd.s32 s6, s26;
	s18 =	sshrl.u32 s12, $0x3;
	[dreg:$0x11] =	wrdreg s29  }
0x14: {  	s19 =	sor.u32 $0x40, s12;
	s5 =	sadd.s32 s4, s14;
	[dreg:$0x9] =	wrdreg s17  }
0x15: {  	s8 =	sadd.s32 s0, s8;
	s14 =	simm.s32 $0x4;
	[dreg:$0xa] =	wrdreg s5  }
0x16: {  	s20 =	sadd.s32 s7, s18;
	s21 =	sshrl.u32 s19, $0x1;
	s22 =	sshrl.u32 s19, $0x2  }
0x17: {  	s11 =	sshrl.u32 s19, $0x3;
	s19 =	sor.u32 $0x80, s12;
	s26 =	sadd.s32 $0x27000, s8  }
0x18: {  	[dreg:$0xb] =	wrdreg s20;
	s5 =	sadd.s32 s6, s21;
	s23 =	sadd.s32 s4, s22  }
.Ltmp0:
0x19: {  	s24 =	sadd.s32 s7, s11;
	[dreg:$0x10] =	wrdreg s26;
	(pc) =	sbr.rel .LBB2_1-.Ltmp0, $4  }
0x1a: {  	s20 =	sor.u32 $0xC0, s12;
	s11 =	simm.s32 $0x19C80;
	[dreg:$0xc] =	wrdreg s5  }
0x1b: {  	s12 =	simm.s32 $0x3;
	[dreg:$0xd] =	wrdreg s23;
	s5 =	sshrl.u32 s25, $0x3  }
0x1c: {  	[dreg:$0xe] =	wrdreg s24;
	s24 =	simm.s32 $0x5;
	s0 =	sadd.s32 s0, s5  }
0x1d: {  	s5 =	simm.s32 $0x2;
	[dreg:$0xf] =	wrdreg s0;
	s0 =	simm.s32 $0x13C00  }
.LBB2_12:
0x1e: {  	[bflag:$0x0] =	sbarrier.arrive $0xFFFF  }
0x1f: {  	s16 =	rddreg [dreg:$0x6]  }
0x20: {  	s8 =	rddreg [dreg:$0xf]  }
0x21: {  	s10 =	rddreg [dreg:$0x13]  }
0x22: {  	[hbm:s8], [sflag:s16] =	dma.local [spmem:s10], $0x2700  }
0x23: {  	_ =	swait.ge [sflag:s24], $0x2700  }
0x24: {  	[sflag:s24] =	ssyncset.done $0x0;
	s8 =	rddreg [dreg:$0x10]  }
0x25: {  	s10 =	rddreg [dreg:$0x14];
	[sflag:s24] =	ssyncadd.s32 $0xFFFFD900  }
0x26: {  	[hbm:s8], [sflag:s16] =	dma.local @!p0 [spmem:s10], $0x100  }
0x27: {  	s8 =	simm.s32 @!p0 $0x5  }
0x28: {  	_ =	swait.ge @!p0 [sflag:s8], $0x100  }
0x29: {  	s15 =	rddreg [dreg:$0x12]  }
0x2a: {  	s29 =	rddreg [dreg:$0x11];
	s15 =	sadd.s32 $0x1, s15  }
0x2b: {  	p1 =	sne.s32 s15, s29  }
.Ltmp1:
0x2c: {  	_ = 	snop;
	(pc) =	sbr.rel @!p1 .LBB2_13-.Ltmp1, $3  }
0x2d: {  	_ =	sdelay $0x1  }
0x2e: {  	[sflag:s8] =	ssyncset.done @!p0 $0x0  }
0x2f: {  	[sflag:s8] =	ssyncadd.s32 @!p0 $0xFFFFFF00  }
.LBB2_1:
0x30: {  	[dreg:$0x12] =	wrdreg s15  }
0x31: {  	s8 =	rddreg [dreg:$0x4]  }
0x32: {  	s25 =	rddreg [dreg:$0x5];
	s10 =	sshrl.u32 s8, $0x3  }
0x33: {  	[dreg:$0x13] =	wrdreg s10  }
0x34: {  	[spmem:s10], [sflag:s16] =	dma.local [hbm:s25], $0x2700  }
0x35: {  	_ =	swait.ge [sflag:s24], $0x2700  }
0x36: {  	s8 =	rddreg [dreg:$0x7]  }
0x37: {  	[sflag:s24] =	ssyncset.done $0x0;
	s10 =	sshrl.u32 @!p0 s8, $0x3;
	s8 =	rddreg [dreg:$0x8]  }
0x38: {  	[sflag:s24] =	ssyncadd.s32 $0xFFFFD900;
	[dreg:$0x14] =	wrdreg s10  }
0x39: {  	[spmem:s10], [sflag:s16] =	dma.local @!p0 [hbm:s8], $0x100  }
0x3a: {  	s10 =	simm.s32 @!p0 $0x5  }
0x3b: {  	_ =	swait.ge @!p0 [sflag:s10], $0x100  }
0x3c: {  	[sflag:s10] =	ssyncset.done @!p0 $0x0  }
0x3d: {  	[sflag:s10] =	ssyncadd.s32 @!p0 $0xFFFFFF00  }
0x3e: {  	[bflag:$0x0] =	sbarrier.arrive $0xFFFF  }
0x3f: {  	s29 =	simm.s32 $0x13880;
	s26 =	rddreg [dreg:$0x9]  }
0x40: {  	[tilespmem:s29], [sflag:$0x1] =	stream.linear.gather [hbm4b:s26+s2], $0x100, $0x38;
	[tilespmem:$0x1DC80] =	vst v63  }
0x41: {  	s15 =	simm.s32 $0x13A80;
	s10 =	rddreg [dreg:$0xa]  }
0x42: {  	[tilespmem:s15], [sflag:$0x1] =	stream.linear.gather [hbm4b:s10+s2], $0x80, $0x38;
	[tilespmem:$0x1DC80] =	vst v63  }
0x43: {  	s17 =	simm.s32 $0x1;
	s16 =	rddreg [dreg:$0xb]  }
0x44: {  	[tilespmem:s28], [sflag:$0x1] =	stream.linear.gather [hbm4b:s16+s2], $0x40, $0x38;
	[tilespmem:$0x1DC80] =	vst v63  }
0x45: {  	_ =	swait.ge [sflag:s17], $0x100  }
0x46: {  	[sflag:s17] =	ssyncset.done $0x0  }
0x47: {  	[sflag:s17] =	ssyncadd.s32 $0xFFFFFF00  }
0x48: {  	_ =	swait.ge [sflag:s17], $0x80  }
0x49: {  	[sflag:s17] =	ssyncset.done $0x0  }
0x4a: {  	[sflag:s17] =	ssyncadd.s32 $0xFFFFFF80  }
0x4b: {  	_ =	swait.ge [sflag:s17], $0x40  }
0x4c: {  	[sflag:s17] =	ssyncset.done $0x0  }
0x4d: {  	s18 =	simm.s32 $0x13C80;
	[sflag:s17] =	ssyncadd.s32 $0xFFFFFFC0  }
0x4e: {  	[tilespmem:s18], [sflag:$0x3] =	stream.indirect.gather [hbm4b:s3+s30], $0x80, s15, s30, $0xb8;
	[tilespmem:$0x1DC80] =	vst v63  }
0x4f: {  	s21 =	simm.s32 $0x13AC0;
	s22 =	simm.s32 $0x15C80  }
0x50: {  	[tilespmem:s22], [sflag:$0x3] =	stream.indirect.gather [hbm4b:s3+s30], $0x80, s21, s30, $0xb8;
	[tilespmem:$0x1DC80] =	vst v63  }
0x51: {  	s25 =	simm.s32 $0x13980;
	s23 =	rddreg [dreg:$0xc]  }
0x52: {  	[tilespmem:s25], [sflag:$0x2] =	stream.linear.gather [hbm4b:s23+s2], $0x100, $0x38;
	[tilespmem:$0x1DC80] =	vst v63  }
0x53: {  	s26 =	rddreg [dreg:$0xd]  }
0x54: {  	[tilespmem:s31], [sflag:$0x2] =	stream.linear.gather [hbm4b:s26+s2], $0x80, $0x38;
	[tilespmem:$0x1DC80] =	vst v63  }
0x55: {  	s29 =	rddreg [dreg:$0xe];
	s17 =	simm.s32 $0x0  }
0x56: {  	[tilespmem:s0], [sflag:$0x2] =	stream.linear.gather [hbm4b:s29+s2], $0x40, $0x38;
	[tilespmem:$0x1DC80] =	vst v63  }
.LBB2_2:
0x57: {  	_ =	swait.ge [sflag:s5], $0x100  }
0x58: {  	[sflag:s5] =	ssyncset.done $0x0  }
0x59: {  	[sflag:s5] =	ssyncadd.s32 $0xFFFFFF00  }
0x5a: {  	_ =	swait.ge [sflag:s5], $0x80  }
0x5b: {  	[sflag:s5] =	ssyncset.done $0x0  }
0x5c: {  	[sflag:s5] =	ssyncadd.s32 $0xFFFFFF80  }
0x5d: {  	_ =	swait.ge [sflag:s5], $0x40  }
0x5e: {  	[sflag:s5] =	ssyncset.done $0x0  }
0x5f: {  	s8 =	simm.s32 $0x17C80;
	[sflag:s5] =	ssyncadd.s32 $0xFFFFFFC0  }
0x60: {  	[tilespmem:s8], [sflag:$0x4] =	stream.indirect.gather [hbm4b:s3+s30], $0x80, s31, s30, $0xb8;
	[tilespmem:$0x1DC80] =	vst v63  }
0x61: {  	_ = 	snop  }
0x62: {  	[tilespmem:s11], [sflag:$0x4] =	stream.indirect.gather [hbm4b:s3+s30], $0x80, s9, s30, $0xb8;
	[tilespmem:$0x1DC80] =	vst v63  }
0x63: {  	_ =	swait.ge [sflag:s12], $0x2000  }
0x64: {  	[sflag:s12] =	ssyncset.done $0x0  }
0x65: {  	[sflag:s12] =	ssyncadd.s32 $0xFFFFE000  }
0x66: {  	s18 =	simm.s32 $0x0;
	_ =	swait.ge [sflag:s12], $0x2000  }
0x67: {  	s21 =	simm.s32 $0x13CC0;
	s22 =	simm.s32 $0x15CC0;
	[sflag:s12] =	ssyncset.done $0x0  }
0x68: {  	s23 =	simm.s32 $0x1BCC0;
	s16 =	simm.s32 $0x0;
	[sflag:s12] =	ssyncadd.s32 $0xFFFFE000  }
.LBB2_3:
0x69: {  	s10 =	sshll.u32 s16, $0x4;
	v4 =	vld [tilespmem:s21+$0xFFFFFFC0]  }
0x6a: {  	v0 =	vld [tilespmem:s10+$0x13880]  }
0x6b: {  	v1 =	vld [tilespmem:s10+$0x138C0]  }
0x6c: {  	v2 =	vld [tilespmem:s10+$0x13900];
	_ =	sdelay $0x1  }
0x6d: {  	v5 =	vld [tilespmem:s22+$0xFFFFFFC0]  }
0x6e: {  	v6 =	vmov s18;
	v3 =	vld [tilespmem:s10+$0x13940]  }
0x6f: {  	v7 =	vperm.xlane v0, v6;
	v8 =	vperm.xlane v1, v6  }
0x70: {  	v10 =	vshll.u32 v4, $0x10;
	v4 =	vand.u32 $0xFFFF0000, v4;
	v9 =	vperm.xlane v2, v6  }
0x71: {  	v10 =	vmul.f32 v10, v7;
	v4 =	vmul.f32 v4, v8  }
0x72: {  	v11 =	vshll.u32 v5, $0x10  }
0x73: {  	v6 =	vperm.xlane v3, v6;
	v43 =	vmul.f32 v11, v9;
	v4 =	vadd.f32 v4, v10  }
0x74: {  	v5 =	vand.u32 $0xFFFF0000, v5  }
0x75: {  	v5 =	vmul.f32 v5, v6;
	v4 =	vadd.f32 v43, v4;
	_ =	sdelay $0x1  }
0x76: {  	v4 =	vadd.f32 v4, v5;
	_ =	sdelay $0x1  }
0x77: {  	[tilespmem:s23+$0xFFFFFFC0] =	vst v4  }
0x78: {  	v4 =	vld [tilespmem:s21+$0xFFFFFFD0];
	_ =	sdelay $0x1  }
0x79: {  	v5 =	vld [tilespmem:s22+$0xFFFFFFD0];
	_ =	sdelay $0x2  }
0x7a: {  	v44 =	vshll.u32 v4, $0x10;
	v4 =	vand.u32 $0xFFFF0000, v4  }
0x7b: {  	v10 =	vmul.f32 v44, v7;
	v4 =	vmul.f32 v4, v8  }
0x7c: {  	v45 =	vshll.u32 v5, $0x10  }
0x7d: {  	v46 =	vmul.f32 v45, v9;
	v4 =	vadd.f32 v4, v10  }
0x7e: {  	v5 =	vand.u32 $0xFFFF0000, v5  }
0x7f: {  	v5 =	vmul.f32 v5, v6;
	v4 =	vadd.f32 v46, v4;
	_ =	sdelay $0x1  }
0x80: {  	v4 =	vadd.f32 v4, v5;
	_ =	sdelay $0x1  }
0x81: {  	[tilespmem:s23+$0xFFFFFFD0] =	vst v4  }
0x82: {  	v4 =	vld [tilespmem:s21+$0xFFFFFFE0];
	_ =	sdelay $0x1  }
0x83: {  	v5 =	vld [tilespmem:s22+$0xFFFFFFE0];
	_ =	sdelay $0x2  }
0x84: {  	v47 =	vshll.u32 v4, $0x10;
	v4 =	vand.u32 $0xFFFF0000, v4  }
0x85: {  	v10 =	vmul.f32 v47, v7;
	v4 =	vmul.f32 v4, v8  }
0x86: {  	v48 =	vshll.u32 v5, $0x10  }
0x87: {  	v49 =	vmul.f32 v48, v9;
	v4 =	vadd.f32 v4, v10  }
0x88: {  	v5 =	vand.u32 $0xFFFF0000, v5  }
0x89: {  	v5 =	vmul.f32 v5, v6;
	v4 =	vadd.f32 v49, v4;
	_ =	sdelay $0x1  }
0x8a: {  	v4 =	vadd.f32 v4, v5;
	_ =	sdelay $0x1  }
0x8b: {  	[tilespmem:s23+$0xFFFFFFE0] =	vst v4  }
0x8c: {  	v4 =	vld [tilespmem:s21+$0xFFFFFFF0];
	_ =	sdelay $0x1  }
0x8d: {  	v5 =	vld [tilespmem:s22+$0xFFFFFFF0];
	_ =	sdelay $0x2  }
0x8e: {  	v50 =	vshll.u32 v4, $0x10;
	v4 =	vand.u32 $0xFFFF0000, v4  }
0x8f: {  	v10 =	vmul.f32 v50, v7;
	v4 =	vmul.f32 v4, v8  }
0x90: {  	v51 =	vshll.u32 v5, $0x10  }
0x91: {  	v52 =	vmul.f32 v51, v9;
	v4 =	vadd.f32 v4, v10  }
0x92: {  	v5 =	vand.u32 $0xFFFF0000, v5  }
0x93: {  	v5 =	vmul.f32 v5, v6;
	v4 =	vadd.f32 v52, v4;
	_ =	sdelay $0x1  }
0x94: {  	v4 =	vadd.f32 v4, v5;
	_ =	sdelay $0x1  }
0x95: {  	[tilespmem:s23+$0xFFFFFFF0] =	vst v4  }
0x96: {  	v4 =	vld [tilespmem:s21+$0x0];
	_ =	sdelay $0x1  }
0x97: {  	v5 =	vld [tilespmem:s22+$0x0];
	_ =	sdelay $0x2  }
0x98: {  	v53 =	vshll.u32 v4, $0x10;
	v4 =	vand.u32 $0xFFFF0000, v4  }
0x99: {  	v10 =	vmul.f32 v53, v7;
	v4 =	vmul.f32 v4, v8  }
0x9a: {  	v54 =	vshll.u32 v5, $0x10  }
0x9b: {  	v55 =	vmul.f32 v54, v9;
	v4 =	vadd.f32 v4, v10  }
0x9c: {  	v5 =	vand.u32 $0xFFFF0000, v5  }
0x9d: {  	v5 =	vmul.f32 v5, v6;
	v4 =	vadd.f32 v55, v4;
	_ =	sdelay $0x1  }
0x9e: {  	v4 =	vadd.f32 v4, v5;
	_ =	sdelay $0x1  }
0x9f: {  	[tilespmem:s23+$0x0] =	vst v4  }
0xa0: {  	v4 =	vld [tilespmem:s21+$0x10];
	_ =	sdelay $0x1  }
0xa1: {  	v5 =	vld [tilespmem:s22+$0x10];
	_ =	sdelay $0x2  }
0xa2: {  	v56 =	vshll.u32 v4, $0x10;
	v4 =	vand.u32 $0xFFFF0000, v4  }
0xa3: {  	v10 =	vmul.f32 v56, v7;
	v4 =	vmul.f32 v4, v8  }
0xa4: {  	v57 =	vshll.u32 v5, $0x10  }
0xa5: {  	v58 =	vmul.f32 v57, v9;
	v4 =	vadd.f32 v4, v10  }
0xa6: {  	v5 =	vand.u32 $0xFFFF0000, v5  }
0xa7: {  	v5 =	vmul.f32 v5, v6;
	v4 =	vadd.f32 v58, v4;
	_ =	sdelay $0x1  }
0xa8: {  	v4 =	vadd.f32 v4, v5;
	_ =	sdelay $0x1  }
0xa9: {  	[tilespmem:s23+$0x10] =	vst v4  }
0xaa: {  	v4 =	vld [tilespmem:s21+$0x20];
	_ =	sdelay $0x1  }
0xab: {  	v5 =	vld [tilespmem:s22+$0x20];
	_ =	sdelay $0x2  }
0xac: {  	v59 =	vshll.u32 v4, $0x10;
	v4 =	vand.u32 $0xFFFF0000, v4  }
0xad: {  	v10 =	vmul.f32 v59, v7;
	v4 =	vmul.f32 v4, v8  }
0xae: {  	v60 =	vshll.u32 v5, $0x10  }
0xaf: {  	v61 =	vmul.f32 v60, v9;
	v4 =	vadd.f32 v4, v10  }
0xb0: {  	v5 =	vand.u32 $0xFFFF0000, v5  }
0xb1: {  	v5 =	vmul.f32 v5, v6;
	v4 =	vadd.f32 v61, v4;
	_ =	sdelay $0x1  }
0xb2: {  	v4 =	vadd.f32 v4, v5;
	_ =	sdelay $0x1  }
0xb3: {  	[tilespmem:s23+$0x20] =	vst v4  }
0xb4: {  	v4 =	vld [tilespmem:s21+$0x30];
	_ =	sdelay $0x1  }
0xb5: {  	v5 =	vld [tilespmem:s22+$0x30];
	_ =	sdelay $0x2  }
0xb6: {  	v62 =	vshll.u32 v4, $0x10;
	v4 =	vand.u32 $0xFFFF0000, v4  }
0xb7: {  	v7 =	vmul.f32 v62, v7;
	v4 =	vmul.f32 v4, v8  }
0xb8: {  	v63 =	vshll.u32 v5, $0x10  }
0xb9: {  	v4 =	vadd.f32 v4, v7;
	v7 =	vmul.f32 v63, v9  }
0xba: {  	v5 =	vand.u32 $0xFFFF0000, v5  }
0xbb: {  	v5 =	vmul.f32 v5, v6;
	v4 =	vadd.f32 v7, v4  }
0xbc: {  	s26 =	smov.u32 s23  }
0xbd: {  	s29 =	smov.u32 s21;
	s15 =	smov.u32 s22;
	s10 =	simm.s32 $0x1;
	v4 =	vadd.f32 v4, v5  }
.LBB2_4:
0xbe: {  	_ = 	snop  }
0xbf: {  	s29 =	sadd.s32 $0x80, s29;
	s15 =	sadd.s32 $0x80, s15;
	[tilespmem:s26+$0x30] =	vst v4;
	s26 =	sadd.s32 $0x80, s26  }
0xc0: {  	p1 =	sne.s32 s10, $0xF;
	s25 =	smov.u32 s10;
	s10 =	sadd.s32 $0x1, s10;
	v7 =	vld [tilespmem:s29+$0xFFFFFFC0]  }
0xc1: {  	_ = 	snop  }
0xc2: {  	v8 =	vld [tilespmem:s15+$0xFFFFFFC0]  }
0xc3: {  	v9 =	vmov s25  }
0xc4: {  	v5 =	vperm.xlane v0, v9;
	v6 =	vperm.xlane v1, v9  }
0xc5: {  	v4 =	vperm.xlane v2, v9;
	v10 =	vshll.u32 v7, $0x10;
	v7 =	vand.u32 $0xFFFF0000, v7  }
0xc6: {  	v10 =	vmul.f32 v10, v5;
	v11 =	vmul.f32 v7, v6  }
0xc7: {  	v12 =	vshll.u32 v8, $0x10  }
0xc8: {  	v7 =	vperm.xlane v3, v9;
	v9 =	vadd.f32 v11, v10;
	v10 =	vmul.f32 v12, v4  }
0xc9: {  	v8 =	vand.u32 $0xFFFF0000, v8  }
0xca: {  	v8 =	vmul.f32 v8, v7;
	v9 =	vadd.f32 v10, v9;
	_ =	sdelay $0x1  }
0xcb: {  	v8 =	vadd.f32 v9, v8;
	_ =	sdelay $0x1  }
0xcc: {  	[tilespmem:s26+$0xFFFFFFC0] =	vst v8  }
0xcd: {  	v8 =	vld [tilespmem:s29+$0xFFFFFFD0];
	_ =	sdelay $0x1  }
0xce: {  	v9 =	vld [tilespmem:s15+$0xFFFFFFD0];
	_ =	sdelay $0x2  }
0xcf: {  	v10 =	vshll.u32 v8, $0x10;
	v8 =	vand.u32 $0xFFFF0000, v8  }
0xd0: {  	v10 =	vmul.f32 v10, v5;
	v8 =	vmul.f32 v8, v6  }
0xd1: {  	v11 =	vshll.u32 v9, $0x10;
	v9 =	vand.u32 $0xFFFF0000, v9  }
0xd2: {  	v8 =	vadd.f32 v8, v10;
	v10 =	vmul.f32 v11, v4;
	_ =	sdelay $0x1  }
0xd3: {  	v9 =	vmul.f32 v9, v7;
	v8 =	vadd.f32 v10, v8;
	_ =	sdelay $0x1  }
0xd4: {  	v8 =	vadd.f32 v8, v9;
	_ =	sdelay $0x1  }
0xd5: {  	[tilespmem:s26+$0xFFFFFFD0] =	vst v8  }
0xd6: {  	v8 =	vld [tilespmem:s29+$0xFFFFFFE0];
	_ =	sdelay $0x1  }
0xd7: {  	v9 =	vld [tilespmem:s15+$0xFFFFFFE0];
	_ =	sdelay $0x2  }
0xd8: {  	v10 =	vshll.u32 v8, $0x10;
	v8 =	vand.u32 $0xFFFF0000, v8  }
0xd9: {  	v10 =	vmul.f32 v10, v5;
	v8 =	vmul.f32 v8, v6  }
0xda: {  	v11 =	vshll.u32 v9, $0x10;
	v9 =	vand.u32 $0xFFFF0000, v9  }
0xdb: {  	v8 =	vadd.f32 v8, v10;
	v10 =	vmul.f32 v11, v4;
	_ =	sdelay $0x1  }
0xdc: {  	v9 =	vmul.f32 v9, v7;
	v8 =	vadd.f32 v10, v8;
	_ =	sdelay $0x1  }
0xdd: {  	v8 =	vadd.f32 v8, v9;
	_ =	sdelay $0x1  }
0xde: {  	[tilespmem:s26+$0xFFFFFFE0] =	vst v8  }
0xdf: {  	v8 =	vld [tilespmem:s29+$0xFFFFFFF0];
	_ =	sdelay $0x1  }
0xe0: {  	v9 =	vld [tilespmem:s15+$0xFFFFFFF0];
	_ =	sdelay $0x2  }
0xe1: {  	v10 =	vshll.u32 v8, $0x10;
	v8 =	vand.u32 $0xFFFF0000, v8  }
0xe2: {  	v10 =	vmul.f32 v10, v5;
	v8 =	vmul.f32 v8, v6  }
0xe3: {  	v11 =	vshll.u32 v9, $0x10;
	v9 =	vand.u32 $0xFFFF0000, v9  }
0xe4: {  	v8 =	vadd.f32 v8, v10;
	v10 =	vmul.f32 v11, v4;
	_ =	sdelay $0x1  }
0xe5: {  	v9 =	vmul.f32 v9, v7;
	v8 =	vadd.f32 v10, v8;
	_ =	sdelay $0x1  }
0xe6: {  	v8 =	vadd.f32 v8, v9;
	_ =	sdelay $0x1  }
0xe7: {  	[tilespmem:s26+$0xFFFFFFF0] =	vst v8  }
0xe8: {  	v8 =	vld [tilespmem:s29+$0x0];
	_ =	sdelay $0x1  }
0xe9: {  	v9 =	vld [tilespmem:s15+$0x0];
	_ =	sdelay $0x2  }
0xea: {  	v10 =	vshll.u32 v8, $0x10;
	v8 =	vand.u32 $0xFFFF0000, v8  }
0xeb: {  	v10 =	vmul.f32 v10, v5;
	v8 =	vmul.f32 v8, v6  }
0xec: {  	v11 =	vshll.u32 v9, $0x10;
	v9 =	vand.u32 $0xFFFF0000, v9  }
0xed: {  	v8 =	vadd.f32 v8, v10;
	v10 =	vmul.f32 v11, v4;
	_ =	sdelay $0x1  }
0xee: {  	v9 =	vmul.f32 v9, v7;
	v8 =	vadd.f32 v10, v8;
	_ =	sdelay $0x1  }
0xef: {  	v8 =	vadd.f32 v8, v9;
	_ =	sdelay $0x1  }
0xf0: {  	[tilespmem:s26+$0x0] =	vst v8  }
0xf1: {  	v8 =	vld [tilespmem:s29+$0x10]  }
0xf2: {  	v9 =	vld [tilespmem:s15+$0x10];
	_ =	sdelay $0x3  }
0xf3: {  	v10 =	vshll.u32 v8, $0x10;
	v8 =	vand.u32 $0xFFFF0000, v8  }
0xf4: {  	v10 =	vmul.f32 v10, v5;
	v8 =	vmul.f32 v8, v6;
	v11 =	vshll.u32 v9, $0x10  }
0xf5: {  	v9 =	vand.u32 $0xFFFF0000, v9  }
0xf6: {  	v8 =	vadd.f32 v8, v10;
	v10 =	vmul.f32 v11, v4;
	_ =	sdelay $0x1  }
0xf7: {  	v9 =	vmul.f32 v9, v7;
	v8 =	vadd.f32 v10, v8;
	_ =	sdelay $0x1  }
0xf8: {  	v8 =	vadd.f32 v8, v9;
	_ =	sdelay $0x1  }
0xf9: {  	[tilespmem:s26+$0x10] =	vst v8  }
0xfa: {  	v8 =	vld [tilespmem:s29+$0x20]  }
0xfb: {  	v9 =	vld [tilespmem:s15+$0x20];
	_ =	sdelay $0x3  }
0xfc: {  	v10 =	vshll.u32 v8, $0x10;
	v8 =	vand.u32 $0xFFFF0000, v8  }
0xfd: {  	v10 =	vmul.f32 v10, v5;
	v8 =	vmul.f32 v8, v6;
	v11 =	vshll.u32 v9, $0x10;
	_ =	sdelay $0x1  }
0xfe: {  	v8 =	vadd.f32 v8, v10;
	v10 =	vmul.f32 v11, v4  }
0xff: {  	v9 =	vand.u32 $0xFFFF0000, v9  }
0x100: {  	v9 =	vmul.f32 v9, v7;
	v8 =	vadd.f32 v10, v8;
	_ =	sdelay $0x1  }
0x101: {  	v8 =	vadd.f32 v8, v9;
	_ =	sdelay $0x1  }
0x102: {  	[tilespmem:s26+$0x20] =	vst v8  }
0x103: {  	v8 =	vld [tilespmem:s29+$0x30]  }
0x104: {  	v9 =	vld [tilespmem:s15+$0x30];
	_ =	sdelay $0x3  }
0x105: {  	v10 =	vshll.u32 v8, $0x10;
	v8 =	vand.u32 $0xFFFF0000, v8  }
0x106: {  	v5 =	vmul.f32 v10, v5;
	v6 =	vmul.f32 v8, v6;
	v8 =	vand.u32 $0xFFFF0000, v9  }
0x107: {  	v9 =	vshll.u32 v9, $0x10  }
.Ltmp2:
0x108: {  	v4 =	vmul.f32 v9, v4;
	v5 =	vadd.f32 v6, v5;
	(pc) =	sbr.rel @p1 .LBB2_4-.Ltmp2, $3  }
0x109: {  	_ = 	snop  }
0x10a: {  	v4 =	vadd.f32 v4, v5;
	v5 =	vmul.f32 v8, v7;
	_ =	sdelay $0x1  }
0x10b: {  	v4 =	vadd.f32 v4, v5  }
0x10c: {  	s16 =	sadd.s32 $0x1, s16  }
0x10d: {  	p1 =	sne.s32 s16, $0x4  }
.Ltmp3:
0x10e: {  	_ = 	snop;
	(pc) =	sbr.rel @p1 .LBB2_3-.Ltmp3, $2  }
0x10f: {  	_ =	sdelay $0x2  }
0x110: {  	s21 =	sadd.s32 $0x800, s21;
	s22 =	sadd.s32 $0x800, s22;
	s23 =	sadd.s32 $0x800, s23;
	[tilespmem:s26+$0x30] =	vst v4  }
0x111: {  	[spmem:s1] =	stream.indirect.scatter.add.f32 [tilespmem:s13], [sflag:$0x5], $0x80, s28, s30, $0xb8;
	[tilespmem:$0x1DC80] =	vst v63  }
0x112: {  	s18 =	sshll.u32 s17, $0x7;
	p1 =	seq.s32 s17, $0x27  }
0x113: {  	_ =	swait.ge [sflag:s24], $0x2000;
	s10 =	sadd.s32 @!p1 s18, s19  }
0x114: {  	s16 =	simm.s32 @!p1 $0x0;
	[sflag:s24] =	ssyncset.done $0x0;
	s15 =	sshrl.u32 @!p1 s10, $0x1  }
0x115: {  	s21 =	simm.s32 @!p1 $0x13880;
	[sflag:s24] =	ssyncadd.s32 $0xFFFFE000;
	s15 =	sadd.s32 @!p1 s6, s15  }
0x116: {  	[tilespmem:s21], [sflag:$0x1] =	stream.linear.gather @!p1 [hbm4b:s15+s16], $0x100, $0x38;
	[tilespmem:$0x1DC80] =	vst v63  }
0x117: {  	s15 =	sshrl.u32 @!p1 s10, $0x2  }
0x118: {  	s21 =	simm.s32 @!p1 $0x13A80;
	s10 =	sshrl.u32 @!p1 s10, $0x3;
	s15 =	sadd.s32 @!p1 s4, s15  }
0x119: {  	[tilespmem:s21], [sflag:$0x1] =	stream.linear.gather @!p1 [hbm4b:s15+s16], $0x80, $0x38;
	[tilespmem:$0x1DC80] =	vst v63  }
0x11a: {  	s10 =	sadd.s32 @!p1 s7, s10;
	s15 =	simm.s32 @!p1 $0x13B80  }
0x11b: {  	[tilespmem:s15], [sflag:$0x1] =	stream.linear.gather @!p1 [hbm4b:s10+s16], $0x40, $0x38;
	[tilespmem:$0x1DC80] =	vst v63  }
0x11c: {  	s10 =	simm.s32 @!p1 $0x1  }
0x11d: {  	_ =	swait.ge @!p1 [sflag:s10], $0x100  }
0x11e: {  	[sflag:s10] =	ssyncset.done @!p1 $0x0  }
0x11f: {  	[sflag:s10] =	ssyncadd.s32 @!p1 $0xFFFFFF00  }
0x120: {  	_ =	swait.ge @!p1 [sflag:s10], $0x80  }
0x121: {  	[sflag:s10] =	ssyncset.done @!p1 $0x0  }
0x122: {  	[sflag:s10] =	ssyncadd.s32 @!p1 $0xFFFFFF80  }
0x123: {  	_ =	swait.ge @!p1 [sflag:s10], $0x40  }
0x124: {  	[sflag:s10] =	ssyncset.done @!p1 $0x0  }
0x125: {  	s15 =	simm.s32 @!p1 $0x13C80;
	[sflag:s10] =	ssyncadd.s32 @!p1 $0xFFFFFFC0;
	s10 =	simm.s32 @!p1 $0x40  }
0x126: {  	[tilespmem:s15], [sflag:$0x3] =	stream.indirect.gather @!p1 [hbm4b:s3+s10], $0x80, s21, s10, $0xb8;
	[tilespmem:$0x1DC80] =	vst v63  }
0x127: {  	s16 =	simm.s32 @!p1 $0x15C80;
	s15 =	simm.s32 @!p1 $0x13AC0  }
0x128: {  	[tilespmem:s16], [sflag:$0x3] =	stream.indirect.gather @!p1 [hbm4b:s3+s10], $0x80, s15, s10, $0xb8;
	[tilespmem:$0x1DC80] =	vst v63  }
0x129: {  	_ =	swait.ge [sflag:s14], $0x2000  }
0x12a: {  	[sflag:s14] =	ssyncset.done $0x0  }
0x12b: {  	[sflag:s14] =	ssyncadd.s32 $0xFFFFE000  }
0x12c: {  	s25 =	simm.s32 $0x19CC0;
	_ =	swait.ge [sflag:s14], $0x2000  }
0x12d: {  	s26 =	simm.s32 $0x0;
	s21 =	simm.s32 $0x0;
	[sflag:s14] =	ssyncset.done $0x0  }
0x12e: {  	s15 =	simm.s32 $0x17CC0;
	s10 =	simm.s32 $0x1BCC0;
	[sflag:s14] =	ssyncadd.s32 $0xFFFFE000  }
.LBB2_7:
0x12f: {  	s16 =	sshll.u32 s26, $0x4;
	v4 =	vld [tilespmem:s15+$0xFFFFFFC0]  }
0x130: {  	v0 =	vld [tilespmem:s16+$0x13980]  }
0x131: {  	v1 =	vld [tilespmem:s16+$0x139C0]  }
0x132: {  	v2 =	vld [tilespmem:s16+$0x13A00];
	_ =	sdelay $0x1  }
0x133: {  	v5 =	vld [tilespmem:s25+$0xFFFFFFC0]  }
0x134: {  	v6 =	vmov s21;
	v3 =	vld [tilespmem:s16+$0x13A40]  }
0x135: {  	v7 =	vperm.xlane v0, v6;
	v8 =	vperm.xlane v1, v6  }
0x136: {  	v10 =	vshll.u32 v4, $0x10;
	v4 =	vand.u32 $0xFFFF0000, v4;
	v9 =	vperm.xlane v2, v6  }
0x137: {  	v10 =	vmul.f32 v10, v7;
	v4 =	vmul.f32 v4, v8  }
0x138: {  	v11 =	vshll.u32 v5, $0x10  }
0x139: {  	v6 =	vperm.xlane v3, v6;
	v43 =	vmul.f32 v11, v9;
	v4 =	vadd.f32 v4, v10  }
0x13a: {  	v5 =	vand.u32 $0xFFFF0000, v5  }
0x13b: {  	v5 =	vmul.f32 v5, v6;
	v4 =	vadd.f32 v43, v4;
	_ =	sdelay $0x1  }
0x13c: {  	v4 =	vadd.f32 v4, v5;
	_ =	sdelay $0x1  }
0x13d: {  	[tilespmem:s10+$0xFFFFFFC0] =	vst v4  }
0x13e: {  	v4 =	vld [tilespmem:s15+$0xFFFFFFD0];
	_ =	sdelay $0x1  }
0x13f: {  	v5 =	vld [tilespmem:s25+$0xFFFFFFD0];
	_ =	sdelay $0x2  }
0x140: {  	v44 =	vshll.u32 v4, $0x10;
	v4 =	vand.u32 $0xFFFF0000, v4  }
0x141: {  	v10 =	vmul.f32 v44, v7;
	v4 =	vmul.f32 v4, v8  }
0x142: {  	v45 =	vshll.u32 v5, $0x10  }
0x143: {  	v46 =	vmul.f32 v45, v9;
	v4 =	vadd.f32 v4, v10  }
0x144: {  	v5 =	vand.u32 $0xFFFF0000, v5  }
0x145: {  	v5 =	vmul.f32 v5, v6;
	v4 =	vadd.f32 v46, v4;
	_ =	sdelay $0x1  }
0x146: {  	v4 =	vadd.f32 v4, v5;
	_ =	sdelay $0x1  }
0x147: {  	[tilespmem:s10+$0xFFFFFFD0] =	vst v4  }
0x148: {  	v4 =	vld [tilespmem:s15+$0xFFFFFFE0];
	_ =	sdelay $0x1  }
0x149: {  	v5 =	vld [tilespmem:s25+$0xFFFFFFE0];
	_ =	sdelay $0x2  }
0x14a: {  	v47 =	vshll.u32 v4, $0x10;
	v4 =	vand.u32 $0xFFFF0000, v4  }
0x14b: {  	v10 =	vmul.f32 v47, v7;
	v4 =	vmul.f32 v4, v8  }
0x14c: {  	v48 =	vshll.u32 v5, $0x10  }
0x14d: {  	v49 =	vmul.f32 v48, v9;
	v4 =	vadd.f32 v4, v10  }
0x14e: {  	v5 =	vand.u32 $0xFFFF0000, v5  }
0x14f: {  	v5 =	vmul.f32 v5, v6;
	v4 =	vadd.f32 v49, v4;
	_ =	sdelay $0x1  }
0x150: {  	v4 =	vadd.f32 v4, v5;
	_ =	sdelay $0x1  }
0x151: {  	[tilespmem:s10+$0xFFFFFFE0] =	vst v4  }
0x152: {  	v4 =	vld [tilespmem:s15+$0xFFFFFFF0];
	_ =	sdelay $0x1  }
0x153: {  	v5 =	vld [tilespmem:s25+$0xFFFFFFF0];
	_ =	sdelay $0x2  }
0x154: {  	v50 =	vshll.u32 v4, $0x10;
	v4 =	vand.u32 $0xFFFF0000, v4  }
0x155: {  	v10 =	vmul.f32 v50, v7;
	v4 =	vmul.f32 v4, v8  }
0x156: {  	v51 =	vshll.u32 v5, $0x10  }
0x157: {  	v52 =	vmul.f32 v51, v9;
	v4 =	vadd.f32 v4, v10  }
0x158: {  	v5 =	vand.u32 $0xFFFF0000, v5  }
0x159: {  	v5 =	vmul.f32 v5, v6;
	v4 =	vadd.f32 v52, v4;
	_ =	sdelay $0x1  }
0x15a: {  	v4 =	vadd.f32 v4, v5;
	_ =	sdelay $0x1  }
0x15b: {  	[tilespmem:s10+$0xFFFFFFF0] =	vst v4  }
0x15c: {  	v4 =	vld [tilespmem:s15+$0x0];
	_ =	sdelay $0x1  }
0x15d: {  	v5 =	vld [tilespmem:s25+$0x0];
	_ =	sdelay $0x2  }
0x15e: {  	v53 =	vshll.u32 v4, $0x10;
	v4 =	vand.u32 $0xFFFF0000, v4  }
0x15f: {  	v10 =	vmul.f32 v53, v7;
	v4 =	vmul.f32 v4, v8  }
0x160: {  	v54 =	vshll.u32 v5, $0x10  }
0x161: {  	v55 =	vmul.f32 v54, v9;
	v4 =	vadd.f32 v4, v10  }
0x162: {  	v5 =	vand.u32 $0xFFFF0000, v5  }
0x163: {  	v5 =	vmul.f32 v5, v6;
	v4 =	vadd.f32 v55, v4;
	_ =	sdelay $0x1  }
0x164: {  	v4 =	vadd.f32 v4, v5;
	_ =	sdelay $0x1  }
0x165: {  	[tilespmem:s10+$0x0] =	vst v4  }
0x166: {  	v4 =	vld [tilespmem:s15+$0x10];
	_ =	sdelay $0x1  }
0x167: {  	v5 =	vld [tilespmem:s25+$0x10];
	_ =	sdelay $0x2  }
0x168: {  	v56 =	vshll.u32 v4, $0x10;
	v4 =	vand.u32 $0xFFFF0000, v4  }
0x169: {  	v10 =	vmul.f32 v56, v7;
	v4 =	vmul.f32 v4, v8  }
0x16a: {  	v57 =	vshll.u32 v5, $0x10  }
0x16b: {  	v58 =	vmul.f32 v57, v9;
	v4 =	vadd.f32 v4, v10  }
0x16c: {  	v5 =	vand.u32 $0xFFFF0000, v5  }
0x16d: {  	v5 =	vmul.f32 v5, v6;
	v4 =	vadd.f32 v58, v4;
	_ =	sdelay $0x1  }
0x16e: {  	v4 =	vadd.f32 v4, v5;
	_ =	sdelay $0x1  }
0x16f: {  	[tilespmem:s10+$0x10] =	vst v4  }
0x170: {  	v4 =	vld [tilespmem:s15+$0x20];
	_ =	sdelay $0x1  }
0x171: {  	v5 =	vld [tilespmem:s25+$0x20];
	_ =	sdelay $0x2  }
0x172: {  	v59 =	vshll.u32 v4, $0x10;
	v4 =	vand.u32 $0xFFFF0000, v4  }
0x173: {  	v10 =	vmul.f32 v59, v7;
	v4 =	vmul.f32 v4, v8  }
0x174: {  	v60 =	vshll.u32 v5, $0x10  }
0x175: {  	v61 =	vmul.f32 v60, v9;
	v4 =	vadd.f32 v4, v10  }
0x176: {  	v5 =	vand.u32 $0xFFFF0000, v5  }
0x177: {  	v5 =	vmul.f32 v5, v6;
	v4 =	vadd.f32 v61, v4;
	_ =	sdelay $0x1  }
0x178: {  	v4 =	vadd.f32 v4, v5;
	_ =	sdelay $0x1  }
0x179: {  	[tilespmem:s10+$0x20] =	vst v4  }
0x17a: {  	v4 =	vld [tilespmem:s15+$0x30];
	_ =	sdelay $0x1  }
0x17b: {  	v5 =	vld [tilespmem:s25+$0x30];
	_ =	sdelay $0x2  }
0x17c: {  	v62 =	vshll.u32 v4, $0x10;
	v4 =	vand.u32 $0xFFFF0000, v4  }
0x17d: {  	v7 =	vmul.f32 v62, v7;
	v4 =	vmul.f32 v4, v8  }
0x17e: {  	v63 =	vshll.u32 v5, $0x10  }
0x17f: {  	v4 =	vadd.f32 v4, v7;
	v7 =	vmul.f32 v63, v9  }
0x180: {  	v5 =	vand.u32 $0xFFFF0000, v5  }
0x181: {  	v5 =	vmul.f32 v5, v6;
	v4 =	vadd.f32 v7, v4  }
0x182: {  	s29 =	simm.s32 $0x1  }
0x183: {  	s22 =	smov.u32 s15;
	s23 =	smov.u32 s25;
	s16 =	smov.u32 s10;
	v4 =	vadd.f32 v4, v5  }
.LBB2_8:
0x184: {  	_ = 	snop  }
0x185: {  	s22 =	sadd.s32 $0x80, s22;
	s23 =	sadd.s32 $0x80, s23;
	[tilespmem:s16+$0x30] =	vst v4;
	s16 =	sadd.s32 $0x80, s16  }
0x186: {  	p2 =	sne.s32 s29, $0xF;
	s8 =	smov.u32 s29;
	s29 =	sadd.s32 $0x1, s29;
	v7 =	vld [tilespmem:s22+$0xFFFFFFC0]  }
0x187: {  	_ = 	snop  }
0x188: {  	v8 =	vld [tilespmem:s23+$0xFFFFFFC0]  }
0x189: {  	v9 =	vmov s8  }
0x18a: {  	v5 =	vperm.xlane v0, v9;
	v6 =	vperm.xlane v1, v9  }
0x18b: {  	v4 =	vperm.xlane v2, v9;
	v10 =	vshll.u32 v7, $0x10;
	v7 =	vand.u32 $0xFFFF0000, v7  }
0x18c: {  	v10 =	vmul.f32 v10, v5;
	v11 =	vmul.f32 v7, v6  }
0x18d: {  	v12 =	vshll.u32 v8, $0x10  }
0x18e: {  	v7 =	vperm.xlane v3, v9;
	v9 =	vadd.f32 v11, v10;
	v10 =	vmul.f32 v12, v4  }
0x18f: {  	v8 =	vand.u32 $0xFFFF0000, v8  }
0x190: {  	v8 =	vmul.f32 v8, v7;
	v9 =	vadd.f32 v10, v9;
	_ =	sdelay $0x1  }
0x191: {  	v8 =	vadd.f32 v9, v8;
	_ =	sdelay $0x1  }
0x192: {  	[tilespmem:s16+$0xFFFFFFC0] =	vst v8  }
0x193: {  	v8 =	vld [tilespmem:s22+$0xFFFFFFD0];
	_ =	sdelay $0x1  }
0x194: {  	v9 =	vld [tilespmem:s23+$0xFFFFFFD0];
	_ =	sdelay $0x2  }
0x195: {  	v10 =	vshll.u32 v8, $0x10;
	v8 =	vand.u32 $0xFFFF0000, v8  }
0x196: {  	v10 =	vmul.f32 v10, v5;
	v8 =	vmul.f32 v8, v6  }
0x197: {  	v11 =	vshll.u32 v9, $0x10;
	v9 =	vand.u32 $0xFFFF0000, v9  }
0x198: {  	v8 =	vadd.f32 v8, v10;
	v10 =	vmul.f32 v11, v4;
	_ =	sdelay $0x1  }
0x199: {  	v9 =	vmul.f32 v9, v7;
	v8 =	vadd.f32 v10, v8;
	_ =	sdelay $0x1  }
0x19a: {  	v8 =	vadd.f32 v8, v9;
	_ =	sdelay $0x1  }
0x19b: {  	[tilespmem:s16+$0xFFFFFFD0] =	vst v8  }
0x19c: {  	v8 =	vld [tilespmem:s22+$0xFFFFFFE0];
	_ =	sdelay $0x1  }
0x19d: {  	v9 =	vld [tilespmem:s23+$0xFFFFFFE0];
	_ =	sdelay $0x2  }
0x19e: {  	v10 =	vshll.u32 v8, $0x10;
	v8 =	vand.u32 $0xFFFF0000, v8  }
0x19f: {  	v10 =	vmul.f32 v10, v5;
	v8 =	vmul.f32 v8, v6  }
0x1a0: {  	v11 =	vshll.u32 v9, $0x10;
	v9 =	vand.u32 $0xFFFF0000, v9  }
0x1a1: {  	v8 =	vadd.f32 v8, v10;
	v10 =	vmul.f32 v11, v4;
	_ =	sdelay $0x1  }
0x1a2: {  	v9 =	vmul.f32 v9, v7;
	v8 =	vadd.f32 v10, v8;
	_ =	sdelay $0x1  }
0x1a3: {  	v8 =	vadd.f32 v8, v9;
	_ =	sdelay $0x1  }
0x1a4: {  	[tilespmem:s16+$0xFFFFFFE0] =	vst v8  }
0x1a5: {  	v8 =	vld [tilespmem:s22+$0xFFFFFFF0];
	_ =	sdelay $0x1  }
0x1a6: {  	v9 =	vld [tilespmem:s23+$0xFFFFFFF0];
	_ =	sdelay $0x2  }
0x1a7: {  	v10 =	vshll.u32 v8, $0x10;
	v8 =	vand.u32 $0xFFFF0000, v8  }
0x1a8: {  	v10 =	vmul.f32 v10, v5;
	v8 =	vmul.f32 v8, v6  }
0x1a9: {  	v11 =	vshll.u32 v9, $0x10;
	v9 =	vand.u32 $0xFFFF0000, v9  }
0x1aa: {  	v8 =	vadd.f32 v8, v10;
	v10 =	vmul.f32 v11, v4;
	_ =	sdelay $0x1  }
0x1ab: {  	v9 =	vmul.f32 v9, v7;
	v8 =	vadd.f32 v10, v8;
	_ =	sdelay $0x1  }
0x1ac: {  	v8 =	vadd.f32 v8, v9;
	_ =	sdelay $0x1  }
0x1ad: {  	[tilespmem:s16+$0xFFFFFFF0] =	vst v8  }
0x1ae: {  	v8 =	vld [tilespmem:s22+$0x0];
	_ =	sdelay $0x1  }
0x1af: {  	v9 =	vld [tilespmem:s23+$0x0];
	_ =	sdelay $0x2  }
0x1b0: {  	v10 =	vshll.u32 v8, $0x10;
	v8 =	vand.u32 $0xFFFF0000, v8  }
0x1b1: {  	v10 =	vmul.f32 v10, v5;
	v8 =	vmul.f32 v8, v6  }
0x1b2: {  	v11 =	vshll.u32 v9, $0x10;
	v9 =	vand.u32 $0xFFFF0000, v9  }
0x1b3: {  	v8 =	vadd.f32 v8, v10;
	v10 =	vmul.f32 v11, v4;
	_ =	sdelay $0x1  }
0x1b4: {  	v9 =	vmul.f32 v9, v7;
	v8 =	vadd.f32 v10, v8;
	_ =	sdelay $0x1  }
0x1b5: {  	v8 =	vadd.f32 v8, v9;
	_ =	sdelay $0x1  }
0x1b6: {  	[tilespmem:s16+$0x0] =	vst v8  }
0x1b7: {  	v8 =	vld [tilespmem:s22+$0x10]  }
0x1b8: {  	v9 =	vld [tilespmem:s23+$0x10];
	_ =	sdelay $0x3  }
0x1b9: {  	v10 =	vshll.u32 v8, $0x10;
	v8 =	vand.u32 $0xFFFF0000, v8  }
0x1ba: {  	v10 =	vmul.f32 v10, v5;
	v8 =	vmul.f32 v8, v6;
	v11 =	vshll.u32 v9, $0x10  }
0x1bb: {  	v9 =	vand.u32 $0xFFFF0000, v9  }
0x1bc: {  	v8 =	vadd.f32 v8, v10;
	v10 =	vmul.f32 v11, v4;
	_ =	sdelay $0x1  }
0x1bd: {  	v9 =	vmul.f32 v9, v7;
	v8 =	vadd.f32 v10, v8;
	_ =	sdelay $0x1  }
0x1be: {  	v8 =	vadd.f32 v8, v9;
	_ =	sdelay $0x1  }
0x1bf: {  	[tilespmem:s16+$0x10] =	vst v8  }
0x1c0: {  	v8 =	vld [tilespmem:s22+$0x20]  }
0x1c1: {  	v9 =	vld [tilespmem:s23+$0x20];
	_ =	sdelay $0x3  }
0x1c2: {  	v10 =	vshll.u32 v8, $0x10;
	v8 =	vand.u32 $0xFFFF0000, v8  }
0x1c3: {  	v10 =	vmul.f32 v10, v5;
	v8 =	vmul.f32 v8, v6;
	v11 =	vshll.u32 v9, $0x10;
	_ =	sdelay $0x1  }
0x1c4: {  	v8 =	vadd.f32 v8, v10;
	v10 =	vmul.f32 v11, v4  }
0x1c5: {  	v9 =	vand.u32 $0xFFFF0000, v9  }
0x1c6: {  	v9 =	vmul.f32 v9, v7;
	v8 =	vadd.f32 v10, v8;
	_ =	sdelay $0x1  }
0x1c7: {  	v8 =	vadd.f32 v8, v9;
	_ =	sdelay $0x1  }
0x1c8: {  	[tilespmem:s16+$0x20] =	vst v8  }
0x1c9: {  	v8 =	vld [tilespmem:s22+$0x30]  }
0x1ca: {  	v9 =	vld [tilespmem:s23+$0x30];
	_ =	sdelay $0x3  }
0x1cb: {  	v10 =	vshll.u32 v8, $0x10;
	v8 =	vand.u32 $0xFFFF0000, v8  }
0x1cc: {  	v5 =	vmul.f32 v10, v5;
	v6 =	vmul.f32 v8, v6;
	v8 =	vand.u32 $0xFFFF0000, v9  }
0x1cd: {  	v9 =	vshll.u32 v9, $0x10  }
.Ltmp4:
0x1ce: {  	v4 =	vmul.f32 v9, v4;
	v5 =	vadd.f32 v6, v5;
	(pc) =	sbr.rel @p2 .LBB2_8-.Ltmp4, $3  }
0x1cf: {  	_ = 	snop  }
0x1d0: {  	v4 =	vadd.f32 v4, v5;
	v5 =	vmul.f32 v8, v7;
	_ =	sdelay $0x1  }
0x1d1: {  	v4 =	vadd.f32 v4, v5  }
0x1d2: {  	s26 =	sadd.s32 $0x1, s26  }
0x1d3: {  	p2 =	sne.s32 s26, $0x4  }
.Ltmp5:
0x1d4: {  	_ = 	snop;
	(pc) =	sbr.rel @p2 .LBB2_7-.Ltmp5, $2  }
0x1d5: {  	_ =	sdelay $0x2  }
0x1d6: {  	s15 =	sadd.s32 $0x800, s15;
	s25 =	sadd.s32 $0x800, s25;
	s10 =	sadd.s32 $0x800, s10;
	[tilespmem:s16+$0x30] =	vst v4  }
.Ltmp6:
0x1d7: {  	(pc) =	sbr.rel @p1 .LBB2_12-.Ltmp6, $4  }
0x1d8: {  	[spmem:s1] =	stream.indirect.scatter.add.f32 [tilespmem:s13], [sflag:$0x5], $0x80, s0, s30, $0xb8;
	[tilespmem:$0x1DC80] =	vst v63  }
0x1d9: {  	_ =	swait.ge [sflag:s24], $0x2000  }
0x1da: {  	[sflag:s24] =	ssyncset.done $0x0  }
0x1db: {  	[sflag:s24] =	ssyncadd.s32 $0xFFFFE000  }
0x1dc: {  	s8 =	sadd.s32 s18, s20  }
0x1dd: {  	s10 =	sshrl.u32 s8, $0x1  }
0x1de: {  	s15 =	simm.s32 $0x13980;
	s10 =	sadd.s32 s6, s10  }
0x1df: {  	[tilespmem:s15], [sflag:$0x2] =	stream.linear.gather [hbm4b:s10+s2], $0x100, $0x38;
	[tilespmem:$0x1DC80] =	vst v63  }
.Ltmp7:
0x1e0: {  	s29 =	sshrl.u32 s8, $0x2;
	(pc) =	sbr.rel .LBB2_2-.Ltmp7, $4  }
0x1e1: {  	s8 =	sshrl.u32 s8, $0x3;
	s10 =	sadd.s32 s4, s29  }
0x1e2: {  	[tilespmem:s31], [sflag:$0x2] =	stream.linear.gather [hbm4b:s10+s2], $0x80, $0x38;
	[tilespmem:$0x1DC80] =	vst v63  }
0x1e3: {  	s17 =	sadd.s32 $0x1, s17;
	s8 =	sadd.s32 s7, s8  }
0x1e4: {  	[tilespmem:s0], [sflag:$0x2] =	stream.linear.gather [hbm4b:s8+s2], $0x40, $0x38;
	[tilespmem:$0x1DC80] =	vst v63  }
.LBB2_13:
0x1e5: {  	_ =	sfence.sel $0x180000  }
0x1e6: {  	[bflag:$0x0] =	sbarrier.arrive $0xFFFF  }
0x1e7: {  	_ =	strace $0x9000004D  }
0x1e8: {  	s0 =	stileid.u32;
	[bflag:$0x2] =	sbarrier.arrive $0xFFFF  }
0x1e9: {  	p0 =	sne.s32 s0, $0x0;
	s0 =	rddreg [dreg:$0x3]  }
0x1ea: {  	s0 =	sadd.s32 @!p0 $0x100000, s0  }
0x1eb: {  	[sflag:s0] =	ssyncadd.tile.s32 @!p0 $0x1;
	_ =	shalt  }
.Lfunc_end2:
_tile_overlayer_lowered:
.L_overlay_start_2:
0x1ec: {  	(tag) =	ssettag $0x2  }
0x1ed: {  	s0 =	rddreg [dreg:$0x0];
	s2 =	stileid.u32  }
0x1ee: {  	s1 =	rddreg [dreg:$0x1];
	p0 =	sne.s32 s2, $0x0  }
0x1ef: {  	s3 =	rddreg [dreg:$0x2];
	[bflag:$0x3] =	sbarrier.arrive $0xFFFF;
	s2 =	simm.s32 @!p0 $0x1C05  }
0x1f0: {  	[timem:s3], [sflag:s2] =	dma.local @!p0 [hbm:s0], s1  }
0x1f1: {  	s0 =	simm.s32 @!p0 $0x5  }
0x1f2: {  	_ =	swait.ge @!p0 [sflag:s0], s1  }
0x1f3: {  	s1 =	ssub.s32 @!p0 $0x0, s1;
	[sflag:s0] =	ssyncset.done @!p0 $0x0  }
0x1f4: {  	[sflag:s0] =	ssyncadd.s32 @!p0 s1  }
0x1f5: {  	[bflag:$0x3] =	sbarrier.arrive $0xFFFF  }
0x1f6: {  	_ =	shalt  }

// kernel: kernel.9.cloned.1.call-start
scs
__scs_entry_jumppad:
0x0: {  	(pc) =	sbr.rel $0x88, $3  }
0x1: {  	(tag) =	ssettag $0x0;
	lr =	simm.s32 $0x1  }
0x2: {  	[smem:$0x3F98] =	sst lr;
	_ =	strace $0xD0000000  }
0x3: {  	_ = 	snop  }
0x4: {  	_ = 	snop  }
0x5: {  	_ = 	snop  }
0x6: {  	_ = 	snop  }
0x7: {  	_ = 	snop  }
__scs_overlays_trampoline_lowered:
0x8: {  	[smem:$0x3FA7] =	sst s0  }
0x9: {  	[smem:$0x3FA8] =	sst s1  }
0xa: {  	[smem:$0x3FA9] =	sst s2  }
0xb: {  	[smem:$0x3FAA] =	sst s3  }
0xc: {  	[smem:$0x3FAB] =	sst s4  }
0xd: {  	[smem:$0x3FAC] =	sst s5  }
0xe: {  	[smem:$0x3FAD] =	sst s6  }
0xf: {  	[smem:$0x3FAE] =	sst s7  }
0x10: {  	[smem:$0x3FAF] =	sst s8  }
0x11: {  	[smem:$0x3FB0] =	sst s9;
	s0 =	simm.s32 @!p0 $0x0  }
0x12: {  	s1 =	sld [smem:$0x3F96];
	s0 =	simm.s32 @p0 $0x1  }
0x13: {  	[smem:$0x3FB1] =	sst s0;
	s0 =	simm.s32 @!p1 $0x0  }
0x14: {  	s2 =	sld [smem:$0x3F95];
	s0 =	simm.s32 @p1 $0x1  }
0x15: {  	[smem:$0x3FB2] =	sst s0;
	s0 =	simm.s32 @!p2 $0x0  }
0x16: {  	s3 =	sld [smem:$0x3FDB];
	s0 =	simm.s32 @p2 $0x1  }
0x17: {  	s4 =	simm.s32 $0x1BF5;
	[smem:$0x3FB4] =	sst s0  }
0x18: {  	s0 =	sld [smem:$0x3F97];
	_ =	swait.ge [sflag:s4], $0x0  }
0x19: {  	s7 =	sld [smem:$0x3F98]  }
0x1a: {  	s8 =	sadd.s32 $0xFFFFE003, lr  }
0x1b: {  	s9 =	sadd.s32 $0xFFFFFEF7, lr;
	s5 =	simm.s32 $0xFFFFFFFF;
	p2 =	slt.u32 s8, $0xFFFFF086  }
0x1c: {  	p1 =	slt.u32 s9, $0xF7A;
	s5 =	simm.s32 @!p2 $0x0  }
0x1d: {  	s5 =	simm.s32 @p1 $0x1;
	p0 =	seq.s32 s7, s2  }
0x1e: {  	s7 =	smul.u32 @!p0 $0xF7A, s2;
	p2 =	seq.s32 @!p0 s5, $0x0  }
0x1f: {  	s9 =	smul.u32 $0xF7A, s1;
	s8 =	simm.s32 @!p0 $0x1BF5;
	p2 =	por !p2, p0  }
0x20: {  	[sflag:s8] =	ssyncset.s32 @!p0 $0xFFFFF086;
	s6 =	sadd.s32 @!p0 s3, s7;
	s7 =	simm.s32 @!p0 $0x108  }
0x21: {  	s3 =	sadd.s32 s3, s9;
	s6 =	sadd.s32 @!p0 $0x88, s6;
	s7 =	simm.s32 @p2 $0x1082  }
0x22: {  	[simem:s7], [sflag:s8] =	dma.local @!p0 [hbm:s6], $0xF7A  }
0x23: {  	s9 =	sor.u32 $0xD0000000, s2;
	s6 =	simm.s32 $0x108;
	_ =	swait.ge @!p0 [sflag:s8], $0x0  }
0x24: {  	s3 =	sadd.s32 $0x88, s3;
	s6 =	simm.s32 @!p1 $0x1082;
	[sflag:s4] =	ssyncset.s32 $0xFFFFF086  }
0x25: {  	[simem:s6], [sflag:s4] =	dma.local [hbm:s3], $0xF7A  }
0x26: {  	[smem:$0x3F98] =	sst s1;
	(tag) =	ssettag s2;
	_ =	strace s9  }
0x27: {  	s1 =	sld [smem:$0x3FA8]  }
0x28: {  	s2 =	sld [smem:$0x3FA9]  }
0x29: {  	s4 =	sld [smem:$0x3FAB]  }
0x2a: {  	p0 =	seq.s32 s5, $0x0;
	s5 =	sld [smem:$0x3FAC]  }
0x2b: {  	s6 =	sld [smem:$0x3FAD]  }
0x2c: {  	s7 =	sld [smem:$0x3FAE]  }
0x2d: {  	s3 =	simm.s32 $0x108;
	s8 =	sld [smem:$0x3FAF]  }
0x2e: {  	s3 =	simm.s32 @!p0 $0x1082;
	s9 =	sld [smem:$0x3FB0]  }
0x2f: {  	lr =	sadd.s32 s0, s3;
	s0 =	sld [smem:$0x3FA7]  }
0x30: {  	s3 =	sld [smem:$0x3FAA]  }
0x31: {  	[smem:$0x3FB3] =	sst s10  }
0x32: {  	s10 =	sld [smem:$0x3FB1];
	_ =	sdelay $0x3  }
0x33: {  	p0 =	seq.s32 s10, $0x1;
	s10 =	sld [smem:$0x3FB3];
	_ =	sdelay $0x3  }
0x34: {  	[smem:$0x3FB3] =	sst s10  }
0x35: {  	s10 =	sld [smem:$0x3FB2];
	_ =	sdelay $0x3  }
0x36: {  	p1 =	seq.s32 s10, $0x1;
	s10 =	sld [smem:$0x3FB3];
	_ =	sdelay $0x3  }
0x37: {  	[smem:$0x3FB3] =	sst s10  }
0x38: {  	s10 =	sld [smem:$0x3FB4]  }
0x39: {  	_ = 	snop;
	(pc) =	sbr.ind lr, $3  }
0x3a: {  	_ = 	snop  }
0x3b: {  	_ = 	snop  }
0x3c: {  	p2 =	seq.s32 s10, $0x1;
	s10 =	sld [smem:$0x3FB3]  }
0x3d: {  	_ =	shalt  }
0x3e: {  	_ =	shalt  }
0x3f: {  	_ =	shalt  }
0x40: {  	_ =	shalt  }
0x41: {  	_ =	shalt  }
0x42: {  	_ =	shalt  }
0x43: {  	_ =	shalt  }
0x44: {  	_ =	shalt  }
0x45: {  	_ =	shalt  }
0x46: {  	_ =	shalt  }
0x47: {  	_ =	shalt  }
0x48: {  	_ =	shalt  }
0x49: {  	_ =	shalt  }
0x4a: {  	_ =	shalt  }
0x4b: {  	_ =	shalt  }
0x4c: {  	_ =	shalt  }
0x4d: {  	_ =	shalt  }
0x4e: {  	_ =	shalt  }
0x4f: {  	_ =	shalt  }
0x50: {  	_ =	shalt  }
0x51: {  	_ =	shalt  }
0x52: {  	_ =	shalt  }
0x53: {  	_ =	shalt  }
0x54: {  	_ =	shalt  }
0x55: {  	_ =	shalt  }
0x56: {  	_ =	shalt  }
0x57: {  	_ =	shalt  }
0x58: {  	_ =	shalt  }
0x59: {  	_ =	shalt  }
0x5a: {  	_ =	shalt  }
0x5b: {  	_ =	shalt  }
0x5c: {  	_ =	shalt  }
0x5d: {  	_ =	shalt  }
0x5e: {  	_ =	shalt  }
0x5f: {  	_ =	shalt  }
0x60: {  	_ =	shalt  }
0x61: {  	_ =	shalt  }
0x62: {  	_ =	shalt  }
0x63: {  	_ =	shalt  }
0x64: {  	_ =	shalt  }
0x65: {  	_ =	shalt  }
0x66: {  	_ =	shalt  }
0x67: {  	_ =	shalt  }
0x68: {  	_ =	shalt  }
0x69: {  	_ =	shalt  }
0x6a: {  	_ =	shalt  }
0x6b: {  	_ =	shalt  }
0x6c: {  	_ =	shalt  }
0x6d: {  	_ =	shalt  }
0x6e: {  	_ =	shalt  }
0x6f: {  	_ =	shalt  }
0x70: {  	_ =	shalt  }
0x71: {  	_ =	shalt  }
0x72: {  	_ =	shalt  }
0x73: {  	_ =	shalt  }
0x74: {  	_ =	shalt  }
0x75: {  	_ =	shalt  }
0x76: {  	_ =	shalt  }
0x77: {  	_ =	shalt  }
0x78: {  	_ =	shalt  }
0x79: {  	_ =	shalt  }
0x7a: {  	_ =	shalt  }
0x7b: {  	_ =	shalt  }
0x7c: {  	_ =	shalt  }
0x7d: {  	_ =	shalt  }
0x7e: {  	_ =	shalt  }
0x7f: {  	_ =	shalt  }
0x80: {  	_ =	shalt  }
0x81: {  	_ =	shalt  }
0x82: {  	_ =	shalt  }
0x83: {  	_ =	shalt  }
0x84: {  	_ =	shalt  }
0x85: {  	_ =	shalt  }
0x86: {  	_ =	shalt  }
0x87: {  	_ =	shalt  }
.Lfunc_end0:
.L_simem_size_0:
called_computation_lowered:
.L_overlay_start_0:
0x88: {  	s2 =	sld [smem:$0x3FD9]  }
0x89: {  	s3 =	sld [smem:$0x3FFE];
	_ =	sdelay $0x1  }
0x8a: {  	s1 =	srdreg.scid  }
0x8b: {  	s0 =	sand.u32 $0x1, s1  }
0x8c: {  	s16 =	sshll.u32 s0, $0xA;
	s2 =	sadd.s32 s3, s2  }
0x8d: {  	s2 =	sadd.s32 s2, s16  }
0x8e: {  	[smem:$0x3FBF] =	sst s2  }
0x8f: {  	_ = 	snop  }
0x90: {  	(tm) =	ssettm $0x1  }
0x91: {  	s17 =	sld [smem:$0x3FFB];
	_ =	sdelay $0x3  }
0x92: {  	_ =	strace s17  }
0x93: {  	s2 =	sld [smem:$0x3FFC];
	_ =	sdelay $0x3  }
0x94: {  	_ =	strace s2  }
0x95: {  	s2 =	sld [smem:$0x3FFD];
	_ =	sdelay $0x3  }
0x96: {  	_ =	strace s2  }
0x97: {  	_ =	strace $0x8FFFFFFF  }
0x98: {  	s18 =	sld [smem:$0x3FDB];
	_ =	sdelay $0x1  }
0x99: {  	s19 =	simm.s32 $_scs_section_size  }
0x9a: {  	s4 =	simm.s32 $_size__tile_overlayer_lowered;
	s5 =	simm.s32 $_tile_overlayer_lowered  }
0x9b: {  	s22 =	simm.s32 $0x1BFF;
	s21 =	sshll.u32 s5, $0x1;
	s2 =	sadd.s32 s19, s18  }
0x9c: {  	s6 =	simm.s32 $0x0;
	s20 =	sshll.u32 s4, $0x1;
	s4 =	sadd.s32 s21, s2  }
0x9d: {  	[timem:s6], [sflag:s22] =	dma.local [hbm:s4], s20  }
0x9e: {  	_ =	swait.ge [sflag:s22], s20  }
0x9f: {  	s3 =	ssub.s32 $0x0, s20;
	[sflag:s22] =	ssyncset.done $0x0  }
0xa0: {  	[sflag:s22] =	ssyncadd.s32 s3;
	_ =	sdelay $0x1  }
0xa1: {  	s23 =	simm.s32 $0x1B8B  }
0xa2: {  	_ =	swait.ge [sflag:s23], $0x1  }
0xa3: {  	[sflag:s23] =	ssyncset.done $0x0  }
0xa4: {  	s25 =	simm.s32 $0x1B8E;
	s24 =	sld [smem:$0x3FFE];
	[sflag:s23] =	ssyncadd.s32 $0xFFFFFFFF  }
0xa5: {  	s26 =	simm.s32 $execute0_lowered;
	[smem:$0x3FD2] =	sst s25  }
0xa6: {  	s4 =	sshll.u32 s26, $0x1;
	_ =	strace $0x80000046;
	[dreg:$0x1] =	wrdreg $0xFFFFFFFF  }
0xa7: {  	s28 =	simm.s32 $_size_execute0_lowered;
	s2 =	sadd.s32 s2, s4;
	[dreg:$0x0] =	wrdreg $0x0  }
0xa8: {  	s4 =	sshll.u32 s28, $0x1;
	[dreg:$0x2] =	wrdreg s2  }
0xa9: {  	[dreg:$0x3] =	wrdreg s4  }
0xaa: {  	[dreg:$0x4] =	wrdreg $0xC0  }
0xab: {  	_ =	task [dreg:s6], $0x5FFFF  }
0xac: {  	[dreg:$0x1] =	wrdreg $0xFFFFFFFF  }
0xad: {  	[dreg:$0x0] =	wrdreg $0x60  }
0xae: {  	[dreg:$0x2] =	wrdreg s24  }
0xaf: {  	[dreg:$0x3] =	wrdreg $0x9  }
0xb0: {  	_ =	task.clear_ibuf [dreg:s6], $0x4FFFF;
	_ =	strace $0x90000046  }
0xb1: {  	s29 =	simm.s32 $0x9;
	_ =	strace $0x80000048  }
0xb2: {  	_ =	swait.ge [sflag:s29], $0x1  }
0xb3: {  	[sflag:s29] =	ssyncadd.s32 $0xFFFFFFFF  }
0xb4: {  	_ =	strace $0x90000048  }
0xb5: {  	_ =	sfence  }
0xb6: {  	s30 =	sld [smem:$0x0];
	_ =	sdelay $0x2  }
0xb7: {  	s31 =	sshll.u32 s1, $0xD;
	s1 =	sshrl.u32 s1, $0x2  }
0xb8: {  	s3 =	sand.u32 $0x4000, s31;
	s1 =	sadd.s32 s1, s30  }
0xb9: {  	s0 =	sor.u32 s3, s0;
	s1 =	sshll.u32 s1, $0x11  }
0xba: {  	s0 =	sor.u32 s1, s0  }
0xbb: {  	s0 =	sadd.s32 $0x8F2B, s0  }
0xbc: {  	[sflag:s0] =	ssyncadd.remote.s32 $0x1  }
0xbd: {  	_ =	sfence.sel $0xFFFF  }
0xbe: {  	[dreg:$0x0] =	wrdreg $0xFFFFFFFF;
	(pc) =	sbr.abs _section_cstart, $3  }
0xbf: {  	[dreg:$0x1] =	wrdreg $0xFFFFFFFF  }
0xc0: {  	_ =	task.clear_ibuf [dreg:s6], $0x2FFFF;
	_ =	strace $0x9FFFFFFF  }
0xc1: {  	(tm) =	ssettm $0x7FFFFFFF  }
tec
execute0_lowered:
.L_overlay_start_1:
0x0: {  	(tag) =	ssettag $0x1  }
0x1: {  	s6 =	rddreg [dreg:$0x0];
	s1 =	srdreg.scid  }
0x2: {  	s0 =	rddreg [dreg:$0x1];
	s2 =	simm.s32 $0x0;
	s11 =	simm.s32 $0x2900  }
0x3: {  	s12 =	simm.s32 $0x2A80;
	s13 =	simm.s32 $0x2C00;
	s14 =	simm.s32 $0x2D80  }
0x4: {  	s15 =	simm.s32 $0x0;
	s19 =	simm.s32 $0x0;
	s4 =	sand.u32 $0x1, s1  }
0x5: {  	[smem:$0x7FF] =	sst s2;
	s1 =	stileid.u32;
	s3 =	sshll.u32 s4, $0x4  }
0x6: {  	s5 =	sadd.s32 $0x1C400, s6;
	s9 =	ssub.s32 $0x2, s4;
	s7 =	sor.u32 s1, s3  }
0x7: {  	_ =	strace $0x80000047;
	s10 =	sshrl.u32 s9, $0x1;
	s8 =	smul.u32 $0x4E2, s7  }
0x8: {  	s4 =	sadd.s32 $0x17400, s6;
	s3 =	sadd.s32 $0x3400, s6;
	s9 =	ssub.s32 s9, s10  }
0x9: {  	s10 =	simm.s32 $0x2780;
	s8 =	sadd.s32 s8, s6;
	s6 =	smul.u32 $0x1400, s7  }
0xa: {  	s7 =	sadd.s32 $0x1CA00, s8;
	s8 =	smax.u32 s9, $0x1;
	s9 =	simm.s32 $0x1  }
.LBB2_1:
0xb: {  	[tilespmem:s2], [sflag:$0x1] =	stream.linear.gather [hbm4b:s5+s2], $0x2780, $0x38;
	[tilespmem:$0x2F00] =	vst v63  }
0xc: {  	_ =	swait.ge [sflag:s9], $0x2780  }
0xd: {  	[sflag:s9] =	ssyncset.done $0x0  }
0xe: {  	s16 =	simm.s32 $0x0;
	[sflag:s9] =	ssyncadd.s32 $0xFFFFD880  }
.LBB2_2:
0xf: {  	s17 =	smul.u32 $0x140, s16;
	_ =	sdelay $0x1  }
0x10: {  	s17 =	sadd.s32 s6, s17  }
0x11: {  	s17 =	sshrl.u32 s17, $0x3  }
0x12: {  	s18 =	sadd.s32 s3, s17  }
0x13: {  	[tilespmem:s10], [sflag:$0x1] =	stream.linear.gather [hbm4b:s18+s19], $0x140, $0x38;
	[tilespmem:$0x2F00] =	vst v63  }
0x14: {  	_ =	swait.ge [sflag:s9], $0x140  }
0x15: {  	[sflag:s9] =	ssyncset.done $0x0  }
0x16: {  	s20 =	sadd.s32 $0x5000, s18;
	[sflag:s9] =	ssyncadd.s32 $0xFFFFFEC0  }
0x17: {  	[tilespmem:s11], [sflag:$0x1] =	stream.linear.gather [hbm4b:s20+s19], $0x140, $0x38;
	[tilespmem:$0x2F00] =	vst v63  }
0x18: {  	_ =	swait.ge [sflag:s9], $0x140  }
0x19: {  	[sflag:s9] =	ssyncset.done $0x0  }
0x1a: {  	s31 =	sadd.s32 $0xA000, s18;
	[sflag:s9] =	ssyncadd.s32 $0xFFFFFEC0  }
0x1b: {  	[tilespmem:s12], [sflag:$0x1] =	stream.linear.gather [hbm4b:s31+s19], $0x140, $0x38;
	[tilespmem:$0x2F00] =	vst v63  }
0x1c: {  	_ =	swait.ge [sflag:s9], $0x140  }
0x1d: {  	[sflag:s9] =	ssyncset.done $0x0  }
0x1e: {  	s18 =	sadd.s32 $0xF000, s18;
	[sflag:s9] =	ssyncadd.s32 $0xFFFFFEC0  }
0x1f: {  	[tilespmem:s13], [sflag:$0x1] =	stream.linear.gather [hbm4b:s18+s19], $0x140, $0x38;
	[tilespmem:$0x2F00] =	vst v63  }
0x20: {  	_ =	swait.ge [sflag:s9], $0x140  }
0x21: {  	[sflag:s9] =	ssyncset.done $0x0  }
0x22: {  	s17 =	sadd.s32 s4, s17;
	[sflag:s9] =	ssyncadd.s32 $0xFFFFFEC0  }
0x23: {  	[tilespmem:s14], [sflag:$0x1] =	stream.linear.gather [hbm4b:s17+s19], $0x140, $0x38;
	[tilespmem:$0x2F00] =	vst v63  }
0x24: {  	_ =	swait.ge [sflag:s9], $0x140  }
0x25: {  	[sflag:s9] =	ssyncset.done $0x0  }
0x26: {  	s18 =	simm.s32 $0x0;
	[sflag:s9] =	ssyncadd.s32 $0xFFFFFEC0  }
0x27: {  	s17 =	simm.s32 $0x40;
	v0 =	vld [tilespmem:s18+$0x2900]  }
.LBB2_3:
0x28: {  	p0 =	sne.s32 s17, $0x4C0;
	v1 =	vld [tilespmem:s18+$0x2780];
	_ =	sdelay $0x1  }
0x29: {  	v2 =	vld [tilespmem:s18+$0x2A80]  }
0x2a: {  	v3 =	vld [tilespmem:s18+$0x2D80]  }
0x2b: {  	v4 =	vld [tilespmem:s18+$0x2C00]  }
0x2c: {  	v0 =	vadd.f32 v0, v1;
	_ =	sdelay $0x1  }
0x2d: {  	v0 =	vadd.f32 v2, v0  }
.Ltmp0:
0x2e: {  	(pc) =	sbr.rel @p0 .LBB2_3-.Ltmp0, $3  }
0x2f: {  	v0 =	vadd.f32 v4, v0;
	_ =	sdelay $0x1  }
0x30: {  	s18 =	sshra.s32 s17, $0x2;
	[tilespmem:v3+s2+$0x0] =	vst.idx.add.f32.msk $0xffff, v0  }
0x31: {  	s17 =	sadd.s32 $0x40, s17;
	v0 =	vld [tilespmem:s18+$0x2900]  }
0x32: {  	v1 =	vld [tilespmem:s18+$0x2780];
	_ =	sdelay $0x1  }
0x33: {  	v2 =	vld [tilespmem:s18+$0x2A80]  }
0x34: {  	v3 =	vld [tilespmem:s18+$0x2D80]  }
0x35: {  	v4 =	vld [tilespmem:s18+$0x2C00]  }
0x36: {  	s16 =	sadd.s32 $0x1, s16;
	v0 =	vadd.f32 v0, v1  }
0x37: {  	p0 =	sne.s32 s16, $0x10  }
.Ltmp1:
0x38: {  	v0 =	vadd.f32 v2, v0;
	(pc) =	sbr.rel @p0 .LBB2_2-.Ltmp1, $3  }
0x39: {  	_ = 	snop  }
0x3a: {  	v0 =	vadd.f32 v4, v0;
	_ =	sdelay $0x1  }
0x3b: {  	[tilespmem:v3+s2+$0x0] =	vst.idx.add.f32.msk $0xffff, v0  }
0x3c: {  	s15 =	sadd.s32 $0x1, s15  }
0x3d: {  	p0 =	sne.s32 s15, s8  }
.Ltmp2:
0x3e: {  	_ = 	snop;
	(pc) =	sbr.rel @p0 .LBB2_1-.Ltmp2, $4  }
0x3f: {  	[hbm4b:s7+s2] =	stream.linear.scatter [tilespmem:s2], [sflag:$0x1], $0x2710, $0x38;
	[tilespmem:$0x2F00] =	vst v63  }
0x40: {  	_ =	swait.ge [sflag:s9], $0x2710  }
0x41: {  	[sflag:s9] =	ssyncset.done $0x0  }
0x42: {  	[sflag:s9] =	ssyncadd.s32 $0xFFFFD8F0  }
0x43: {  	_ =	sfence.sel $0x180000  }
0x44: {  	[bflag:$0x0] =	sbarrier.arrive $0xFFFF  }
0x45: {  	p0 =	sne.s32 s1, $0x0;
	_ =	strace $0x90000047  }
0x46: {  	s0 =	sadd.s32 @!p0 $0x100000, s0;
	[bflag:$0x2] =	sbarrier.arrive $0xFFFF  }
0x47: {  	[sflag:s0] =	ssyncadd.tile.s32 @!p0 $0x1;
	_ =	shalt  }
.Lfunc_end2:
_tile_overlayer_lowered:
.L_overlay_start_2:
0x48: {  	(tag) =	ssettag $0x2  }
0x49: {  	s0 =	rddreg [dreg:$0x0];
	s2 =	stileid.u32  }
0x4a: {  	s1 =	rddreg [dreg:$0x1];
	p0 =	sne.s32 s2, $0x0  }
0x4b: {  	s3 =	rddreg [dreg:$0x2];
	[bflag:$0x3] =	sbarrier.arrive $0xFFFF;
	s2 =	simm.s32 @!p0 $0x1C01  }
0x4c: {  	[timem:s3], [sflag:s2] =	dma.local @!p0 [hbm:s0], s1  }
0x4d: {  	s0 =	simm.s32 @!p0 $0x1  }
0x4e: {  	_ =	swait.ge @!p0 [sflag:s0], s1  }
0x4f: {  	s1 =	ssub.s32 @!p0 $0x0, s1;
	[sflag:s0] =	ssyncset.done @!p0 $0x0  }
0x50: {  	[sflag:s0] =	ssyncadd.s32 @!p0 s1  }
0x51: {  	[bflag:$0x3] =	sbarrier.arrive $0xFFFF  }
0x52: {  	_ =	shalt  }

</sc_bundles>
